<compile_context>
chip_gen: v7x
topology: tpu7x:2x2x1
jax: 0.10.2.dev20260603
libtpu: 0.0.44.dev20260713+nightly
codegen_flags: <defaults>
</compile_context>

<pallas_src>
import functools

import jax
import jax.numpy as jnp
from jax import lax
from jax.experimental import pallas as pl
from jax.experimental.pallas import tpu as pltpu
from jax.experimental.pallas import tpu_sc as plsc

NC = 2
NS = 16
NW = NC * NS

D = 32
NB = 16384
SEQ = 50
B_TOTAL = NB * SEQ
B_PER_W = B_TOTAL // NW
NB_PER_W = NB // NW
BGRP = 32
HALF = BGRP // 2
CHUNK_H = HALF * SEQ
N_GROUPS = NB_PER_W // BGRP


def _make_kernel():
  mesh = plsc.VectorSubcoreMesh(core_axis_name="c", subcore_axis_name="s")

  @functools.partial(
      pl.kernel,
      mesh=mesh,
      out_type=jax.ShapeDtypeStruct((SEQ, D // 8, NB // 128, 8, 128),
                                    jnp.float32),
      scratch_types=[
          pltpu.VMEM((B_PER_W,), jnp.int32),
          pltpu.VMEM((CHUNK_H, D), jnp.float32),
          pltpu.VMEM((CHUNK_H, D), jnp.float32),
          pltpu.VMEM((SEQ, D // 8, 8, BGRP), jnp.float32),
          pltpu.SemaphoreType.DMA,
          pltpu.SemaphoreType.DMA,
          pltpu.SemaphoreType.DMA,
      ],
      compiler_params=pltpu.CompilerParams(
          use_tc_tiling_on_sc=False, needs_layout_passes=False
      ),
  )
  def gather_kernel(idx_hbm, table_hbm, out_hbm, idx_all, rows0, rows1, trs,
                    sem_g0, sem_g1, sem_o):
    rows = (rows0, rows1)
    sem_g = (sem_g0, sem_g1)

    wid = lax.axis_index("s") * NC + lax.axis_index("c")
    base_w = wid * B_PER_W
    base_g = wid * N_GROUPS

    pltpu.sync_copy(idx_hbm.at[pl.ds(base_w, B_PER_W)], idx_all)

    lane = lax.iota(jnp.int32, 16)
    row_base = lane * SEQ

    def gather(g, h):
      off = pl.multiple_of(g * (2 * CHUNK_H) + h * CHUNK_H, 8)
      src = table_hbm.at[idx_all.at[pl.ds(off, CHUNK_H)]]
      return pltpu.make_async_copy(src, rows[h], sem_g[h])

    def store(g):
      gg = base_g + g
      bt = gg // 4
      bi0 = (gg % 4) * BGRP
      dst = out_hbm.at[:, :, bt, :, pl.ds(bi0, BGRP)]
      return pltpu.make_async_copy(trs, dst, sem_o)

    def transpose(h):
      r = rows[h]

      def srow(s, carry):
        ridx = row_base + s
        vs = [
            plsc.load_gather(r, [ridx, jnp.full((16,), f, jnp.int32)])
            for f in range(D)
        ]
        for f in range(D):
          trs[s, f // 8, f % 8, pl.ds(h * HALF, HALF)] = vs[f]
        return carry

      lax.fori_loop(0, SEQ, srow, 0)

    gather(0, 0).start()
    gather(0, 1).start()
    gather(0, 0).wait()
    transpose(0)
    gather(1, 0).start()
    gather(0, 1).wait()
    transpose(1)
    store(0).start()
    gather(1, 1).start()

    def body(g, carry):
      gather(g, 0).wait()
      store(g - 1).wait()
      transpose(0)
      gather(g + 1, 0).start()
      gather(g, 1).wait()
      transpose(1)
      store(g).start()
      gather(g + 1, 1).start()
      return carry

    lax.fori_loop(1, N_GROUPS - 1, body, 0)

    gl = N_GROUPS - 1
    gather(gl, 0).wait()
    store(gl - 1).wait()
    transpose(0)
    gather(gl, 1).wait()
    transpose(1)
    store(gl).start()
    store(gl).wait()

  return gather_kernel


_gather = _make_kernel()


@jax.jit
def kernel(weights, indices):
  idx_flat = indices.reshape(-1).astype(jnp.int32)
  out6 = _gather(idx_flat, weights)
  t = lax.transpose(out6, (2, 4, 0, 1, 3))
  return t.reshape(NB, SEQ, D)

# --- scband reference (transcript-rebuilt; emitter-appended) ---
"""Pipeline reference for scband-embedding-24687472017748 (READ-ONLY COPY).

The authoritative reference and input builder live on the scoring server;
editing this copy changes nothing except your own understanding.
"""

import jax, jax.numpy as jnp
import numpy as np

def setup_inputs(seed: int = 0) -> dict:
    key = jax.random.key(seed)
    k1, k2 = jax.random.split(key)
    weights = jax.random.normal(k1, (1000000, 32), dtype=jnp.float32)
    indices = jax.random.randint(k2, (16384, 50), 0, 1000000, dtype=jnp.int64)
    return {"weights": weights, "indices": indices}

def reference(weights, indices):
    # torch.embedding(weights, indices) == gather rows of weights by indices
    return jnp.take(weights, indices, axis=0)

if __name__ == "__main__":
    import jax
    _d = setup_inputs()
    print(jax.jit(kernel)(*tuple(_d.values())))

</pallas_src>

<mosaic_0001>
#map = affine_map<(d0, d1) -> (0)>
#map1 = affine_map<(d0, d1) -> (0, 0)>
#map2 = affine_map<(d0, d1) -> (0, 0, 0, 0, 0)>
module attributes {stable_mosaic.version = 14 : i64} {
  func.func @gather_kernel(%arg0: i32, %arg1: i32, %arg2: memref<819200xi32, #tpu.memory_space<hbm>>, %arg3: memref<1000000x32xf32, #tpu.memory_space<hbm>>, %arg4: memref<50x4x128x8x128xf32, #tpu.memory_space<hbm>>, %arg5: memref<25600xi32, #tpu.memory_space<vmem>>, %arg6: memref<800x32xf32, #tpu.memory_space<vmem>>, %arg7: memref<800x32xf32, #tpu.memory_space<vmem>>, %arg8: memref<50x4x8x32xf32, #tpu.memory_space<vmem>>, %arg9: memref<!tpu.dma_semaphore, #tpu.memory_space<semaphore_mem>>, %arg10: memref<!tpu.dma_semaphore, #tpu.memory_space<semaphore_mem>>, %arg11: memref<!tpu.dma_semaphore, #tpu.memory_space<semaphore_mem>>) attributes {dimension_semantics = [#tpu.dimension_semantics<core_parallel>, #tpu.dimension_semantics<subcore_parallel>], iteration_bounds = array<i64: 2, 16>, scalar_prefetch = 0 : i64, scratch_operands = 7 : i64, tpu.core_type = #tpu.core_type<sc_vector_subcore>, window_params = [{transform_indices = #map}, {transform_indices = #map1}, {transform_indices = #map2}]} {
    %mul3A = arith.constant 2 : i32
    %mul3A_0 = arith.muli %arg1, %mul3A : i32
    %add3A = arith.addi %mul3A_0, %arg0 : i32
    %mul3A_1 = arith.constant 25600 : i32
    %mul3A_2 = arith.muli %add3A, %mul3A_1 : i32
    %mul3A_3 = arith.constant 16 : i32
    %mul3A_4 = arith.muli %add3A, %mul3A_3 : i32
    "tpu.region"() ({
      %run_scoped3A = tpu.sem_alloc : memref<!tpu.dma_semaphore, #tpu.memory_space<semaphore_mem>>
      %dma_start3A_288 = tpu.memref_slice %arg2[%mul3A_2] : memref<819200xi32, #tpu.memory_space<hbm>> -> memref<25600xi32, #tpu.memory_space<hbm>>
      %dma_start3A_289 = tpu.memref_slice %arg2[%mul3A_2] : memref<819200xi32, #tpu.memory_space<hbm>> -> memref<25600xi32, #tpu.memory_space<hbm>>
      tpu.enqueue_dma source(%dma_start3A_289 : memref<25600xi32, #tpu.memory_space<hbm>>) target(%arg5 : memref<25600xi32, #tpu.memory_space<vmem>>) target_semaphore(%run_scoped3A : memref<!tpu.dma_semaphore, #tpu.memory_space<semaphore_mem>>)
      %dma_wait3A_290 = tpu.memref_slice %arg2[%mul3A_2] : memref<819200xi32, #tpu.memory_space<hbm>> -> memref<25600xi32, #tpu.memory_space<hbm>>
      %dma_wait3A_291 = tpu.memref_slice %arg2[%mul3A_2] : memref<819200xi32, #tpu.memory_space<hbm>> -> memref<25600xi32, #tpu.memory_space<hbm>>
      tpu.wait_dma2 semaphore(%run_scoped3A : memref<!tpu.dma_semaphore, #tpu.memory_space<semaphore_mem>>) src(%dma_wait3A_291 : memref<25600xi32, #tpu.memory_space<hbm>>) dst(%arg5 : memref<25600xi32, #tpu.memory_space<vmem>>)
      tpu.yield
    }) : () -> ()
    %iota3A = tpu.iota {dimensions = array<i32: 0>} : vector<16xi32>
    %mul3A_5 = arith.constant 50 : i32
    %mul3A_6 = vector.broadcast %mul3A_5 : i32 to vector<16xi32>
    %mul3A_7 = arith.muli %iota3A, %mul3A_6 : vector<16xi32>
    %multiple_of3A = arith.constant 0 : i32
    %multiple_of3A_8 = tpu.assume_multiple %multiple_of3A, 8 : i32
    %dma_start3A = tpu.memref_slice %arg5[%multiple_of3A_8] : memref<25600xi32, #tpu.memory_space<vmem>> -> memref<800xi32, #tpu.memory_space<vmem>>
    %dma_start3A_9 = arith.constant 0 : i32
    %dma_start3A_10 = arith.constant 0 : i32
    %dma_start3A_11 = tpu.memref_slice %arg3[%dma_start3A_9, %dma_start3A_10] : memref<1000000x32xf32, #tpu.memory_space<hbm>> -> memref<1000000x32xf32, #tpu.memory_space<hbm>>
    tpu.enqueue_indirect_dma source(%dma_start3A_11 : memref<1000000x32xf32, #tpu.memory_space<hbm>>) target(%arg6 : memref<800x32xf32, #tpu.memory_space<vmem>>) offsets(%dma_start3A : memref<800xi32, #tpu.memory_space<vmem>>) semaphore(%arg9 : memref<!tpu.dma_semaphore, #tpu.memory_space<semaphore_mem>>)
    %multiple_of3A_12 = arith.constant 800 : i32
    %multiple_of3A_13 = tpu.assume_multiple %multiple_of3A_12, 8 : i32
    %dma_start3A_14 = tpu.memref_slice %arg5[%multiple_of3A_13] : memref<25600xi32, #tpu.memory_space<vmem>> -> memref<800xi32, #tpu.memory_space<vmem>>
    %dma_start3A_15 = arith.constant 0 : i32
    %dma_start3A_16 = arith.constant 0 : i32
    %dma_start3A_17 = tpu.memref_slice %arg3[%dma_start3A_15, %dma_start3A_16] : memref<1000000x32xf32, #tpu.memory_space<hbm>> -> memref<1000000x32xf32, #tpu.memory_space<hbm>>
    tpu.enqueue_indirect_dma source(%dma_start3A_17 : memref<1000000x32xf32, #tpu.memory_space<hbm>>) target(%arg7 : memref<800x32xf32, #tpu.memory_space<vmem>>) offsets(%dma_start3A_14 : memref<800xi32, #tpu.memory_space<vmem>>) semaphore(%arg10 : memref<!tpu.dma_semaphore, #tpu.memory_space<semaphore_mem>>)
    %multiple_of3A_18 = arith.constant 0 : i32
    %multiple_of3A_19 = tpu.assume_multiple %multiple_of3A_18, 8 : i32
    %dma_wait3A = tpu.memref_slice %arg5[%multiple_of3A_19] : memref<25600xi32, #tpu.memory_space<vmem>> -> memref<800xi32, #tpu.memory_space<vmem>>
    %dma_wait3A_20 = arith.constant 0 : i32
    %dma_wait3A_21 = arith.constant 0 : i32
    %dma_wait3A_22 = tpu.memref_slice %arg3[%dma_wait3A_20, %dma_wait3A_21] : memref<1000000x32xf32, #tpu.memory_space<hbm>> -> memref<1000000x32xf32, #tpu.memory_space<hbm>>
    tpu.wait_indirect_dma semaphore(%arg9 : memref<!tpu.dma_semaphore, #tpu.memory_space<semaphore_mem>>) src(%dma_wait3A_22 : memref<1000000x32xf32, #tpu.memory_space<hbm>>) dst(%arg6 : memref<800x32xf32, #tpu.memory_space<vmem>>)
    %scan3A = arith.constant 0 : i32
    %scan3A_23 = arith.constant 0 : i32
    %scan3A_24 = arith.constant 50 : i32
    %scan3A_25 = arith.addi %scan3A_23, %scan3A_24 : i32
    %scan3A_26 = arith.constant 1 : i32
    scf.for %scan3A_288 = %scan3A_23 to %scan3A_25 step %scan3A_26  : i32 {
      %add3A_289 = vector.broadcast %scan3A_288 : i32 to vector<16xi32>
      %add3A_290 = arith.addi %mul3A_7, %add3A_289 : vector<16xi32>
      %broadcast_in_dim3A = arith.constant 0 : i32
      %broadcast_in_dim3A_291 = vector.broadcast %broadcast_in_dim3A : i32 to vector<16xi32>
      %gather3A = tpu.vector_load_idx %arg6[%add3A_290, %broadcast_in_dim3A_291] : memref<800x32xf32, #tpu.memory_space<vmem>>[vector<16xi32>, vector<16xi32>], vector<16xf32>,
      %broadcast_in_dim3A_292 = arith.constant 1 : i32
      %broadcast_in_dim3A_293 = vector.broadcast %broadcast_in_dim3A_292 : i32 to vector<16xi32>
      %gather3A_294 = tpu.vector_load_idx %arg6[%add3A_290, %broadcast_in_dim3A_293] : memref<800x32xf32, #tpu.memory_space<vmem>>[vector<16xi32>, vector<16xi32>], vector<16xf32>,
      %broadcast_in_dim3A_295 = arith.constant 2 : i32
      %broadcast_in_dim3A_296 = vector.broadcast %broadcast_in_dim3A_295 : i32 to vector<16xi32>
      %gather3A_297 = tpu.vector_load_idx %arg6[%add3A_290, %broadcast_in_dim3A_296] : memref<800x32xf32, #tpu.memory_space<vmem>>[vector<16xi32>, vector<16xi32>], vector<16xf32>,
      %broadcast_in_dim3A_298 = arith.constant 3 : i32
      %broadcast_in_dim3A_299 = vector.broadcast %broadcast_in_dim3A_298 : i32 to vector<16xi32>
      %gather3A_300 = tpu.vector_load_idx %arg6[%add3A_290, %broadcast_in_dim3A_299] : memref<800x32xf32, #tpu.memory_space<vmem>>[vector<16xi32>, vector<16xi32>], vector<16xf32>,
      %broadcast_in_dim3A_301 = arith.constant 4 : i32
      %broadcast_in_dim3A_302 = vector.broadcast %broadcast_in_dim3A_301 : i32 to vector<16xi32>
      %gather3A_303 = tpu.vector_load_idx %arg6[%add3A_290, %broadcast_in_dim3A_302] : memref<800x32xf32, #tpu.memory_space<vmem>>[vector<16xi32>, vector<16xi32>], vector<16xf32>,
      %broadcast_in_dim3A_304 = arith.constant 5 : i32
      %broadcast_in_dim3A_305 = vector.broadcast %broadcast_in_dim3A_304 : i32 to vector<16xi32>
      %gather3A_306 = tpu.vector_load_idx %arg6[%add3A_290, %broadcast_in_dim3A_305] : memref<800x32xf32, #tpu.memory_space<vmem>>[vector<16xi32>, vector<16xi32>], vector<16xf32>,
      %broadcast_in_dim3A_307 = arith.constant 6 : i32
      %broadcast_in_dim3A_308 = vector.broadcast %broadcast_in_dim3A_307 : i32 to vector<16xi32>
      %gather3A_309 = tpu.vector_load_idx %arg6[%add3A_290, %broadcast_in_dim3A_308] : memref<800x32xf32, #tpu.memory_space<vmem>>[vector<16xi32>, vector<16xi32>], vector<16xf32>,
      %broadcast_in_dim3A_310 = arith.constant 7 : i32
      %broadcast_in_dim3A_311 = vector.broadcast %broadcast_in_dim3A_310 : i32 to vector<16xi32>
      %gather3A_312 = tpu.vector_load_idx %arg6[%add3A_290, %broadcast_in_dim3A_311] : memref<800x32xf32, #tpu.memory_space<vmem>>[vector<16xi32>, vector<16xi32>], vector<16xf32>,
      %broadcast_in_dim3A_313 = arith.constant 8 : i32
      %broadcast_in_dim3A_314 = vector.broadcast %broadcast_in_dim3A_313 : i32 to vector<16xi32>
      %gather3A_315 = tpu.vector_load_idx %arg6[%add3A_290, %broadcast_in_dim3A_314] : memref<800x32xf32, #tpu.memory_space<vmem>>[vector<16xi32>, vector<16xi32>], vector<16xf32>,
      %broadcast_in_dim3A_316 = arith.constant 9 : i32
      %broadcast_in_dim3A_317 = vector.broadcast %broadcast_in_dim3A_316 : i32 to vector<16xi32>
      %gather3A_318 = tpu.vector_load_idx %arg6[%add3A_290, %broadcast_in_dim3A_317] : memref<800x32xf32, #tpu.memory_space<vmem>>[vector<16xi32>, vector<16xi32>], vector<16xf32>,
      %broadcast_in_dim3A_319 = arith.constant 10 : i32
      %broadcast_in_dim3A_320 = vector.broadcast %broadcast_in_dim3A_319 : i32 to vector<16xi32>
      %gather3A_321 = tpu.vector_load_idx %arg6[%add3A_290, %broadcast_in_dim3A_320] : memref<800x32xf32, #tpu.memory_space<vmem>>[vector<16xi32>, vector<16xi32>], vector<16xf32>,
      %broadcast_in_dim3A_322 = arith.constant 11 : i32
      %broadcast_in_dim3A_323 = vector.broadcast %broadcast_in_dim3A_322 : i32 to vector<16xi32>
      %gather3A_324 = tpu.vector_load_idx %arg6[%add3A_290, %broadcast_in_dim3A_323] : memref<800x32xf32, #tpu.memory_space<vmem>>[vector<16xi32>, vector<16xi32>], vector<16xf32>,
      %broadcast_in_dim3A_325 = arith.constant 12 : i32
      %broadcast_in_dim3A_326 = vector.broadcast %broadcast_in_dim3A_325 : i32 to vector<16xi32>
      %gather3A_327 = tpu.vector_load_idx %arg6[%add3A_290, %broadcast_in_dim3A_326] : memref<800x32xf32, #tpu.memory_space<vmem>>[vector<16xi32>, vector<16xi32>], vector<16xf32>,
      %broadcast_in_dim3A_328 = arith.constant 13 : i32
      %broadcast_in_dim3A_329 = vector.broadcast %broadcast_in_dim3A_328 : i32 to vector<16xi32>
      %gather3A_330 = tpu.vector_load_idx %arg6[%add3A_290, %broadcast_in_dim3A_329] : memref<800x32xf32, #tpu.memory_space<vmem>>[vector<16xi32>, vector<16xi32>], vector<16xf32>,
      %broadcast_in_dim3A_331 = arith.constant 14 : i32
      %broadcast_in_dim3A_332 = vector.broadcast %broadcast_in_dim3A_331 : i32 to vector<16xi32>
      %gather3A_333 = tpu.vector_load_idx %arg6[%add3A_290, %broadcast_in_dim3A_332] : memref<800x32xf32, #tpu.memory_space<vmem>>[vector<16xi32>, vector<16xi32>], vector<16xf32>,
      %broadcast_in_dim3A_334 = arith.constant 15 : i32
      %broadcast_in_dim3A_335 = vector.broadcast %broadcast_in_dim3A_334 : i32 to vector<16xi32>
      %gather3A_336 = tpu.vector_load_idx %arg6[%add3A_290, %broadcast_in_dim3A_335] : memref<800x32xf32, #tpu.memory_space<vmem>>[vector<16xi32>, vector<16xi32>], vector<16xf32>,
      %broadcast_in_dim3A_337 = arith.constant 16 : i32
      %broadcast_in_dim3A_338 = vector.broadcast %broadcast_in_dim3A_337 : i32 to vector<16xi32>
      %gather3A_339 = tpu.vector_load_idx %arg6[%add3A_290, %broadcast_in_dim3A_338] : memref<800x32xf32, #tpu.memory_space<vmem>>[vector<16xi32>, vector<16xi32>], vector<16xf32>,
      %broadcast_in_dim3A_340 = arith.constant 17 : i32
      %broadcast_in_dim3A_341 = vector.broadcast %broadcast_in_dim3A_340 : i32 to vector<16xi32>
      %gather3A_342 = tpu.vector_load_idx %arg6[%add3A_290, %broadcast_in_dim3A_341] : memref<800x32xf32, #tpu.memory_space<vmem>>[vector<16xi32>, vector<16xi32>], vector<16xf32>,
      %broadcast_in_dim3A_343 = arith.constant 18 : i32
      %broadcast_in_dim3A_344 = vector.broadcast %broadcast_in_dim3A_343 : i32 to vector<16xi32>
      %gather3A_345 = tpu.vector_load_idx %arg6[%add3A_290, %broadcast_in_dim3A_344] : memref<800x32xf32, #tpu.memory_space<vmem>>[vector<16xi32>, vector<16xi32>], vector<16xf32>,
      %broadcast_in_dim3A_346 = arith.constant 19 : i32
      %broadcast_in_dim3A_347 = vector.broadcast %broadcast_in_dim3A_346 : i32 to vector<16xi32>
      %gather3A_348 = tpu.vector_load_idx %arg6[%add3A_290, %broadcast_in_dim3A_347] : memref<800x32xf32, #tpu.memory_space<vmem>>[vector<16xi32>, vector<16xi32>], vector<16xf32>,
      %broadcast_in_dim3A_349 = arith.constant 20 : i32
      %broadcast_in_dim3A_350 = vector.broadcast %broadcast_in_dim3A_349 : i32 to vector<16xi32>
      %gather3A_351 = tpu.vector_load_idx %arg6[%add3A_290, %broadcast_in_dim3A_350] : memref<800x32xf32, #tpu.memory_space<vmem>>[vector<16xi32>, vector<16xi32>], vector<16xf32>,
      %broadcast_in_dim3A_352 = arith.constant 21 : i32
      %broadcast_in_dim3A_353 = vector.broadcast %broadcast_in_dim3A_352 : i32 to vector<16xi32>
      %gather3A_354 = tpu.vector_load_idx %arg6[%add3A_290, %broadcast_in_dim3A_353] : memref<800x32xf32, #tpu.memory_space<vmem>>[vector<16xi32>, vector<16xi32>], vector<16xf32>,
      %broadcast_in_dim3A_355 = arith.constant 22 : i32
      %broadcast_in_dim3A_356 = vector.broadcast %broadcast_in_dim3A_355 : i32 to vector<16xi32>
      %gather3A_357 = tpu.vector_load_idx %arg6[%add3A_290, %broadcast_in_dim3A_356] : memref<800x32xf32, #tpu.memory_space<vmem>>[vector<16xi32>, vector<16xi32>], vector<16xf32>,
      %broadcast_in_dim3A_358 = arith.constant 23 : i32
      %broadcast_in_dim3A_359 = vector.broadcast %broadcast_in_dim3A_358 : i32 to vector<16xi32>
      %gather3A_360 = tpu.vector_load_idx %arg6[%add3A_290, %broadcast_in_dim3A_359] : memref<800x32xf32, #tpu.memory_space<vmem>>[vector<16xi32>, vector<16xi32>], vector<16xf32>,
      %broadcast_in_dim3A_361 = arith.constant 24 : i32
      %broadcast_in_dim3A_362 = vector.broadcast %broadcast_in_dim3A_361 : i32 to vector<16xi32>
      %gather3A_363 = tpu.vector_load_idx %arg6[%add3A_290, %broadcast_in_dim3A_362] : memref<800x32xf32, #tpu.memory_space<vmem>>[vector<16xi32>, vector<16xi32>], vector<16xf32>,
      %broadcast_in_dim3A_364 = arith.constant 25 : i32
      %broadcast_in_dim3A_365 = vector.broadcast %broadcast_in_dim3A_364 : i32 to vector<16xi32>
      %gather3A_366 = tpu.vector_load_idx %arg6[%add3A_290, %broadcast_in_dim3A_365] : memref<800x32xf32, #tpu.memory_space<vmem>>[vector<16xi32>, vector<16xi32>], vector<16xf32>,
      %broadcast_in_dim3A_367 = arith.constant 26 : i32
      %broadcast_in_dim3A_368 = vector.broadcast %broadcast_in_dim3A_367 : i32 to vector<16xi32>
      %gather3A_369 = tpu.vector_load_idx %arg6[%add3A_290, %broadcast_in_dim3A_368] : memref<800x32xf32, #tpu.memory_space<vmem>>[vector<16xi32>, vector<16xi32>], vector<16xf32>,
      %broadcast_in_dim3A_370 = arith.constant 27 : i32
      %broadcast_in_dim3A_371 = vector.broadcast %broadcast_in_dim3A_370 : i32 to vector<16xi32>
      %gather3A_372 = tpu.vector_load_idx %arg6[%add3A_290, %broadcast_in_dim3A_371] : memref<800x32xf32, #tpu.memory_space<vmem>>[vector<16xi32>, vector<16xi32>], vector<16xf32>,
      %broadcast_in_dim3A_373 = arith.constant 28 : i32
      %broadcast_in_dim3A_374 = vector.broadcast %broadcast_in_dim3A_373 : i32 to vector<16xi32>
      %gather3A_375 = tpu.vector_load_idx %arg6[%add3A_290, %broadcast_in_dim3A_374] : memref<800x32xf32, #tpu.memory_space<vmem>>[vector<16xi32>, vector<16xi32>], vector<16xf32>,
      %broadcast_in_dim3A_376 = arith.constant 29 : i32
      %broadcast_in_dim3A_377 = vector.broadcast %broadcast_in_dim3A_376 : i32 to vector<16xi32>
      %gather3A_378 = tpu.vector_load_idx %arg6[%add3A_290, %broadcast_in_dim3A_377] : memref<800x32xf32, #tpu.memory_space<vmem>>[vector<16xi32>, vector<16xi32>], vector<16xf32>,
      %broadcast_in_dim3A_379 = arith.constant 30 : i32
      %broadcast_in_dim3A_380 = vector.broadcast %broadcast_in_dim3A_379 : i32 to vector<16xi32>
      %gather3A_381 = tpu.vector_load_idx %arg6[%add3A_290, %broadcast_in_dim3A_380] : memref<800x32xf32, #tpu.memory_space<vmem>>[vector<16xi32>, vector<16xi32>], vector<16xf32>,
      %broadcast_in_dim3A_382 = arith.constant 31 : i32
      %broadcast_in_dim3A_383 = vector.broadcast %broadcast_in_dim3A_382 : i32 to vector<16xi32>
      %gather3A_384 = tpu.vector_load_idx %arg6[%add3A_290, %broadcast_in_dim3A_383] : memref<800x32xf32, #tpu.memory_space<vmem>>[vector<16xi32>, vector<16xi32>], vector<16xf32>,
      %swap3A = arith.constant 0 : i32
      %swap3A_385 = arith.constant 0 : i32
      %swap3A_386 = arith.index_cast %scan3A_288 : i32 to index
      %swap3A_387 = arith.index_cast %swap3A : i32 to index
      %swap3A_388 = arith.index_cast %swap3A_385 : i32 to index
      %swap3A_389 = arith.constant 0 : index
      %swap3A_390 = tpu.vector_load %arg8[%swap3A_386, %swap3A_387, %swap3A_388, %swap3A_389] {strides = array<i32>} : memref<50x4x8x32xf32, #tpu.memory_space<vmem>>, vector<16xf32>,
      tpu.vector_store %arg8[%swap3A_386, %swap3A_387, %swap3A_388, %swap3A_389], %gather3A {strides = array<i32>} : memref<50x4x8x32xf32, #tpu.memory_space<vmem>>, vector<16xf32>,
      %swap3A_391 = arith.constant 0 : i32
      %swap3A_392 = arith.constant 1 : i32
      %swap3A_393 = arith.index_cast %scan3A_288 : i32 to index
      %swap3A_394 = arith.index_cast %swap3A_391 : i32 to index
      %swap3A_395 = arith.index_cast %swap3A_392 : i32 to index
      %swap3A_396 = arith.constant 0 : index
      %swap3A_397 = tpu.vector_load %arg8[%swap3A_393, %swap3A_394, %swap3A_395, %swap3A_396] {strides = array<i32>} : memref<50x4x8x32xf32, #tpu.memory_space<vmem>>, vector<16xf32>,
      tpu.vector_store %arg8[%swap3A_393, %swap3A_394, %swap3A_395, %swap3A_396], %gather3A_294 {strides = array<i32>} : memref<50x4x8x32xf32, #tpu.memory_space<vmem>>, vector<16xf32>,
      %swap3A_398 = arith.constant 0 : i32
      %swap3A_399 = arith.constant 2 : i32
      %swap3A_400 = arith.index_cast %scan3A_288 : i32 to index
      %swap3A_401 = arith.index_cast %swap3A_398 : i32 to index
      %swap3A_402 = arith.index_cast %swap3A_399 : i32 to index
      %swap3A_403 = arith.constant 0 : index
      %swap3A_404 = tpu.vector_load %arg8[%swap3A_400, %swap3A_401, %swap3A_402, %swap3A_403] {strides = array<i32>} : memref<50x4x8x32xf32, #tpu.memory_space<vmem>>, vector<16xf32>,
      tpu.vector_store %arg8[%swap3A_400, %swap3A_401, %swap3A_402, %swap3A_403], %gather3A_297 {strides = array<i32>} : memref<50x4x8x32xf32, #tpu.memory_space<vmem>>, vector<16xf32>,
      %swap3A_405 = arith.constant 0 : i32
      %swap3A_406 = arith.constant 3 : i32
      %swap3A_407 = arith.index_cast %scan3A_288 : i32 to index
      %swap3A_408 = arith.index_cast %swap3A_405 : i32 to index
      %swap3A_409 = arith.index_cast %swap3A_406 : i32 to index
      %swap3A_410 = arith.constant 0 : index
      %swap3A_411 = tpu.vector_load %arg8[%swap3A_407, %swap3A_408, %swap3A_409, %swap3A_410] {strides = array<i32>} : memref<50x4x8x32xf32, #tpu.memory_space<vmem>>, vector<16xf32>,
      tpu.vector_store %arg8[%swap3A_407, %swap3A_408, %swap3A_409, %swap3A_410], %gather3A_300 {strides = array<i32>} : memref<50x4x8x32xf32, #tpu.memory_space<vmem>>, vector<16xf32>,
      %swap3A_412 = arith.constant 0 : i32
      %swap3A_413 = arith.constant 4 : i32
      %swap3A_414 = arith.index_cast %scan3A_288 : i32 to index
      %swap3A_415 = arith.index_cast %swap3A_412 : i32 to index
      %swap3A_416 = arith.index_cast %swap3A_413 : i32 to index
      %swap3A_417 = arith.constant 0 : index
      %swap3A_418 = tpu.vector_load %arg8[%swap3A_414, %swap3A_415, %swap3A_416, %swap3A_417] {strides = array<i32>} : memref<50x4x8x32xf32, #tpu.memory_space<vmem>>, vector<16xf32>,
      tpu.vector_store %arg8[%swap3A_414, %swap3A_415, %swap3A_416, %swap3A_417], %gather3A_303 {strides = array<i32>} : memref<50x4x8x32xf32, #tpu.memory_space<vmem>>, vector<16xf32>,
      %swap3A_419 = arith.constant 0 : i32
      %swap3A_420 = arith.constant 5 : i32
      %swap3A_421 = arith.index_cast %scan3A_288 : i32 to index
      %swap3A_422 = arith.index_cast %swap3A_419 : i32 to index
      %swap3A_423 = arith.index_cast %swap3A_420 : i32 to index
      %swap3A_424 = arith.constant 0 : index
      %swap3A_425 = tpu.vector_load %arg8[%swap3A_421, %swap3A_422, %swap3A_423, %swap3A_424] {strides = array<i32>} : memref<50x4x8x32xf32, #tpu.memory_space<vmem>>, vector<16xf32>,
      tpu.vector_store %arg8[%swap3A_421, %swap3A_422, %swap3A_423, %swap3A_424], %gather3A_306 {strides = array<i32>} : memref<50x4x8x32xf32, #tpu.memory_space<vmem>>, vector<16xf32>,
      %swap3A_426 = arith.constant 0 : i32
      %swap3A_427 = arith.constant 6 : i32
      %swap3A_428 = arith.index_cast %scan3A_288 : i32 to index
      %swap3A_429 = arith.index_cast %swap3A_426 : i32 to index
      %swap3A_430 = arith.index_cast %swap3A_427 : i32 to index
      %swap3A_431 = arith.constant 0 : index
      %swap3A_432 = tpu.vector_load %arg8[%swap3A_428, %swap3A_429, %swap3A_430, %swap3A_431] {strides = array<i32>} : memref<50x4x8x32xf32, #tpu.memory_space<vmem>>, vector<16xf32>,
      tpu.vector_store %arg8[%swap3A_428, %swap3A_429, %swap3A_430, %swap3A_431], %gather3A_309 {strides = array<i32>} : memref<50x4x8x32xf32, #tpu.memory_space<vmem>>, vector<16xf32>,
      %swap3A_433 = arith.constant 0 : i32
      %swap3A_434 = arith.constant 7 : i32
      %swap3A_435 = arith.index_cast %scan3A_288 : i32 to index
      %swap3A_436 = arith.index_cast %swap3A_433 : i32 to index
      %swap3A_437 = arith.index_cast %swap3A_434 : i32 to index
      %swap3A_438 = arith.constant 0 : index
      %swap3A_439 = tpu.vector_load %arg8[%swap3A_435, %swap3A_436, %swap3A_437, %swap3A_438] {strides = array<i32>} : memref<50x4x8x32xf32, #tpu.memory_space<vmem>>, vector<16xf32>,
      tpu.vector_store %arg8[%swap3A_435, %swap3A_436, %swap3A_437, %swap3A_438], %gather3A_312 {strides = array<i32>} : memref<50x4x8x32xf32, #tpu.memory_space<vmem>>, vector<16xf32>,
      %swap3A_440 = arith.constant 1 : i32
      %swap3A_441 = arith.constant 0 : i32
      %swap3A_442 = arith.index_cast %scan3A_288 : i32 to index
      %swap3A_443 = arith.index_cast %swap3A_440 : i32 to index
      %swap3A_444 = arith.index_cast %swap3A_441 : i32 to index
      %swap3A_445 = arith.constant 0 : index
      %swap3A_446 = tpu.vector_load %arg8[%swap3A_442, %swap3A_443, %swap3A_444, %swap3A_445] {strides = array<i32>} : memref<50x4x8x32xf32, #tpu.memory_space<vmem>>, vector<16xf32>,
      tpu.vector_store %arg8[%swap3A_442, %swap3A_443, %swap3A_444, %swap3A_445], %gather3A_315 {strides = array<i32>} : memref<50x4x8x32xf32, #tpu.memory_space<vmem>>, vector<16xf32>,
      %swap3A_447 = arith.constant 1 : i32
      %swap3A_448 = arith.constant 1 : i32
      %swap3A_449 = arith.index_cast %scan3A_288 : i32 to index
      %swap3A_450 = arith.index_cast %swap3A_447 : i32 to index
      %swap3A_451 = arith.index_cast %swap3A_448 : i32 to index
      %swap3A_452 = arith.constant 0 : index
      %swap3A_453 = tpu.vector_load %arg8[%swap3A_449, %swap3A_450, %swap3A_451, %swap3A_452] {strides = array<i32>} : memref<50x4x8x32xf32, #tpu.memory_space<vmem>>, vector<16xf32>,
      tpu.vector_store %arg8[%swap3A_449, %swap3A_450, %swap3A_451, %swap3A_452], %gather3A_318 {strides = array<i32>} : memref<50x4x8x32xf32, #tpu.memory_space<vmem>>, vector<16xf32>,
      %swap3A_454 = arith.constant 1 : i32
      %swap3A_455 = arith.constant 2 : i32
      %swap3A_456 = arith.index_cast %scan3A_288 : i32 to index
      %swap3A_457 = arith.index_cast %swap3A_454 : i32 to index
      %swap3A_458 = arith.index_cast %swap3A_455 : i32 to index
      %swap3A_459 = arith.constant 0 : index
      %swap3A_460 = tpu.vector_load %arg8[%swap3A_456, %swap3A_457, %swap3A_458, %swap3A_459] {strides = array<i32>} : memref<50x4x8x32xf32, #tpu.memory_space<vmem>>, vector<16xf32>,
      tpu.vector_store %arg8[%swap3A_456, %swap3A_457, %swap3A_458, %swap3A_459], %gather3A_321 {strides = array<i32>} : memref<50x4x8x32xf32, #tpu.memory_space<vmem>>, vector<16xf32>,
      %swap3A_461 = arith.constant 1 : i32
      %swap3A_462 = arith.constant 3 : i32
      %swap3A_463 = arith.index_cast %scan3A_288 : i32 to index
      %swap3A_464 = arith.index_cast %swap3A_461 : i32 to index
      %swap3A_465 = arith.index_cast %swap3A_462 : i32 to index
      %swap3A_466 = arith.constant 0 : index
      %swap3A_467 = tpu.vector_load %arg8[%swap3A_463, %swap3A_464, %swap3A_465, %swap3A_466] {strides = array<i32>} : memref<50x4x8x32xf32, #tpu.memory_space<vmem>>, vector<16xf32>,
      tpu.vector_store %arg8[%swap3A_463, %swap3A_464, %swap3A_465, %swap3A_466], %gather3A_324 {strides = array<i32>} : memref<50x4x8x32xf32, #tpu.memory_space<vmem>>, vector<16xf32>,
      %swap3A_468 = arith.constant 1 : i32
      %swap3A_469 = arith.constant 4 : i32
      %swap3A_470 = arith.index_cast %scan3A_288 : i32 to index
      %swap3A_471 = arith.index_cast %swap3A_468 : i32 to index
      %swap3A_472 = arith.index_cast %swap3A_469 : i32 to index
      %swap3A_473 = arith.constant 0 : index
      %swap3A_474 = tpu.vector_load %arg8[%swap3A_470, %swap3A_471, %swap3A_472, %swap3A_473] {strides = array<i32>} : memref<50x4x8x32xf32, #tpu.memory_space<vmem>>, vector<16xf32>,
      tpu.vector_store %arg8[%swap3A_470, %swap3A_471, %swap3A_472, %swap3A_473], %gather3A_327 {strides = array<i32>} : memref<50x4x8x32xf32, #tpu.memory_space<vmem>>, vector<16xf32>,
      %swap3A_475 = arith.constant 1 : i32
      %swap3A_476 = arith.constant 5 : i32
      %swap3A_477 = arith.index_cast %scan3A_288 : i32 to index
      %swap3A_478 = arith.index_cast %swap3A_475 : i32 to index
      %swap3A_479 = arith.index_cast %swap3A_476 : i32 to index
      %swap3A_480 = arith.constant 0 : index
      %swap3A_481 = tpu.vector_load %arg8[%swap3A_477, %swap3A_478, %swap3A_479, %swap3A_480] {strides = array<i32>} : memref<50x4x8x32xf32, #tpu.memory_space<vmem>>, vector<16xf32>,
      tpu.vector_store %arg8[%swap3A_477, %swap3A_478, %swap3A_479, %swap3A_480], %gather3A_330 {strides = array<i32>} : memref<50x4x8x32xf32, #tpu.memory_space<vmem>>, vector<16xf32>,
      %swap3A_482 = arith.constant 1 : i32
      %swap3A_483 = arith.constant 6 : i32
      %swap3A_484 = arith.index_cast %scan3A_288 : i32 to index
      %swap3A_485 = arith.index_cast %swap3A_482 : i32 to index
      %swap3A_486 = arith.index_cast %swap3A_483 : i32 to index
      %swap3A_487 = arith.constant 0 : index
      %swap3A_488 = tpu.vector_load %arg8[%swap3A_484, %swap3A_485, %swap3A_486, %swap3A_487] {strides = array<i32>} : memref<50x4x8x32xf32, #tpu.memory_space<vmem>>, vector<16xf32>,
      tpu.vector_store %arg8[%swap3A_484, %swap3A_485, %swap3A_486, %swap3A_487], %gather3A_333 {strides = array<i32>} : memref<50x4x8x32xf32, #tpu.memory_space<vmem>>, vector<16xf32>,
      %swap3A_489 = arith.constant 1 : i32
      %swap3A_490 = arith.constant 7 : i32
      %swap3A_491 = arith.index_cast %scan3A_288 : i32 to index
      %swap3A_492 = arith.index_cast %swap3A_489 : i32 to index
      %swap3A_493 = arith.index_cast %swap3A_490 : i32 to index
      %swap3A_494 = arith.constant 0 : index
      %swap3A_495 = tpu.vector_load %arg8[%swap3A_491, %swap3A_492, %swap3A_493, %swap3A_494] {strides = array<i32>} : memref<50x4x8x32xf32, #tpu.memory_space<vmem>>, vector<16xf32>,
      tpu.vector_store %arg8[%swap3A_491, %swap3A_492, %swap3A_493, %swap3A_494], %gather3A_336 {strides = array<i32>} : memref<50x4x8x32xf32, #tpu.memory_space<vmem>>, vector<16xf32>,
      %swap3A_496 = arith.constant 2 : i32
      %swap3A_497 = arith.constant 0 : i32
      %swap3A_498 = arith.index_cast %scan3A_288 : i32 to index
      %swap3A_499 = arith.index_cast %swap3A_496 : i32 to index
      %swap3A_500 = arith.index_cast %swap3A_497 : i32 to index
      %swap3A_501 = arith.constant 0 : index
      %swap3A_502 = tpu.vector_load %arg8[%swap3A_498, %swap3A_499, %swap3A_500, %swap3A_501] {strides = array<i32>} : memref<50x4x8x32xf32, #tpu.memory_space<vmem>>, vector<16xf32>,
      tpu.vector_store %arg8[%swap3A_498, %swap3A_499, %swap3A_500, %swap3A_501], %gather3A_339 {strides = array<i32>} : memref<50x4x8x32xf32, #tpu.memory_space<vmem>>, vector<16xf32>,
      %swap3A_503 = arith.constant 2 : i32
      %swap3A_504 = arith.constant 1 : i32
      %swap3A_505 = arith.index_cast %scan3A_288 : i32 to index
      %swap3A_506 = arith.index_cast %swap3A_503 : i32 to index
      %swap3A_507 = arith.index_cast %swap3A_504 : i32 to index
      %swap3A_508 = arith.constant 0 : index
      %swap3A_509 = tpu.vector_load %arg8[%swap3A_505, %swap3A_506, %swap3A_507, %swap3A_508] {strides = array<i32>} : memref<50x4x8x32xf32, #tpu.memory_space<vmem>>, vector<16xf32>,
      tpu.vector_store %arg8[%swap3A_505, %swap3A_506, %swap3A_507, %swap3A_508], %gather3A_342 {strides = array<i32>} : memref<50x4x8x32xf32, #tpu.memory_space<vmem>>, vector<16xf32>,
      %swap3A_510 = arith.constant 2 : i32
      %swap3A_511 = arith.constant 2 : i32
      %swap3A_512 = arith.index_cast %scan3A_288 : i32 to index
      %swap3A_513 = arith.index_cast %swap3A_510 : i32 to index
      %swap3A_514 = arith.index_cast %swap3A_511 : i32 to index
      %swap3A_515 = arith.constant 0 : index
      %swap3A_516 = tpu.vector_load %arg8[%swap3A_512, %swap3A_513, %swap3A_514, %swap3A_515] {strides = array<i32>} : memref<50x4x8x32xf32, #tpu.memory_space<vmem>>, vector<16xf32>,
      tpu.vector_store %arg8[%swap3A_512, %swap3A_513, %swap3A_514, %swap3A_515], %gather3A_345 {strides = array<i32>} : memref<50x4x8x32xf32, #tpu.memory_space<vmem>>, vector<16xf32>,
      %swap3A_517 = arith.constant 2 : i32
      %swap3A_518 = arith.constant 3 : i32
      %swap3A_519 = arith.index_cast %scan3A_288 : i32 to index
      %swap3A_520 = arith.index_cast %swap3A_517 : i32 to index
      %swap3A_521 = arith.index_cast %swap3A_518 : i32 to index
      %swap3A_522 = arith.constant 0 : index
      %swap3A_523 = tpu.vector_load %arg8[%swap3A_519, %swap3A_520, %swap3A_521, %swap3A_522] {strides = array<i32>} : memref<50x4x8x32xf32, #tpu.memory_space<vmem>>, vector<16xf32>,
      tpu.vector_store %arg8[%swap3A_519, %swap3A_520, %swap3A_521, %swap3A_522], %gather3A_348 {strides = array<i32>} : memref<50x4x8x32xf32, #tpu.memory_space<vmem>>, vector<16xf32>,
      %swap3A_524 = arith.constant 2 : i32
      %swap3A_525 = arith.constant 4 : i32
      %swap3A_526 = arith.index_cast %scan3A_288 : i32 to index
      %swap3A_527 = arith.index_cast %swap3A_524 : i32 to index
      %swap3A_528 = arith.index_cast %swap3A_525 : i32 to index
      %swap3A_529 = arith.constant 0 : index
      %swap3A_530 = tpu.vector_load %arg8[%swap3A_526, %swap3A_527, %swap3A_528, %swap3A_529] {strides = array<i32>} : memref<50x4x8x32xf32, #tpu.memory_space<vmem>>, vector<16xf32>,
      tpu.vector_store %arg8[%swap3A_526, %swap3A_527, %swap3A_528, %swap3A_529], %gather3A_351 {strides = array<i32>} : memref<50x4x8x32xf32, #tpu.memory_space<vmem>>, vector<16xf32>,
      %swap3A_531 = arith.constant 2 : i32
      %swap3A_532 = arith.constant 5 : i32
      %swap3A_533 = arith.index_cast %scan3A_288 : i32 to index
      %swap3A_534 = arith.index_cast %swap3A_531 : i32 to index
      %swap3A_535 = arith.index_cast %swap3A_532 : i32 to index
      %swap3A_536 = arith.constant 0 : index
      %swap3A_537 = tpu.vector_load %arg8[%swap3A_533, %swap3A_534, %swap3A_535, %swap3A_536] {strides = array<i32>} : memref<50x4x8x32xf32, #tpu.memory_space<vmem>>, vector<16xf32>,
      tpu.vector_store %arg8[%swap3A_533, %swap3A_534, %swap3A_535, %swap3A_536], %gather3A_354 {strides = array<i32>} : memref<50x4x8x32xf32, #tpu.memory_space<vmem>>, vector<16xf32>,
      %swap3A_538 = arith.constant 2 : i32
      %swap3A_539 = arith.constant 6 : i32
      %swap3A_540 = arith.index_cast %scan3A_288 : i32 to index
      %swap3A_541 = arith.index_cast %swap3A_538 : i32 to index
      %swap3A_542 = arith.index_cast %swap3A_539 : i32 to index
      %swap3A_543 = arith.constant 0 : index
      %swap3A_544 = tpu.vector_load %arg8[%swap3A_540, %swap3A_541, %swap3A_542, %swap3A_543] {strides = array<i32>} : memref<50x4x8x32xf32, #tpu.memory_space<vmem>>, vector<16xf32>,
      tpu.vector_store %arg8[%swap3A_540, %swap3A_541, %swap3A_542, %swap3A_543], %gather3A_357 {strides = array<i32>} : memref<50x4x8x32xf32, #tpu.memory_space<vmem>>, vector<16xf32>,
      %swap3A_545 = arith.constant 2 : i32
      %swap3A_546 = arith.constant 7 : i32
      %swap3A_547 = arith.index_cast %scan3A_288 : i32 to index
      %swap3A_548 = arith.index_cast %swap3A_545 : i32 to index
      %swap3A_549 = arith.index_cast %swap3A_546 : i32 to index
      %swap3A_550 = arith.constant 0 : index
      %swap3A_551 = tpu.vector_load %arg8[%swap3A_547, %swap3A_548, %swap3A_549, %swap3A_550] {strides = array<i32>} : memref<50x4x8x32xf32, #tpu.memory_space<vmem>>, vector<16xf32>,
      tpu.vector_store %arg8[%swap3A_547, %swap3A_548, %swap3A_549, %swap3A_550], %gather3A_360 {strides = array<i32>} : memref<50x4x8x32xf32, #tpu.memory_space<vmem>>, vector<16xf32>,
      %swap3A_552 = arith.constant 3 : i32
      %swap3A_553 = arith.constant 0 : i32
      %swap3A_554 = arith.index_cast %scan3A_288 : i32 to index
      %swap3A_555 = arith.index_cast %swap3A_552 : i32 to index
      %swap3A_556 = arith.index_cast %swap3A_553 : i32 to index
      %swap3A_557 = arith.constant 0 : index
      %swap3A_558 = tpu.vector_load %arg8[%swap3A_554, %swap3A_555, %swap3A_556, %swap3A_557] {strides = array<i32>} : memref<50x4x8x32xf32, #tpu.memory_space<vmem>>, vector<16xf32>,
      tpu.vector_store %arg8[%swap3A_554, %swap3A_555, %swap3A_556, %swap3A_557], %gather3A_363 {strides = array<i32>} : memref<50x4x8x32xf32, #tpu.memory_space<vmem>>, vector<16xf32>,
      %swap3A_559 = arith.constant 3 : i32
      %swap3A_560 = arith.constant 1 : i32
      %swap3A_561 = arith.index_cast %scan3A_288 : i32 to index
      %swap3A_562 = arith.index_cast %swap3A_559 : i32 to index
      %swap3A_563 = arith.index_cast %swap3A_560 : i32 to index
      %swap3A_564 = arith.constant 0 : index
      %swap3A_565 = tpu.vector_load %arg8[%swap3A_561, %swap3A_562, %swap3A_563, %swap3A_564] {strides = array<i32>} : memref<50x4x8x32xf32, #tpu.memory_space<vmem>>, vector<16xf32>,
      tpu.vector_store %arg8[%swap3A_561, %swap3A_562, %swap3A_563, %swap3A_564], %gather3A_366 {strides = array<i32>} : memref<50x4x8x32xf32, #tpu.memory_space<vmem>>, vector<16xf32>,
      %swap3A_566 = arith.constant 3 : i32
      %swap3A_567 = arith.constant 2 : i32
      %swap3A_568 = arith.index_cast %scan3A_288 : i32 to index
      %swap3A_569 = arith.index_cast %swap3A_566 : i32 to index
      %swap3A_570 = arith.index_cast %swap3A_567 : i32 to index
      %swap3A_571 = arith.constant 0 : index
      %swap3A_572 = tpu.vector_load %arg8[%swap3A_568, %swap3A_569, %swap3A_570, %swap3A_571] {strides = array<i32>} : memref<50x4x8x32xf32, #tpu.memory_space<vmem>>, vector<16xf32>,
      tpu.vector_store %arg8[%swap3A_568, %swap3A_569, %swap3A_570, %swap3A_571], %gather3A_369 {strides = array<i32>} : memref<50x4x8x32xf32, #tpu.memory_space<vmem>>, vector<16xf32>,
      %swap3A_573 = arith.constant 3 : i32
      %swap3A_574 = arith.constant 3 : i32
      %swap3A_575 = arith.index_cast %scan3A_288 : i32 to index
      %swap3A_576 = arith.index_cast %swap3A_573 : i32 to index
      %swap3A_577 = arith.index_cast %swap3A_574 : i32 to index
      %swap3A_578 = arith.constant 0 : index
      %swap3A_579 = tpu.vector_load %arg8[%swap3A_575, %swap3A_576, %swap3A_577, %swap3A_578] {strides = array<i32>} : memref<50x4x8x32xf32, #tpu.memory_space<vmem>>, vector<16xf32>,
      tpu.vector_store %arg8[%swap3A_575, %swap3A_576, %swap3A_577, %swap3A_578], %gather3A_372 {strides = array<i32>} : memref<50x4x8x32xf32, #tpu.memory_space<vmem>>, vector<16xf32>,
      %swap3A_580 = arith.constant 3 : i32
      %swap3A_581 = arith.constant 4 : i32
      %swap3A_582 = arith.index_cast %scan3A_288 : i32 to index
      %swap3A_583 = arith.index_cast %swap3A_580 : i32 to index
      %swap3A_584 = arith.index_cast %swap3A_581 : i32 to index
      %swap3A_585 = arith.constant 0 : index
      %swap3A_586 = tpu.vector_load %arg8[%swap3A_582, %swap3A_583, %swap3A_584, %swap3A_585] {strides = array<i32>} : memref<50x4x8x32xf32, #tpu.memory_space<vmem>>, vector<16xf32>,
      tpu.vector_store %arg8[%swap3A_582, %swap3A_583, %swap3A_584, %swap3A_585], %gather3A_375 {strides = array<i32>} : memref<50x4x8x32xf32, #tpu.memory_space<vmem>>, vector<16xf32>,
      %swap3A_587 = arith.constant 3 : i32
      %swap3A_588 = arith.constant 5 : i32
      %swap3A_589 = arith.index_cast %scan3A_288 : i32 to index
      %swap3A_590 = arith.index_cast %swap3A_587 : i32 to index
      %swap3A_591 = arith.index_cast %swap3A_588 : i32 to index
      %swap3A_592 = arith.constant 0 : index
      %swap3A_593 = tpu.vector_load %arg8[%swap3A_589, %swap3A_590, %swap3A_591, %swap3A_592] {strides = array<i32>} : memref<50x4x8x32xf32, #tpu.memory_space<vmem>>, vector<16xf32>,
      tpu.vector_store %arg8[%swap3A_589, %swap3A_590, %swap3A_591, %swap3A_592], %gather3A_378 {strides = array<i32>} : memref<50x4x8x32xf32, #tpu.memory_space<vmem>>, vector<16xf32>,
      %swap3A_594 = arith.constant 3 : i32
      %swap3A_595 = arith.constant 6 : i32
      %swap3A_596 = arith.index_cast %scan3A_288 : i32 to index
      %swap3A_597 = arith.index_cast %swap3A_594 : i32 to index
      %swap3A_598 = arith.index_cast %swap3A_595 : i32 to index
      %swap3A_599 = arith.constant 0 : index
      %swap3A_600 = tpu.vector_load %arg8[%swap3A_596, %swap3A_597, %swap3A_598, %swap3A_599] {strides = array<i32>} : memref<50x4x8x32xf32, #tpu.memory_space<vmem>>, vector<16xf32>,
      tpu.vector_store %arg8[%swap3A_596, %swap3A_597, %swap3A_598, %swap3A_599], %gather3A_381 {strides = array<i32>} : memref<50x4x8x32xf32, #tpu.memory_space<vmem>>, vector<16xf32>,
      %swap3A_601 = arith.constant 3 : i32
      %swap3A_602 = arith.constant 7 : i32
      %swap3A_603 = arith.index_cast %scan3A_288 : i32 to index
      %swap3A_604 = arith.index_cast %swap3A_601 : i32 to index
      %swap3A_605 = arith.index_cast %swap3A_602 : i32 to index
      %swap3A_606 = arith.constant 0 : index
      %swap3A_607 = tpu.vector_load %arg8[%swap3A_603, %swap3A_604, %swap3A_605, %swap3A_606] {strides = array<i32>} : memref<50x4x8x32xf32, #tpu.memory_space<vmem>>, vector<16xf32>,
      tpu.vector_store %arg8[%swap3A_603, %swap3A_604, %swap3A_605, %swap3A_606], %gather3A_384 {strides = array<i32>} : memref<50x4x8x32xf32, #tpu.memory_space<vmem>>, vector<16xf32>,
    }
    %scan3A_27 = arith.constant 50 : i32
    %multiple_of3A_28 = arith.constant 1600 : i32
    %multiple_of3A_29 = tpu.assume_multiple %multiple_of3A_28, 8 : i32
    %dma_start3A_30 = tpu.memref_slice %arg5[%multiple_of3A_29] : memref<25600xi32, #tpu.memory_space<vmem>> -> memref<800xi32, #tpu.memory_space<vmem>>
    %dma_start3A_31 = arith.constant 0 : i32
    %dma_start3A_32 = arith.constant 0 : i32
    %dma_start3A_33 = tpu.memref_slice %arg3[%dma_start3A_31, %dma_start3A_32] : memref<1000000x32xf32, #tpu.memory_space<hbm>> -> memref<1000000x32xf32, #tpu.memory_space<hbm>>
    tpu.enqueue_indirect_dma source(%dma_start3A_33 : memref<1000000x32xf32, #tpu.memory_space<hbm>>) target(%arg6 : memref<800x32xf32, #tpu.memory_space<vmem>>) offsets(%dma_start3A_30 : memref<800xi32, #tpu.memory_space<vmem>>) semaphore(%arg9 : memref<!tpu.dma_semaphore, #tpu.memory_space<semaphore_mem>>)
    %multiple_of3A_34 = arith.constant 800 : i32
    %multiple_of3A_35 = tpu.assume_multiple %multiple_of3A_34, 8 : i32
    %dma_wait3A_36 = tpu.memref_slice %arg5[%multiple_of3A_35] : memref<25600xi32, #tpu.memory_space<vmem>> -> memref<800xi32, #tpu.memory_space<vmem>>
    %dma_wait3A_37 = arith.constant 0 : i32
    %dma_wait3A_38 = arith.constant 0 : i32
    %dma_wait3A_39 = tpu.memref_slice %arg3[%dma_wait3A_37, %dma_wait3A_38] : memref<1000000x32xf32, #tpu.memory_space<hbm>> -> memref<1000000x32xf32, #tpu.memory_space<hbm>>
    tpu.wait_indirect_dma semaphore(%arg10 : memref<!tpu.dma_semaphore, #tpu.memory_space<semaphore_mem>>) src(%dma_wait3A_39 : memref<1000000x32xf32, #tpu.memory_space<hbm>>) dst(%arg7 : memref<800x32xf32, #tpu.memory_space<vmem>>)
    %scan3A_40 = arith.constant 0 : i32
    %scan3A_41 = arith.constant 0 : i32
    %scan3A_42 = arith.constant 50 : i32
    %scan3A_43 = arith.addi %scan3A_41, %scan3A_42 : i32
    %scan3A_44 = arith.constant 1 : i32
    scf.for %scan3A_288 = %scan3A_41 to %scan3A_43 step %scan3A_44  : i32 {
      %add3A_289 = vector.broadcast %scan3A_288 : i32 to vector<16xi32>
      %add3A_290 = arith.addi %mul3A_7, %add3A_289 : vector<16xi32>
      %broadcast_in_dim3A = arith.constant 0 : i32
      %broadcast_in_dim3A_291 = vector.broadcast %broadcast_in_dim3A : i32 to vector<16xi32>
      %gather3A = tpu.vector_load_idx %arg7[%add3A_290, %broadcast_in_dim3A_291] : memref<800x32xf32, #tpu.memory_space<vmem>>[vector<16xi32>, vector<16xi32>], vector<16xf32>,
      %broadcast_in_dim3A_292 = arith.constant 1 : i32
      %broadcast_in_dim3A_293 = vector.broadcast %broadcast_in_dim3A_292 : i32 to vector<16xi32>
      %gather3A_294 = tpu.vector_load_idx %arg7[%add3A_290, %broadcast_in_dim3A_293] : memref<800x32xf32, #tpu.memory_space<vmem>>[vector<16xi32>, vector<16xi32>], vector<16xf32>,
      %broadcast_in_dim3A_295 = arith.constant 2 : i32
      %broadcast_in_dim3A_296 = vector.broadcast %broadcast_in_dim3A_295 : i32 to vector<16xi32>
      %gather3A_297 = tpu.vector_load_idx %arg7[%add3A_290, %broadcast_in_dim3A_296] : memref<800x32xf32, #tpu.memory_space<vmem>>[vector<16xi32>, vector<16xi32>], vector<16xf32>,
      %broadcast_in_dim3A_298 = arith.constant 3 : i32
      %broadcast_in_dim3A_299 = vector.broadcast %broadcast_in_dim3A_298 : i32 to vector<16xi32>
      %gather3A_300 = tpu.vector_load_idx %arg7[%add3A_290, %broadcast_in_dim3A_299] : memref<800x32xf32, #tpu.memory_space<vmem>>[vector<16xi32>, vector<16xi32>], vector<16xf32>,
      %broadcast_in_dim3A_301 = arith.constant 4 : i32
      %broadcast_in_dim3A_302 = vector.broadcast %broadcast_in_dim3A_301 : i32 to vector<16xi32>
      %gather3A_303 = tpu.vector_load_idx %arg7[%add3A_290, %broadcast_in_dim3A_302] : memref<800x32xf32, #tpu.memory_space<vmem>>[vector<16xi32>, vector<16xi32>], vector<16xf32>,
      %broadcast_in_dim3A_304 = arith.constant 5 : i32
      %broadcast_in_dim3A_305 = vector.broadcast %broadcast_in_dim3A_304 : i32 to vector<16xi32>
      %gather3A_306 = tpu.vector_load_idx %arg7[%add3A_290, %broadcast_in_dim3A_305] : memref<800x32xf32, #tpu.memory_space<vmem>>[vector<16xi32>, vector<16xi32>], vector<16xf32>,
      %broadcast_in_dim3A_307 = arith.constant 6 : i32
      %broadcast_in_dim3A_308 = vector.broadcast %broadcast_in_dim3A_307 : i32 to vector<16xi32>
      %gather3A_309 = tpu.vector_load_idx %arg7[%add3A_290, %broadcast_in_dim3A_308] : memref<800x32xf32, #tpu.memory_space<vmem>>[vector<16xi32>, vector<16xi32>], vector<16xf32>,
      %broadcast_in_dim3A_310 = arith.constant 7 : i32
      %broadcast_in_dim3A_311 = vector.broadcast %broadcast_in_dim3A_310 : i32 to vector<16xi32>
      %gather3A_312 = tpu.vector_load_idx %arg7[%add3A_290, %broadcast_in_dim3A_311] : memref<800x32xf32, #tpu.memory_space<vmem>>[vector<16xi32>, vector<16xi32>], vector<16xf32>,
      %broadcast_in_dim3A_313 = arith.constant 8 : i32
      %broadcast_in_dim3A_314 = vector.broadcast %broadcast_in_dim3A_313 : i32 to vector<16xi32>
      %gather3A_315 = tpu.vector_load_idx %arg7[%add3A_290, %broadcast_in_dim3A_314] : memref<800x32xf32, #tpu.memory_space<vmem>>[vector<16xi32>, vector<16xi32>], vector<16xf32>,
      %broadcast_in_dim3A_316 = arith.constant 9 : i32
      %broadcast_in_dim3A_317 = vector.broadcast %broadcast_in_dim3A_316 : i32 to vector<16xi32>
      %gather3A_318 = tpu.vector_load_idx %arg7[%add3A_290, %broadcast_in_dim3A_317] : memref<800x32xf32, #tpu.memory_space<vmem>>[vector<16xi32>, vector<16xi32>], vector<16xf32>,
      %broadcast_in_dim3A_319 = arith.constant 10 : i32
      %broadcast_in_dim3A_320 = vector.broadcast %broadcast_in_dim3A_319 : i32 to vector<16xi32>
      %gather3A_321 = tpu.vector_load_idx %arg7[%add3A_290, %broadcast_in_dim3A_320] : memref<800x32xf32, #tpu.memory_space<vmem>>[vector<16xi32>, vector<16xi32>], vector<16xf32>,
      %broadcast_in_dim3A_322 = arith.constant 11 : i32
      %broadcast_in_dim3A_323 = vector.broadcast %broadcast_in_dim3A_322 : i32 to vector<16xi32>
      %gather3A_324 = tpu.vector_load_idx %arg7[%add3A_290, %broadcast_in_dim3A_323] : memref<800x32xf32, #tpu.memory_space<vmem>>[vector<16xi32>, vector<16xi32>], vector<16xf32>,
      %broadcast_in_dim3A_325 = arith.constant 12 : i32
      %broadcast_in_dim3A_326 = vector.broadcast %broadcast_in_dim3A_325 : i32 to vector<16xi32>
      %gather3A_327 = tpu.vector_load_idx %arg7[%add3A_290, %broadcast_in_dim3A_326] : memref<800x32xf32, #tpu.memory_space<vmem>>[vector<16xi32>, vector<16xi32>], vector<16xf32>,
      %broadcast_in_dim3A_328 = arith.constant 13 : i32
      %broadcast_in_dim3A_329 = vector.broadcast %broadcast_in_dim3A_328 : i32 to vector<16xi32>
      %gather3A_330 = tpu.vector_load_idx %arg7[%add3A_290, %broadcast_in_dim3A_329] : memref<800x32xf32, #tpu.memory_space<vmem>>[vector<16xi32>, vector<16xi32>], vector<16xf32>,
      %broadcast_in_dim3A_331 = arith.constant 14 : i32
      %broadcast_in_dim3A_332 = vector.broadcast %broadcast_in_dim3A_331 : i32 to vector<16xi32>
      %gather3A_333 = tpu.vector_load_idx %arg7[%add3A_290, %broadcast_in_dim3A_332] : memref<800x32xf32, #tpu.memory_space<vmem>>[vector<16xi32>, vector<16xi32>], vector<16xf32>,
      %broadcast_in_dim3A_334 = arith.constant 15 : i32
      %broadcast_in_dim3A_335 = vector.broadcast %broadcast_in_dim3A_334 : i32 to vector<16xi32>
      %gather3A_336 = tpu.vector_load_idx %arg7[%add3A_290, %broadcast_in_dim3A_335] : memref<800x32xf32, #tpu.memory_space<vmem>>[vector<16xi32>, vector<16xi32>], vector<16xf32>,
      %broadcast_in_dim3A_337 = arith.constant 16 : i32
      %broadcast_in_dim3A_338 = vector.broadcast %broadcast_in_dim3A_337 : i32 to vector<16xi32>
      %gather3A_339 = tpu.vector_load_idx %arg7[%add3A_290, %broadcast_in_dim3A_338] : memref<800x32xf32, #tpu.memory_space<vmem>>[vector<16xi32>, vector<16xi32>], vector<16xf32>,
      %broadcast_in_dim3A_340 = arith.constant 17 : i32
      %broadcast_in_dim3A_341 = vector.broadcast %broadcast_in_dim3A_340 : i32 to vector<16xi32>
      %gather3A_342 = tpu.vector_load_idx %arg7[%add3A_290, %broadcast_in_dim3A_341] : memref<800x32xf32, #tpu.memory_space<vmem>>[vector<16xi32>, vector<16xi32>], vector<16xf32>,
      %broadcast_in_dim3A_343 = arith.constant 18 : i32
      %broadcast_in_dim3A_344 = vector.broadcast %broadcast_in_dim3A_343 : i32 to vector<16xi32>
      %gather3A_345 = tpu.vector_load_idx %arg7[%add3A_290, %broadcast_in_dim3A_344] : memref<800x32xf32, #tpu.memory_space<vmem>>[vector<16xi32>, vector<16xi32>], vector<16xf32>,
      %broadcast_in_dim3A_346 = arith.constant 19 : i32
      %broadcast_in_dim3A_347 = vector.broadcast %broadcast_in_dim3A_346 : i32 to vector<16xi32>
      %gather3A_348 = tpu.vector_load_idx %arg7[%add3A_290, %broadcast_in_dim3A_347] : memref<800x32xf32, #tpu.memory_space<vmem>>[vector<16xi32>, vector<16xi32>], vector<16xf32>,
      %broadcast_in_dim3A_349 = arith.constant 20 : i32
      %broadcast_in_dim3A_350 = vector.broadcast %broadcast_in_dim3A_349 : i32 to vector<16xi32>
      %gather3A_351 = tpu.vector_load_idx %arg7[%add3A_290, %broadcast_in_dim3A_350] : memref<800x32xf32, #tpu.memory_space<vmem>>[vector<16xi32>, vector<16xi32>], vector<16xf32>,
      %broadcast_in_dim3A_352 = arith.constant 21 : i32
      %broadcast_in_dim3A_353 = vector.broadcast %broadcast_in_dim3A_352 : i32 to vector<16xi32>
      %gather3A_354 = tpu.vector_load_idx %arg7[%add3A_290, %broadcast_in_dim3A_353] : memref<800x32xf32, #tpu.memory_space<vmem>>[vector<16xi32>, vector<16xi32>], vector<16xf32>,
      %broadcast_in_dim3A_355 = arith.constant 22 : i32
      %broadcast_in_dim3A_356 = vector.broadcast %broadcast_in_dim3A_355 : i32 to vector<16xi32>
      %gather3A_357 = tpu.vector_load_idx %arg7[%add3A_290, %broadcast_in_dim3A_356] : memref<800x32xf32, #tpu.memory_space<vmem>>[vector<16xi32>, vector<16xi32>], vector<16xf32>,
      %broadcast_in_dim3A_358 = arith.constant 23 : i32
      %broadcast_in_dim3A_359 = vector.broadcast %broadcast_in_dim3A_358 : i32 to vector<16xi32>
      %gather3A_360 = tpu.vector_load_idx %arg7[%add3A_290, %broadcast_in_dim3A_359] : memref<800x32xf32, #tpu.memory_space<vmem>>[vector<16xi32>, vector<16xi32>], vector<16xf32>,
      %broadcast_in_dim3A_361 = arith.constant 24 : i32
      %broadcast_in_dim3A_362 = vector.broadcast %broadcast_in_dim3A_361 : i32 to vector<16xi32>
      %gather3A_363 = tpu.vector_load_idx %arg7[%add3A_290, %broadcast_in_dim3A_362] : memref<800x32xf32, #tpu.memory_space<vmem>>[vector<16xi32>, vector<16xi32>], vector<16xf32>,
      %broadcast_in_dim3A_364 = arith.constant 25 : i32
      %broadcast_in_dim3A_365 = vector.broadcast %broadcast_in_dim3A_364 : i32 to vector<16xi32>
      %gather3A_366 = tpu.vector_load_idx %arg7[%add3A_290, %broadcast_in_dim3A_365] : memref<800x32xf32, #tpu.memory_space<vmem>>[vector<16xi32>, vector<16xi32>], vector<16xf32>,
      %broadcast_in_dim3A_367 = arith.constant 26 : i32
      %broadcast_in_dim3A_368 = vector.broadcast %broadcast_in_dim3A_367 : i32 to vector<16xi32>
      %gather3A_369 = tpu.vector_load_idx %arg7[%add3A_290, %broadcast_in_dim3A_368] : memref<800x32xf32, #tpu.memory_space<vmem>>[vector<16xi32>, vector<16xi32>], vector<16xf32>,
      %broadcast_in_dim3A_370 = arith.constant 27 : i32
      %broadcast_in_dim3A_371 = vector.broadcast %broadcast_in_dim3A_370 : i32 to vector<16xi32>
      %gather3A_372 = tpu.vector_load_idx %arg7[%add3A_290, %broadcast_in_dim3A_371] : memref<800x32xf32, #tpu.memory_space<vmem>>[vector<16xi32>, vector<16xi32>], vector<16xf32>,
      %broadcast_in_dim3A_373 = arith.constant 28 : i32
      %broadcast_in_dim3A_374 = vector.broadcast %broadcast_in_dim3A_373 : i32 to vector<16xi32>
      %gather3A_375 = tpu.vector_load_idx %arg7[%add3A_290, %broadcast_in_dim3A_374] : memref<800x32xf32, #tpu.memory_space<vmem>>[vector<16xi32>, vector<16xi32>], vector<16xf32>,
      %broadcast_in_dim3A_376 = arith.constant 29 : i32
      %broadcast_in_dim3A_377 = vector.broadcast %broadcast_in_dim3A_376 : i32 to vector<16xi32>
      %gather3A_378 = tpu.vector_load_idx %arg7[%add3A_290, %broadcast_in_dim3A_377] : memref<800x32xf32, #tpu.memory_space<vmem>>[vector<16xi32>, vector<16xi32>], vector<16xf32>,
      %broadcast_in_dim3A_379 = arith.constant 30 : i32
      %broadcast_in_dim3A_380 = vector.broadcast %broadcast_in_dim3A_379 : i32 to vector<16xi32>
      %gather3A_381 = tpu.vector_load_idx %arg7[%add3A_290, %broadcast_in_dim3A_380] : memref<800x32xf32, #tpu.memory_space<vmem>>[vector<16xi32>, vector<16xi32>], vector<16xf32>,
      %broadcast_in_dim3A_382 = arith.constant 31 : i32
      %broadcast_in_dim3A_383 = vector.broadcast %broadcast_in_dim3A_382 : i32 to vector<16xi32>
      %gather3A_384 = tpu.vector_load_idx %arg7[%add3A_290, %broadcast_in_dim3A_383] : memref<800x32xf32, #tpu.memory_space<vmem>>[vector<16xi32>, vector<16xi32>], vector<16xf32>,
      %swap3A = arith.constant 0 : i32
      %swap3A_385 = arith.constant 0 : i32
      %swap3A_386 = arith.index_cast %scan3A_288 : i32 to index
      %swap3A_387 = arith.index_cast %swap3A : i32 to index
      %swap3A_388 = arith.index_cast %swap3A_385 : i32 to index
      %swap3A_389 = arith.constant 16 : index
      %swap3A_390 = tpu.vector_load %arg8[%swap3A_386, %swap3A_387, %swap3A_388, %swap3A_389] {strides = array<i32>} : memref<50x4x8x32xf32, #tpu.memory_space<vmem>>, vector<16xf32>,
      tpu.vector_store %arg8[%swap3A_386, %swap3A_387, %swap3A_388, %swap3A_389], %gather3A {strides = array<i32>} : memref<50x4x8x32xf32, #tpu.memory_space<vmem>>, vector<16xf32>,
      %swap3A_391 = arith.constant 0 : i32
      %swap3A_392 = arith.constant 1 : i32
      %swap3A_393 = arith.index_cast %scan3A_288 : i32 to index
      %swap3A_394 = arith.index_cast %swap3A_391 : i32 to index
      %swap3A_395 = arith.index_cast %swap3A_392 : i32 to index
      %swap3A_396 = arith.constant 16 : index
      %swap3A_397 = tpu.vector_load %arg8[%swap3A_393, %swap3A_394, %swap3A_395, %swap3A_396] {strides = array<i32>} : memref<50x4x8x32xf32, #tpu.memory_space<vmem>>, vector<16xf32>,
      tpu.vector_store %arg8[%swap3A_393, %swap3A_394, %swap3A_395, %swap3A_396], %gather3A_294 {strides = array<i32>} : memref<50x4x8x32xf32, #tpu.memory_space<vmem>>, vector<16xf32>,
      %swap3A_398 = arith.constant 0 : i32
      %swap3A_399 = arith.constant 2 : i32
      %swap3A_400 = arith.index_cast %scan3A_288 : i32 to index
      %swap3A_401 = arith.index_cast %swap3A_398 : i32 to index
      %swap3A_402 = arith.index_cast %swap3A_399 : i32 to index
      %swap3A_403 = arith.constant 16 : index
      %swap3A_404 = tpu.vector_load %arg8[%swap3A_400, %swap3A_401, %swap3A_402, %swap3A_403] {strides = array<i32>} : memref<50x4x8x32xf32, #tpu.memory_space<vmem>>, vector<16xf32>,
      tpu.vector_store %arg8[%swap3A_400, %swap3A_401, %swap3A_402, %swap3A_403], %gather3A_297 {strides = array<i32>} : memref<50x4x8x32xf32, #tpu.memory_space<vmem>>, vector<16xf32>,
      %swap3A_405 = arith.constant 0 : i32
      %swap3A_406 = arith.constant 3 : i32
      %swap3A_407 = arith.index_cast %scan3A_288 : i32 to index
      %swap3A_408 = arith.index_cast %swap3A_405 : i32 to index
      %swap3A_409 = arith.index_cast %swap3A_406 : i32 to index
      %swap3A_410 = arith.constant 16 : index
      %swap3A_411 = tpu.vector_load %arg8[%swap3A_407, %swap3A_408, %swap3A_409, %swap3A_410] {strides = array<i32>} : memref<50x4x8x32xf32, #tpu.memory_space<vmem>>, vector<16xf32>,
      tpu.vector_store %arg8[%swap3A_407, %swap3A_408, %swap3A_409, %swap3A_410], %gather3A_300 {strides = array<i32>} : memref<50x4x8x32xf32, #tpu.memory_space<vmem>>, vector<16xf32>,
      %swap3A_412 = arith.constant 0 : i32
      %swap3A_413 = arith.constant 4 : i32
      %swap3A_414 = arith.index_cast %scan3A_288 : i32 to index
      %swap3A_415 = arith.index_cast %swap3A_412 : i32 to index
      %swap3A_416 = arith.index_cast %swap3A_413 : i32 to index
      %swap3A_417 = arith.constant 16 : index
      %swap3A_418 = tpu.vector_load %arg8[%swap3A_414, %swap3A_415, %swap3A_416, %swap3A_417] {strides = array<i32>} : memref<50x4x8x32xf32, #tpu.memory_space<vmem>>, vector<16xf32>,
      tpu.vector_store %arg8[%swap3A_414, %swap3A_415, %swap3A_416, %swap3A_417], %gather3A_303 {strides = array<i32>} : memref<50x4x8x32xf32, #tpu.memory_space<vmem>>, vector<16xf32>,
      %swap3A_419 = arith.constant 0 : i32
      %swap3A_420 = arith.constant 5 : i32
      %swap3A_421 = arith.index_cast %scan3A_288 : i32 to index
      %swap3A_422 = arith.index_cast %swap3A_419 : i32 to index
      %swap3A_423 = arith.index_cast %swap3A_420 : i32 to index
      %swap3A_424 = arith.constant 16 : index
      %swap3A_425 = tpu.vector_load %arg8[%swap3A_421, %swap3A_422, %swap3A_423, %swap3A_424] {strides = array<i32>} : memref<50x4x8x32xf32, #tpu.memory_space<vmem>>, vector<16xf32>,
      tpu.vector_store %arg8[%swap3A_421, %swap3A_422, %swap3A_423, %swap3A_424], %gather3A_306 {strides = array<i32>} : memref<50x4x8x32xf32, #tpu.memory_space<vmem>>, vector<16xf32>,
      %swap3A_426 = arith.constant 0 : i32
      %swap3A_427 = arith.constant 6 : i32
      %swap3A_428 = arith.index_cast %scan3A_288 : i32 to index
      %swap3A_429 = arith.index_cast %swap3A_426 : i32 to index
      %swap3A_430 = arith.index_cast %swap3A_427 : i32 to index
      %swap3A_431 = arith.constant 16 : index
      %swap3A_432 = tpu.vector_load %arg8[%swap3A_428, %swap3A_429, %swap3A_430, %swap3A_431] {strides = array<i32>} : memref<50x4x8x32xf32, #tpu.memory_space<vmem>>, vector<16xf32>,
      tpu.vector_store %arg8[%swap3A_428, %swap3A_429, %swap3A_430, %swap3A_431], %gather3A_309 {strides = array<i32>} : memref<50x4x8x32xf32, #tpu.memory_space<vmem>>, vector<16xf32>,
      %swap3A_433 = arith.constant 0 : i32
      %swap3A_434 = arith.constant 7 : i32
      %swap3A_435 = arith.index_cast %scan3A_288 : i32 to index
      %swap3A_436 = arith.index_cast %swap3A_433 : i32 to index
      %swap3A_437 = arith.index_cast %swap3A_434 : i32 to index
      %swap3A_438 = arith.constant 16 : index
      %swap3A_439 = tpu.vector_load %arg8[%swap3A_435, %swap3A_436, %swap3A_437, %swap3A_438] {strides = array<i32>} : memref<50x4x8x32xf32, #tpu.memory_space<vmem>>, vector<16xf32>,
      tpu.vector_store %arg8[%swap3A_435, %swap3A_436, %swap3A_437, %swap3A_438], %gather3A_312 {strides = array<i32>} : memref<50x4x8x32xf32, #tpu.memory_space<vmem>>, vector<16xf32>,
      %swap3A_440 = arith.constant 1 : i32
      %swap3A_441 = arith.constant 0 : i32
      %swap3A_442 = arith.index_cast %scan3A_288 : i32 to index
      %swap3A_443 = arith.index_cast %swap3A_440 : i32 to index
      %swap3A_444 = arith.index_cast %swap3A_441 : i32 to index
      %swap3A_445 = arith.constant 16 : index
      %swap3A_446 = tpu.vector_load %arg8[%swap3A_442, %swap3A_443, %swap3A_444, %swap3A_445] {strides = array<i32>} : memref<50x4x8x32xf32, #tpu.memory_space<vmem>>, vector<16xf32>,
      tpu.vector_store %arg8[%swap3A_442, %swap3A_443, %swap3A_444, %swap3A_445], %gather3A_315 {strides = array<i32>} : memref<50x4x8x32xf32, #tpu.memory_space<vmem>>, vector<16xf32>,
      %swap3A_447 = arith.constant 1 : i32
      %swap3A_448 = arith.constant 1 : i32
      %swap3A_449 = arith.index_cast %scan3A_288 : i32 to index
      %swap3A_450 = arith.index_cast %swap3A_447 : i32 to index
      %swap3A_451 = arith.index_cast %swap3A_448 : i32 to index
      %swap3A_452 = arith.constant 16 : index
      %swap3A_453 = tpu.vector_load %arg8[%swap3A_449, %swap3A_450, %swap3A_451, %swap3A_452] {strides = array<i32>} : memref<50x4x8x32xf32, #tpu.memory_space<vmem>>, vector<16xf32>,
      tpu.vector_store %arg8[%swap3A_449, %swap3A_450, %swap3A_451, %swap3A_452], %gather3A_318 {strides = array<i32>} : memref<50x4x8x32xf32, #tpu.memory_space<vmem>>, vector<16xf32>,
      %swap3A_454 = arith.constant 1 : i32
      %swap3A_455 = arith.constant 2 : i32
      %swap3A_456 = arith.index_cast %scan3A_288 : i32 to index
      %swap3A_457 = arith.index_cast %swap3A_454 : i32 to index
      %swap3A_458 = arith.index_cast %swap3A_455 : i32 to index
      %swap3A_459 = arith.constant 16 : index
      %swap3A_460 = tpu.vector_load %arg8[%swap3A_456, %swap3A_457, %swap3A_458, %swap3A_459] {strides = array<i32>} : memref<50x4x8x32xf32, #tpu.memory_space<vmem>>, vector<16xf32>,
      tpu.vector_store %arg8[%swap3A_456, %swap3A_457, %swap3A_458, %swap3A_459], %gather3A_321 {strides = array<i32>} : memref<50x4x8x32xf32, #tpu.memory_space<vmem>>, vector<16xf32>,
      %swap3A_461 = arith.constant 1 : i32
      %swap3A_462 = arith.constant 3 : i32
      %swap3A_463 = arith.index_cast %scan3A_288 : i32 to index
      %swap3A_464 = arith.index_cast %swap3A_461 : i32 to index
      %swap3A_465 = arith.index_cast %swap3A_462 : i32 to index
      %swap3A_466 = arith.constant 16 : index
      %swap3A_467 = tpu.vector_load %arg8[%swap3A_463, %swap3A_464, %swap3A_465, %swap3A_466] {strides = array<i32>} : memref<50x4x8x32xf32, #tpu.memory_space<vmem>>, vector<16xf32>,
      tpu.vector_store %arg8[%swap3A_463, %swap3A_464, %swap3A_465, %swap3A_466], %gather3A_324 {strides = array<i32>} : memref<50x4x8x32xf32, #tpu.memory_space<vmem>>, vector<16xf32>,
      %swap3A_468 = arith.constant 1 : i32
      %swap3A_469 = arith.constant 4 : i32
      %swap3A_470 = arith.index_cast %scan3A_288 : i32 to index
      %swap3A_471 = arith.index_cast %swap3A_468 : i32 to index
      %swap3A_472 = arith.index_cast %swap3A_469 : i32 to index
      %swap3A_473 = arith.constant 16 : index
      %swap3A_474 = tpu.vector_load %arg8[%swap3A_470, %swap3A_471, %swap3A_472, %swap3A_473] {strides = array<i32>} : memref<50x4x8x32xf32, #tpu.memory_space<vmem>>, vector<16xf32>,
      tpu.vector_store %arg8[%swap3A_470, %swap3A_471, %swap3A_472, %swap3A_473], %gather3A_327 {strides = array<i32>} : memref<50x4x8x32xf32, #tpu.memory_space<vmem>>, vector<16xf32>,
      %swap3A_475 = arith.constant 1 : i32
      %swap3A_476 = arith.constant 5 : i32
      %swap3A_477 = arith.index_cast %scan3A_288 : i32 to index
      %swap3A_478 = arith.index_cast %swap3A_475 : i32 to index
      %swap3A_479 = arith.index_cast %swap3A_476 : i32 to index
      %swap3A_480 = arith.constant 16 : index
      %swap3A_481 = tpu.vector_load %arg8[%swap3A_477, %swap3A_478, %swap3A_479, %swap3A_480] {strides = array<i32>} : memref<50x4x8x32xf32, #tpu.memory_space<vmem>>, vector<16xf32>,
      tpu.vector_store %arg8[%swap3A_477, %swap3A_478, %swap3A_479, %swap3A_480], %gather3A_330 {strides = array<i32>} : memref<50x4x8x32xf32, #tpu.memory_space<vmem>>, vector<16xf32>,
      %swap3A_482 = arith.constant 1 : i32
      %swap3A_483 = arith.constant 6 : i32
      %swap3A_484 = arith.index_cast %scan3A_288 : i32 to index
      %swap3A_485 = arith.index_cast %swap3A_482 : i32 to index
      %swap3A_486 = arith.index_cast %swap3A_483 : i32 to index
      %swap3A_487 = arith.constant 16 : index
      %swap3A_488 = tpu.vector_load %arg8[%swap3A_484, %swap3A_485, %swap3A_486, %swap3A_487] {strides = array<i32>} : memref<50x4x8x32xf32, #tpu.memory_space<vmem>>, vector<16xf32>,
      tpu.vector_store %arg8[%swap3A_484, %swap3A_485, %swap3A_486, %swap3A_487], %gather3A_333 {strides = array<i32>} : memref<50x4x8x32xf32, #tpu.memory_space<vmem>>, vector<16xf32>,
      %swap3A_489 = arith.constant 1 : i32
      %swap3A_490 = arith.constant 7 : i32
      %swap3A_491 = arith.index_cast %scan3A_288 : i32 to index
      %swap3A_492 = arith.index_cast %swap3A_489 : i32 to index
      %swap3A_493 = arith.index_cast %swap3A_490 : i32 to index
      %swap3A_494 = arith.constant 16 : index
      %swap3A_495 = tpu.vector_load %arg8[%swap3A_491, %swap3A_492, %swap3A_493, %swap3A_494] {strides = array<i32>} : memref<50x4x8x32xf32, #tpu.memory_space<vmem>>, vector<16xf32>,
      tpu.vector_store %arg8[%swap3A_491, %swap3A_492, %swap3A_493, %swap3A_494], %gather3A_336 {strides = array<i32>} : memref<50x4x8x32xf32, #tpu.memory_space<vmem>>, vector<16xf32>,
      %swap3A_496 = arith.constant 2 : i32
      %swap3A_497 = arith.constant 0 : i32
      %swap3A_498 = arith.index_cast %scan3A_288 : i32 to index
      %swap3A_499 = arith.index_cast %swap3A_496 : i32 to index
      %swap3A_500 = arith.index_cast %swap3A_497 : i32 to index
      %swap3A_501 = arith.constant 16 : index
      %swap3A_502 = tpu.vector_load %arg8[%swap3A_498, %swap3A_499, %swap3A_500, %swap3A_501] {strides = array<i32>} : memref<50x4x8x32xf32, #tpu.memory_space<vmem>>, vector<16xf32>,
      tpu.vector_store %arg8[%swap3A_498, %swap3A_499, %swap3A_500, %swap3A_501], %gather3A_339 {strides = array<i32>} : memref<50x4x8x32xf32, #tpu.memory_space<vmem>>, vector<16xf32>,
      %swap3A_503 = arith.constant 2 : i32
      %swap3A_504 = arith.constant 1 : i32
      %swap3A_505 = arith.index_cast %scan3A_288 : i32 to index
      %swap3A_506 = arith.index_cast %swap3A_503 : i32 to index
      %swap3A_507 = arith.index_cast %swap3A_504 : i32 to index
      %swap3A_508 = arith.constant 16 : index
      %swap3A_509 = tpu.vector_load %arg8[%swap3A_505, %swap3A_506, %swap3A_507, %swap3A_508] {strides = array<i32>} : memref<50x4x8x32xf32, #tpu.memory_space<vmem>>, vector<16xf32>,
      tpu.vector_store %arg8[%swap3A_505, %swap3A_506, %swap3A_507, %swap3A_508], %gather3A_342 {strides = array<i32>} : memref<50x4x8x32xf32, #tpu.memory_space<vmem>>, vector<16xf32>,
      %swap3A_510 = arith.constant 2 : i32
      %swap3A_511 = arith.constant 2 : i32
      %swap3A_512 = arith.index_cast %scan3A_288 : i32 to index
      %swap3A_513 = arith.index_cast %swap3A_510 : i32 to index
      %swap3A_514 = arith.index_cast %swap3A_511 : i32 to index
      %swap3A_515 = arith.constant 16 : index
      %swap3A_516 = tpu.vector_load %arg8[%swap3A_512, %swap3A_513, %swap3A_514, %swap3A_515] {strides = array<i32>} : memref<50x4x8x32xf32, #tpu.memory_space<vmem>>, vector<16xf32>,
      tpu.vector_store %arg8[%swap3A_512, %swap3A_513, %swap3A_514, %swap3A_515], %gather3A_345 {strides = array<i32>} : memref<50x4x8x32xf32, #tpu.memory_space<vmem>>, vector<16xf32>,
      %swap3A_517 = arith.constant 2 : i32
      %swap3A_518 = arith.constant 3 : i32
      %swap3A_519 = arith.index_cast %scan3A_288 : i32 to index
      %swap3A_520 = arith.index_cast %swap3A_517 : i32 to index
      %swap3A_521 = arith.index_cast %swap3A_518 : i32 to index
      %swap3A_522 = arith.constant 16 : index
      %swap3A_523 = tpu.vector_load %arg8[%swap3A_519, %swap3A_520, %swap3A_521, %swap3A_522] {strides = array<i32>} : memref<50x4x8x32xf32, #tpu.memory_space<vmem>>, vector<16xf32>,
      tpu.vector_store %arg8[%swap3A_519, %swap3A_520, %swap3A_521, %swap3A_522], %gather3A_348 {strides = array<i32>} : memref<50x4x8x32xf32, #tpu.memory_space<vmem>>, vector<16xf32>,
      %swap3A_524 = arith.constant 2 : i32
      %swap3A_525 = arith.constant 4 : i32
      %swap3A_526 = arith.index_cast %scan3A_288 : i32 to index
      %swap3A_527 = arith.index_cast %swap3A_524 : i32 to index
      %swap3A_528 = arith.index_cast %swap3A_525 : i32 to index
      %swap3A_529 = arith.constant 16 : index
      %swap3A_530 = tpu.vector_load %arg8[%swap3A_526, %swap3A_527, %swap3A_528, %swap3A_529] {strides = array<i32>} : memref<50x4x8x32xf32, #tpu.memory_space<vmem>>, vector<16xf32>,
      tpu.vector_store %arg8[%swap3A_526, %swap3A_527, %swap3A_528, %swap3A_529], %gather3A_351 {strides = array<i32>} : memref<50x4x8x32xf32, #tpu.memory_space<vmem>>, vector<16xf32>,
      %swap3A_531 = arith.constant 2 : i32
      %swap3A_532 = arith.constant 5 : i32
      %swap3A_533 = arith.index_cast %scan3A_288 : i32 to index
      %swap3A_534 = arith.index_cast %swap3A_531 : i32 to index
      %swap3A_535 = arith.index_cast %swap3A_532 : i32 to index
      %swap3A_536 = arith.constant 16 : index
      %swap3A_537 = tpu.vector_load %arg8[%swap3A_533, %swap3A_534, %swap3A_535, %swap3A_536] {strides = array<i32>} : memref<50x4x8x32xf32, #tpu.memory_space<vmem>>, vector<16xf32>,
      tpu.vector_store %arg8[%swap3A_533, %swap3A_534, %swap3A_535, %swap3A_536], %gather3A_354 {strides = array<i32>} : memref<50x4x8x32xf32, #tpu.memory_space<vmem>>, vector<16xf32>,
      %swap3A_538 = arith.constant 2 : i32
      %swap3A_539 = arith.constant 6 : i32
      %swap3A_540 = arith.index_cast %scan3A_288 : i32 to index
      %swap3A_541 = arith.index_cast %swap3A_538 : i32 to index
      %swap3A_542 = arith.index_cast %swap3A_539 : i32 to index
      %swap3A_543 = arith.constant 16 : index
      %swap3A_544 = tpu.vector_load %arg8[%swap3A_540, %swap3A_541, %swap3A_542, %swap3A_543] {strides = array<i32>} : memref<50x4x8x32xf32, #tpu.memory_space<vmem>>, vector<16xf32>,
      tpu.vector_store %arg8[%swap3A_540, %swap3A_541, %swap3A_542, %swap3A_543], %gather3A_357 {strides = array<i32>} : memref<50x4x8x32xf32, #tpu.memory_space<vmem>>, vector<16xf32>,
      %swap3A_545 = arith.constant 2 : i32
      %swap3A_546 = arith.constant 7 : i32
      %swap3A_547 = arith.index_cast %scan3A_288 : i32 to index
      %swap3A_548 = arith.index_cast %swap3A_545 : i32 to index
      %swap3A_549 = arith.index_cast %swap3A_546 : i32 to index
      %swap3A_550 = arith.constant 16 : index
      %swap3A_551 = tpu.vector_load %arg8[%swap3A_547, %swap3A_548, %swap3A_549, %swap3A_550] {strides = array<i32>} : memref<50x4x8x32xf32, #tpu.memory_space<vmem>>, vector<16xf32>,
      tpu.vector_store %arg8[%swap3A_547, %swap3A_548, %swap3A_549, %swap3A_550], %gather3A_360 {strides = array<i32>} : memref<50x4x8x32xf32, #tpu.memory_space<vmem>>, vector<16xf32>,
      %swap3A_552 = arith.constant 3 : i32
      %swap3A_553 = arith.constant 0 : i32
      %swap3A_554 = arith.index_cast %scan3A_288 : i32 to index
      %swap3A_555 = arith.index_cast %swap3A_552 : i32 to index
      %swap3A_556 = arith.index_cast %swap3A_553 : i32 to index
      %swap3A_557 = arith.constant 16 : index
      %swap3A_558 = tpu.vector_load %arg8[%swap3A_554, %swap3A_555, %swap3A_556, %swap3A_557] {strides = array<i32>} : memref<50x4x8x32xf32, #tpu.memory_space<vmem>>, vector<16xf32>,
      tpu.vector_store %arg8[%swap3A_554, %swap3A_555, %swap3A_556, %swap3A_557], %gather3A_363 {strides = array<i32>} : memref<50x4x8x32xf32, #tpu.memory_space<vmem>>, vector<16xf32>,
      %swap3A_559 = arith.constant 3 : i32
      %swap3A_560 = arith.constant 1 : i32
      %swap3A_561 = arith.index_cast %scan3A_288 : i32 to index
      %swap3A_562 = arith.index_cast %swap3A_559 : i32 to index
      %swap3A_563 = arith.index_cast %swap3A_560 : i32 to index
      %swap3A_564 = arith.constant 16 : index
      %swap3A_565 = tpu.vector_load %arg8[%swap3A_561, %swap3A_562, %swap3A_563, %swap3A_564] {strides = array<i32>} : memref<50x4x8x32xf32, #tpu.memory_space<vmem>>, vector<16xf32>,
      tpu.vector_store %arg8[%swap3A_561, %swap3A_562, %swap3A_563, %swap3A_564], %gather3A_366 {strides = array<i32>} : memref<50x4x8x32xf32, #tpu.memory_space<vmem>>, vector<16xf32>,
      %swap3A_566 = arith.constant 3 : i32
      %swap3A_567 = arith.constant 2 : i32
      %swap3A_568 = arith.index_cast %scan3A_288 : i32 to index
      %swap3A_569 = arith.index_cast %swap3A_566 : i32 to index
      %swap3A_570 = arith.index_cast %swap3A_567 : i32 to index
      %swap3A_571 = arith.constant 16 : index
      %swap3A_572 = tpu.vector_load %arg8[%swap3A_568, %swap3A_569, %swap3A_570, %swap3A_571] {strides = array<i32>} : memref<50x4x8x32xf32, #tpu.memory_space<vmem>>, vector<16xf32>,
      tpu.vector_store %arg8[%swap3A_568, %swap3A_569, %swap3A_570, %swap3A_571], %gather3A_369 {strides = array<i32>} : memref<50x4x8x32xf32, #tpu.memory_space<vmem>>, vector<16xf32>,
      %swap3A_573 = arith.constant 3 : i32
      %swap3A_574 = arith.constant 3 : i32
      %swap3A_575 = arith.index_cast %scan3A_288 : i32 to index
      %swap3A_576 = arith.index_cast %swap3A_573 : i32 to index
      %swap3A_577 = arith.index_cast %swap3A_574 : i32 to index
      %swap3A_578 = arith.constant 16 : index
      %swap3A_579 = tpu.vector_load %arg8[%swap3A_575, %swap3A_576, %swap3A_577, %swap3A_578] {strides = array<i32>} : memref<50x4x8x32xf32, #tpu.memory_space<vmem>>, vector<16xf32>,
      tpu.vector_store %arg8[%swap3A_575, %swap3A_576, %swap3A_577, %swap3A_578], %gather3A_372 {strides = array<i32>} : memref<50x4x8x32xf32, #tpu.memory_space<vmem>>, vector<16xf32>,
      %swap3A_580 = arith.constant 3 : i32
      %swap3A_581 = arith.constant 4 : i32
      %swap3A_582 = arith.index_cast %scan3A_288 : i32 to index
      %swap3A_583 = arith.index_cast %swap3A_580 : i32 to index
      %swap3A_584 = arith.index_cast %swap3A_581 : i32 to index
      %swap3A_585 = arith.constant 16 : index
      %swap3A_586 = tpu.vector_load %arg8[%swap3A_582, %swap3A_583, %swap3A_584, %swap3A_585] {strides = array<i32>} : memref<50x4x8x32xf32, #tpu.memory_space<vmem>>, vector<16xf32>,
      tpu.vector_store %arg8[%swap3A_582, %swap3A_583, %swap3A_584, %swap3A_585], %gather3A_375 {strides = array<i32>} : memref<50x4x8x32xf32, #tpu.memory_space<vmem>>, vector<16xf32>,
      %swap3A_587 = arith.constant 3 : i32
      %swap3A_588 = arith.constant 5 : i32
      %swap3A_589 = arith.index_cast %scan3A_288 : i32 to index
      %swap3A_590 = arith.index_cast %swap3A_587 : i32 to index
      %swap3A_591 = arith.index_cast %swap3A_588 : i32 to index
      %swap3A_592 = arith.constant 16 : index
      %swap3A_593 = tpu.vector_load %arg8[%swap3A_589, %swap3A_590, %swap3A_591, %swap3A_592] {strides = array<i32>} : memref<50x4x8x32xf32, #tpu.memory_space<vmem>>, vector<16xf32>,
      tpu.vector_store %arg8[%swap3A_589, %swap3A_590, %swap3A_591, %swap3A_592], %gather3A_378 {strides = array<i32>} : memref<50x4x8x32xf32, #tpu.memory_space<vmem>>, vector<16xf32>,
      %swap3A_594 = arith.constant 3 : i32
      %swap3A_595 = arith.constant 6 : i32
      %swap3A_596 = arith.index_cast %scan3A_288 : i32 to index
      %swap3A_597 = arith.index_cast %swap3A_594 : i32 to index
      %swap3A_598 = arith.index_cast %swap3A_595 : i32 to index
      %swap3A_599 = arith.constant 16 : index
      %swap3A_600 = tpu.vector_load %arg8[%swap3A_596, %swap3A_597, %swap3A_598, %swap3A_599] {strides = array<i32>} : memref<50x4x8x32xf32, #tpu.memory_space<vmem>>, vector<16xf32>,
      tpu.vector_store %arg8[%swap3A_596, %swap3A_597, %swap3A_598, %swap3A_599], %gather3A_381 {strides = array<i32>} : memref<50x4x8x32xf32, #tpu.memory_space<vmem>>, vector<16xf32>,
      %swap3A_601 = arith.constant 3 : i32
      %swap3A_602 = arith.constant 7 : i32
      %swap3A_603 = arith.index_cast %scan3A_288 : i32 to index
      %swap3A_604 = arith.index_cast %swap3A_601 : i32 to index
      %swap3A_605 = arith.index_cast %swap3A_602 : i32 to index
      %swap3A_606 = arith.constant 16 : index
      %swap3A_607 = tpu.vector_load %arg8[%swap3A_603, %swap3A_604, %swap3A_605, %swap3A_606] {strides = array<i32>} : memref<50x4x8x32xf32, #tpu.memory_space<vmem>>, vector<16xf32>,
      tpu.vector_store %arg8[%swap3A_603, %swap3A_604, %swap3A_605, %swap3A_606], %gather3A_384 {strides = array<i32>} : memref<50x4x8x32xf32, #tpu.memory_space<vmem>>, vector<16xf32>,
    }
    %scan3A_45 = arith.constant 50 : i32
    %add3A_46 = arith.constant 0 : i32
    %add3A_47 = arith.addi %mul3A_4, %add3A_46 : i32
    %jit3A = arith.constant 4 : i32
    %div3A = arith.divsi %add3A_47, %jit3A : i32
    %sign3A = arith.constant 0 : i32
    %sign3A_48 = arith.cmpi sgt, %add3A_47, %sign3A : i32
    %sign3A_49 = arith.extui %sign3A_48 : i1 to i32
    %sign3A_50 = arith.constant 0 : i32
    %sign3A_51 = arith.cmpi slt, %add3A_47, %sign3A_50 : i32
    %sign3A_52 = arith.extui %sign3A_51 : i1 to i32
    %sign3A_53 = arith.subi %sign3A_49, %sign3A_52 : i32
    %sign3A_54 = arith.constant 0 : i32
    %sign3A_55 = arith.cmpi sgt, %jit3A, %sign3A_54 : i32
    %sign3A_56 = arith.extui %sign3A_55 : i1 to i32
    %sign3A_57 = arith.constant 0 : i32
    %sign3A_58 = arith.cmpi slt, %jit3A, %sign3A_57 : i32
    %sign3A_59 = arith.extui %sign3A_58 : i1 to i32
    %sign3A_60 = arith.subi %sign3A_56, %sign3A_59 : i32
    %ne3A = arith.cmpi ne, %sign3A_53, %sign3A_60 : i32
    %rem3A = arith.remsi %add3A_47, %jit3A : i32
    %ne3A_61 = arith.constant 0 : i32
    %ne3A_62 = arith.cmpi ne, %rem3A, %ne3A_61 : i32
    %and3A = arith.andi %ne3A, %ne3A_62 : i1
    %sub3A = arith.constant 1 : i32
    %sub3A_63 = arith.subi %div3A, %sub3A : i32
    %select_n3A = arith.select %and3A, %sub3A_63, %div3A : i32
    %jit3A_64 = arith.constant 4 : i32
    %eq3A = arith.constant 0 : i32
    %eq3A_65 = arith.cmpi eq, %jit3A_64, %eq3A : i32
    %jit3A_66 = arith.constant 1 : i32
    %select_n3A_67 = arith.select %eq3A_65, %jit3A_66, %jit3A_64 : i32
    %rem3A_68 = arith.remsi %add3A_47, %select_n3A_67 : i32
    %ne3A_69 = arith.constant 0 : i32
    %ne3A_70 = arith.cmpi ne, %rem3A_68, %ne3A_69 : i32
    %lt3A = arith.constant 0 : i32
    %lt3A_71 = arith.cmpi slt, %rem3A_68, %lt3A : i32
    %lt3A_72 = arith.constant 0 : i32
    %lt3A_73 = arith.cmpi slt, %select_n3A_67, %lt3A_72 : i32
    %ne3A_74 = arith.xori %lt3A_71, %lt3A_73 : i1
    %and3A_75 = arith.andi %ne3A_74, %ne3A_70 : i1
    %add3A_76 = arith.addi %rem3A_68, %select_n3A_67 : i32
    %select_n3A_77 = arith.select %and3A_75, %add3A_76, %rem3A_68 : i32
    %mul3A_78 = arith.constant 32 : i32
    %mul3A_79 = arith.muli %select_n3A_77, %mul3A_78 : i32
    %dma_start3A_80 = arith.constant 0 : i32
    %dma_start3A_81 = arith.constant 0 : i32
    %dma_start3A_82 = arith.constant 0 : i32
    %dma_start3A_83 = tpu.memref_slice %arg4[%dma_start3A_80, %dma_start3A_81, %select_n3A, %dma_start3A_82, %mul3A_79] : memref<50x4x128x8x128xf32, #tpu.memory_space<hbm>> -> memref<50x4x1x8x32xf32, #tpu.memory_space<hbm>>
    %dma_start3A_84 = tpu.memref_squeeze %dma_start3A_83 : memref<50x4x1x8x32xf32, #tpu.memory_space<hbm>> -> memref<50x4x8x32xf32, #tpu.memory_space<hbm>>
    %dma_start3A_85 = arith.constant 0 : i32
    %dma_start3A_86 = arith.constant 0 : i32
    %dma_start3A_87 = arith.constant 0 : i32
    %dma_start3A_88 = tpu.memref_slice %arg4[%dma_start3A_85, %dma_start3A_86, %select_n3A, %dma_start3A_87, %mul3A_79] : memref<50x4x128x8x128xf32, #tpu.memory_space<hbm>> -> memref<50x4x1x8x32xf32, #tpu.memory_space<hbm>>
    %dma_start3A_89 = tpu.memref_squeeze %dma_start3A_88 : memref<50x4x1x8x32xf32, #tpu.memory_space<hbm>> -> memref<50x4x8x32xf32, #tpu.memory_space<hbm>>
    tpu.enqueue_dma source(%arg8 : memref<50x4x8x32xf32, #tpu.memory_space<vmem>>) target(%dma_start3A_89 : memref<50x4x8x32xf32, #tpu.memory_space<hbm>>) target_semaphore(%arg11 : memref<!tpu.dma_semaphore, #tpu.memory_space<semaphore_mem>>)
    %multiple_of3A_90 = arith.constant 2400 : i32
    %multiple_of3A_91 = tpu.assume_multiple %multiple_of3A_90, 8 : i32
    %dma_start3A_92 = tpu.memref_slice %arg5[%multiple_of3A_91] : memref<25600xi32, #tpu.memory_space<vmem>> -> memref<800xi32, #tpu.memory_space<vmem>>
    %dma_start3A_93 = arith.constant 0 : i32
    %dma_start3A_94 = arith.constant 0 : i32
    %dma_start3A_95 = tpu.memref_slice %arg3[%dma_start3A_93, %dma_start3A_94] : memref<1000000x32xf32, #tpu.memory_space<hbm>> -> memref<1000000x32xf32, #tpu.memory_space<hbm>>
    tpu.enqueue_indirect_dma source(%dma_start3A_95 : memref<1000000x32xf32, #tpu.memory_space<hbm>>) target(%arg7 : memref<800x32xf32, #tpu.memory_space<vmem>>) offsets(%dma_start3A_92 : memref<800xi32, #tpu.memory_space<vmem>>) semaphore(%arg10 : memref<!tpu.dma_semaphore, #tpu.memory_space<semaphore_mem>>)
    %scan3A_96 = arith.constant 0 : i32
    %scan3A_97 = arith.constant 1 : i32
    %scan3A_98 = arith.constant 14 : i32
    %scan3A_99 = arith.addi %scan3A_97, %scan3A_98 : i32
    %scan3A_100 = arith.constant 1 : i32
    scf.for %scan3A_288 = %scan3A_97 to %scan3A_99 step %scan3A_100  : i32 {
      %mul3A_289 = arith.constant 1600 : i32
      %mul3A_290 = arith.muli %scan3A_288, %mul3A_289 : i32
      %add3A_291 = arith.constant 0 : i32
      %add3A_292 = arith.addi %mul3A_290, %add3A_291 : i32
      %multiple_of3A_293 = tpu.assume_multiple %add3A_292, 8 : i32
      %dma_wait3A_294 = tpu.memref_slice %arg5[%multiple_of3A_293] : memref<25600xi32, #tpu.memory_space<vmem>> -> memref<800xi32, #tpu.memory_space<vmem>>
      %dma_wait3A_295 = arith.constant 0 : i32
      %dma_wait3A_296 = arith.constant 0 : i32
      %dma_wait3A_297 = tpu.memref_slice %arg3[%dma_wait3A_295, %dma_wait3A_296] : memref<1000000x32xf32, #tpu.memory_space<hbm>> -> memref<1000000x32xf32, #tpu.memory_space<hbm>>
      tpu.wait_indirect_dma semaphore(%arg9 : memref<!tpu.dma_semaphore, #tpu.memory_space<semaphore_mem>>) src(%dma_wait3A_297 : memref<1000000x32xf32, #tpu.memory_space<hbm>>) dst(%arg6 : memref<800x32xf32, #tpu.memory_space<vmem>>)
      %sub3A_298 = arith.constant 1 : i32
      %sub3A_299 = arith.subi %scan3A_288, %sub3A_298 : i32
      %add3A_300 = arith.addi %mul3A_4, %sub3A_299 : i32
      %jit3A_301 = arith.constant 4 : i32
      %div3A_302 = arith.divsi %add3A_300, %jit3A_301 : i32
      %sign3A_303 = arith.constant 0 : i32
      %sign3A_304 = arith.cmpi sgt, %add3A_300, %sign3A_303 : i32
      %sign3A_305 = arith.extui %sign3A_304 : i1 to i32
      %sign3A_306 = arith.constant 0 : i32
      %sign3A_307 = arith.cmpi slt, %add3A_300, %sign3A_306 : i32
      %sign3A_308 = arith.extui %sign3A_307 : i1 to i32
      %sign3A_309 = arith.subi %sign3A_305, %sign3A_308 : i32
      %sign3A_310 = arith.constant 0 : i32
      %sign3A_311 = arith.cmpi sgt, %jit3A_301, %sign3A_310 : i32
      %sign3A_312 = arith.extui %sign3A_311 : i1 to i32
      %sign3A_313 = arith.constant 0 : i32
      %sign3A_314 = arith.cmpi slt, %jit3A_301, %sign3A_313 : i32
      %sign3A_315 = arith.extui %sign3A_314 : i1 to i32
      %sign3A_316 = arith.subi %sign3A_312, %sign3A_315 : i32
      %ne3A_317 = arith.cmpi ne, %sign3A_309, %sign3A_316 : i32
      %rem3A_318 = arith.remsi %add3A_300, %jit3A_301 : i32
      %ne3A_319 = arith.constant 0 : i32
      %ne3A_320 = arith.cmpi ne, %rem3A_318, %ne3A_319 : i32
      %and3A_321 = arith.andi %ne3A_317, %ne3A_320 : i1
      %sub3A_322 = arith.constant 1 : i32
      %sub3A_323 = arith.subi %div3A_302, %sub3A_322 : i32
      %select_n3A_324 = arith.select %and3A_321, %sub3A_323, %div3A_302 : i32
      %jit3A_325 = arith.constant 4 : i32
      %eq3A_326 = arith.constant 0 : i32
      %eq3A_327 = arith.cmpi eq, %jit3A_325, %eq3A_326 : i32
      %jit3A_328 = arith.constant 1 : i32
      %select_n3A_329 = arith.select %eq3A_327, %jit3A_328, %jit3A_325 : i32
      %rem3A_330 = arith.remsi %add3A_300, %select_n3A_329 : i32
      %ne3A_331 = arith.constant 0 : i32
      %ne3A_332 = arith.cmpi ne, %rem3A_330, %ne3A_331 : i32
      %lt3A_333 = arith.constant 0 : i32
      %lt3A_334 = arith.cmpi slt, %rem3A_330, %lt3A_333 : i32
      %lt3A_335 = arith.constant 0 : i32
      %lt3A_336 = arith.cmpi slt, %select_n3A_329, %lt3A_335 : i32
      %ne3A_337 = arith.xori %lt3A_334, %lt3A_336 : i1
      %and3A_338 = arith.andi %ne3A_337, %ne3A_332 : i1
      %add3A_339 = arith.addi %rem3A_330, %select_n3A_329 : i32
      %select_n3A_340 = arith.select %and3A_338, %add3A_339, %rem3A_330 : i32
      %mul3A_341 = arith.constant 32 : i32
      %mul3A_342 = arith.muli %select_n3A_340, %mul3A_341 : i32
      %dma_wait3A_343 = arith.constant 0 : i32
      %dma_wait3A_344 = arith.constant 0 : i32
      %dma_wait3A_345 = arith.constant 0 : i32
      %dma_wait3A_346 = tpu.memref_slice %arg4[%dma_wait3A_343, %dma_wait3A_344, %select_n3A_324, %dma_wait3A_345, %mul3A_342] : memref<50x4x128x8x128xf32, #tpu.memory_space<hbm>> -> memref<50x4x1x8x32xf32, #tpu.memory_space<hbm>>
      %dma_wait3A_347 = tpu.memref_squeeze %dma_wait3A_346 : memref<50x4x1x8x32xf32, #tpu.memory_space<hbm>> -> memref<50x4x8x32xf32, #tpu.memory_space<hbm>>
      %dma_wait3A_348 = arith.constant 0 : i32
      %dma_wait3A_349 = arith.constant 0 : i32
      %dma_wait3A_350 = arith.constant 0 : i32
      %dma_wait3A_351 = tpu.memref_slice %arg4[%dma_wait3A_348, %dma_wait3A_349, %select_n3A_324, %dma_wait3A_350, %mul3A_342] : memref<50x4x128x8x128xf32, #tpu.memory_space<hbm>> -> memref<50x4x1x8x32xf32, #tpu.memory_space<hbm>>
      %dma_wait3A_352 = tpu.memref_squeeze %dma_wait3A_351 : memref<50x4x1x8x32xf32, #tpu.memory_space<hbm>> -> memref<50x4x8x32xf32, #tpu.memory_space<hbm>>
      tpu.wait_dma2 semaphore(%arg11 : memref<!tpu.dma_semaphore, #tpu.memory_space<semaphore_mem>>) src(%arg8 : memref<50x4x8x32xf32, #tpu.memory_space<vmem>>) dst(%dma_wait3A_352 : memref<50x4x8x32xf32, #tpu.memory_space<hbm>>)
      %scan3A_353 = arith.constant 0 : i32
      %scan3A_354 = arith.constant 0 : i32
      %scan3A_355 = arith.constant 50 : i32
      %scan3A_356 = arith.addi %scan3A_354, %scan3A_355 : i32
      %scan3A_357 = arith.constant 1 : i32
      scf.for %scan3A_449 = %scan3A_354 to %scan3A_356 step %scan3A_357  : i32 {
        %add3A_450 = vector.broadcast %scan3A_449 : i32 to vector<16xi32>
        %add3A_451 = arith.addi %mul3A_7, %add3A_450 : vector<16xi32>
        %broadcast_in_dim3A = arith.constant 0 : i32
        %broadcast_in_dim3A_452 = vector.broadcast %broadcast_in_dim3A : i32 to vector<16xi32>
        %gather3A = tpu.vector_load_idx %arg6[%add3A_451, %broadcast_in_dim3A_452] : memref<800x32xf32, #tpu.memory_space<vmem>>[vector<16xi32>, vector<16xi32>], vector<16xf32>,
        %broadcast_in_dim3A_453 = arith.constant 1 : i32
        %broadcast_in_dim3A_454 = vector.broadcast %broadcast_in_dim3A_453 : i32 to vector<16xi32>
        %gather3A_455 = tpu.vector_load_idx %arg6[%add3A_451, %broadcast_in_dim3A_454] : memref<800x32xf32, #tpu.memory_space<vmem>>[vector<16xi32>, vector<16xi32>], vector<16xf32>,
        %broadcast_in_dim3A_456 = arith.constant 2 : i32
        %broadcast_in_dim3A_457 = vector.broadcast %broadcast_in_dim3A_456 : i32 to vector<16xi32>
        %gather3A_458 = tpu.vector_load_idx %arg6[%add3A_451, %broadcast_in_dim3A_457] : memref<800x32xf32, #tpu.memory_space<vmem>>[vector<16xi32>, vector<16xi32>], vector<16xf32>,
        %broadcast_in_dim3A_459 = arith.constant 3 : i32
        %broadcast_in_dim3A_460 = vector.broadcast %broadcast_in_dim3A_459 : i32 to vector<16xi32>
        %gather3A_461 = tpu.vector_load_idx %arg6[%add3A_451, %broadcast_in_dim3A_460] : memref<800x32xf32, #tpu.memory_space<vmem>>[vector<16xi32>, vector<16xi32>], vector<16xf32>,
        %broadcast_in_dim3A_462 = arith.constant 4 : i32
        %broadcast_in_dim3A_463 = vector.broadcast %broadcast_in_dim3A_462 : i32 to vector<16xi32>
        %gather3A_464 = tpu.vector_load_idx %arg6[%add3A_451, %broadcast_in_dim3A_463] : memref<800x32xf32, #tpu.memory_space<vmem>>[vector<16xi32>, vector<16xi32>], vector<16xf32>,
        %broadcast_in_dim3A_465 = arith.constant 5 : i32
        %broadcast_in_dim3A_466 = vector.broadcast %broadcast_in_dim3A_465 : i32 to vector<16xi32>
        %gather3A_467 = tpu.vector_load_idx %arg6[%add3A_451, %broadcast_in_dim3A_466] : memref<800x32xf32, #tpu.memory_space<vmem>>[vector<16xi32>, vector<16xi32>], vector<16xf32>,
        %broadcast_in_dim3A_468 = arith.constant 6 : i32
        %broadcast_in_dim3A_469 = vector.broadcast %broadcast_in_dim3A_468 : i32 to vector<16xi32>
        %gather3A_470 = tpu.vector_load_idx %arg6[%add3A_451, %broadcast_in_dim3A_469] : memref<800x32xf32, #tpu.memory_space<vmem>>[vector<16xi32>, vector<16xi32>], vector<16xf32>,
        %broadcast_in_dim3A_471 = arith.constant 7 : i32
        %broadcast_in_dim3A_472 = vector.broadcast %broadcast_in_dim3A_471 : i32 to vector<16xi32>
        %gather3A_473 = tpu.vector_load_idx %arg6[%add3A_451, %broadcast_in_dim3A_472] : memref<800x32xf32, #tpu.memory_space<vmem>>[vector<16xi32>, vector<16xi32>], vector<16xf32>,
        %broadcast_in_dim3A_474 = arith.constant 8 : i32
        %broadcast_in_dim3A_475 = vector.broadcast %broadcast_in_dim3A_474 : i32 to vector<16xi32>
        %gather3A_476 = tpu.vector_load_idx %arg6[%add3A_451, %broadcast_in_dim3A_475] : memref<800x32xf32, #tpu.memory_space<vmem>>[vector<16xi32>, vector<16xi32>], vector<16xf32>,
        %broadcast_in_dim3A_477 = arith.constant 9 : i32
        %broadcast_in_dim3A_478 = vector.broadcast %broadcast_in_dim3A_477 : i32 to vector<16xi32>
        %gather3A_479 = tpu.vector_load_idx %arg6[%add3A_451, %broadcast_in_dim3A_478] : memref<800x32xf32, #tpu.memory_space<vmem>>[vector<16xi32>, vector<16xi32>], vector<16xf32>,
        %broadcast_in_dim3A_480 = arith.constant 10 : i32
        %broadcast_in_dim3A_481 = vector.broadcast %broadcast_in_dim3A_480 : i32 to vector<16xi32>
        %gather3A_482 = tpu.vector_load_idx %arg6[%add3A_451, %broadcast_in_dim3A_481] : memref<800x32xf32, #tpu.memory_space<vmem>>[vector<16xi32>, vector<16xi32>], vector<16xf32>,
        %broadcast_in_dim3A_483 = arith.constant 11 : i32
        %broadcast_in_dim3A_484 = vector.broadcast %broadcast_in_dim3A_483 : i32 to vector<16xi32>
        %gather3A_485 = tpu.vector_load_idx %arg6[%add3A_451, %broadcast_in_dim3A_484] : memref<800x32xf32, #tpu.memory_space<vmem>>[vector<16xi32>, vector<16xi32>], vector<16xf32>,
        %broadcast_in_dim3A_486 = arith.constant 12 : i32
        %broadcast_in_dim3A_487 = vector.broadcast %broadcast_in_dim3A_486 : i32 to vector<16xi32>
        %gather3A_488 = tpu.vector_load_idx %arg6[%add3A_451, %broadcast_in_dim3A_487] : memref<800x32xf32, #tpu.memory_space<vmem>>[vector<16xi32>, vector<16xi32>], vector<16xf32>,
        %broadcast_in_dim3A_489 = arith.constant 13 : i32
        %broadcast_in_dim3A_490 = vector.broadcast %broadcast_in_dim3A_489 : i32 to vector<16xi32>
        %gather3A_491 = tpu.vector_load_idx %arg6[%add3A_451, %broadcast_in_dim3A_490] : memref<800x32xf32, #tpu.memory_space<vmem>>[vector<16xi32>, vector<16xi32>], vector<16xf32>,
        %broadcast_in_dim3A_492 = arith.constant 14 : i32
        %broadcast_in_dim3A_493 = vector.broadcast %broadcast_in_dim3A_492 : i32 to vector<16xi32>
        %gather3A_494 = tpu.vector_load_idx %arg6[%add3A_451, %broadcast_in_dim3A_493] : memref<800x32xf32, #tpu.memory_space<vmem>>[vector<16xi32>, vector<16xi32>], vector<16xf32>,
        %broadcast_in_dim3A_495 = arith.constant 15 : i32
        %broadcast_in_dim3A_496 = vector.broadcast %broadcast_in_dim3A_495 : i32 to vector<16xi32>
        %gather3A_497 = tpu.vector_load_idx %arg6[%add3A_451, %broadcast_in_dim3A_496] : memref<800x32xf32, #tpu.memory_space<vmem>>[vector<16xi32>, vector<16xi32>], vector<16xf32>,
        %broadcast_in_dim3A_498 = arith.constant 16 : i32
        %broadcast_in_dim3A_499 = vector.broadcast %broadcast_in_dim3A_498 : i32 to vector<16xi32>
        %gather3A_500 = tpu.vector_load_idx %arg6[%add3A_451, %broadcast_in_dim3A_499] : memref<800x32xf32, #tpu.memory_space<vmem>>[vector<16xi32>, vector<16xi32>], vector<16xf32>,
        %broadcast_in_dim3A_501 = arith.constant 17 : i32
        %broadcast_in_dim3A_502 = vector.broadcast %broadcast_in_dim3A_501 : i32 to vector<16xi32>
        %gather3A_503 = tpu.vector_load_idx %arg6[%add3A_451, %broadcast_in_dim3A_502] : memref<800x32xf32, #tpu.memory_space<vmem>>[vector<16xi32>, vector<16xi32>], vector<16xf32>,
        %broadcast_in_dim3A_504 = arith.constant 18 : i32
        %broadcast_in_dim3A_505 = vector.broadcast %broadcast_in_dim3A_504 : i32 to vector<16xi32>
        %gather3A_506 = tpu.vector_load_idx %arg6[%add3A_451, %broadcast_in_dim3A_505] : memref<800x32xf32, #tpu.memory_space<vmem>>[vector<16xi32>, vector<16xi32>], vector<16xf32>,
        %broadcast_in_dim3A_507 = arith.constant 19 : i32
        %broadcast_in_dim3A_508 = vector.broadcast %broadcast_in_dim3A_507 : i32 to vector<16xi32>
        %gather3A_509 = tpu.vector_load_idx %arg6[%add3A_451, %broadcast_in_dim3A_508] : memref<800x32xf32, #tpu.memory_space<vmem>>[vector<16xi32>, vector<16xi32>], vector<16xf32>,
        %broadcast_in_dim3A_510 = arith.constant 20 : i32
        %broadcast_in_dim3A_511 = vector.broadcast %broadcast_in_dim3A_510 : i32 to vector<16xi32>
        %gather3A_512 = tpu.vector_load_idx %arg6[%add3A_451, %broadcast_in_dim3A_511] : memref<800x32xf32, #tpu.memory_space<vmem>>[vector<16xi32>, vector<16xi32>], vector<16xf32>,
        %broadcast_in_dim3A_513 = arith.constant 21 : i32
        %broadcast_in_dim3A_514 = vector.broadcast %broadcast_in_dim3A_513 : i32 to vector<16xi32>
        %gather3A_515 = tpu.vector_load_idx %arg6[%add3A_451, %broadcast_in_dim3A_514] : memref<800x32xf32, #tpu.memory_space<vmem>>[vector<16xi32>, vector<16xi32>], vector<16xf32>,
        %broadcast_in_dim3A_516 = arith.constant 22 : i32
        %broadcast_in_dim3A_517 = vector.broadcast %broadcast_in_dim3A_516 : i32 to vector<16xi32>
        %gather3A_518 = tpu.vector_load_idx %arg6[%add3A_451, %broadcast_in_dim3A_517] : memref<800x32xf32, #tpu.memory_space<vmem>>[vector<16xi32>, vector<16xi32>], vector<16xf32>,
        %broadcast_in_dim3A_519 = arith.constant 23 : i32
        %broadcast_in_dim3A_520 = vector.broadcast %broadcast_in_dim3A_519 : i32 to vector<16xi32>
        %gather3A_521 = tpu.vector_load_idx %arg6[%add3A_451, %broadcast_in_dim3A_520] : memref<800x32xf32, #tpu.memory_space<vmem>>[vector<16xi32>, vector<16xi32>], vector<16xf32>,
        %broadcast_in_dim3A_522 = arith.constant 24 : i32
        %broadcast_in_dim3A_523 = vector.broadcast %broadcast_in_dim3A_522 : i32 to vector<16xi32>
        %gather3A_524 = tpu.vector_load_idx %arg6[%add3A_451, %broadcast_in_dim3A_523] : memref<800x32xf32, #tpu.memory_space<vmem>>[vector<16xi32>, vector<16xi32>], vector<16xf32>,
        %broadcast_in_dim3A_525 = arith.constant 25 : i32
        %broadcast_in_dim3A_526 = vector.broadcast %broadcast_in_dim3A_525 : i32 to vector<16xi32>
        %gather3A_527 = tpu.vector_load_idx %arg6[%add3A_451, %broadcast_in_dim3A_526] : memref<800x32xf32, #tpu.memory_space<vmem>>[vector<16xi32>, vector<16xi32>], vector<16xf32>,
        %broadcast_in_dim3A_528 = arith.constant 26 : i32
        %broadcast_in_dim3A_529 = vector.broadcast %broadcast_in_dim3A_528 : i32 to vector<16xi32>
        %gather3A_530 = tpu.vector_load_idx %arg6[%add3A_451, %broadcast_in_dim3A_529] : memref<800x32xf32, #tpu.memory_space<vmem>>[vector<16xi32>, vector<16xi32>], vector<16xf32>,
        %broadcast_in_dim3A_531 = arith.constant 27 : i32
        %broadcast_in_dim3A_532 = vector.broadcast %broadcast_in_dim3A_531 : i32 to vector<16xi32>
        %gather3A_533 = tpu.vector_load_idx %arg6[%add3A_451, %broadcast_in_dim3A_532] : memref<800x32xf32, #tpu.memory_space<vmem>>[vector<16xi32>, vector<16xi32>], vector<16xf32>,
        %broadcast_in_dim3A_534 = arith.constant 28 : i32
        %broadcast_in_dim3A_535 = vector.broadcast %broadcast_in_dim3A_534 : i32 to vector<16xi32>
        %gather3A_536 = tpu.vector_load_idx %arg6[%add3A_451, %broadcast_in_dim3A_535] : memref<800x32xf32, #tpu.memory_space<vmem>>[vector<16xi32>, vector<16xi32>], vector<16xf32>,
        %broadcast_in_dim3A_537 = arith.constant 29 : i32
        %broadcast_in_dim3A_538 = vector.broadcast %broadcast_in_dim3A_537 : i32 to vector<16xi32>
        %gather3A_539 = tpu.vector_load_idx %arg6[%add3A_451, %broadcast_in_dim3A_538] : memref<800x32xf32, #tpu.memory_space<vmem>>[vector<16xi32>, vector<16xi32>], vector<16xf32>,
        %broadcast_in_dim3A_540 = arith.constant 30 : i32
        %broadcast_in_dim3A_541 = vector.broadcast %broadcast_in_dim3A_540 : i32 to vector<16xi32>
        %gather3A_542 = tpu.vector_load_idx %arg6[%add3A_451, %broadcast_in_dim3A_541] : memref<800x32xf32, #tpu.memory_space<vmem>>[vector<16xi32>, vector<16xi32>], vector<16xf32>,
        %broadcast_in_dim3A_543 = arith.constant 31 : i32
        %broadcast_in_dim3A_544 = vector.broadcast %broadcast_in_dim3A_543 : i32 to vector<16xi32>
        %gather3A_545 = tpu.vector_load_idx %arg6[%add3A_451, %broadcast_in_dim3A_544] : memref<800x32xf32, #tpu.memory_space<vmem>>[vector<16xi32>, vector<16xi32>], vector<16xf32>,
        %swap3A = arith.constant 0 : i32
        %swap3A_546 = arith.constant 0 : i32
        %swap3A_547 = arith.index_cast %scan3A_449 : i32 to index
        %swap3A_548 = arith.index_cast %swap3A : i32 to index
        %swap3A_549 = arith.index_cast %swap3A_546 : i32 to index
        %swap3A_550 = arith.constant 0 : index
        %swap3A_551 = tpu.vector_load %arg8[%swap3A_547, %swap3A_548, %swap3A_549, %swap3A_550] {strides = array<i32>} : memref<50x4x8x32xf32, #tpu.memory_space<vmem>>, vector<16xf32>,
        tpu.vector_store %arg8[%swap3A_547, %swap3A_548, %swap3A_549, %swap3A_550], %gather3A {strides = array<i32>} : memref<50x4x8x32xf32, #tpu.memory_space<vmem>>, vector<16xf32>,
        %swap3A_552 = arith.constant 0 : i32
        %swap3A_553 = arith.constant 1 : i32
        %swap3A_554 = arith.index_cast %scan3A_449 : i32 to index
        %swap3A_555 = arith.index_cast %swap3A_552 : i32 to index
        %swap3A_556 = arith.index_cast %swap3A_553 : i32 to index
        %swap3A_557 = arith.constant 0 : index
        %swap3A_558 = tpu.vector_load %arg8[%swap3A_554, %swap3A_555, %swap3A_556, %swap3A_557] {strides = array<i32>} : memref<50x4x8x32xf32, #tpu.memory_space<vmem>>, vector<16xf32>,
        tpu.vector_store %arg8[%swap3A_554, %swap3A_555, %swap3A_556, %swap3A_557], %gather3A_455 {strides = array<i32>} : memref<50x4x8x32xf32, #tpu.memory_space<vmem>>, vector<16xf32>,
        %swap3A_559 = arith.constant 0 : i32
        %swap3A_560 = arith.constant 2 : i32
        %swap3A_561 = arith.index_cast %scan3A_449 : i32 to index
        %swap3A_562 = arith.index_cast %swap3A_559 : i32 to index
        %swap3A_563 = arith.index_cast %swap3A_560 : i32 to index
        %swap3A_564 = arith.constant 0 : index
        %swap3A_565 = tpu.vector_load %arg8[%swap3A_561, %swap3A_562, %swap3A_563, %swap3A_564] {strides = array<i32>} : memref<50x4x8x32xf32, #tpu.memory_space<vmem>>, vector<16xf32>,
        tpu.vector_store %arg8[%swap3A_561, %swap3A_562, %swap3A_563, %swap3A_564], %gather3A_458 {strides = array<i32>} : memref<50x4x8x32xf32, #tpu.memory_space<vmem>>, vector<16xf32>,
        %swap3A_566 = arith.constant 0 : i32
        %swap3A_567 = arith.constant 3 : i32
        %swap3A_568 = arith.index_cast %scan3A_449 : i32 to index
        %swap3A_569 = arith.index_cast %swap3A_566 : i32 to index
        %swap3A_570 = arith.index_cast %swap3A_567 : i32 to index
        %swap3A_571 = arith.constant 0 : index
        %swap3A_572 = tpu.vector_load %arg8[%swap3A_568, %swap3A_569, %swap3A_570, %swap3A_571] {strides = array<i32>} : memref<50x4x8x32xf32, #tpu.memory_space<vmem>>, vector<16xf32>,
        tpu.vector_store %arg8[%swap3A_568, %swap3A_569, %swap3A_570, %swap3A_571], %gather3A_461 {strides = array<i32>} : memref<50x4x8x32xf32, #tpu.memory_space<vmem>>, vector<16xf32>,
        %swap3A_573 = arith.constant 0 : i32
        %swap3A_574 = arith.constant 4 : i32
        %swap3A_575 = arith.index_cast %scan3A_449 : i32 to index
        %swap3A_576 = arith.index_cast %swap3A_573 : i32 to index
        %swap3A_577 = arith.index_cast %swap3A_574 : i32 to index
        %swap3A_578 = arith.constant 0 : index
        %swap3A_579 = tpu.vector_load %arg8[%swap3A_575, %swap3A_576, %swap3A_577, %swap3A_578] {strides = array<i32>} : memref<50x4x8x32xf32, #tpu.memory_space<vmem>>, vector<16xf32>,
        tpu.vector_store %arg8[%swap3A_575, %swap3A_576, %swap3A_577, %swap3A_578], %gather3A_464 {strides = array<i32>} : memref<50x4x8x32xf32, #tpu.memory_space<vmem>>, vector<16xf32>,
        %swap3A_580 = arith.constant 0 : i32
        %swap3A_581 = arith.constant 5 : i32
        %swap3A_582 = arith.index_cast %scan3A_449 : i32 to index
        %swap3A_583 = arith.index_cast %swap3A_580 : i32 to index
        %swap3A_584 = arith.index_cast %swap3A_581 : i32 to index
        %swap3A_585 = arith.constant 0 : index
        %swap3A_586 = tpu.vector_load %arg8[%swap3A_582, %swap3A_583, %swap3A_584, %swap3A_585] {strides = array<i32>} : memref<50x4x8x32xf32, #tpu.memory_space<vmem>>, vector<16xf32>,
        tpu.vector_store %arg8[%swap3A_582, %swap3A_583, %swap3A_584, %swap3A_585], %gather3A_467 {strides = array<i32>} : memref<50x4x8x32xf32, #tpu.memory_space<vmem>>, vector<16xf32>,
        %swap3A_587 = arith.constant 0 : i32
        %swap3A_588 = arith.constant 6 : i32
        %swap3A_589 = arith.index_cast %scan3A_449 : i32 to index
        %swap3A_590 = arith.index_cast %swap3A_587 : i32 to index
        %swap3A_591 = arith.index_cast %swap3A_588 : i32 to index
        %swap3A_592 = arith.constant 0 : index
        %swap3A_593 = tpu.vector_load %arg8[%swap3A_589, %swap3A_590, %swap3A_591, %swap3A_592] {strides = array<i32>} : memref<50x4x8x32xf32, #tpu.memory_space<vmem>>, vector<16xf32>,
        tpu.vector_store %arg8[%swap3A_589, %swap3A_590, %swap3A_591, %swap3A_592], %gather3A_470 {strides = array<i32>} : memref<50x4x8x32xf32, #tpu.memory_space<vmem>>, vector<16xf32>,
        %swap3A_594 = arith.constant 0 : i32
        %swap3A_595 = arith.constant 7 : i32
        %swap3A_596 = arith.index_cast %scan3A_449 : i32 to index
        %swap3A_597 = arith.index_cast %swap3A_594 : i32 to index
        %swap3A_598 = arith.index_cast %swap3A_595 : i32 to index
        %swap3A_599 = arith.constant 0 : index
        %swap3A_600 = tpu.vector_load %arg8[%swap3A_596, %swap3A_597, %swap3A_598, %swap3A_599] {strides = array<i32>} : memref<50x4x8x32xf32, #tpu.memory_space<vmem>>, vector<16xf32>,
        tpu.vector_store %arg8[%swap3A_596, %swap3A_597, %swap3A_598, %swap3A_599], %gather3A_473 {strides = array<i32>} : memref<50x4x8x32xf32, #tpu.memory_space<vmem>>, vector<16xf32>,
        %swap3A_601 = arith.constant 1 : i32
        %swap3A_602 = arith.constant 0 : i32
        %swap3A_603 = arith.index_cast %scan3A_449 : i32 to index
        %swap3A_604 = arith.index_cast %swap3A_601 : i32 to index
        %swap3A_605 = arith.index_cast %swap3A_602 : i32 to index
        %swap3A_606 = arith.constant 0 : index
        %swap3A_607 = tpu.vector_load %arg8[%swap3A_603, %swap3A_604, %swap3A_605, %swap3A_606] {strides = array<i32>} : memref<50x4x8x32xf32, #tpu.memory_space<vmem>>, vector<16xf32>,
        tpu.vector_store %arg8[%swap3A_603, %swap3A_604, %swap3A_605, %swap3A_606], %gather3A_476 {strides = array<i32>} : memref<50x4x8x32xf32, #tpu.memory_space<vmem>>, vector<16xf32>,
        %swap3A_608 = arith.constant 1 : i32
        %swap3A_609 = arith.constant 1 : i32
        %swap3A_610 = arith.index_cast %scan3A_449 : i32 to index
        %swap3A_611 = arith.index_cast %swap3A_608 : i32 to index
        %swap3A_612 = arith.index_cast %swap3A_609 : i32 to index
        %swap3A_613 = arith.constant 0 : index
        %swap3A_614 = tpu.vector_load %arg8[%swap3A_610, %swap3A_611, %swap3A_612, %swap3A_613] {strides = array<i32>} : memref<50x4x8x32xf32, #tpu.memory_space<vmem>>, vector<16xf32>,
        tpu.vector_store %arg8[%swap3A_610, %swap3A_611, %swap3A_612, %swap3A_613], %gather3A_479 {strides = array<i32>} : memref<50x4x8x32xf32, #tpu.memory_space<vmem>>, vector<16xf32>,
        %swap3A_615 = arith.constant 1 : i32
        %swap3A_616 = arith.constant 2 : i32
        %swap3A_617 = arith.index_cast %scan3A_449 : i32 to index
        %swap3A_618 = arith.index_cast %swap3A_615 : i32 to index
        %swap3A_619 = arith.index_cast %swap3A_616 : i32 to index
        %swap3A_620 = arith.constant 0 : index
        %swap3A_621 = tpu.vector_load %arg8[%swap3A_617, %swap3A_618, %swap3A_619, %swap3A_620] {strides = array<i32>} : memref<50x4x8x32xf32, #tpu.memory_space<vmem>>, vector<16xf32>,
        tpu.vector_store %arg8[%swap3A_617, %swap3A_618, %swap3A_619, %swap3A_620], %gather3A_482 {strides = array<i32>} : memref<50x4x8x32xf32, #tpu.memory_space<vmem>>, vector<16xf32>,
        %swap3A_622 = arith.constant 1 : i32
        %swap3A_623 = arith.constant 3 : i32
        %swap3A_624 = arith.index_cast %scan3A_449 : i32 to index
        %swap3A_625 = arith.index_cast %swap3A_622 : i32 to index
        %swap3A_626 = arith.index_cast %swap3A_623 : i32 to index
        %swap3A_627 = arith.constant 0 : index
        %swap3A_628 = tpu.vector_load %arg8[%swap3A_624, %swap3A_625, %swap3A_626, %swap3A_627] {strides = array<i32>} : memref<50x4x8x32xf32, #tpu.memory_space<vmem>>, vector<16xf32>,
        tpu.vector_store %arg8[%swap3A_624, %swap3A_625, %swap3A_626, %swap3A_627], %gather3A_485 {strides = array<i32>} : memref<50x4x8x32xf32, #tpu.memory_space<vmem>>, vector<16xf32>,
        %swap3A_629 = arith.constant 1 : i32
        %swap3A_630 = arith.constant 4 : i32
        %swap3A_631 = arith.index_cast %scan3A_449 : i32 to index
        %swap3A_632 = arith.index_cast %swap3A_629 : i32 to index
        %swap3A_633 = arith.index_cast %swap3A_630 : i32 to index
        %swap3A_634 = arith.constant 0 : index
        %swap3A_635 = tpu.vector_load %arg8[%swap3A_631, %swap3A_632, %swap3A_633, %swap3A_634] {strides = array<i32>} : memref<50x4x8x32xf32, #tpu.memory_space<vmem>>, vector<16xf32>,
        tpu.vector_store %arg8[%swap3A_631, %swap3A_632, %swap3A_633, %swap3A_634], %gather3A_488 {strides = array<i32>} : memref<50x4x8x32xf32, #tpu.memory_space<vmem>>, vector<16xf32>,
        %swap3A_636 = arith.constant 1 : i32
        %swap3A_637 = arith.constant 5 : i32
        %swap3A_638 = arith.index_cast %scan3A_449 : i32 to index
        %swap3A_639 = arith.index_cast %swap3A_636 : i32 to index
        %swap3A_640 = arith.index_cast %swap3A_637 : i32 to index
        %swap3A_641 = arith.constant 0 : index
        %swap3A_642 = tpu.vector_load %arg8[%swap3A_638, %swap3A_639, %swap3A_640, %swap3A_641] {strides = array<i32>} : memref<50x4x8x32xf32, #tpu.memory_space<vmem>>, vector<16xf32>,
        tpu.vector_store %arg8[%swap3A_638, %swap3A_639, %swap3A_640, %swap3A_641], %gather3A_491 {strides = array<i32>} : memref<50x4x8x32xf32, #tpu.memory_space<vmem>>, vector<16xf32>,
        %swap3A_643 = arith.constant 1 : i32
        %swap3A_644 = arith.constant 6 : i32
        %swap3A_645 = arith.index_cast %scan3A_449 : i32 to index
        %swap3A_646 = arith.index_cast %swap3A_643 : i32 to index
        %swap3A_647 = arith.index_cast %swap3A_644 : i32 to index
        %swap3A_648 = arith.constant 0 : index
        %swap3A_649 = tpu.vector_load %arg8[%swap3A_645, %swap3A_646, %swap3A_647, %swap3A_648] {strides = array<i32>} : memref<50x4x8x32xf32, #tpu.memory_space<vmem>>, vector<16xf32>,
        tpu.vector_store %arg8[%swap3A_645, %swap3A_646, %swap3A_647, %swap3A_648], %gather3A_494 {strides = array<i32>} : memref<50x4x8x32xf32, #tpu.memory_space<vmem>>, vector<16xf32>,
        %swap3A_650 = arith.constant 1 : i32
        %swap3A_651 = arith.constant 7 : i32
        %swap3A_652 = arith.index_cast %scan3A_449 : i32 to index
        %swap3A_653 = arith.index_cast %swap3A_650 : i32 to index
        %swap3A_654 = arith.index_cast %swap3A_651 : i32 to index
        %swap3A_655 = arith.constant 0 : index
        %swap3A_656 = tpu.vector_load %arg8[%swap3A_652, %swap3A_653, %swap3A_654, %swap3A_655] {strides = array<i32>} : memref<50x4x8x32xf32, #tpu.memory_space<vmem>>, vector<16xf32>,
        tpu.vector_store %arg8[%swap3A_652, %swap3A_653, %swap3A_654, %swap3A_655], %gather3A_497 {strides = array<i32>} : memref<50x4x8x32xf32, #tpu.memory_space<vmem>>, vector<16xf32>,
        %swap3A_657 = arith.constant 2 : i32
        %swap3A_658 = arith.constant 0 : i32
        %swap3A_659 = arith.index_cast %scan3A_449 : i32 to index
        %swap3A_660 = arith.index_cast %swap3A_657 : i32 to index
        %swap3A_661 = arith.index_cast %swap3A_658 : i32 to index
        %swap3A_662 = arith.constant 0 : index
        %swap3A_663 = tpu.vector_load %arg8[%swap3A_659, %swap3A_660, %swap3A_661, %swap3A_662] {strides = array<i32>} : memref<50x4x8x32xf32, #tpu.memory_space<vmem>>, vector<16xf32>,
        tpu.vector_store %arg8[%swap3A_659, %swap3A_660, %swap3A_661, %swap3A_662], %gather3A_500 {strides = array<i32>} : memref<50x4x8x32xf32, #tpu.memory_space<vmem>>, vector<16xf32>,
        %swap3A_664 = arith.constant 2 : i32
        %swap3A_665 = arith.constant 1 : i32
        %swap3A_666 = arith.index_cast %scan3A_449 : i32 to index
        %swap3A_667 = arith.index_cast %swap3A_664 : i32 to index
        %swap3A_668 = arith.index_cast %swap3A_665 : i32 to index
        %swap3A_669 = arith.constant 0 : index
        %swap3A_670 = tpu.vector_load %arg8[%swap3A_666, %swap3A_667, %swap3A_668, %swap3A_669] {strides = array<i32>} : memref<50x4x8x32xf32, #tpu.memory_space<vmem>>, vector<16xf32>,
        tpu.vector_store %arg8[%swap3A_666, %swap3A_667, %swap3A_668, %swap3A_669], %gather3A_503 {strides = array<i32>} : memref<50x4x8x32xf32, #tpu.memory_space<vmem>>, vector<16xf32>,
        %swap3A_671 = arith.constant 2 : i32
        %swap3A_672 = arith.constant 2 : i32
        %swap3A_673 = arith.index_cast %scan3A_449 : i32 to index
        %swap3A_674 = arith.index_cast %swap3A_671 : i32 to index
        %swap3A_675 = arith.index_cast %swap3A_672 : i32 to index
        %swap3A_676 = arith.constant 0 : index
        %swap3A_677 = tpu.vector_load %arg8[%swap3A_673, %swap3A_674, %swap3A_675, %swap3A_676] {strides = array<i32>} : memref<50x4x8x32xf32, #tpu.memory_space<vmem>>, vector<16xf32>,
        tpu.vector_store %arg8[%swap3A_673, %swap3A_674, %swap3A_675, %swap3A_676], %gather3A_506 {strides = array<i32>} : memref<50x4x8x32xf32, #tpu.memory_space<vmem>>, vector<16xf32>,
        %swap3A_678 = arith.constant 2 : i32
        %swap3A_679 = arith.constant 3 : i32
        %swap3A_680 = arith.index_cast %scan3A_449 : i32 to index
        %swap3A_681 = arith.index_cast %swap3A_678 : i32 to index
        %swap3A_682 = arith.index_cast %swap3A_679 : i32 to index
        %swap3A_683 = arith.constant 0 : index
        %swap3A_684 = tpu.vector_load %arg8[%swap3A_680, %swap3A_681, %swap3A_682, %swap3A_683] {strides = array<i32>} : memref<50x4x8x32xf32, #tpu.memory_space<vmem>>, vector<16xf32>,
        tpu.vector_store %arg8[%swap3A_680, %swap3A_681, %swap3A_682, %swap3A_683], %gather3A_509 {strides = array<i32>} : memref<50x4x8x32xf32, #tpu.memory_space<vmem>>, vector<16xf32>,
        %swap3A_685 = arith.constant 2 : i32
        %swap3A_686 = arith.constant 4 : i32
        %swap3A_687 = arith.index_cast %scan3A_449 : i32 to index
        %swap3A_688 = arith.index_cast %swap3A_685 : i32 to index
        %swap3A_689 = arith.index_cast %swap3A_686 : i32 to index
        %swap3A_690 = arith.constant 0 : index
        %swap3A_691 = tpu.vector_load %arg8[%swap3A_687, %swap3A_688, %swap3A_689, %swap3A_690] {strides = array<i32>} : memref<50x4x8x32xf32, #tpu.memory_space<vmem>>, vector<16xf32>,
        tpu.vector_store %arg8[%swap3A_687, %swap3A_688, %swap3A_689, %swap3A_690], %gather3A_512 {strides = array<i32>} : memref<50x4x8x32xf32, #tpu.memory_space<vmem>>, vector<16xf32>,
        %swap3A_692 = arith.constant 2 : i32
        %swap3A_693 = arith.constant 5 : i32
        %swap3A_694 = arith.index_cast %scan3A_449 : i32 to index
        %swap3A_695 = arith.index_cast %swap3A_692 : i32 to index
        %swap3A_696 = arith.index_cast %swap3A_693 : i32 to index
        %swap3A_697 = arith.constant 0 : index
        %swap3A_698 = tpu.vector_load %arg8[%swap3A_694, %swap3A_695, %swap3A_696, %swap3A_697] {strides = array<i32>} : memref<50x4x8x32xf32, #tpu.memory_space<vmem>>, vector<16xf32>,
        tpu.vector_store %arg8[%swap3A_694, %swap3A_695, %swap3A_696, %swap3A_697], %gather3A_515 {strides = array<i32>} : memref<50x4x8x32xf32, #tpu.memory_space<vmem>>, vector<16xf32>,
        %swap3A_699 = arith.constant 2 : i32
        %swap3A_700 = arith.constant 6 : i32
        %swap3A_701 = arith.index_cast %scan3A_449 : i32 to index
        %swap3A_702 = arith.index_cast %swap3A_699 : i32 to index
        %swap3A_703 = arith.index_cast %swap3A_700 : i32 to index
        %swap3A_704 = arith.constant 0 : index
        %swap3A_705 = tpu.vector_load %arg8[%swap3A_701, %swap3A_702, %swap3A_703, %swap3A_704] {strides = array<i32>} : memref<50x4x8x32xf32, #tpu.memory_space<vmem>>, vector<16xf32>,
        tpu.vector_store %arg8[%swap3A_701, %swap3A_702, %swap3A_703, %swap3A_704], %gather3A_518 {strides = array<i32>} : memref<50x4x8x32xf32, #tpu.memory_space<vmem>>, vector<16xf32>,
        %swap3A_706 = arith.constant 2 : i32
        %swap3A_707 = arith.constant 7 : i32
        %swap3A_708 = arith.index_cast %scan3A_449 : i32 to index
        %swap3A_709 = arith.index_cast %swap3A_706 : i32 to index
        %swap3A_710 = arith.index_cast %swap3A_707 : i32 to index
        %swap3A_711 = arith.constant 0 : index
        %swap3A_712 = tpu.vector_load %arg8[%swap3A_708, %swap3A_709, %swap3A_710, %swap3A_711] {strides = array<i32>} : memref<50x4x8x32xf32, #tpu.memory_space<vmem>>, vector<16xf32>,
        tpu.vector_store %arg8[%swap3A_708, %swap3A_709, %swap3A_710, %swap3A_711], %gather3A_521 {strides = array<i32>} : memref<50x4x8x32xf32, #tpu.memory_space<vmem>>, vector<16xf32>,
        %swap3A_713 = arith.constant 3 : i32
        %swap3A_714 = arith.constant 0 : i32
        %swap3A_715 = arith.index_cast %scan3A_449 : i32 to index
        %swap3A_716 = arith.index_cast %swap3A_713 : i32 to index
        %swap3A_717 = arith.index_cast %swap3A_714 : i32 to index
        %swap3A_718 = arith.constant 0 : index
        %swap3A_719 = tpu.vector_load %arg8[%swap3A_715, %swap3A_716, %swap3A_717, %swap3A_718] {strides = array<i32>} : memref<50x4x8x32xf32, #tpu.memory_space<vmem>>, vector<16xf32>,
        tpu.vector_store %arg8[%swap3A_715, %swap3A_716, %swap3A_717, %swap3A_718], %gather3A_524 {strides = array<i32>} : memref<50x4x8x32xf32, #tpu.memory_space<vmem>>, vector<16xf32>,
        %swap3A_720 = arith.constant 3 : i32
        %swap3A_721 = arith.constant 1 : i32
        %swap3A_722 = arith.index_cast %scan3A_449 : i32 to index
        %swap3A_723 = arith.index_cast %swap3A_720 : i32 to index
        %swap3A_724 = arith.index_cast %swap3A_721 : i32 to index
        %swap3A_725 = arith.constant 0 : index
        %swap3A_726 = tpu.vector_load %arg8[%swap3A_722, %swap3A_723, %swap3A_724, %swap3A_725] {strides = array<i32>} : memref<50x4x8x32xf32, #tpu.memory_space<vmem>>, vector<16xf32>,
        tpu.vector_store %arg8[%swap3A_722, %swap3A_723, %swap3A_724, %swap3A_725], %gather3A_527 {strides = array<i32>} : memref<50x4x8x32xf32, #tpu.memory_space<vmem>>, vector<16xf32>,
        %swap3A_727 = arith.constant 3 : i32
        %swap3A_728 = arith.constant 2 : i32
        %swap3A_729 = arith.index_cast %scan3A_449 : i32 to index
        %swap3A_730 = arith.index_cast %swap3A_727 : i32 to index
        %swap3A_731 = arith.index_cast %swap3A_728 : i32 to index
        %swap3A_732 = arith.constant 0 : index
        %swap3A_733 = tpu.vector_load %arg8[%swap3A_729, %swap3A_730, %swap3A_731, %swap3A_732] {strides = array<i32>} : memref<50x4x8x32xf32, #tpu.memory_space<vmem>>, vector<16xf32>,
        tpu.vector_store %arg8[%swap3A_729, %swap3A_730, %swap3A_731, %swap3A_732], %gather3A_530 {strides = array<i32>} : memref<50x4x8x32xf32, #tpu.memory_space<vmem>>, vector<16xf32>,
        %swap3A_734 = arith.constant 3 : i32
        %swap3A_735 = arith.constant 3 : i32
        %swap3A_736 = arith.index_cast %scan3A_449 : i32 to index
        %swap3A_737 = arith.index_cast %swap3A_734 : i32 to index
        %swap3A_738 = arith.index_cast %swap3A_735 : i32 to index
        %swap3A_739 = arith.constant 0 : index
        %swap3A_740 = tpu.vector_load %arg8[%swap3A_736, %swap3A_737, %swap3A_738, %swap3A_739] {strides = array<i32>} : memref<50x4x8x32xf32, #tpu.memory_space<vmem>>, vector<16xf32>,
        tpu.vector_store %arg8[%swap3A_736, %swap3A_737, %swap3A_738, %swap3A_739], %gather3A_533 {strides = array<i32>} : memref<50x4x8x32xf32, #tpu.memory_space<vmem>>, vector<16xf32>,
        %swap3A_741 = arith.constant 3 : i32
        %swap3A_742 = arith.constant 4 : i32
        %swap3A_743 = arith.index_cast %scan3A_449 : i32 to index
        %swap3A_744 = arith.index_cast %swap3A_741 : i32 to index
        %swap3A_745 = arith.index_cast %swap3A_742 : i32 to index
        %swap3A_746 = arith.constant 0 : index
        %swap3A_747 = tpu.vector_load %arg8[%swap3A_743, %swap3A_744, %swap3A_745, %swap3A_746] {strides = array<i32>} : memref<50x4x8x32xf32, #tpu.memory_space<vmem>>, vector<16xf32>,
        tpu.vector_store %arg8[%swap3A_743, %swap3A_744, %swap3A_745, %swap3A_746], %gather3A_536 {strides = array<i32>} : memref<50x4x8x32xf32, #tpu.memory_space<vmem>>, vector<16xf32>,
        %swap3A_748 = arith.constant 3 : i32
        %swap3A_749 = arith.constant 5 : i32
        %swap3A_750 = arith.index_cast %scan3A_449 : i32 to index
        %swap3A_751 = arith.index_cast %swap3A_748 : i32 to index
        %swap3A_752 = arith.index_cast %swap3A_749 : i32 to index
        %swap3A_753 = arith.constant 0 : index
        %swap3A_754 = tpu.vector_load %arg8[%swap3A_750, %swap3A_751, %swap3A_752, %swap3A_753] {strides = array<i32>} : memref<50x4x8x32xf32, #tpu.memory_space<vmem>>, vector<16xf32>,
        tpu.vector_store %arg8[%swap3A_750, %swap3A_751, %swap3A_752, %swap3A_753], %gather3A_539 {strides = array<i32>} : memref<50x4x8x32xf32, #tpu.memory_space<vmem>>, vector<16xf32>,
        %swap3A_755 = arith.constant 3 : i32
        %swap3A_756 = arith.constant 6 : i32
        %swap3A_757 = arith.index_cast %scan3A_449 : i32 to index
        %swap3A_758 = arith.index_cast %swap3A_755 : i32 to index
        %swap3A_759 = arith.index_cast %swap3A_756 : i32 to index
        %swap3A_760 = arith.constant 0 : index
        %swap3A_761 = tpu.vector_load %arg8[%swap3A_757, %swap3A_758, %swap3A_759, %swap3A_760] {strides = array<i32>} : memref<50x4x8x32xf32, #tpu.memory_space<vmem>>, vector<16xf32>,
        tpu.vector_store %arg8[%swap3A_757, %swap3A_758, %swap3A_759, %swap3A_760], %gather3A_542 {strides = array<i32>} : memref<50x4x8x32xf32, #tpu.memory_space<vmem>>, vector<16xf32>,
        %swap3A_762 = arith.constant 3 : i32
        %swap3A_763 = arith.constant 7 : i32
        %swap3A_764 = arith.index_cast %scan3A_449 : i32 to index
        %swap3A_765 = arith.index_cast %swap3A_762 : i32 to index
        %swap3A_766 = arith.index_cast %swap3A_763 : i32 to index
        %swap3A_767 = arith.constant 0 : index
        %swap3A_768 = tpu.vector_load %arg8[%swap3A_764, %swap3A_765, %swap3A_766, %swap3A_767] {strides = array<i32>} : memref<50x4x8x32xf32, #tpu.memory_space<vmem>>, vector<16xf32>,
        tpu.vector_store %arg8[%swap3A_764, %swap3A_765, %swap3A_766, %swap3A_767], %gather3A_545 {strides = array<i32>} : memref<50x4x8x32xf32, #tpu.memory_space<vmem>>, vector<16xf32>,
      }
      %scan3A_358 = arith.constant 50 : i32
      %add3A_359 = arith.constant 1 : i32
      %add3A_360 = arith.addi %scan3A_288, %add3A_359 : i32
      %mul3A_361 = arith.constant 1600 : i32
      %mul3A_362 = arith.muli %add3A_360, %mul3A_361 : i32
      %add3A_363 = arith.constant 0 : i32
      %add3A_364 = arith.addi %mul3A_362, %add3A_363 : i32
      %multiple_of3A_365 = tpu.assume_multiple %add3A_364, 8 : i32
      %dma_start3A_366 = tpu.memref_slice %arg5[%multiple_of3A_365] : memref<25600xi32, #tpu.memory_space<vmem>> -> memref<800xi32, #tpu.memory_space<vmem>>
      %dma_start3A_367 = arith.constant 0 : i32
      %dma_start3A_368 = arith.constant 0 : i32
      %dma_start3A_369 = tpu.memref_slice %arg3[%dma_start3A_367, %dma_start3A_368] : memref<1000000x32xf32, #tpu.memory_space<hbm>> -> memref<1000000x32xf32, #tpu.memory_space<hbm>>
      tpu.enqueue_indirect_dma source(%dma_start3A_369 : memref<1000000x32xf32, #tpu.memory_space<hbm>>) target(%arg6 : memref<800x32xf32, #tpu.memory_space<vmem>>) offsets(%dma_start3A_366 : memref<800xi32, #tpu.memory_space<vmem>>) semaphore(%arg9 : memref<!tpu.dma_semaphore, #tpu.memory_space<semaphore_mem>>)
      %mul3A_370 = arith.constant 1600 : i32
      %mul3A_371 = arith.muli %scan3A_288, %mul3A_370 : i32
      %add3A_372 = arith.constant 800 : i32
      %add3A_373 = arith.addi %mul3A_371, %add3A_372 : i32
      %multiple_of3A_374 = tpu.assume_multiple %add3A_373, 8 : i32
      %dma_wait3A_375 = tpu.memref_slice %arg5[%multiple_of3A_374] : memref<25600xi32, #tpu.memory_space<vmem>> -> memref<800xi32, #tpu.memory_space<vmem>>
      %dma_wait3A_376 = arith.constant 0 : i32
      %dma_wait3A_377 = arith.constant 0 : i32
      %dma_wait3A_378 = tpu.memref_slice %arg3[%dma_wait3A_376, %dma_wait3A_377] : memref<1000000x32xf32, #tpu.memory_space<hbm>> -> memref<1000000x32xf32, #tpu.memory_space<hbm>>
      tpu.wait_indirect_dma semaphore(%arg10 : memref<!tpu.dma_semaphore, #tpu.memory_space<semaphore_mem>>) src(%dma_wait3A_378 : memref<1000000x32xf32, #tpu.memory_space<hbm>>) dst(%arg7 : memref<800x32xf32, #tpu.memory_space<vmem>>)
      %scan3A_379 = arith.constant 0 : i32
      %scan3A_380 = arith.constant 0 : i32
      %scan3A_381 = arith.constant 50 : i32
      %scan3A_382 = arith.addi %scan3A_380, %scan3A_381 : i32
      %scan3A_383 = arith.constant 1 : i32
      scf.for %scan3A_449 = %scan3A_380 to %scan3A_382 step %scan3A_383  : i32 {
        %add3A_450 = vector.broadcast %scan3A_449 : i32 to vector<16xi32>
        %add3A_451 = arith.addi %mul3A_7, %add3A_450 : vector<16xi32>
        %broadcast_in_dim3A = arith.constant 0 : i32
        %broadcast_in_dim3A_452 = vector.broadcast %broadcast_in_dim3A : i32 to vector<16xi32>
        %gather3A = tpu.vector_load_idx %arg7[%add3A_451, %broadcast_in_dim3A_452] : memref<800x32xf32, #tpu.memory_space<vmem>>[vector<16xi32>, vector<16xi32>], vector<16xf32>,
        %broadcast_in_dim3A_453 = arith.constant 1 : i32
        %broadcast_in_dim3A_454 = vector.broadcast %broadcast_in_dim3A_453 : i32 to vector<16xi32>
        %gather3A_455 = tpu.vector_load_idx %arg7[%add3A_451, %broadcast_in_dim3A_454] : memref<800x32xf32, #tpu.memory_space<vmem>>[vector<16xi32>, vector<16xi32>], vector<16xf32>,
        %broadcast_in_dim3A_456 = arith.constant 2 : i32
        %broadcast_in_dim3A_457 = vector.broadcast %broadcast_in_dim3A_456 : i32 to vector<16xi32>
        %gather3A_458 = tpu.vector_load_idx %arg7[%add3A_451, %broadcast_in_dim3A_457] : memref<800x32xf32, #tpu.memory_space<vmem>>[vector<16xi32>, vector<16xi32>], vector<16xf32>,
        %broadcast_in_dim3A_459 = arith.constant 3 : i32
        %broadcast_in_dim3A_460 = vector.broadcast %broadcast_in_dim3A_459 : i32 to vector<16xi32>
        %gather3A_461 = tpu.vector_load_idx %arg7[%add3A_451, %broadcast_in_dim3A_460] : memref<800x32xf32, #tpu.memory_space<vmem>>[vector<16xi32>, vector<16xi32>], vector<16xf32>,
        %broadcast_in_dim3A_462 = arith.constant 4 : i32
        %broadcast_in_dim3A_463 = vector.broadcast %broadcast_in_dim3A_462 : i32 to vector<16xi32>
        %gather3A_464 = tpu.vector_load_idx %arg7[%add3A_451, %broadcast_in_dim3A_463] : memref<800x32xf32, #tpu.memory_space<vmem>>[vector<16xi32>, vector<16xi32>], vector<16xf32>,
        %broadcast_in_dim3A_465 = arith.constant 5 : i32
        %broadcast_in_dim3A_466 = vector.broadcast %broadcast_in_dim3A_465 : i32 to vector<16xi32>
        %gather3A_467 = tpu.vector_load_idx %arg7[%add3A_451, %broadcast_in_dim3A_466] : memref<800x32xf32, #tpu.memory_space<vmem>>[vector<16xi32>, vector<16xi32>], vector<16xf32>,
        %broadcast_in_dim3A_468 = arith.constant 6 : i32
        %broadcast_in_dim3A_469 = vector.broadcast %broadcast_in_dim3A_468 : i32 to vector<16xi32>
        %gather3A_470 = tpu.vector_load_idx %arg7[%add3A_451, %broadcast_in_dim3A_469] : memref<800x32xf32, #tpu.memory_space<vmem>>[vector<16xi32>, vector<16xi32>], vector<16xf32>,
        %broadcast_in_dim3A_471 = arith.constant 7 : i32
        %broadcast_in_dim3A_472 = vector.broadcast %broadcast_in_dim3A_471 : i32 to vector<16xi32>
        %gather3A_473 = tpu.vector_load_idx %arg7[%add3A_451, %broadcast_in_dim3A_472] : memref<800x32xf32, #tpu.memory_space<vmem>>[vector<16xi32>, vector<16xi32>], vector<16xf32>,
        %broadcast_in_dim3A_474 = arith.constant 8 : i32
        %broadcast_in_dim3A_475 = vector.broadcast %broadcast_in_dim3A_474 : i32 to vector<16xi32>
        %gather3A_476 = tpu.vector_load_idx %arg7[%add3A_451, %broadcast_in_dim3A_475] : memref<800x32xf32, #tpu.memory_space<vmem>>[vector<16xi32>, vector<16xi32>], vector<16xf32>,
        %broadcast_in_dim3A_477 = arith.constant 9 : i32
        %broadcast_in_dim3A_478 = vector.broadcast %broadcast_in_dim3A_477 : i32 to vector<16xi32>
        %gather3A_479 = tpu.vector_load_idx %arg7[%add3A_451, %broadcast_in_dim3A_478] : memref<800x32xf32, #tpu.memory_space<vmem>>[vector<16xi32>, vector<16xi32>], vector<16xf32>,
        %broadcast_in_dim3A_480 = arith.constant 10 : i32
        %broadcast_in_dim3A_481 = vector.broadcast %broadcast_in_dim3A_480 : i32 to vector<16xi32>
        %gather3A_482 = tpu.vector_load_idx %arg7[%add3A_451, %broadcast_in_dim3A_481] : memref<800x32xf32, #tpu.memory_space<vmem>>[vector<16xi32>, vector<16xi32>], vector<16xf32>,
        %broadcast_in_dim3A_483 = arith.constant 11 : i32
        %broadcast_in_dim3A_484 = vector.broadcast %broadcast_in_dim3A_483 : i32 to vector<16xi32>
        %gather3A_485 = tpu.vector_load_idx %arg7[%add3A_451, %broadcast_in_dim3A_484] : memref<800x32xf32, #tpu.memory_space<vmem>>[vector<16xi32>, vector<16xi32>], vector<16xf32>,
        %broadcast_in_dim3A_486 = arith.constant 12 : i32
        %broadcast_in_dim3A_487 = vector.broadcast %broadcast_in_dim3A_486 : i32 to vector<16xi32>
        %gather3A_488 = tpu.vector_load_idx %arg7[%add3A_451, %broadcast_in_dim3A_487] : memref<800x32xf32, #tpu.memory_space<vmem>>[vector<16xi32>, vector<16xi32>], vector<16xf32>,
        %broadcast_in_dim3A_489 = arith.constant 13 : i32
        %broadcast_in_dim3A_490 = vector.broadcast %broadcast_in_dim3A_489 : i32 to vector<16xi32>
        %gather3A_491 = tpu.vector_load_idx %arg7[%add3A_451, %broadcast_in_dim3A_490] : memref<800x32xf32, #tpu.memory_space<vmem>>[vector<16xi32>, vector<16xi32>], vector<16xf32>,
        %broadcast_in_dim3A_492 = arith.constant 14 : i32
        %broadcast_in_dim3A_493 = vector.broadcast %broadcast_in_dim3A_492 : i32 to vector<16xi32>
        %gather3A_494 = tpu.vector_load_idx %arg7[%add3A_451, %broadcast_in_dim3A_493] : memref<800x32xf32, #tpu.memory_space<vmem>>[vector<16xi32>, vector<16xi32>], vector<16xf32>,
        %broadcast_in_dim3A_495 = arith.constant 15 : i32
        %broadcast_in_dim3A_496 = vector.broadcast %broadcast_in_dim3A_495 : i32 to vector<16xi32>
        %gather3A_497 = tpu.vector_load_idx %arg7[%add3A_451, %broadcast_in_dim3A_496] : memref<800x32xf32, #tpu.memory_space<vmem>>[vector<16xi32>, vector<16xi32>], vector<16xf32>,
        %broadcast_in_dim3A_498 = arith.constant 16 : i32
        %broadcast_in_dim3A_499 = vector.broadcast %broadcast_in_dim3A_498 : i32 to vector<16xi32>
        %gather3A_500 = tpu.vector_load_idx %arg7[%add3A_451, %broadcast_in_dim3A_499] : memref<800x32xf32, #tpu.memory_space<vmem>>[vector<16xi32>, vector<16xi32>], vector<16xf32>,
        %broadcast_in_dim3A_501 = arith.constant 17 : i32
        %broadcast_in_dim3A_502 = vector.broadcast %broadcast_in_dim3A_501 : i32 to vector<16xi32>
        %gather3A_503 = tpu.vector_load_idx %arg7[%add3A_451, %broadcast_in_dim3A_502] : memref<800x32xf32, #tpu.memory_space<vmem>>[vector<16xi32>, vector<16xi32>], vector<16xf32>,
        %broadcast_in_dim3A_504 = arith.constant 18 : i32
        %broadcast_in_dim3A_505 = vector.broadcast %broadcast_in_dim3A_504 : i32 to vector<16xi32>
        %gather3A_506 = tpu.vector_load_idx %arg7[%add3A_451, %broadcast_in_dim3A_505] : memref<800x32xf32, #tpu.memory_space<vmem>>[vector<16xi32>, vector<16xi32>], vector<16xf32>,
        %broadcast_in_dim3A_507 = arith.constant 19 : i32
        %broadcast_in_dim3A_508 = vector.broadcast %broadcast_in_dim3A_507 : i32 to vector<16xi32>
        %gather3A_509 = tpu.vector_load_idx %arg7[%add3A_451, %broadcast_in_dim3A_508] : memref<800x32xf32, #tpu.memory_space<vmem>>[vector<16xi32>, vector<16xi32>], vector<16xf32>,
        %broadcast_in_dim3A_510 = arith.constant 20 : i32
        %broadcast_in_dim3A_511 = vector.broadcast %broadcast_in_dim3A_510 : i32 to vector<16xi32>
        %gather3A_512 = tpu.vector_load_idx %arg7[%add3A_451, %broadcast_in_dim3A_511] : memref<800x32xf32, #tpu.memory_space<vmem>>[vector<16xi32>, vector<16xi32>], vector<16xf32>,
        %broadcast_in_dim3A_513 = arith.constant 21 : i32
        %broadcast_in_dim3A_514 = vector.broadcast %broadcast_in_dim3A_513 : i32 to vector<16xi32>
        %gather3A_515 = tpu.vector_load_idx %arg7[%add3A_451, %broadcast_in_dim3A_514] : memref<800x32xf32, #tpu.memory_space<vmem>>[vector<16xi32>, vector<16xi32>], vector<16xf32>,
        %broadcast_in_dim3A_516 = arith.constant 22 : i32
        %broadcast_in_dim3A_517 = vector.broadcast %broadcast_in_dim3A_516 : i32 to vector<16xi32>
        %gather3A_518 = tpu.vector_load_idx %arg7[%add3A_451, %broadcast_in_dim3A_517] : memref<800x32xf32, #tpu.memory_space<vmem>>[vector<16xi32>, vector<16xi32>], vector<16xf32>,
        %broadcast_in_dim3A_519 = arith.constant 23 : i32
        %broadcast_in_dim3A_520 = vector.broadcast %broadcast_in_dim3A_519 : i32 to vector<16xi32>
        %gather3A_521 = tpu.vector_load_idx %arg7[%add3A_451, %broadcast_in_dim3A_520] : memref<800x32xf32, #tpu.memory_space<vmem>>[vector<16xi32>, vector<16xi32>], vector<16xf32>,
        %broadcast_in_dim3A_522 = arith.constant 24 : i32
        %broadcast_in_dim3A_523 = vector.broadcast %broadcast_in_dim3A_522 : i32 to vector<16xi32>
        %gather3A_524 = tpu.vector_load_idx %arg7[%add3A_451, %broadcast_in_dim3A_523] : memref<800x32xf32, #tpu.memory_space<vmem>>[vector<16xi32>, vector<16xi32>], vector<16xf32>,
        %broadcast_in_dim3A_525 = arith.constant 25 : i32
        %broadcast_in_dim3A_526 = vector.broadcast %broadcast_in_dim3A_525 : i32 to vector<16xi32>
        %gather3A_527 = tpu.vector_load_idx %arg7[%add3A_451, %broadcast_in_dim3A_526] : memref<800x32xf32, #tpu.memory_space<vmem>>[vector<16xi32>, vector<16xi32>], vector<16xf32>,
        %broadcast_in_dim3A_528 = arith.constant 26 : i32
        %broadcast_in_dim3A_529 = vector.broadcast %broadcast_in_dim3A_528 : i32 to vector<16xi32>
        %gather3A_530 = tpu.vector_load_idx %arg7[%add3A_451, %broadcast_in_dim3A_529] : memref<800x32xf32, #tpu.memory_space<vmem>>[vector<16xi32>, vector<16xi32>], vector<16xf32>,
        %broadcast_in_dim3A_531 = arith.constant 27 : i32
        %broadcast_in_dim3A_532 = vector.broadcast %broadcast_in_dim3A_531 : i32 to vector<16xi32>
        %gather3A_533 = tpu.vector_load_idx %arg7[%add3A_451, %broadcast_in_dim3A_532] : memref<800x32xf32, #tpu.memory_space<vmem>>[vector<16xi32>, vector<16xi32>], vector<16xf32>,
        %broadcast_in_dim3A_534 = arith.constant 28 : i32
        %broadcast_in_dim3A_535 = vector.broadcast %broadcast_in_dim3A_534 : i32 to vector<16xi32>
        %gather3A_536 = tpu.vector_load_idx %arg7[%add3A_451, %broadcast_in_dim3A_535] : memref<800x32xf32, #tpu.memory_space<vmem>>[vector<16xi32>, vector<16xi32>], vector<16xf32>,
        %broadcast_in_dim3A_537 = arith.constant 29 : i32
        %broadcast_in_dim3A_538 = vector.broadcast %broadcast_in_dim3A_537 : i32 to vector<16xi32>
        %gather3A_539 = tpu.vector_load_idx %arg7[%add3A_451, %broadcast_in_dim3A_538] : memref<800x32xf32, #tpu.memory_space<vmem>>[vector<16xi32>, vector<16xi32>], vector<16xf32>,
        %broadcast_in_dim3A_540 = arith.constant 30 : i32
        %broadcast_in_dim3A_541 = vector.broadcast %broadcast_in_dim3A_540 : i32 to vector<16xi32>
        %gather3A_542 = tpu.vector_load_idx %arg7[%add3A_451, %broadcast_in_dim3A_541] : memref<800x32xf32, #tpu.memory_space<vmem>>[vector<16xi32>, vector<16xi32>], vector<16xf32>,
        %broadcast_in_dim3A_543 = arith.constant 31 : i32
        %broadcast_in_dim3A_544 = vector.broadcast %broadcast_in_dim3A_543 : i32 to vector<16xi32>
        %gather3A_545 = tpu.vector_load_idx %arg7[%add3A_451, %broadcast_in_dim3A_544] : memref<800x32xf32, #tpu.memory_space<vmem>>[vector<16xi32>, vector<16xi32>], vector<16xf32>,
        %swap3A = arith.constant 0 : i32
        %swap3A_546 = arith.constant 0 : i32
        %swap3A_547 = arith.index_cast %scan3A_449 : i32 to index
        %swap3A_548 = arith.index_cast %swap3A : i32 to index
        %swap3A_549 = arith.index_cast %swap3A_546 : i32 to index
        %swap3A_550 = arith.constant 16 : index
        %swap3A_551 = tpu.vector_load %arg8[%swap3A_547, %swap3A_548, %swap3A_549, %swap3A_550] {strides = array<i32>} : memref<50x4x8x32xf32, #tpu.memory_space<vmem>>, vector<16xf32>,
        tpu.vector_store %arg8[%swap3A_547, %swap3A_548, %swap3A_549, %swap3A_550], %gather3A {strides = array<i32>} : memref<50x4x8x32xf32, #tpu.memory_space<vmem>>, vector<16xf32>,
        %swap3A_552 = arith.constant 0 : i32
        %swap3A_553 = arith.constant 1 : i32
        %swap3A_554 = arith.index_cast %scan3A_449 : i32 to index
        %swap3A_555 = arith.index_cast %swap3A_552 : i32 to index
        %swap3A_556 = arith.index_cast %swap3A_553 : i32 to index
        %swap3A_557 = arith.constant 16 : index
        %swap3A_558 = tpu.vector_load %arg8[%swap3A_554, %swap3A_555, %swap3A_556, %swap3A_557] {strides = array<i32>} : memref<50x4x8x32xf32, #tpu.memory_space<vmem>>, vector<16xf32>,
        tpu.vector_store %arg8[%swap3A_554, %swap3A_555, %swap3A_556, %swap3A_557], %gather3A_455 {strides = array<i32>} : memref<50x4x8x32xf32, #tpu.memory_space<vmem>>, vector<16xf32>,
        %swap3A_559 = arith.constant 0 : i32
        %swap3A_560 = arith.constant 2 : i32
        %swap3A_561 = arith.index_cast %scan3A_449 : i32 to index
        %swap3A_562 = arith.index_cast %swap3A_559 : i32 to index
        %swap3A_563 = arith.index_cast %swap3A_560 : i32 to index
        %swap3A_564 = arith.constant 16 : index
        %swap3A_565 = tpu.vector_load %arg8[%swap3A_561, %swap3A_562, %swap3A_563, %swap3A_564] {strides = array<i32>} : memref<50x4x8x32xf32, #tpu.memory_space<vmem>>, vector<16xf32>,
        tpu.vector_store %arg8[%swap3A_561, %swap3A_562, %swap3A_563, %swap3A_564], %gather3A_458 {strides = array<i32>} : memref<50x4x8x32xf32, #tpu.memory_space<vmem>>, vector<16xf32>,
        %swap3A_566 = arith.constant 0 : i32
        %swap3A_567 = arith.constant 3 : i32
        %swap3A_568 = arith.index_cast %scan3A_449 : i32 to index
        %swap3A_569 = arith.index_cast %swap3A_566 : i32 to index
        %swap3A_570 = arith.index_cast %swap3A_567 : i32 to index
        %swap3A_571 = arith.constant 16 : index
        %swap3A_572 = tpu.vector_load %arg8[%swap3A_568, %swap3A_569, %swap3A_570, %swap3A_571] {strides = array<i32>} : memref<50x4x8x32xf32, #tpu.memory_space<vmem>>, vector<16xf32>,
        tpu.vector_store %arg8[%swap3A_568, %swap3A_569, %swap3A_570, %swap3A_571], %gather3A_461 {strides = array<i32>} : memref<50x4x8x32xf32, #tpu.memory_space<vmem>>, vector<16xf32>,
        %swap3A_573 = arith.constant 0 : i32
        %swap3A_574 = arith.constant 4 : i32
        %swap3A_575 = arith.index_cast %scan3A_449 : i32 to index
        %swap3A_576 = arith.index_cast %swap3A_573 : i32 to index
        %swap3A_577 = arith.index_cast %swap3A_574 : i32 to index
        %swap3A_578 = arith.constant 16 : index
        %swap3A_579 = tpu.vector_load %arg8[%swap3A_575, %swap3A_576, %swap3A_577, %swap3A_578] {strides = array<i32>} : memref<50x4x8x32xf32, #tpu.memory_space<vmem>>, vector<16xf32>,
        tpu.vector_store %arg8[%swap3A_575, %swap3A_576, %swap3A_577, %swap3A_578], %gather3A_464 {strides = array<i32>} : memref<50x4x8x32xf32, #tpu.memory_space<vmem>>, vector<16xf32>,
        %swap3A_580 = arith.constant 0 : i32
        %swap3A_581 = arith.constant 5 : i32
        %swap3A_582 = arith.index_cast %scan3A_449 : i32 to index
        %swap3A_583 = arith.index_cast %swap3A_580 : i32 to index
        %swap3A_584 = arith.index_cast %swap3A_581 : i32 to index
        %swap3A_585 = arith.constant 16 : index
        %swap3A_586 = tpu.vector_load %arg8[%swap3A_582, %swap3A_583, %swap3A_584, %swap3A_585] {strides = array<i32>} : memref<50x4x8x32xf32, #tpu.memory_space<vmem>>, vector<16xf32>,
        tpu.vector_store %arg8[%swap3A_582, %swap3A_583, %swap3A_584, %swap3A_585], %gather3A_467 {strides = array<i32>} : memref<50x4x8x32xf32, #tpu.memory_space<vmem>>, vector<16xf32>,
        %swap3A_587 = arith.constant 0 : i32
        %swap3A_588 = arith.constant 6 : i32
        %swap3A_589 = arith.index_cast %scan3A_449 : i32 to index
        %swap3A_590 = arith.index_cast %swap3A_587 : i32 to index
        %swap3A_591 = arith.index_cast %swap3A_588 : i32 to index
        %swap3A_592 = arith.constant 16 : index
        %swap3A_593 = tpu.vector_load %arg8[%swap3A_589, %swap3A_590, %swap3A_591, %swap3A_592] {strides = array<i32>} : memref<50x4x8x32xf32, #tpu.memory_space<vmem>>, vector<16xf32>,
        tpu.vector_store %arg8[%swap3A_589, %swap3A_590, %swap3A_591, %swap3A_592], %gather3A_470 {strides = array<i32>} : memref<50x4x8x32xf32, #tpu.memory_space<vmem>>, vector<16xf32>,
        %swap3A_594 = arith.constant 0 : i32
        %swap3A_595 = arith.constant 7 : i32
        %swap3A_596 = arith.index_cast %scan3A_449 : i32 to index
        %swap3A_597 = arith.index_cast %swap3A_594 : i32 to index
        %swap3A_598 = arith.index_cast %swap3A_595 : i32 to index
        %swap3A_599 = arith.constant 16 : index
        %swap3A_600 = tpu.vector_load %arg8[%swap3A_596, %swap3A_597, %swap3A_598, %swap3A_599] {strides = array<i32>} : memref<50x4x8x32xf32, #tpu.memory_space<vmem>>, vector<16xf32>,
        tpu.vector_store %arg8[%swap3A_596, %swap3A_597, %swap3A_598, %swap3A_599], %gather3A_473 {strides = array<i32>} : memref<50x4x8x32xf32, #tpu.memory_space<vmem>>, vector<16xf32>,
        %swap3A_601 = arith.constant 1 : i32
        %swap3A_602 = arith.constant 0 : i32
        %swap3A_603 = arith.index_cast %scan3A_449 : i32 to index
        %swap3A_604 = arith.index_cast %swap3A_601 : i32 to index
        %swap3A_605 = arith.index_cast %swap3A_602 : i32 to index
        %swap3A_606 = arith.constant 16 : index
        %swap3A_607 = tpu.vector_load %arg8[%swap3A_603, %swap3A_604, %swap3A_605, %swap3A_606] {strides = array<i32>} : memref<50x4x8x32xf32, #tpu.memory_space<vmem>>, vector<16xf32>,
        tpu.vector_store %arg8[%swap3A_603, %swap3A_604, %swap3A_605, %swap3A_606], %gather3A_476 {strides = array<i32>} : memref<50x4x8x32xf32, #tpu.memory_space<vmem>>, vector<16xf32>,
        %swap3A_608 = arith.constant 1 : i32
        %swap3A_609 = arith.constant 1 : i32
        %swap3A_610 = arith.index_cast %scan3A_449 : i32 to index
        %swap3A_611 = arith.index_cast %swap3A_608 : i32 to index
        %swap3A_612 = arith.index_cast %swap3A_609 : i32 to index
        %swap3A_613 = arith.constant 16 : index
        %swap3A_614 = tpu.vector_load %arg8[%swap3A_610, %swap3A_611, %swap3A_612, %swap3A_613] {strides = array<i32>} : memref<50x4x8x32xf32, #tpu.memory_space<vmem>>, vector<16xf32>,
        tpu.vector_store %arg8[%swap3A_610, %swap3A_611, %swap3A_612, %swap3A_613], %gather3A_479 {strides = array<i32>} : memref<50x4x8x32xf32, #tpu.memory_space<vmem>>, vector<16xf32>,
        %swap3A_615 = arith.constant 1 : i32
        %swap3A_616 = arith.constant 2 : i32
        %swap3A_617 = arith.index_cast %scan3A_449 : i32 to index
        %swap3A_618 = arith.index_cast %swap3A_615 : i32 to index
        %swap3A_619 = arith.index_cast %swap3A_616 : i32 to index
        %swap3A_620 = arith.constant 16 : index
        %swap3A_621 = tpu.vector_load %arg8[%swap3A_617, %swap3A_618, %swap3A_619, %swap3A_620] {strides = array<i32>} : memref<50x4x8x32xf32, #tpu.memory_space<vmem>>, vector<16xf32>,
        tpu.vector_store %arg8[%swap3A_617, %swap3A_618, %swap3A_619, %swap3A_620], %gather3A_482 {strides = array<i32>} : memref<50x4x8x32xf32, #tpu.memory_space<vmem>>, vector<16xf32>,
        %swap3A_622 = arith.constant 1 : i32
        %swap3A_623 = arith.constant 3 : i32
        %swap3A_624 = arith.index_cast %scan3A_449 : i32 to index
        %swap3A_625 = arith.index_cast %swap3A_622 : i32 to index
        %swap3A_626 = arith.index_cast %swap3A_623 : i32 to index
        %swap3A_627 = arith.constant 16 : index
        %swap3A_628 = tpu.vector_load %arg8[%swap3A_624, %swap3A_625, %swap3A_626, %swap3A_627] {strides = array<i32>} : memref<50x4x8x32xf32, #tpu.memory_space<vmem>>, vector<16xf32>,
        tpu.vector_store %arg8[%swap3A_624, %swap3A_625, %swap3A_626, %swap3A_627], %gather3A_485 {strides = array<i32>} : memref<50x4x8x32xf32, #tpu.memory_space<vmem>>, vector<16xf32>,
        %swap3A_629 = arith.constant 1 : i32
        %swap3A_630 = arith.constant 4 : i32
        %swap3A_631 = arith.index_cast %scan3A_449 : i32 to index
        %swap3A_632 = arith.index_cast %swap3A_629 : i32 to index
        %swap3A_633 = arith.index_cast %swap3A_630 : i32 to index
        %swap3A_634 = arith.constant 16 : index
        %swap3A_635 = tpu.vector_load %arg8[%swap3A_631, %swap3A_632, %swap3A_633, %swap3A_634] {strides = array<i32>} : memref<50x4x8x32xf32, #tpu.memory_space<vmem>>, vector<16xf32>,
        tpu.vector_store %arg8[%swap3A_631, %swap3A_632, %swap3A_633, %swap3A_634], %gather3A_488 {strides = array<i32>} : memref<50x4x8x32xf32, #tpu.memory_space<vmem>>, vector<16xf32>,
        %swap3A_636 = arith.constant 1 : i32
        %swap3A_637 = arith.constant 5 : i32
        %swap3A_638 = arith.index_cast %scan3A_449 : i32 to index
        %swap3A_639 = arith.index_cast %swap3A_636 : i32 to index
        %swap3A_640 = arith.index_cast %swap3A_637 : i32 to index
        %swap3A_641 = arith.constant 16 : index
        %swap3A_642 = tpu.vector_load %arg8[%swap3A_638, %swap3A_639, %swap3A_640, %swap3A_641] {strides = array<i32>} : memref<50x4x8x32xf32, #tpu.memory_space<vmem>>, vector<16xf32>,
        tpu.vector_store %arg8[%swap3A_638, %swap3A_639, %swap3A_640, %swap3A_641], %gather3A_491 {strides = array<i32>} : memref<50x4x8x32xf32, #tpu.memory_space<vmem>>, vector<16xf32>,
        %swap3A_643 = arith.constant 1 : i32
        %swap3A_644 = arith.constant 6 : i32
        %swap3A_645 = arith.index_cast %scan3A_449 : i32 to index
        %swap3A_646 = arith.index_cast %swap3A_643 : i32 to index
        %swap3A_647 = arith.index_cast %swap3A_644 : i32 to index
        %swap3A_648 = arith.constant 16 : index
        %swap3A_649 = tpu.vector_load %arg8[%swap3A_645, %swap3A_646, %swap3A_647, %swap3A_648] {strides = array<i32>} : memref<50x4x8x32xf32, #tpu.memory_space<vmem>>, vector<16xf32>,
        tpu.vector_store %arg8[%swap3A_645, %swap3A_646, %swap3A_647, %swap3A_648], %gather3A_494 {strides = array<i32>} : memref<50x4x8x32xf32, #tpu.memory_space<vmem>>, vector<16xf32>,
        %swap3A_650 = arith.constant 1 : i32
        %swap3A_651 = arith.constant 7 : i32
        %swap3A_652 = arith.index_cast %scan3A_449 : i32 to index
        %swap3A_653 = arith.index_cast %swap3A_650 : i32 to index
        %swap3A_654 = arith.index_cast %swap3A_651 : i32 to index
        %swap3A_655 = arith.constant 16 : index
        %swap3A_656 = tpu.vector_load %arg8[%swap3A_652, %swap3A_653, %swap3A_654, %swap3A_655] {strides = array<i32>} : memref<50x4x8x32xf32, #tpu.memory_space<vmem>>, vector<16xf32>,
        tpu.vector_store %arg8[%swap3A_652, %swap3A_653, %swap3A_654, %swap3A_655], %gather3A_497 {strides = array<i32>} : memref<50x4x8x32xf32, #tpu.memory_space<vmem>>, vector<16xf32>,
        %swap3A_657 = arith.constant 2 : i32
        %swap3A_658 = arith.constant 0 : i32
        %swap3A_659 = arith.index_cast %scan3A_449 : i32 to index
        %swap3A_660 = arith.index_cast %swap3A_657 : i32 to index
        %swap3A_661 = arith.index_cast %swap3A_658 : i32 to index
        %swap3A_662 = arith.constant 16 : index
        %swap3A_663 = tpu.vector_load %arg8[%swap3A_659, %swap3A_660, %swap3A_661, %swap3A_662] {strides = array<i32>} : memref<50x4x8x32xf32, #tpu.memory_space<vmem>>, vector<16xf32>,
        tpu.vector_store %arg8[%swap3A_659, %swap3A_660, %swap3A_661, %swap3A_662], %gather3A_500 {strides = array<i32>} : memref<50x4x8x32xf32, #tpu.memory_space<vmem>>, vector<16xf32>,
        %swap3A_664 = arith.constant 2 : i32
        %swap3A_665 = arith.constant 1 : i32
        %swap3A_666 = arith.index_cast %scan3A_449 : i32 to index
        %swap3A_667 = arith.index_cast %swap3A_664 : i32 to index
        %swap3A_668 = arith.index_cast %swap3A_665 : i32 to index
        %swap3A_669 = arith.constant 16 : index
        %swap3A_670 = tpu.vector_load %arg8[%swap3A_666, %swap3A_667, %swap3A_668, %swap3A_669] {strides = array<i32>} : memref<50x4x8x32xf32, #tpu.memory_space<vmem>>, vector<16xf32>,
        tpu.vector_store %arg8[%swap3A_666, %swap3A_667, %swap3A_668, %swap3A_669], %gather3A_503 {strides = array<i32>} : memref<50x4x8x32xf32, #tpu.memory_space<vmem>>, vector<16xf32>,
        %swap3A_671 = arith.constant 2 : i32
        %swap3A_672 = arith.constant 2 : i32
        %swap3A_673 = arith.index_cast %scan3A_449 : i32 to index
        %swap3A_674 = arith.index_cast %swap3A_671 : i32 to index
        %swap3A_675 = arith.index_cast %swap3A_672 : i32 to index
        %swap3A_676 = arith.constant 16 : index
        %swap3A_677 = tpu.vector_load %arg8[%swap3A_673, %swap3A_674, %swap3A_675, %swap3A_676] {strides = array<i32>} : memref<50x4x8x32xf32, #tpu.memory_space<vmem>>, vector<16xf32>,
        tpu.vector_store %arg8[%swap3A_673, %swap3A_674, %swap3A_675, %swap3A_676], %gather3A_506 {strides = array<i32>} : memref<50x4x8x32xf32, #tpu.memory_space<vmem>>, vector<16xf32>,
        %swap3A_678 = arith.constant 2 : i32
        %swap3A_679 = arith.constant 3 : i32
        %swap3A_680 = arith.index_cast %scan3A_449 : i32 to index
        %swap3A_681 = arith.index_cast %swap3A_678 : i32 to index
        %swap3A_682 = arith.index_cast %swap3A_679 : i32 to index
        %swap3A_683 = arith.constant 16 : index
        %swap3A_684 = tpu.vector_load %arg8[%swap3A_680, %swap3A_681, %swap3A_682, %swap3A_683] {strides = array<i32>} : memref<50x4x8x32xf32, #tpu.memory_space<vmem>>, vector<16xf32>,
        tpu.vector_store %arg8[%swap3A_680, %swap3A_681, %swap3A_682, %swap3A_683], %gather3A_509 {strides = array<i32>} : memref<50x4x8x32xf32, #tpu.memory_space<vmem>>, vector<16xf32>,
        %swap3A_685 = arith.constant 2 : i32
        %swap3A_686 = arith.constant 4 : i32
        %swap3A_687 = arith.index_cast %scan3A_449 : i32 to index
        %swap3A_688 = arith.index_cast %swap3A_685 : i32 to index
        %swap3A_689 = arith.index_cast %swap3A_686 : i32 to index
        %swap3A_690 = arith.constant 16 : index
        %swap3A_691 = tpu.vector_load %arg8[%swap3A_687, %swap3A_688, %swap3A_689, %swap3A_690] {strides = array<i32>} : memref<50x4x8x32xf32, #tpu.memory_space<vmem>>, vector<16xf32>,
        tpu.vector_store %arg8[%swap3A_687, %swap3A_688, %swap3A_689, %swap3A_690], %gather3A_512 {strides = array<i32>} : memref<50x4x8x32xf32, #tpu.memory_space<vmem>>, vector<16xf32>,
        %swap3A_692 = arith.constant 2 : i32
        %swap3A_693 = arith.constant 5 : i32
        %swap3A_694 = arith.index_cast %scan3A_449 : i32 to index
        %swap3A_695 = arith.index_cast %swap3A_692 : i32 to index
        %swap3A_696 = arith.index_cast %swap3A_693 : i32 to index
        %swap3A_697 = arith.constant 16 : index
        %swap3A_698 = tpu.vector_load %arg8[%swap3A_694, %swap3A_695, %swap3A_696, %swap3A_697] {strides = array<i32>} : memref<50x4x8x32xf32, #tpu.memory_space<vmem>>, vector<16xf32>,
        tpu.vector_store %arg8[%swap3A_694, %swap3A_695, %swap3A_696, %swap3A_697], %gather3A_515 {strides = array<i32>} : memref<50x4x8x32xf32, #tpu.memory_space<vmem>>, vector<16xf32>,
        %swap3A_699 = arith.constant 2 : i32
        %swap3A_700 = arith.constant 6 : i32
        %swap3A_701 = arith.index_cast %scan3A_449 : i32 to index
        %swap3A_702 = arith.index_cast %swap3A_699 : i32 to index
        %swap3A_703 = arith.index_cast %swap3A_700 : i32 to index
        %swap3A_704 = arith.constant 16 : index
        %swap3A_705 = tpu.vector_load %arg8[%swap3A_701, %swap3A_702, %swap3A_703, %swap3A_704] {strides = array<i32>} : memref<50x4x8x32xf32, #tpu.memory_space<vmem>>, vector<16xf32>,
        tpu.vector_store %arg8[%swap3A_701, %swap3A_702, %swap3A_703, %swap3A_704], %gather3A_518 {strides = array<i32>} : memref<50x4x8x32xf32, #tpu.memory_space<vmem>>, vector<16xf32>,
        %swap3A_706 = arith.constant 2 : i32
        %swap3A_707 = arith.constant 7 : i32
        %swap3A_708 = arith.index_cast %scan3A_449 : i32 to index
        %swap3A_709 = arith.index_cast %swap3A_706 : i32 to index
        %swap3A_710 = arith.index_cast %swap3A_707 : i32 to index
        %swap3A_711 = arith.constant 16 : index
        %swap3A_712 = tpu.vector_load %arg8[%swap3A_708, %swap3A_709, %swap3A_710, %swap3A_711] {strides = array<i32>} : memref<50x4x8x32xf32, #tpu.memory_space<vmem>>, vector<16xf32>,
        tpu.vector_store %arg8[%swap3A_708, %swap3A_709, %swap3A_710, %swap3A_711], %gather3A_521 {strides = array<i32>} : memref<50x4x8x32xf32, #tpu.memory_space<vmem>>, vector<16xf32>,
        %swap3A_713 = arith.constant 3 : i32
        %swap3A_714 = arith.constant 0 : i32
        %swap3A_715 = arith.index_cast %scan3A_449 : i32 to index
        %swap3A_716 = arith.index_cast %swap3A_713 : i32 to index
        %swap3A_717 = arith.index_cast %swap3A_714 : i32 to index
        %swap3A_718 = arith.constant 16 : index
        %swap3A_719 = tpu.vector_load %arg8[%swap3A_715, %swap3A_716, %swap3A_717, %swap3A_718] {strides = array<i32>} : memref<50x4x8x32xf32, #tpu.memory_space<vmem>>, vector<16xf32>,
        tpu.vector_store %arg8[%swap3A_715, %swap3A_716, %swap3A_717, %swap3A_718], %gather3A_524 {strides = array<i32>} : memref<50x4x8x32xf32, #tpu.memory_space<vmem>>, vector<16xf32>,
        %swap3A_720 = arith.constant 3 : i32
        %swap3A_721 = arith.constant 1 : i32
        %swap3A_722 = arith.index_cast %scan3A_449 : i32 to index
        %swap3A_723 = arith.index_cast %swap3A_720 : i32 to index
        %swap3A_724 = arith.index_cast %swap3A_721 : i32 to index
        %swap3A_725 = arith.constant 16 : index
        %swap3A_726 = tpu.vector_load %arg8[%swap3A_722, %swap3A_723, %swap3A_724, %swap3A_725] {strides = array<i32>} : memref<50x4x8x32xf32, #tpu.memory_space<vmem>>, vector<16xf32>,
        tpu.vector_store %arg8[%swap3A_722, %swap3A_723, %swap3A_724, %swap3A_725], %gather3A_527 {strides = array<i32>} : memref<50x4x8x32xf32, #tpu.memory_space<vmem>>, vector<16xf32>,
        %swap3A_727 = arith.constant 3 : i32
        %swap3A_728 = arith.constant 2 : i32
        %swap3A_729 = arith.index_cast %scan3A_449 : i32 to index
        %swap3A_730 = arith.index_cast %swap3A_727 : i32 to index
        %swap3A_731 = arith.index_cast %swap3A_728 : i32 to index
        %swap3A_732 = arith.constant 16 : index
        %swap3A_733 = tpu.vector_load %arg8[%swap3A_729, %swap3A_730, %swap3A_731, %swap3A_732] {strides = array<i32>} : memref<50x4x8x32xf32, #tpu.memory_space<vmem>>, vector<16xf32>,
        tpu.vector_store %arg8[%swap3A_729, %swap3A_730, %swap3A_731, %swap3A_732], %gather3A_530 {strides = array<i32>} : memref<50x4x8x32xf32, #tpu.memory_space<vmem>>, vector<16xf32>,
        %swap3A_734 = arith.constant 3 : i32
        %swap3A_735 = arith.constant 3 : i32
        %swap3A_736 = arith.index_cast %scan3A_449 : i32 to index
        %swap3A_737 = arith.index_cast %swap3A_734 : i32 to index
        %swap3A_738 = arith.index_cast %swap3A_735 : i32 to index
        %swap3A_739 = arith.constant 16 : index
        %swap3A_740 = tpu.vector_load %arg8[%swap3A_736, %swap3A_737, %swap3A_738, %swap3A_739] {strides = array<i32>} : memref<50x4x8x32xf32, #tpu.memory_space<vmem>>, vector<16xf32>,
        tpu.vector_store %arg8[%swap3A_736, %swap3A_737, %swap3A_738, %swap3A_739], %gather3A_533 {strides = array<i32>} : memref<50x4x8x32xf32, #tpu.memory_space<vmem>>, vector<16xf32>,
        %swap3A_741 = arith.constant 3 : i32
        %swap3A_742 = arith.constant 4 : i32
        %swap3A_743 = arith.index_cast %scan3A_449 : i32 to index
        %swap3A_744 = arith.index_cast %swap3A_741 : i32 to index
        %swap3A_745 = arith.index_cast %swap3A_742 : i32 to index
        %swap3A_746 = arith.constant 16 : index
        %swap3A_747 = tpu.vector_load %arg8[%swap3A_743, %swap3A_744, %swap3A_745, %swap3A_746] {strides = array<i32>} : memref<50x4x8x32xf32, #tpu.memory_space<vmem>>, vector<16xf32>,
        tpu.vector_store %arg8[%swap3A_743, %swap3A_744, %swap3A_745, %swap3A_746], %gather3A_536 {strides = array<i32>} : memref<50x4x8x32xf32, #tpu.memory_space<vmem>>, vector<16xf32>,
        %swap3A_748 = arith.constant 3 : i32
        %swap3A_749 = arith.constant 5 : i32
        %swap3A_750 = arith.index_cast %scan3A_449 : i32 to index
        %swap3A_751 = arith.index_cast %swap3A_748 : i32 to index
        %swap3A_752 = arith.index_cast %swap3A_749 : i32 to index
        %swap3A_753 = arith.constant 16 : index
        %swap3A_754 = tpu.vector_load %arg8[%swap3A_750, %swap3A_751, %swap3A_752, %swap3A_753] {strides = array<i32>} : memref<50x4x8x32xf32, #tpu.memory_space<vmem>>, vector<16xf32>,
        tpu.vector_store %arg8[%swap3A_750, %swap3A_751, %swap3A_752, %swap3A_753], %gather3A_539 {strides = array<i32>} : memref<50x4x8x32xf32, #tpu.memory_space<vmem>>, vector<16xf32>,
        %swap3A_755 = arith.constant 3 : i32
        %swap3A_756 = arith.constant 6 : i32
        %swap3A_757 = arith.index_cast %scan3A_449 : i32 to index
        %swap3A_758 = arith.index_cast %swap3A_755 : i32 to index
        %swap3A_759 = arith.index_cast %swap3A_756 : i32 to index
        %swap3A_760 = arith.constant 16 : index
        %swap3A_761 = tpu.vector_load %arg8[%swap3A_757, %swap3A_758, %swap3A_759, %swap3A_760] {strides = array<i32>} : memref<50x4x8x32xf32, #tpu.memory_space<vmem>>, vector<16xf32>,
        tpu.vector_store %arg8[%swap3A_757, %swap3A_758, %swap3A_759, %swap3A_760], %gather3A_542 {strides = array<i32>} : memref<50x4x8x32xf32, #tpu.memory_space<vmem>>, vector<16xf32>,
        %swap3A_762 = arith.constant 3 : i32
        %swap3A_763 = arith.constant 7 : i32
        %swap3A_764 = arith.index_cast %scan3A_449 : i32 to index
        %swap3A_765 = arith.index_cast %swap3A_762 : i32 to index
        %swap3A_766 = arith.index_cast %swap3A_763 : i32 to index
        %swap3A_767 = arith.constant 16 : index
        %swap3A_768 = tpu.vector_load %arg8[%swap3A_764, %swap3A_765, %swap3A_766, %swap3A_767] {strides = array<i32>} : memref<50x4x8x32xf32, #tpu.memory_space<vmem>>, vector<16xf32>,
        tpu.vector_store %arg8[%swap3A_764, %swap3A_765, %swap3A_766, %swap3A_767], %gather3A_545 {strides = array<i32>} : memref<50x4x8x32xf32, #tpu.memory_space<vmem>>, vector<16xf32>,
      }
      %scan3A_384 = arith.constant 50 : i32
      %add3A_385 = arith.addi %mul3A_4, %scan3A_288 : i32
      %jit3A_386 = arith.constant 4 : i32
      %div3A_387 = arith.divsi %add3A_385, %jit3A_386 : i32
      %sign3A_388 = arith.constant 0 : i32
      %sign3A_389 = arith.cmpi sgt, %add3A_385, %sign3A_388 : i32
      %sign3A_390 = arith.extui %sign3A_389 : i1 to i32
      %sign3A_391 = arith.constant 0 : i32
      %sign3A_392 = arith.cmpi slt, %add3A_385, %sign3A_391 : i32
      %sign3A_393 = arith.extui %sign3A_392 : i1 to i32
      %sign3A_394 = arith.subi %sign3A_390, %sign3A_393 : i32
      %sign3A_395 = arith.constant 0 : i32
      %sign3A_396 = arith.cmpi sgt, %jit3A_386, %sign3A_395 : i32
      %sign3A_397 = arith.extui %sign3A_396 : i1 to i32
      %sign3A_398 = arith.constant 0 : i32
      %sign3A_399 = arith.cmpi slt, %jit3A_386, %sign3A_398 : i32
      %sign3A_400 = arith.extui %sign3A_399 : i1 to i32
      %sign3A_401 = arith.subi %sign3A_397, %sign3A_400 : i32
      %ne3A_402 = arith.cmpi ne, %sign3A_394, %sign3A_401 : i32
      %rem3A_403 = arith.remsi %add3A_385, %jit3A_386 : i32
      %ne3A_404 = arith.constant 0 : i32
      %ne3A_405 = arith.cmpi ne, %rem3A_403, %ne3A_404 : i32
      %and3A_406 = arith.andi %ne3A_402, %ne3A_405 : i1
      %sub3A_407 = arith.constant 1 : i32
      %sub3A_408 = arith.subi %div3A_387, %sub3A_407 : i32
      %select_n3A_409 = arith.select %and3A_406, %sub3A_408, %div3A_387 : i32
      %jit3A_410 = arith.constant 4 : i32
      %eq3A_411 = arith.constant 0 : i32
      %eq3A_412 = arith.cmpi eq, %jit3A_410, %eq3A_411 : i32
      %jit3A_413 = arith.constant 1 : i32
      %select_n3A_414 = arith.select %eq3A_412, %jit3A_413, %jit3A_410 : i32
      %rem3A_415 = arith.remsi %add3A_385, %select_n3A_414 : i32
      %ne3A_416 = arith.constant 0 : i32
      %ne3A_417 = arith.cmpi ne, %rem3A_415, %ne3A_416 : i32
      %lt3A_418 = arith.constant 0 : i32
      %lt3A_419 = arith.cmpi slt, %rem3A_415, %lt3A_418 : i32
      %lt3A_420 = arith.constant 0 : i32
      %lt3A_421 = arith.cmpi slt, %select_n3A_414, %lt3A_420 : i32
      %ne3A_422 = arith.xori %lt3A_419, %lt3A_421 : i1
      %and3A_423 = arith.andi %ne3A_422, %ne3A_417 : i1
      %add3A_424 = arith.addi %rem3A_415, %select_n3A_414 : i32
      %select_n3A_425 = arith.select %and3A_423, %add3A_424, %rem3A_415 : i32
      %mul3A_426 = arith.constant 32 : i32
      %mul3A_427 = arith.muli %select_n3A_425, %mul3A_426 : i32
      %dma_start3A_428 = arith.constant 0 : i32
      %dma_start3A_429 = arith.constant 0 : i32
      %dma_start3A_430 = arith.constant 0 : i32
      %dma_start3A_431 = tpu.memref_slice %arg4[%dma_start3A_428, %dma_start3A_429, %select_n3A_409, %dma_start3A_430, %mul3A_427] : memref<50x4x128x8x128xf32, #tpu.memory_space<hbm>> -> memref<50x4x1x8x32xf32, #tpu.memory_space<hbm>>
      %dma_start3A_432 = tpu.memref_squeeze %dma_start3A_431 : memref<50x4x1x8x32xf32, #tpu.memory_space<hbm>> -> memref<50x4x8x32xf32, #tpu.memory_space<hbm>>
      %dma_start3A_433 = arith.constant 0 : i32
      %dma_start3A_434 = arith.constant 0 : i32
      %dma_start3A_435 = arith.constant 0 : i32
      %dma_start3A_436 = tpu.memref_slice %arg4[%dma_start3A_433, %dma_start3A_434, %select_n3A_409, %dma_start3A_435, %mul3A_427] : memref<50x4x128x8x128xf32, #tpu.memory_space<hbm>> -> memref<50x4x1x8x32xf32, #tpu.memory_space<hbm>>
      %dma_start3A_437 = tpu.memref_squeeze %dma_start3A_436 : memref<50x4x1x8x32xf32, #tpu.memory_space<hbm>> -> memref<50x4x8x32xf32, #tpu.memory_space<hbm>>
      tpu.enqueue_dma source(%arg8 : memref<50x4x8x32xf32, #tpu.memory_space<vmem>>) target(%dma_start3A_437 : memref<50x4x8x32xf32, #tpu.memory_space<hbm>>) target_semaphore(%arg11 : memref<!tpu.dma_semaphore, #tpu.memory_space<semaphore_mem>>)
      %add3A_438 = arith.constant 1 : i32
      %add3A_439 = arith.addi %scan3A_288, %add3A_438 : i32
      %mul3A_440 = arith.constant 1600 : i32
      %mul3A_441 = arith.muli %add3A_439, %mul3A_440 : i32
      %add3A_442 = arith.constant 800 : i32
      %add3A_443 = arith.addi %mul3A_441, %add3A_442 : i32
      %multiple_of3A_444 = tpu.assume_multiple %add3A_443, 8 : i32
      %dma_start3A_445 = tpu.memref_slice %arg5[%multiple_of3A_444] : memref<25600xi32, #tpu.memory_space<vmem>> -> memref<800xi32, #tpu.memory_space<vmem>>
      %dma_start3A_446 = arith.constant 0 : i32
      %dma_start3A_447 = arith.constant 0 : i32
      %dma_start3A_448 = tpu.memref_slice %arg3[%dma_start3A_446, %dma_start3A_447] : memref<1000000x32xf32, #tpu.memory_space<hbm>> -> memref<1000000x32xf32, #tpu.memory_space<hbm>>
      tpu.enqueue_indirect_dma source(%dma_start3A_448 : memref<1000000x32xf32, #tpu.memory_space<hbm>>) target(%arg7 : memref<800x32xf32, #tpu.memory_space<vmem>>) offsets(%dma_start3A_445 : memref<800xi32, #tpu.memory_space<vmem>>) semaphore(%arg10 : memref<!tpu.dma_semaphore, #tpu.memory_space<semaphore_mem>>)
    }
    %scan3A_101 = arith.constant 14 : i32
    %multiple_of3A_102 = arith.constant 24000 : i32
    %multiple_of3A_103 = tpu.assume_multiple %multiple_of3A_102, 8 : i32
    %dma_wait3A_104 = tpu.memref_slice %arg5[%multiple_of3A_103] : memref<25600xi32, #tpu.memory_space<vmem>> -> memref<800xi32, #tpu.memory_space<vmem>>
    %dma_wait3A_105 = arith.constant 0 : i32
    %dma_wait3A_106 = arith.constant 0 : i32
    %dma_wait3A_107 = tpu.memref_slice %arg3[%dma_wait3A_105, %dma_wait3A_106] : memref<1000000x32xf32, #tpu.memory_space<hbm>> -> memref<1000000x32xf32, #tpu.memory_space<hbm>>
    tpu.wait_indirect_dma semaphore(%arg9 : memref<!tpu.dma_semaphore, #tpu.memory_space<semaphore_mem>>) src(%dma_wait3A_107 : memref<1000000x32xf32, #tpu.memory_space<hbm>>) dst(%arg6 : memref<800x32xf32, #tpu.memory_space<vmem>>)
    %add3A_108 = arith.constant 14 : i32
    %add3A_109 = arith.addi %mul3A_4, %add3A_108 : i32
    %jit3A_110 = arith.constant 4 : i32
    %div3A_111 = arith.divsi %add3A_109, %jit3A_110 : i32
    %sign3A_112 = arith.constant 0 : i32
    %sign3A_113 = arith.cmpi sgt, %add3A_109, %sign3A_112 : i32
    %sign3A_114 = arith.extui %sign3A_113 : i1 to i32
    %sign3A_115 = arith.constant 0 : i32
    %sign3A_116 = arith.cmpi slt, %add3A_109, %sign3A_115 : i32
    %sign3A_117 = arith.extui %sign3A_116 : i1 to i32
    %sign3A_118 = arith.subi %sign3A_114, %sign3A_117 : i32
    %sign3A_119 = arith.constant 0 : i32
    %sign3A_120 = arith.cmpi sgt, %jit3A_110, %sign3A_119 : i32
    %sign3A_121 = arith.extui %sign3A_120 : i1 to i32
    %sign3A_122 = arith.constant 0 : i32
    %sign3A_123 = arith.cmpi slt, %jit3A_110, %sign3A_122 : i32
    %sign3A_124 = arith.extui %sign3A_123 : i1 to i32
    %sign3A_125 = arith.subi %sign3A_121, %sign3A_124 : i32
    %ne3A_126 = arith.cmpi ne, %sign3A_118, %sign3A_125 : i32
    %rem3A_127 = arith.remsi %add3A_109, %jit3A_110 : i32
    %ne3A_128 = arith.constant 0 : i32
    %ne3A_129 = arith.cmpi ne, %rem3A_127, %ne3A_128 : i32
    %and3A_130 = arith.andi %ne3A_126, %ne3A_129 : i1
    %sub3A_131 = arith.constant 1 : i32
    %sub3A_132 = arith.subi %div3A_111, %sub3A_131 : i32
    %select_n3A_133 = arith.select %and3A_130, %sub3A_132, %div3A_111 : i32
    %jit3A_134 = arith.constant 4 : i32
    %eq3A_135 = arith.constant 0 : i32
    %eq3A_136 = arith.cmpi eq, %jit3A_134, %eq3A_135 : i32
    %jit3A_137 = arith.constant 1 : i32
    %select_n3A_138 = arith.select %eq3A_136, %jit3A_137, %jit3A_134 : i32
    %rem3A_139 = arith.remsi %add3A_109, %select_n3A_138 : i32
    %ne3A_140 = arith.constant 0 : i32
    %ne3A_141 = arith.cmpi ne, %rem3A_139, %ne3A_140 : i32
    %lt3A_142 = arith.constant 0 : i32
    %lt3A_143 = arith.cmpi slt, %rem3A_139, %lt3A_142 : i32
    %lt3A_144 = arith.constant 0 : i32
    %lt3A_145 = arith.cmpi slt, %select_n3A_138, %lt3A_144 : i32
    %ne3A_146 = arith.xori %lt3A_143, %lt3A_145 : i1
    %and3A_147 = arith.andi %ne3A_146, %ne3A_141 : i1
    %add3A_148 = arith.addi %rem3A_139, %select_n3A_138 : i32
    %select_n3A_149 = arith.select %and3A_147, %add3A_148, %rem3A_139 : i32
    %mul3A_150 = arith.constant 32 : i32
    %mul3A_151 = arith.muli %select_n3A_149, %mul3A_150 : i32
    %dma_wait3A_152 = arith.constant 0 : i32
    %dma_wait3A_153 = arith.constant 0 : i32
    %dma_wait3A_154 = arith.constant 0 : i32
    %dma_wait3A_155 = tpu.memref_slice %arg4[%dma_wait3A_152, %dma_wait3A_153, %select_n3A_133, %dma_wait3A_154, %mul3A_151] : memref<50x4x128x8x128xf32, #tpu.memory_space<hbm>> -> memref<50x4x1x8x32xf32, #tpu.memory_space<hbm>>
    %dma_wait3A_156 = tpu.memref_squeeze %dma_wait3A_155 : memref<50x4x1x8x32xf32, #tpu.memory_space<hbm>> -> memref<50x4x8x32xf32, #tpu.memory_space<hbm>>
    %dma_wait3A_157 = arith.constant 0 : i32
    %dma_wait3A_158 = arith.constant 0 : i32
    %dma_wait3A_159 = arith.constant 0 : i32
    %dma_wait3A_160 = tpu.memref_slice %arg4[%dma_wait3A_157, %dma_wait3A_158, %select_n3A_133, %dma_wait3A_159, %mul3A_151] : memref<50x4x128x8x128xf32, #tpu.memory_space<hbm>> -> memref<50x4x1x8x32xf32, #tpu.memory_space<hbm>>
    %dma_wait3A_161 = tpu.memref_squeeze %dma_wait3A_160 : memref<50x4x1x8x32xf32, #tpu.memory_space<hbm>> -> memref<50x4x8x32xf32, #tpu.memory_space<hbm>>
    tpu.wait_dma2 semaphore(%arg11 : memref<!tpu.dma_semaphore, #tpu.memory_space<semaphore_mem>>) src(%arg8 : memref<50x4x8x32xf32, #tpu.memory_space<vmem>>) dst(%dma_wait3A_161 : memref<50x4x8x32xf32, #tpu.memory_space<hbm>>)
    %scan3A_162 = arith.constant 0 : i32
    %scan3A_163 = arith.constant 0 : i32
    %scan3A_164 = arith.constant 50 : i32
    %scan3A_165 = arith.addi %scan3A_163, %scan3A_164 : i32
    %scan3A_166 = arith.constant 1 : i32
    scf.for %scan3A_288 = %scan3A_163 to %scan3A_165 step %scan3A_166  : i32 {
      %add3A_289 = vector.broadcast %scan3A_288 : i32 to vector<16xi32>
      %add3A_290 = arith.addi %mul3A_7, %add3A_289 : vector<16xi32>
      %broadcast_in_dim3A = arith.constant 0 : i32
      %broadcast_in_dim3A_291 = vector.broadcast %broadcast_in_dim3A : i32 to vector<16xi32>
      %gather3A = tpu.vector_load_idx %arg6[%add3A_290, %broadcast_in_dim3A_291] : memref<800x32xf32, #tpu.memory_space<vmem>>[vector<16xi32>, vector<16xi32>], vector<16xf32>,
      %broadcast_in_dim3A_292 = arith.constant 1 : i32
      %broadcast_in_dim3A_293 = vector.broadcast %broadcast_in_dim3A_292 : i32 to vector<16xi32>
      %gather3A_294 = tpu.vector_load_idx %arg6[%add3A_290, %broadcast_in_dim3A_293] : memref<800x32xf32, #tpu.memory_space<vmem>>[vector<16xi32>, vector<16xi32>], vector<16xf32>,
      %broadcast_in_dim3A_295 = arith.constant 2 : i32
      %broadcast_in_dim3A_296 = vector.broadcast %broadcast_in_dim3A_295 : i32 to vector<16xi32>
      %gather3A_297 = tpu.vector_load_idx %arg6[%add3A_290, %broadcast_in_dim3A_296] : memref<800x32xf32, #tpu.memory_space<vmem>>[vector<16xi32>, vector<16xi32>], vector<16xf32>,
      %broadcast_in_dim3A_298 = arith.constant 3 : i32
      %broadcast_in_dim3A_299 = vector.broadcast %broadcast_in_dim3A_298 : i32 to vector<16xi32>
      %gather3A_300 = tpu.vector_load_idx %arg6[%add3A_290, %broadcast_in_dim3A_299] : memref<800x32xf32, #tpu.memory_space<vmem>>[vector<16xi32>, vector<16xi32>], vector<16xf32>,
      %broadcast_in_dim3A_301 = arith.constant 4 : i32
      %broadcast_in_dim3A_302 = vector.broadcast %broadcast_in_dim3A_301 : i32 to vector<16xi32>
      %gather3A_303 = tpu.vector_load_idx %arg6[%add3A_290, %broadcast_in_dim3A_302] : memref<800x32xf32, #tpu.memory_space<vmem>>[vector<16xi32>, vector<16xi32>], vector<16xf32>,
      %broadcast_in_dim3A_304 = arith.constant 5 : i32
      %broadcast_in_dim3A_305 = vector.broadcast %broadcast_in_dim3A_304 : i32 to vector<16xi32>
      %gather3A_306 = tpu.vector_load_idx %arg6[%add3A_290, %broadcast_in_dim3A_305] : memref<800x32xf32, #tpu.memory_space<vmem>>[vector<16xi32>, vector<16xi32>], vector<16xf32>,
      %broadcast_in_dim3A_307 = arith.constant 6 : i32
      %broadcast_in_dim3A_308 = vector.broadcast %broadcast_in_dim3A_307 : i32 to vector<16xi32>
      %gather3A_309 = tpu.vector_load_idx %arg6[%add3A_290, %broadcast_in_dim3A_308] : memref<800x32xf32, #tpu.memory_space<vmem>>[vector<16xi32>, vector<16xi32>], vector<16xf32>,
      %broadcast_in_dim3A_310 = arith.constant 7 : i32
      %broadcast_in_dim3A_311 = vector.broadcast %broadcast_in_dim3A_310 : i32 to vector<16xi32>
      %gather3A_312 = tpu.vector_load_idx %arg6[%add3A_290, %broadcast_in_dim3A_311] : memref<800x32xf32, #tpu.memory_space<vmem>>[vector<16xi32>, vector<16xi32>], vector<16xf32>,
      %broadcast_in_dim3A_313 = arith.constant 8 : i32
      %broadcast_in_dim3A_314 = vector.broadcast %broadcast_in_dim3A_313 : i32 to vector<16xi32>
      %gather3A_315 = tpu.vector_load_idx %arg6[%add3A_290, %broadcast_in_dim3A_314] : memref<800x32xf32, #tpu.memory_space<vmem>>[vector<16xi32>, vector<16xi32>], vector<16xf32>,
      %broadcast_in_dim3A_316 = arith.constant 9 : i32
      %broadcast_in_dim3A_317 = vector.broadcast %broadcast_in_dim3A_316 : i32 to vector<16xi32>
      %gather3A_318 = tpu.vector_load_idx %arg6[%add3A_290, %broadcast_in_dim3A_317] : memref<800x32xf32, #tpu.memory_space<vmem>>[vector<16xi32>, vector<16xi32>], vector<16xf32>,
      %broadcast_in_dim3A_319 = arith.constant 10 : i32
      %broadcast_in_dim3A_320 = vector.broadcast %broadcast_in_dim3A_319 : i32 to vector<16xi32>
      %gather3A_321 = tpu.vector_load_idx %arg6[%add3A_290, %broadcast_in_dim3A_320] : memref<800x32xf32, #tpu.memory_space<vmem>>[vector<16xi32>, vector<16xi32>], vector<16xf32>,
      %broadcast_in_dim3A_322 = arith.constant 11 : i32
      %broadcast_in_dim3A_323 = vector.broadcast %broadcast_in_dim3A_322 : i32 to vector<16xi32>
      %gather3A_324 = tpu.vector_load_idx %arg6[%add3A_290, %broadcast_in_dim3A_323] : memref<800x32xf32, #tpu.memory_space<vmem>>[vector<16xi32>, vector<16xi32>], vector<16xf32>,
      %broadcast_in_dim3A_325 = arith.constant 12 : i32
      %broadcast_in_dim3A_326 = vector.broadcast %broadcast_in_dim3A_325 : i32 to vector<16xi32>
      %gather3A_327 = tpu.vector_load_idx %arg6[%add3A_290, %broadcast_in_dim3A_326] : memref<800x32xf32, #tpu.memory_space<vmem>>[vector<16xi32>, vector<16xi32>], vector<16xf32>,
      %broadcast_in_dim3A_328 = arith.constant 13 : i32
      %broadcast_in_dim3A_329 = vector.broadcast %broadcast_in_dim3A_328 : i32 to vector<16xi32>
      %gather3A_330 = tpu.vector_load_idx %arg6[%add3A_290, %broadcast_in_dim3A_329] : memref<800x32xf32, #tpu.memory_space<vmem>>[vector<16xi32>, vector<16xi32>], vector<16xf32>,
      %broadcast_in_dim3A_331 = arith.constant 14 : i32
      %broadcast_in_dim3A_332 = vector.broadcast %broadcast_in_dim3A_331 : i32 to vector<16xi32>
      %gather3A_333 = tpu.vector_load_idx %arg6[%add3A_290, %broadcast_in_dim3A_332] : memref<800x32xf32, #tpu.memory_space<vmem>>[vector<16xi32>, vector<16xi32>], vector<16xf32>,
      %broadcast_in_dim3A_334 = arith.constant 15 : i32
      %broadcast_in_dim3A_335 = vector.broadcast %broadcast_in_dim3A_334 : i32 to vector<16xi32>
      %gather3A_336 = tpu.vector_load_idx %arg6[%add3A_290, %broadcast_in_dim3A_335] : memref<800x32xf32, #tpu.memory_space<vmem>>[vector<16xi32>, vector<16xi32>], vector<16xf32>,
      %broadcast_in_dim3A_337 = arith.constant 16 : i32
      %broadcast_in_dim3A_338 = vector.broadcast %broadcast_in_dim3A_337 : i32 to vector<16xi32>
      %gather3A_339 = tpu.vector_load_idx %arg6[%add3A_290, %broadcast_in_dim3A_338] : memref<800x32xf32, #tpu.memory_space<vmem>>[vector<16xi32>, vector<16xi32>], vector<16xf32>,
      %broadcast_in_dim3A_340 = arith.constant 17 : i32
      %broadcast_in_dim3A_341 = vector.broadcast %broadcast_in_dim3A_340 : i32 to vector<16xi32>
      %gather3A_342 = tpu.vector_load_idx %arg6[%add3A_290, %broadcast_in_dim3A_341] : memref<800x32xf32, #tpu.memory_space<vmem>>[vector<16xi32>, vector<16xi32>], vector<16xf32>,
      %broadcast_in_dim3A_343 = arith.constant 18 : i32
      %broadcast_in_dim3A_344 = vector.broadcast %broadcast_in_dim3A_343 : i32 to vector<16xi32>
      %gather3A_345 = tpu.vector_load_idx %arg6[%add3A_290, %broadcast_in_dim3A_344] : memref<800x32xf32, #tpu.memory_space<vmem>>[vector<16xi32>, vector<16xi32>], vector<16xf32>,
      %broadcast_in_dim3A_346 = arith.constant 19 : i32
      %broadcast_in_dim3A_347 = vector.broadcast %broadcast_in_dim3A_346 : i32 to vector<16xi32>
      %gather3A_348 = tpu.vector_load_idx %arg6[%add3A_290, %broadcast_in_dim3A_347] : memref<800x32xf32, #tpu.memory_space<vmem>>[vector<16xi32>, vector<16xi32>], vector<16xf32>,
      %broadcast_in_dim3A_349 = arith.constant 20 : i32
      %broadcast_in_dim3A_350 = vector.broadcast %broadcast_in_dim3A_349 : i32 to vector<16xi32>
      %gather3A_351 = tpu.vector_load_idx %arg6[%add3A_290, %broadcast_in_dim3A_350] : memref<800x32xf32, #tpu.memory_space<vmem>>[vector<16xi32>, vector<16xi32>], vector<16xf32>,
      %broadcast_in_dim3A_352 = arith.constant 21 : i32
      %broadcast_in_dim3A_353 = vector.broadcast %broadcast_in_dim3A_352 : i32 to vector<16xi32>
      %gather3A_354 = tpu.vector_load_idx %arg6[%add3A_290, %broadcast_in_dim3A_353] : memref<800x32xf32, #tpu.memory_space<vmem>>[vector<16xi32>, vector<16xi32>], vector<16xf32>,
      %broadcast_in_dim3A_355 = arith.constant 22 : i32
      %broadcast_in_dim3A_356 = vector.broadcast %broadcast_in_dim3A_355 : i32 to vector<16xi32>
      %gather3A_357 = tpu.vector_load_idx %arg6[%add3A_290, %broadcast_in_dim3A_356] : memref<800x32xf32, #tpu.memory_space<vmem>>[vector<16xi32>, vector<16xi32>], vector<16xf32>,
      %broadcast_in_dim3A_358 = arith.constant 23 : i32
      %broadcast_in_dim3A_359 = vector.broadcast %broadcast_in_dim3A_358 : i32 to vector<16xi32>
      %gather3A_360 = tpu.vector_load_idx %arg6[%add3A_290, %broadcast_in_dim3A_359] : memref<800x32xf32, #tpu.memory_space<vmem>>[vector<16xi32>, vector<16xi32>], vector<16xf32>,
      %broadcast_in_dim3A_361 = arith.constant 24 : i32
      %broadcast_in_dim3A_362 = vector.broadcast %broadcast_in_dim3A_361 : i32 to vector<16xi32>
      %gather3A_363 = tpu.vector_load_idx %arg6[%add3A_290, %broadcast_in_dim3A_362] : memref<800x32xf32, #tpu.memory_space<vmem>>[vector<16xi32>, vector<16xi32>], vector<16xf32>,
      %broadcast_in_dim3A_364 = arith.constant 25 : i32
      %broadcast_in_dim3A_365 = vector.broadcast %broadcast_in_dim3A_364 : i32 to vector<16xi32>
      %gather3A_366 = tpu.vector_load_idx %arg6[%add3A_290, %broadcast_in_dim3A_365] : memref<800x32xf32, #tpu.memory_space<vmem>>[vector<16xi32>, vector<16xi32>], vector<16xf32>,
      %broadcast_in_dim3A_367 = arith.constant 26 : i32
      %broadcast_in_dim3A_368 = vector.broadcast %broadcast_in_dim3A_367 : i32 to vector<16xi32>
      %gather3A_369 = tpu.vector_load_idx %arg6[%add3A_290, %broadcast_in_dim3A_368] : memref<800x32xf32, #tpu.memory_space<vmem>>[vector<16xi32>, vector<16xi32>], vector<16xf32>,
      %broadcast_in_dim3A_370 = arith.constant 27 : i32
      %broadcast_in_dim3A_371 = vector.broadcast %broadcast_in_dim3A_370 : i32 to vector<16xi32>
      %gather3A_372 = tpu.vector_load_idx %arg6[%add3A_290, %broadcast_in_dim3A_371] : memref<800x32xf32, #tpu.memory_space<vmem>>[vector<16xi32>, vector<16xi32>], vector<16xf32>,
      %broadcast_in_dim3A_373 = arith.constant 28 : i32
      %broadcast_in_dim3A_374 = vector.broadcast %broadcast_in_dim3A_373 : i32 to vector<16xi32>
      %gather3A_375 = tpu.vector_load_idx %arg6[%add3A_290, %broadcast_in_dim3A_374] : memref<800x32xf32, #tpu.memory_space<vmem>>[vector<16xi32>, vector<16xi32>], vector<16xf32>,
      %broadcast_in_dim3A_376 = arith.constant 29 : i32
      %broadcast_in_dim3A_377 = vector.broadcast %broadcast_in_dim3A_376 : i32 to vector<16xi32>
      %gather3A_378 = tpu.vector_load_idx %arg6[%add3A_290, %broadcast_in_dim3A_377] : memref<800x32xf32, #tpu.memory_space<vmem>>[vector<16xi32>, vector<16xi32>], vector<16xf32>,
      %broadcast_in_dim3A_379 = arith.constant 30 : i32
      %broadcast_in_dim3A_380 = vector.broadcast %broadcast_in_dim3A_379 : i32 to vector<16xi32>
      %gather3A_381 = tpu.vector_load_idx %arg6[%add3A_290, %broadcast_in_dim3A_380] : memref<800x32xf32, #tpu.memory_space<vmem>>[vector<16xi32>, vector<16xi32>], vector<16xf32>,
      %broadcast_in_dim3A_382 = arith.constant 31 : i32
      %broadcast_in_dim3A_383 = vector.broadcast %broadcast_in_dim3A_382 : i32 to vector<16xi32>
      %gather3A_384 = tpu.vector_load_idx %arg6[%add3A_290, %broadcast_in_dim3A_383] : memref<800x32xf32, #tpu.memory_space<vmem>>[vector<16xi32>, vector<16xi32>], vector<16xf32>,
      %swap3A = arith.constant 0 : i32
      %swap3A_385 = arith.constant 0 : i32
      %swap3A_386 = arith.index_cast %scan3A_288 : i32 to index
      %swap3A_387 = arith.index_cast %swap3A : i32 to index
      %swap3A_388 = arith.index_cast %swap3A_385 : i32 to index
      %swap3A_389 = arith.constant 0 : index
      %swap3A_390 = tpu.vector_load %arg8[%swap3A_386, %swap3A_387, %swap3A_388, %swap3A_389] {strides = array<i32>} : memref<50x4x8x32xf32, #tpu.memory_space<vmem>>, vector<16xf32>,
      tpu.vector_store %arg8[%swap3A_386, %swap3A_387, %swap3A_388, %swap3A_389], %gather3A {strides = array<i32>} : memref<50x4x8x32xf32, #tpu.memory_space<vmem>>, vector<16xf32>,
      %swap3A_391 = arith.constant 0 : i32
      %swap3A_392 = arith.constant 1 : i32
      %swap3A_393 = arith.index_cast %scan3A_288 : i32 to index
      %swap3A_394 = arith.index_cast %swap3A_391 : i32 to index
      %swap3A_395 = arith.index_cast %swap3A_392 : i32 to index
      %swap3A_396 = arith.constant 0 : index
      %swap3A_397 = tpu.vector_load %arg8[%swap3A_393, %swap3A_394, %swap3A_395, %swap3A_396] {strides = array<i32>} : memref<50x4x8x32xf32, #tpu.memory_space<vmem>>, vector<16xf32>,
      tpu.vector_store %arg8[%swap3A_393, %swap3A_394, %swap3A_395, %swap3A_396], %gather3A_294 {strides = array<i32>} : memref<50x4x8x32xf32, #tpu.memory_space<vmem>>, vector<16xf32>,
      %swap3A_398 = arith.constant 0 : i32
      %swap3A_399 = arith.constant 2 : i32
      %swap3A_400 = arith.index_cast %scan3A_288 : i32 to index
      %swap3A_401 = arith.index_cast %swap3A_398 : i32 to index
      %swap3A_402 = arith.index_cast %swap3A_399 : i32 to index
      %swap3A_403 = arith.constant 0 : index
      %swap3A_404 = tpu.vector_load %arg8[%swap3A_400, %swap3A_401, %swap3A_402, %swap3A_403] {strides = array<i32>} : memref<50x4x8x32xf32, #tpu.memory_space<vmem>>, vector<16xf32>,
      tpu.vector_store %arg8[%swap3A_400, %swap3A_401, %swap3A_402, %swap3A_403], %gather3A_297 {strides = array<i32>} : memref<50x4x8x32xf32, #tpu.memory_space<vmem>>, vector<16xf32>,
      %swap3A_405 = arith.constant 0 : i32
      %swap3A_406 = arith.constant 3 : i32
      %swap3A_407 = arith.index_cast %scan3A_288 : i32 to index
      %swap3A_408 = arith.index_cast %swap3A_405 : i32 to index
      %swap3A_409 = arith.index_cast %swap3A_406 : i32 to index
      %swap3A_410 = arith.constant 0 : index
      %swap3A_411 = tpu.vector_load %arg8[%swap3A_407, %swap3A_408, %swap3A_409, %swap3A_410] {strides = array<i32>} : memref<50x4x8x32xf32, #tpu.memory_space<vmem>>, vector<16xf32>,
      tpu.vector_store %arg8[%swap3A_407, %swap3A_408, %swap3A_409, %swap3A_410], %gather3A_300 {strides = array<i32>} : memref<50x4x8x32xf32, #tpu.memory_space<vmem>>, vector<16xf32>,
      %swap3A_412 = arith.constant 0 : i32
      %swap3A_413 = arith.constant 4 : i32
      %swap3A_414 = arith.index_cast %scan3A_288 : i32 to index
      %swap3A_415 = arith.index_cast %swap3A_412 : i32 to index
      %swap3A_416 = arith.index_cast %swap3A_413 : i32 to index
      %swap3A_417 = arith.constant 0 : index
      %swap3A_418 = tpu.vector_load %arg8[%swap3A_414, %swap3A_415, %swap3A_416, %swap3A_417] {strides = array<i32>} : memref<50x4x8x32xf32, #tpu.memory_space<vmem>>, vector<16xf32>,
      tpu.vector_store %arg8[%swap3A_414, %swap3A_415, %swap3A_416, %swap3A_417], %gather3A_303 {strides = array<i32>} : memref<50x4x8x32xf32, #tpu.memory_space<vmem>>, vector<16xf32>,
      %swap3A_419 = arith.constant 0 : i32
      %swap3A_420 = arith.constant 5 : i32
      %swap3A_421 = arith.index_cast %scan3A_288 : i32 to index
      %swap3A_422 = arith.index_cast %swap3A_419 : i32 to index
      %swap3A_423 = arith.index_cast %swap3A_420 : i32 to index
      %swap3A_424 = arith.constant 0 : index
      %swap3A_425 = tpu.vector_load %arg8[%swap3A_421, %swap3A_422, %swap3A_423, %swap3A_424] {strides = array<i32>} : memref<50x4x8x32xf32, #tpu.memory_space<vmem>>, vector<16xf32>,
      tpu.vector_store %arg8[%swap3A_421, %swap3A_422, %swap3A_423, %swap3A_424], %gather3A_306 {strides = array<i32>} : memref<50x4x8x32xf32, #tpu.memory_space<vmem>>, vector<16xf32>,
      %swap3A_426 = arith.constant 0 : i32
      %swap3A_427 = arith.constant 6 : i32
      %swap3A_428 = arith.index_cast %scan3A_288 : i32 to index
      %swap3A_429 = arith.index_cast %swap3A_426 : i32 to index
      %swap3A_430 = arith.index_cast %swap3A_427 : i32 to index
      %swap3A_431 = arith.constant 0 : index
      %swap3A_432 = tpu.vector_load %arg8[%swap3A_428, %swap3A_429, %swap3A_430, %swap3A_431] {strides = array<i32>} : memref<50x4x8x32xf32, #tpu.memory_space<vmem>>, vector<16xf32>,
      tpu.vector_store %arg8[%swap3A_428, %swap3A_429, %swap3A_430, %swap3A_431], %gather3A_309 {strides = array<i32>} : memref<50x4x8x32xf32, #tpu.memory_space<vmem>>, vector<16xf32>,
      %swap3A_433 = arith.constant 0 : i32
      %swap3A_434 = arith.constant 7 : i32
      %swap3A_435 = arith.index_cast %scan3A_288 : i32 to index
      %swap3A_436 = arith.index_cast %swap3A_433 : i32 to index
      %swap3A_437 = arith.index_cast %swap3A_434 : i32 to index
      %swap3A_438 = arith.constant 0 : index
      %swap3A_439 = tpu.vector_load %arg8[%swap3A_435, %swap3A_436, %swap3A_437, %swap3A_438] {strides = array<i32>} : memref<50x4x8x32xf32, #tpu.memory_space<vmem>>, vector<16xf32>,
      tpu.vector_store %arg8[%swap3A_435, %swap3A_436, %swap3A_437, %swap3A_438], %gather3A_312 {strides = array<i32>} : memref<50x4x8x32xf32, #tpu.memory_space<vmem>>, vector<16xf32>,
      %swap3A_440 = arith.constant 1 : i32
      %swap3A_441 = arith.constant 0 : i32
      %swap3A_442 = arith.index_cast %scan3A_288 : i32 to index
      %swap3A_443 = arith.index_cast %swap3A_440 : i32 to index
      %swap3A_444 = arith.index_cast %swap3A_441 : i32 to index
      %swap3A_445 = arith.constant 0 : index
      %swap3A_446 = tpu.vector_load %arg8[%swap3A_442, %swap3A_443, %swap3A_444, %swap3A_445] {strides = array<i32>} : memref<50x4x8x32xf32, #tpu.memory_space<vmem>>, vector<16xf32>,
      tpu.vector_store %arg8[%swap3A_442, %swap3A_443, %swap3A_444, %swap3A_445], %gather3A_315 {strides = array<i32>} : memref<50x4x8x32xf32, #tpu.memory_space<vmem>>, vector<16xf32>,
      %swap3A_447 = arith.constant 1 : i32
      %swap3A_448 = arith.constant 1 : i32
      %swap3A_449 = arith.index_cast %scan3A_288 : i32 to index
      %swap3A_450 = arith.index_cast %swap3A_447 : i32 to index
      %swap3A_451 = arith.index_cast %swap3A_448 : i32 to index
      %swap3A_452 = arith.constant 0 : index
      %swap3A_453 = tpu.vector_load %arg8[%swap3A_449, %swap3A_450, %swap3A_451, %swap3A_452] {strides = array<i32>} : memref<50x4x8x32xf32, #tpu.memory_space<vmem>>, vector<16xf32>,
      tpu.vector_store %arg8[%swap3A_449, %swap3A_450, %swap3A_451, %swap3A_452], %gather3A_318 {strides = array<i32>} : memref<50x4x8x32xf32, #tpu.memory_space<vmem>>, vector<16xf32>,
      %swap3A_454 = arith.constant 1 : i32
      %swap3A_455 = arith.constant 2 : i32
      %swap3A_456 = arith.index_cast %scan3A_288 : i32 to index
      %swap3A_457 = arith.index_cast %swap3A_454 : i32 to index
      %swap3A_458 = arith.index_cast %swap3A_455 : i32 to index
      %swap3A_459 = arith.constant 0 : index
      %swap3A_460 = tpu.vector_load %arg8[%swap3A_456, %swap3A_457, %swap3A_458, %swap3A_459] {strides = array<i32>} : memref<50x4x8x32xf32, #tpu.memory_space<vmem>>, vector<16xf32>,
      tpu.vector_store %arg8[%swap3A_456, %swap3A_457, %swap3A_458, %swap3A_459], %gather3A_321 {strides = array<i32>} : memref<50x4x8x32xf32, #tpu.memory_space<vmem>>, vector<16xf32>,
      %swap3A_461 = arith.constant 1 : i32
      %swap3A_462 = arith.constant 3 : i32
      %swap3A_463 = arith.index_cast %scan3A_288 : i32 to index
      %swap3A_464 = arith.index_cast %swap3A_461 : i32 to index
      %swap3A_465 = arith.index_cast %swap3A_462 : i32 to index
      %swap3A_466 = arith.constant 0 : index
      %swap3A_467 = tpu.vector_load %arg8[%swap3A_463, %swap3A_464, %swap3A_465, %swap3A_466] {strides = array<i32>} : memref<50x4x8x32xf32, #tpu.memory_space<vmem>>, vector<16xf32>,
      tpu.vector_store %arg8[%swap3A_463, %swap3A_464, %swap3A_465, %swap3A_466], %gather3A_324 {strides = array<i32>} : memref<50x4x8x32xf32, #tpu.memory_space<vmem>>, vector<16xf32>,
      %swap3A_468 = arith.constant 1 : i32
      %swap3A_469 = arith.constant 4 : i32
      %swap3A_470 = arith.index_cast %scan3A_288 : i32 to index
      %swap3A_471 = arith.index_cast %swap3A_468 : i32 to index
      %swap3A_472 = arith.index_cast %swap3A_469 : i32 to index
      %swap3A_473 = arith.constant 0 : index
      %swap3A_474 = tpu.vector_load %arg8[%swap3A_470, %swap3A_471, %swap3A_472, %swap3A_473] {strides = array<i32>} : memref<50x4x8x32xf32, #tpu.memory_space<vmem>>, vector<16xf32>,
      tpu.vector_store %arg8[%swap3A_470, %swap3A_471, %swap3A_472, %swap3A_473], %gather3A_327 {strides = array<i32>} : memref<50x4x8x32xf32, #tpu.memory_space<vmem>>, vector<16xf32>,
      %swap3A_475 = arith.constant 1 : i32
      %swap3A_476 = arith.constant 5 : i32
      %swap3A_477 = arith.index_cast %scan3A_288 : i32 to index
      %swap3A_478 = arith.index_cast %swap3A_475 : i32 to index
      %swap3A_479 = arith.index_cast %swap3A_476 : i32 to index
      %swap3A_480 = arith.constant 0 : index
      %swap3A_481 = tpu.vector_load %arg8[%swap3A_477, %swap3A_478, %swap3A_479, %swap3A_480] {strides = array<i32>} : memref<50x4x8x32xf32, #tpu.memory_space<vmem>>, vector<16xf32>,
      tpu.vector_store %arg8[%swap3A_477, %swap3A_478, %swap3A_479, %swap3A_480], %gather3A_330 {strides = array<i32>} : memref<50x4x8x32xf32, #tpu.memory_space<vmem>>, vector<16xf32>,
      %swap3A_482 = arith.constant 1 : i32
      %swap3A_483 = arith.constant 6 : i32
      %swap3A_484 = arith.index_cast %scan3A_288 : i32 to index
      %swap3A_485 = arith.index_cast %swap3A_482 : i32 to index
      %swap3A_486 = arith.index_cast %swap3A_483 : i32 to index
      %swap3A_487 = arith.constant 0 : index
      %swap3A_488 = tpu.vector_load %arg8[%swap3A_484, %swap3A_485, %swap3A_486, %swap3A_487] {strides = array<i32>} : memref<50x4x8x32xf32, #tpu.memory_space<vmem>>, vector<16xf32>,
      tpu.vector_store %arg8[%swap3A_484, %swap3A_485, %swap3A_486, %swap3A_487], %gather3A_333 {strides = array<i32>} : memref<50x4x8x32xf32, #tpu.memory_space<vmem>>, vector<16xf32>,
      %swap3A_489 = arith.constant 1 : i32
      %swap3A_490 = arith.constant 7 : i32
      %swap3A_491 = arith.index_cast %scan3A_288 : i32 to index
      %swap3A_492 = arith.index_cast %swap3A_489 : i32 to index
      %swap3A_493 = arith.index_cast %swap3A_490 : i32 to index
      %swap3A_494 = arith.constant 0 : index
      %swap3A_495 = tpu.vector_load %arg8[%swap3A_491, %swap3A_492, %swap3A_493, %swap3A_494] {strides = array<i32>} : memref<50x4x8x32xf32, #tpu.memory_space<vmem>>, vector<16xf32>,
      tpu.vector_store %arg8[%swap3A_491, %swap3A_492, %swap3A_493, %swap3A_494], %gather3A_336 {strides = array<i32>} : memref<50x4x8x32xf32, #tpu.memory_space<vmem>>, vector<16xf32>,
      %swap3A_496 = arith.constant 2 : i32
      %swap3A_497 = arith.constant 0 : i32
      %swap3A_498 = arith.index_cast %scan3A_288 : i32 to index
      %swap3A_499 = arith.index_cast %swap3A_496 : i32 to index
      %swap3A_500 = arith.index_cast %swap3A_497 : i32 to index
      %swap3A_501 = arith.constant 0 : index
      %swap3A_502 = tpu.vector_load %arg8[%swap3A_498, %swap3A_499, %swap3A_500, %swap3A_501] {strides = array<i32>} : memref<50x4x8x32xf32, #tpu.memory_space<vmem>>, vector<16xf32>,
      tpu.vector_store %arg8[%swap3A_498, %swap3A_499, %swap3A_500, %swap3A_501], %gather3A_339 {strides = array<i32>} : memref<50x4x8x32xf32, #tpu.memory_space<vmem>>, vector<16xf32>,
      %swap3A_503 = arith.constant 2 : i32
      %swap3A_504 = arith.constant 1 : i32
      %swap3A_505 = arith.index_cast %scan3A_288 : i32 to index
      %swap3A_506 = arith.index_cast %swap3A_503 : i32 to index
      %swap3A_507 = arith.index_cast %swap3A_504 : i32 to index
      %swap3A_508 = arith.constant 0 : index
      %swap3A_509 = tpu.vector_load %arg8[%swap3A_505, %swap3A_506, %swap3A_507, %swap3A_508] {strides = array<i32>} : memref<50x4x8x32xf32, #tpu.memory_space<vmem>>, vector<16xf32>,
      tpu.vector_store %arg8[%swap3A_505, %swap3A_506, %swap3A_507, %swap3A_508], %gather3A_342 {strides = array<i32>} : memref<50x4x8x32xf32, #tpu.memory_space<vmem>>, vector<16xf32>,
      %swap3A_510 = arith.constant 2 : i32
      %swap3A_511 = arith.constant 2 : i32
      %swap3A_512 = arith.index_cast %scan3A_288 : i32 to index
      %swap3A_513 = arith.index_cast %swap3A_510 : i32 to index
      %swap3A_514 = arith.index_cast %swap3A_511 : i32 to index
      %swap3A_515 = arith.constant 0 : index
      %swap3A_516 = tpu.vector_load %arg8[%swap3A_512, %swap3A_513, %swap3A_514, %swap3A_515] {strides = array<i32>} : memref<50x4x8x32xf32, #tpu.memory_space<vmem>>, vector<16xf32>,
      tpu.vector_store %arg8[%swap3A_512, %swap3A_513, %swap3A_514, %swap3A_515], %gather3A_345 {strides = array<i32>} : memref<50x4x8x32xf32, #tpu.memory_space<vmem>>, vector<16xf32>,
      %swap3A_517 = arith.constant 2 : i32
      %swap3A_518 = arith.constant 3 : i32
      %swap3A_519 = arith.index_cast %scan3A_288 : i32 to index
      %swap3A_520 = arith.index_cast %swap3A_517 : i32 to index
      %swap3A_521 = arith.index_cast %swap3A_518 : i32 to index
      %swap3A_522 = arith.constant 0 : index
      %swap3A_523 = tpu.vector_load %arg8[%swap3A_519, %swap3A_520, %swap3A_521, %swap3A_522] {strides = array<i32>} : memref<50x4x8x32xf32, #tpu.memory_space<vmem>>, vector<16xf32>,
      tpu.vector_store %arg8[%swap3A_519, %swap3A_520, %swap3A_521, %swap3A_522], %gather3A_348 {strides = array<i32>} : memref<50x4x8x32xf32, #tpu.memory_space<vmem>>, vector<16xf32>,
      %swap3A_524 = arith.constant 2 : i32
      %swap3A_525 = arith.constant 4 : i32
      %swap3A_526 = arith.index_cast %scan3A_288 : i32 to index
      %swap3A_527 = arith.index_cast %swap3A_524 : i32 to index
      %swap3A_528 = arith.index_cast %swap3A_525 : i32 to index
      %swap3A_529 = arith.constant 0 : index
      %swap3A_530 = tpu.vector_load %arg8[%swap3A_526, %swap3A_527, %swap3A_528, %swap3A_529] {strides = array<i32>} : memref<50x4x8x32xf32, #tpu.memory_space<vmem>>, vector<16xf32>,
      tpu.vector_store %arg8[%swap3A_526, %swap3A_527, %swap3A_528, %swap3A_529], %gather3A_351 {strides = array<i32>} : memref<50x4x8x32xf32, #tpu.memory_space<vmem>>, vector<16xf32>,
      %swap3A_531 = arith.constant 2 : i32
      %swap3A_532 = arith.constant 5 : i32
      %swap3A_533 = arith.index_cast %scan3A_288 : i32 to index
      %swap3A_534 = arith.index_cast %swap3A_531 : i32 to index
      %swap3A_535 = arith.index_cast %swap3A_532 : i32 to index
      %swap3A_536 = arith.constant 0 : index
      %swap3A_537 = tpu.vector_load %arg8[%swap3A_533, %swap3A_534, %swap3A_535, %swap3A_536] {strides = array<i32>} : memref<50x4x8x32xf32, #tpu.memory_space<vmem>>, vector<16xf32>,
      tpu.vector_store %arg8[%swap3A_533, %swap3A_534, %swap3A_535, %swap3A_536], %gather3A_354 {strides = array<i32>} : memref<50x4x8x32xf32, #tpu.memory_space<vmem>>, vector<16xf32>,
      %swap3A_538 = arith.constant 2 : i32
      %swap3A_539 = arith.constant 6 : i32
      %swap3A_540 = arith.index_cast %scan3A_288 : i32 to index
      %swap3A_541 = arith.index_cast %swap3A_538 : i32 to index
      %swap3A_542 = arith.index_cast %swap3A_539 : i32 to index
      %swap3A_543 = arith.constant 0 : index
      %swap3A_544 = tpu.vector_load %arg8[%swap3A_540, %swap3A_541, %swap3A_542, %swap3A_543] {strides = array<i32>} : memref<50x4x8x32xf32, #tpu.memory_space<vmem>>, vector<16xf32>,
      tpu.vector_store %arg8[%swap3A_540, %swap3A_541, %swap3A_542, %swap3A_543], %gather3A_357 {strides = array<i32>} : memref<50x4x8x32xf32, #tpu.memory_space<vmem>>, vector<16xf32>,
      %swap3A_545 = arith.constant 2 : i32
      %swap3A_546 = arith.constant 7 : i32
      %swap3A_547 = arith.index_cast %scan3A_288 : i32 to index
      %swap3A_548 = arith.index_cast %swap3A_545 : i32 to index
      %swap3A_549 = arith.index_cast %swap3A_546 : i32 to index
      %swap3A_550 = arith.constant 0 : index
      %swap3A_551 = tpu.vector_load %arg8[%swap3A_547, %swap3A_548, %swap3A_549, %swap3A_550] {strides = array<i32>} : memref<50x4x8x32xf32, #tpu.memory_space<vmem>>, vector<16xf32>,
      tpu.vector_store %arg8[%swap3A_547, %swap3A_548, %swap3A_549, %swap3A_550], %gather3A_360 {strides = array<i32>} : memref<50x4x8x32xf32, #tpu.memory_space<vmem>>, vector<16xf32>,
      %swap3A_552 = arith.constant 3 : i32
      %swap3A_553 = arith.constant 0 : i32
      %swap3A_554 = arith.index_cast %scan3A_288 : i32 to index
      %swap3A_555 = arith.index_cast %swap3A_552 : i32 to index
      %swap3A_556 = arith.index_cast %swap3A_553 : i32 to index
      %swap3A_557 = arith.constant 0 : index
      %swap3A_558 = tpu.vector_load %arg8[%swap3A_554, %swap3A_555, %swap3A_556, %swap3A_557] {strides = array<i32>} : memref<50x4x8x32xf32, #tpu.memory_space<vmem>>, vector<16xf32>,
      tpu.vector_store %arg8[%swap3A_554, %swap3A_555, %swap3A_556, %swap3A_557], %gather3A_363 {strides = array<i32>} : memref<50x4x8x32xf32, #tpu.memory_space<vmem>>, vector<16xf32>,
      %swap3A_559 = arith.constant 3 : i32
      %swap3A_560 = arith.constant 1 : i32
      %swap3A_561 = arith.index_cast %scan3A_288 : i32 to index
      %swap3A_562 = arith.index_cast %swap3A_559 : i32 to index
      %swap3A_563 = arith.index_cast %swap3A_560 : i32 to index
      %swap3A_564 = arith.constant 0 : index
      %swap3A_565 = tpu.vector_load %arg8[%swap3A_561, %swap3A_562, %swap3A_563, %swap3A_564] {strides = array<i32>} : memref<50x4x8x32xf32, #tpu.memory_space<vmem>>, vector<16xf32>,
      tpu.vector_store %arg8[%swap3A_561, %swap3A_562, %swap3A_563, %swap3A_564], %gather3A_366 {strides = array<i32>} : memref<50x4x8x32xf32, #tpu.memory_space<vmem>>, vector<16xf32>,
      %swap3A_566 = arith.constant 3 : i32
      %swap3A_567 = arith.constant 2 : i32
      %swap3A_568 = arith.index_cast %scan3A_288 : i32 to index
      %swap3A_569 = arith.index_cast %swap3A_566 : i32 to index
      %swap3A_570 = arith.index_cast %swap3A_567 : i32 to index
      %swap3A_571 = arith.constant 0 : index
      %swap3A_572 = tpu.vector_load %arg8[%swap3A_568, %swap3A_569, %swap3A_570, %swap3A_571] {strides = array<i32>} : memref<50x4x8x32xf32, #tpu.memory_space<vmem>>, vector<16xf32>,
      tpu.vector_store %arg8[%swap3A_568, %swap3A_569, %swap3A_570, %swap3A_571], %gather3A_369 {strides = array<i32>} : memref<50x4x8x32xf32, #tpu.memory_space<vmem>>, vector<16xf32>,
      %swap3A_573 = arith.constant 3 : i32
      %swap3A_574 = arith.constant 3 : i32
      %swap3A_575 = arith.index_cast %scan3A_288 : i32 to index
      %swap3A_576 = arith.index_cast %swap3A_573 : i32 to index
      %swap3A_577 = arith.index_cast %swap3A_574 : i32 to index
      %swap3A_578 = arith.constant 0 : index
      %swap3A_579 = tpu.vector_load %arg8[%swap3A_575, %swap3A_576, %swap3A_577, %swap3A_578] {strides = array<i32>} : memref<50x4x8x32xf32, #tpu.memory_space<vmem>>, vector<16xf32>,
      tpu.vector_store %arg8[%swap3A_575, %swap3A_576, %swap3A_577, %swap3A_578], %gather3A_372 {strides = array<i32>} : memref<50x4x8x32xf32, #tpu.memory_space<vmem>>, vector<16xf32>,
      %swap3A_580 = arith.constant 3 : i32
      %swap3A_581 = arith.constant 4 : i32
      %swap3A_582 = arith.index_cast %scan3A_288 : i32 to index
      %swap3A_583 = arith.index_cast %swap3A_580 : i32 to index
      %swap3A_584 = arith.index_cast %swap3A_581 : i32 to index
      %swap3A_585 = arith.constant 0 : index
      %swap3A_586 = tpu.vector_load %arg8[%swap3A_582, %swap3A_583, %swap3A_584, %swap3A_585] {strides = array<i32>} : memref<50x4x8x32xf32, #tpu.memory_space<vmem>>, vector<16xf32>,
      tpu.vector_store %arg8[%swap3A_582, %swap3A_583, %swap3A_584, %swap3A_585], %gather3A_375 {strides = array<i32>} : memref<50x4x8x32xf32, #tpu.memory_space<vmem>>, vector<16xf32>,
      %swap3A_587 = arith.constant 3 : i32
      %swap3A_588 = arith.constant 5 : i32
      %swap3A_589 = arith.index_cast %scan3A_288 : i32 to index
      %swap3A_590 = arith.index_cast %swap3A_587 : i32 to index
      %swap3A_591 = arith.index_cast %swap3A_588 : i32 to index
      %swap3A_592 = arith.constant 0 : index
      %swap3A_593 = tpu.vector_load %arg8[%swap3A_589, %swap3A_590, %swap3A_591, %swap3A_592] {strides = array<i32>} : memref<50x4x8x32xf32, #tpu.memory_space<vmem>>, vector<16xf32>,
      tpu.vector_store %arg8[%swap3A_589, %swap3A_590, %swap3A_591, %swap3A_592], %gather3A_378 {strides = array<i32>} : memref<50x4x8x32xf32, #tpu.memory_space<vmem>>, vector<16xf32>,
      %swap3A_594 = arith.constant 3 : i32
      %swap3A_595 = arith.constant 6 : i32
      %swap3A_596 = arith.index_cast %scan3A_288 : i32 to index
      %swap3A_597 = arith.index_cast %swap3A_594 : i32 to index
      %swap3A_598 = arith.index_cast %swap3A_595 : i32 to index
      %swap3A_599 = arith.constant 0 : index
      %swap3A_600 = tpu.vector_load %arg8[%swap3A_596, %swap3A_597, %swap3A_598, %swap3A_599] {strides = array<i32>} : memref<50x4x8x32xf32, #tpu.memory_space<vmem>>, vector<16xf32>,
      tpu.vector_store %arg8[%swap3A_596, %swap3A_597, %swap3A_598, %swap3A_599], %gather3A_381 {strides = array<i32>} : memref<50x4x8x32xf32, #tpu.memory_space<vmem>>, vector<16xf32>,
      %swap3A_601 = arith.constant 3 : i32
      %swap3A_602 = arith.constant 7 : i32
      %swap3A_603 = arith.index_cast %scan3A_288 : i32 to index
      %swap3A_604 = arith.index_cast %swap3A_601 : i32 to index
      %swap3A_605 = arith.index_cast %swap3A_602 : i32 to index
      %swap3A_606 = arith.constant 0 : index
      %swap3A_607 = tpu.vector_load %arg8[%swap3A_603, %swap3A_604, %swap3A_605, %swap3A_606] {strides = array<i32>} : memref<50x4x8x32xf32, #tpu.memory_space<vmem>>, vector<16xf32>,
      tpu.vector_store %arg8[%swap3A_603, %swap3A_604, %swap3A_605, %swap3A_606], %gather3A_384 {strides = array<i32>} : memref<50x4x8x32xf32, #tpu.memory_space<vmem>>, vector<16xf32>,
    }
    %scan3A_167 = arith.constant 50 : i32
    %multiple_of3A_168 = arith.constant 24800 : i32
    %multiple_of3A_169 = tpu.assume_multiple %multiple_of3A_168, 8 : i32
    %dma_wait3A_170 = tpu.memref_slice %arg5[%multiple_of3A_169] : memref<25600xi32, #tpu.memory_space<vmem>> -> memref<800xi32, #tpu.memory_space<vmem>>
    %dma_wait3A_171 = arith.constant 0 : i32
    %dma_wait3A_172 = arith.constant 0 : i32
    %dma_wait3A_173 = tpu.memref_slice %arg3[%dma_wait3A_171, %dma_wait3A_172] : memref<1000000x32xf32, #tpu.memory_space<hbm>> -> memref<1000000x32xf32, #tpu.memory_space<hbm>>
    tpu.wait_indirect_dma semaphore(%arg10 : memref<!tpu.dma_semaphore, #tpu.memory_space<semaphore_mem>>) src(%dma_wait3A_173 : memref<1000000x32xf32, #tpu.memory_space<hbm>>) dst(%arg7 : memref<800x32xf32, #tpu.memory_space<vmem>>)
    %scan3A_174 = arith.constant 0 : i32
    %scan3A_175 = arith.constant 0 : i32
    %scan3A_176 = arith.constant 50 : i32
    %scan3A_177 = arith.addi %scan3A_175, %scan3A_176 : i32
    %scan3A_178 = arith.constant 1 : i32
    scf.for %scan3A_288 = %scan3A_175 to %scan3A_177 step %scan3A_178  : i32 {
      %add3A_289 = vector.broadcast %scan3A_288 : i32 to vector<16xi32>
      %add3A_290 = arith.addi %mul3A_7, %add3A_289 : vector<16xi32>
      %broadcast_in_dim3A = arith.constant 0 : i32
      %broadcast_in_dim3A_291 = vector.broadcast %broadcast_in_dim3A : i32 to vector<16xi32>
      %gather3A = tpu.vector_load_idx %arg7[%add3A_290, %broadcast_in_dim3A_291] : memref<800x32xf32, #tpu.memory_space<vmem>>[vector<16xi32>, vector<16xi32>], vector<16xf32>,
      %broadcast_in_dim3A_292 = arith.constant 1 : i32
      %broadcast_in_dim3A_293 = vector.broadcast %broadcast_in_dim3A_292 : i32 to vector<16xi32>
      %gather3A_294 = tpu.vector_load_idx %arg7[%add3A_290, %broadcast_in_dim3A_293] : memref<800x32xf32, #tpu.memory_space<vmem>>[vector<16xi32>, vector<16xi32>], vector<16xf32>,
      %broadcast_in_dim3A_295 = arith.constant 2 : i32
      %broadcast_in_dim3A_296 = vector.broadcast %broadcast_in_dim3A_295 : i32 to vector<16xi32>
      %gather3A_297 = tpu.vector_load_idx %arg7[%add3A_290, %broadcast_in_dim3A_296] : memref<800x32xf32, #tpu.memory_space<vmem>>[vector<16xi32>, vector<16xi32>], vector<16xf32>,
      %broadcast_in_dim3A_298 = arith.constant 3 : i32
      %broadcast_in_dim3A_299 = vector.broadcast %broadcast_in_dim3A_298 : i32 to vector<16xi32>
      %gather3A_300 = tpu.vector_load_idx %arg7[%add3A_290, %broadcast_in_dim3A_299] : memref<800x32xf32, #tpu.memory_space<vmem>>[vector<16xi32>, vector<16xi32>], vector<16xf32>,
      %broadcast_in_dim3A_301 = arith.constant 4 : i32
      %broadcast_in_dim3A_302 = vector.broadcast %broadcast_in_dim3A_301 : i32 to vector<16xi32>
      %gather3A_303 = tpu.vector_load_idx %arg7[%add3A_290, %broadcast_in_dim3A_302] : memref<800x32xf32, #tpu.memory_space<vmem>>[vector<16xi32>, vector<16xi32>], vector<16xf32>,
      %broadcast_in_dim3A_304 = arith.constant 5 : i32
      %broadcast_in_dim3A_305 = vector.broadcast %broadcast_in_dim3A_304 : i32 to vector<16xi32>
      %gather3A_306 = tpu.vector_load_idx %arg7[%add3A_290, %broadcast_in_dim3A_305] : memref<800x32xf32, #tpu.memory_space<vmem>>[vector<16xi32>, vector<16xi32>], vector<16xf32>,
      %broadcast_in_dim3A_307 = arith.constant 6 : i32
      %broadcast_in_dim3A_308 = vector.broadcast %broadcast_in_dim3A_307 : i32 to vector<16xi32>
      %gather3A_309 = tpu.vector_load_idx %arg7[%add3A_290, %broadcast_in_dim3A_308] : memref<800x32xf32, #tpu.memory_space<vmem>>[vector<16xi32>, vector<16xi32>], vector<16xf32>,
      %broadcast_in_dim3A_310 = arith.constant 7 : i32
      %broadcast_in_dim3A_311 = vector.broadcast %broadcast_in_dim3A_310 : i32 to vector<16xi32>
      %gather3A_312 = tpu.vector_load_idx %arg7[%add3A_290, %broadcast_in_dim3A_311] : memref<800x32xf32, #tpu.memory_space<vmem>>[vector<16xi32>, vector<16xi32>], vector<16xf32>,
      %broadcast_in_dim3A_313 = arith.constant 8 : i32
      %broadcast_in_dim3A_314 = vector.broadcast %broadcast_in_dim3A_313 : i32 to vector<16xi32>
      %gather3A_315 = tpu.vector_load_idx %arg7[%add3A_290, %broadcast_in_dim3A_314] : memref<800x32xf32, #tpu.memory_space<vmem>>[vector<16xi32>, vector<16xi32>], vector<16xf32>,
      %broadcast_in_dim3A_316 = arith.constant 9 : i32
      %broadcast_in_dim3A_317 = vector.broadcast %broadcast_in_dim3A_316 : i32 to vector<16xi32>
      %gather3A_318 = tpu.vector_load_idx %arg7[%add3A_290, %broadcast_in_dim3A_317] : memref<800x32xf32, #tpu.memory_space<vmem>>[vector<16xi32>, vector<16xi32>], vector<16xf32>,
      %broadcast_in_dim3A_319 = arith.constant 10 : i32
      %broadcast_in_dim3A_320 = vector.broadcast %broadcast_in_dim3A_319 : i32 to vector<16xi32>
      %gather3A_321 = tpu.vector_load_idx %arg7[%add3A_290, %broadcast_in_dim3A_320] : memref<800x32xf32, #tpu.memory_space<vmem>>[vector<16xi32>, vector<16xi32>], vector<16xf32>,
      %broadcast_in_dim3A_322 = arith.constant 11 : i32
      %broadcast_in_dim3A_323 = vector.broadcast %broadcast_in_dim3A_322 : i32 to vector<16xi32>
      %gather3A_324 = tpu.vector_load_idx %arg7[%add3A_290, %broadcast_in_dim3A_323] : memref<800x32xf32, #tpu.memory_space<vmem>>[vector<16xi32>, vector<16xi32>], vector<16xf32>,
      %broadcast_in_dim3A_325 = arith.constant 12 : i32
      %broadcast_in_dim3A_326 = vector.broadcast %broadcast_in_dim3A_325 : i32 to vector<16xi32>
      %gather3A_327 = tpu.vector_load_idx %arg7[%add3A_290, %broadcast_in_dim3A_326] : memref<800x32xf32, #tpu.memory_space<vmem>>[vector<16xi32>, vector<16xi32>], vector<16xf32>,
      %broadcast_in_dim3A_328 = arith.constant 13 : i32
      %broadcast_in_dim3A_329 = vector.broadcast %broadcast_in_dim3A_328 : i32 to vector<16xi32>
      %gather3A_330 = tpu.vector_load_idx %arg7[%add3A_290, %broadcast_in_dim3A_329] : memref<800x32xf32, #tpu.memory_space<vmem>>[vector<16xi32>, vector<16xi32>], vector<16xf32>,
      %broadcast_in_dim3A_331 = arith.constant 14 : i32
      %broadcast_in_dim3A_332 = vector.broadcast %broadcast_in_dim3A_331 : i32 to vector<16xi32>
      %gather3A_333 = tpu.vector_load_idx %arg7[%add3A_290, %broadcast_in_dim3A_332] : memref<800x32xf32, #tpu.memory_space<vmem>>[vector<16xi32>, vector<16xi32>], vector<16xf32>,
      %broadcast_in_dim3A_334 = arith.constant 15 : i32
      %broadcast_in_dim3A_335 = vector.broadcast %broadcast_in_dim3A_334 : i32 to vector<16xi32>
      %gather3A_336 = tpu.vector_load_idx %arg7[%add3A_290, %broadcast_in_dim3A_335] : memref<800x32xf32, #tpu.memory_space<vmem>>[vector<16xi32>, vector<16xi32>], vector<16xf32>,
      %broadcast_in_dim3A_337 = arith.constant 16 : i32
      %broadcast_in_dim3A_338 = vector.broadcast %broadcast_in_dim3A_337 : i32 to vector<16xi32>
      %gather3A_339 = tpu.vector_load_idx %arg7[%add3A_290, %broadcast_in_dim3A_338] : memref<800x32xf32, #tpu.memory_space<vmem>>[vector<16xi32>, vector<16xi32>], vector<16xf32>,
      %broadcast_in_dim3A_340 = arith.constant 17 : i32
      %broadcast_in_dim3A_341 = vector.broadcast %broadcast_in_dim3A_340 : i32 to vector<16xi32>
      %gather3A_342 = tpu.vector_load_idx %arg7[%add3A_290, %broadcast_in_dim3A_341] : memref<800x32xf32, #tpu.memory_space<vmem>>[vector<16xi32>, vector<16xi32>], vector<16xf32>,
      %broadcast_in_dim3A_343 = arith.constant 18 : i32
      %broadcast_in_dim3A_344 = vector.broadcast %broadcast_in_dim3A_343 : i32 to vector<16xi32>
      %gather3A_345 = tpu.vector_load_idx %arg7[%add3A_290, %broadcast_in_dim3A_344] : memref<800x32xf32, #tpu.memory_space<vmem>>[vector<16xi32>, vector<16xi32>], vector<16xf32>,
      %broadcast_in_dim3A_346 = arith.constant 19 : i32
      %broadcast_in_dim3A_347 = vector.broadcast %broadcast_in_dim3A_346 : i32 to vector<16xi32>
      %gather3A_348 = tpu.vector_load_idx %arg7[%add3A_290, %broadcast_in_dim3A_347] : memref<800x32xf32, #tpu.memory_space<vmem>>[vector<16xi32>, vector<16xi32>], vector<16xf32>,
      %broadcast_in_dim3A_349 = arith.constant 20 : i32
      %broadcast_in_dim3A_350 = vector.broadcast %broadcast_in_dim3A_349 : i32 to vector<16xi32>
      %gather3A_351 = tpu.vector_load_idx %arg7[%add3A_290, %broadcast_in_dim3A_350] : memref<800x32xf32, #tpu.memory_space<vmem>>[vector<16xi32>, vector<16xi32>], vector<16xf32>,
      %broadcast_in_dim3A_352 = arith.constant 21 : i32
      %broadcast_in_dim3A_353 = vector.broadcast %broadcast_in_dim3A_352 : i32 to vector<16xi32>
      %gather3A_354 = tpu.vector_load_idx %arg7[%add3A_290, %broadcast_in_dim3A_353] : memref<800x32xf32, #tpu.memory_space<vmem>>[vector<16xi32>, vector<16xi32>], vector<16xf32>,
      %broadcast_in_dim3A_355 = arith.constant 22 : i32
      %broadcast_in_dim3A_356 = vector.broadcast %broadcast_in_dim3A_355 : i32 to vector<16xi32>
      %gather3A_357 = tpu.vector_load_idx %arg7[%add3A_290, %broadcast_in_dim3A_356] : memref<800x32xf32, #tpu.memory_space<vmem>>[vector<16xi32>, vector<16xi32>], vector<16xf32>,
      %broadcast_in_dim3A_358 = arith.constant 23 : i32
      %broadcast_in_dim3A_359 = vector.broadcast %broadcast_in_dim3A_358 : i32 to vector<16xi32>
      %gather3A_360 = tpu.vector_load_idx %arg7[%add3A_290, %broadcast_in_dim3A_359] : memref<800x32xf32, #tpu.memory_space<vmem>>[vector<16xi32>, vector<16xi32>], vector<16xf32>,
      %broadcast_in_dim3A_361 = arith.constant 24 : i32
      %broadcast_in_dim3A_362 = vector.broadcast %broadcast_in_dim3A_361 : i32 to vector<16xi32>
      %gather3A_363 = tpu.vector_load_idx %arg7[%add3A_290, %broadcast_in_dim3A_362] : memref<800x32xf32, #tpu.memory_space<vmem>>[vector<16xi32>, vector<16xi32>], vector<16xf32>,
      %broadcast_in_dim3A_364 = arith.constant 25 : i32
      %broadcast_in_dim3A_365 = vector.broadcast %broadcast_in_dim3A_364 : i32 to vector<16xi32>
      %gather3A_366 = tpu.vector_load_idx %arg7[%add3A_290, %broadcast_in_dim3A_365] : memref<800x32xf32, #tpu.memory_space<vmem>>[vector<16xi32>, vector<16xi32>], vector<16xf32>,
      %broadcast_in_dim3A_367 = arith.constant 26 : i32
      %broadcast_in_dim3A_368 = vector.broadcast %broadcast_in_dim3A_367 : i32 to vector<16xi32>
      %gather3A_369 = tpu.vector_load_idx %arg7[%add3A_290, %broadcast_in_dim3A_368] : memref<800x32xf32, #tpu.memory_space<vmem>>[vector<16xi32>, vector<16xi32>], vector<16xf32>,
      %broadcast_in_dim3A_370 = arith.constant 27 : i32
      %broadcast_in_dim3A_371 = vector.broadcast %broadcast_in_dim3A_370 : i32 to vector<16xi32>
      %gather3A_372 = tpu.vector_load_idx %arg7[%add3A_290, %broadcast_in_dim3A_371] : memref<800x32xf32, #tpu.memory_space<vmem>>[vector<16xi32>, vector<16xi32>], vector<16xf32>,
      %broadcast_in_dim3A_373 = arith.constant 28 : i32
      %broadcast_in_dim3A_374 = vector.broadcast %broadcast_in_dim3A_373 : i32 to vector<16xi32>
      %gather3A_375 = tpu.vector_load_idx %arg7[%add3A_290, %broadcast_in_dim3A_374] : memref<800x32xf32, #tpu.memory_space<vmem>>[vector<16xi32>, vector<16xi32>], vector<16xf32>,
      %broadcast_in_dim3A_376 = arith.constant 29 : i32
      %broadcast_in_dim3A_377 = vector.broadcast %broadcast_in_dim3A_376 : i32 to vector<16xi32>
      %gather3A_378 = tpu.vector_load_idx %arg7[%add3A_290, %broadcast_in_dim3A_377] : memref<800x32xf32, #tpu.memory_space<vmem>>[vector<16xi32>, vector<16xi32>], vector<16xf32>,
      %broadcast_in_dim3A_379 = arith.constant 30 : i32
      %broadcast_in_dim3A_380 = vector.broadcast %broadcast_in_dim3A_379 : i32 to vector<16xi32>
      %gather3A_381 = tpu.vector_load_idx %arg7[%add3A_290, %broadcast_in_dim3A_380] : memref<800x32xf32, #tpu.memory_space<vmem>>[vector<16xi32>, vector<16xi32>], vector<16xf32>,
      %broadcast_in_dim3A_382 = arith.constant 31 : i32
      %broadcast_in_dim3A_383 = vector.broadcast %broadcast_in_dim3A_382 : i32 to vector<16xi32>
      %gather3A_384 = tpu.vector_load_idx %arg7[%add3A_290, %broadcast_in_dim3A_383] : memref<800x32xf32, #tpu.memory_space<vmem>>[vector<16xi32>, vector<16xi32>], vector<16xf32>,
      %swap3A = arith.constant 0 : i32
      %swap3A_385 = arith.constant 0 : i32
      %swap3A_386 = arith.index_cast %scan3A_288 : i32 to index
      %swap3A_387 = arith.index_cast %swap3A : i32 to index
      %swap3A_388 = arith.index_cast %swap3A_385 : i32 to index
      %swap3A_389 = arith.constant 16 : index
      %swap3A_390 = tpu.vector_load %arg8[%swap3A_386, %swap3A_387, %swap3A_388, %swap3A_389] {strides = array<i32>} : memref<50x4x8x32xf32, #tpu.memory_space<vmem>>, vector<16xf32>,
      tpu.vector_store %arg8[%swap3A_386, %swap3A_387, %swap3A_388, %swap3A_389], %gather3A {strides = array<i32>} : memref<50x4x8x32xf32, #tpu.memory_space<vmem>>, vector<16xf32>,
      %swap3A_391 = arith.constant 0 : i32
      %swap3A_392 = arith.constant 1 : i32
      %swap3A_393 = arith.index_cast %scan3A_288 : i32 to index
      %swap3A_394 = arith.index_cast %swap3A_391 : i32 to index
      %swap3A_395 = arith.index_cast %swap3A_392 : i32 to index
      %swap3A_396 = arith.constant 16 : index
      %swap3A_397 = tpu.vector_load %arg8[%swap3A_393, %swap3A_394, %swap3A_395, %swap3A_396] {strides = array<i32>} : memref<50x4x8x32xf32, #tpu.memory_space<vmem>>, vector<16xf32>,
      tpu.vector_store %arg8[%swap3A_393, %swap3A_394, %swap3A_395, %swap3A_396], %gather3A_294 {strides = array<i32>} : memref<50x4x8x32xf32, #tpu.memory_space<vmem>>, vector<16xf32>,
      %swap3A_398 = arith.constant 0 : i32
      %swap3A_399 = arith.constant 2 : i32
      %swap3A_400 = arith.index_cast %scan3A_288 : i32 to index
      %swap3A_401 = arith.index_cast %swap3A_398 : i32 to index
      %swap3A_402 = arith.index_cast %swap3A_399 : i32 to index
      %swap3A_403 = arith.constant 16 : index
      %swap3A_404 = tpu.vector_load %arg8[%swap3A_400, %swap3A_401, %swap3A_402, %swap3A_403] {strides = array<i32>} : memref<50x4x8x32xf32, #tpu.memory_space<vmem>>, vector<16xf32>,
      tpu.vector_store %arg8[%swap3A_400, %swap3A_401, %swap3A_402, %swap3A_403], %gather3A_297 {strides = array<i32>} : memref<50x4x8x32xf32, #tpu.memory_space<vmem>>, vector<16xf32>,
      %swap3A_405 = arith.constant 0 : i32
      %swap3A_406 = arith.constant 3 : i32
      %swap3A_407 = arith.index_cast %scan3A_288 : i32 to index
      %swap3A_408 = arith.index_cast %swap3A_405 : i32 to index
      %swap3A_409 = arith.index_cast %swap3A_406 : i32 to index
      %swap3A_410 = arith.constant 16 : index
      %swap3A_411 = tpu.vector_load %arg8[%swap3A_407, %swap3A_408, %swap3A_409, %swap3A_410] {strides = array<i32>} : memref<50x4x8x32xf32, #tpu.memory_space<vmem>>, vector<16xf32>,
      tpu.vector_store %arg8[%swap3A_407, %swap3A_408, %swap3A_409, %swap3A_410], %gather3A_300 {strides = array<i32>} : memref<50x4x8x32xf32, #tpu.memory_space<vmem>>, vector<16xf32>,
      %swap3A_412 = arith.constant 0 : i32
      %swap3A_413 = arith.constant 4 : i32
      %swap3A_414 = arith.index_cast %scan3A_288 : i32 to index
      %swap3A_415 = arith.index_cast %swap3A_412 : i32 to index
      %swap3A_416 = arith.index_cast %swap3A_413 : i32 to index
      %swap3A_417 = arith.constant 16 : index
      %swap3A_418 = tpu.vector_load %arg8[%swap3A_414, %swap3A_415, %swap3A_416, %swap3A_417] {strides = array<i32>} : memref<50x4x8x32xf32, #tpu.memory_space<vmem>>, vector<16xf32>,
      tpu.vector_store %arg8[%swap3A_414, %swap3A_415, %swap3A_416, %swap3A_417], %gather3A_303 {strides = array<i32>} : memref<50x4x8x32xf32, #tpu.memory_space<vmem>>, vector<16xf32>,
      %swap3A_419 = arith.constant 0 : i32
      %swap3A_420 = arith.constant 5 : i32
      %swap3A_421 = arith.index_cast %scan3A_288 : i32 to index
      %swap3A_422 = arith.index_cast %swap3A_419 : i32 to index
      %swap3A_423 = arith.index_cast %swap3A_420 : i32 to index
      %swap3A_424 = arith.constant 16 : index
      %swap3A_425 = tpu.vector_load %arg8[%swap3A_421, %swap3A_422, %swap3A_423, %swap3A_424] {strides = array<i32>} : memref<50x4x8x32xf32, #tpu.memory_space<vmem>>, vector<16xf32>,
      tpu.vector_store %arg8[%swap3A_421, %swap3A_422, %swap3A_423, %swap3A_424], %gather3A_306 {strides = array<i32>} : memref<50x4x8x32xf32, #tpu.memory_space<vmem>>, vector<16xf32>,
      %swap3A_426 = arith.constant 0 : i32
      %swap3A_427 = arith.constant 6 : i32
      %swap3A_428 = arith.index_cast %scan3A_288 : i32 to index
      %swap3A_429 = arith.index_cast %swap3A_426 : i32 to index
      %swap3A_430 = arith.index_cast %swap3A_427 : i32 to index
      %swap3A_431 = arith.constant 16 : index
      %swap3A_432 = tpu.vector_load %arg8[%swap3A_428, %swap3A_429, %swap3A_430, %swap3A_431] {strides = array<i32>} : memref<50x4x8x32xf32, #tpu.memory_space<vmem>>, vector<16xf32>,
      tpu.vector_store %arg8[%swap3A_428, %swap3A_429, %swap3A_430, %swap3A_431], %gather3A_309 {strides = array<i32>} : memref<50x4x8x32xf32, #tpu.memory_space<vmem>>, vector<16xf32>,
      %swap3A_433 = arith.constant 0 : i32
      %swap3A_434 = arith.constant 7 : i32
      %swap3A_435 = arith.index_cast %scan3A_288 : i32 to index
      %swap3A_436 = arith.index_cast %swap3A_433 : i32 to index
      %swap3A_437 = arith.index_cast %swap3A_434 : i32 to index
      %swap3A_438 = arith.constant 16 : index
      %swap3A_439 = tpu.vector_load %arg8[%swap3A_435, %swap3A_436, %swap3A_437, %swap3A_438] {strides = array<i32>} : memref<50x4x8x32xf32, #tpu.memory_space<vmem>>, vector<16xf32>,
      tpu.vector_store %arg8[%swap3A_435, %swap3A_436, %swap3A_437, %swap3A_438], %gather3A_312 {strides = array<i32>} : memref<50x4x8x32xf32, #tpu.memory_space<vmem>>, vector<16xf32>,
      %swap3A_440 = arith.constant 1 : i32
      %swap3A_441 = arith.constant 0 : i32
      %swap3A_442 = arith.index_cast %scan3A_288 : i32 to index
      %swap3A_443 = arith.index_cast %swap3A_440 : i32 to index
      %swap3A_444 = arith.index_cast %swap3A_441 : i32 to index
      %swap3A_445 = arith.constant 16 : index
      %swap3A_446 = tpu.vector_load %arg8[%swap3A_442, %swap3A_443, %swap3A_444, %swap3A_445] {strides = array<i32>} : memref<50x4x8x32xf32, #tpu.memory_space<vmem>>, vector<16xf32>,
      tpu.vector_store %arg8[%swap3A_442, %swap3A_443, %swap3A_444, %swap3A_445], %gather3A_315 {strides = array<i32>} : memref<50x4x8x32xf32, #tpu.memory_space<vmem>>, vector<16xf32>,
      %swap3A_447 = arith.constant 1 : i32
      %swap3A_448 = arith.constant 1 : i32
      %swap3A_449 = arith.index_cast %scan3A_288 : i32 to index
      %swap3A_450 = arith.index_cast %swap3A_447 : i32 to index
      %swap3A_451 = arith.index_cast %swap3A_448 : i32 to index
      %swap3A_452 = arith.constant 16 : index
      %swap3A_453 = tpu.vector_load %arg8[%swap3A_449, %swap3A_450, %swap3A_451, %swap3A_452] {strides = array<i32>} : memref<50x4x8x32xf32, #tpu.memory_space<vmem>>, vector<16xf32>,
      tpu.vector_store %arg8[%swap3A_449, %swap3A_450, %swap3A_451, %swap3A_452], %gather3A_318 {strides = array<i32>} : memref<50x4x8x32xf32, #tpu.memory_space<vmem>>, vector<16xf32>,
      %swap3A_454 = arith.constant 1 : i32
      %swap3A_455 = arith.constant 2 : i32
      %swap3A_456 = arith.index_cast %scan3A_288 : i32 to index
      %swap3A_457 = arith.index_cast %swap3A_454 : i32 to index
      %swap3A_458 = arith.index_cast %swap3A_455 : i32 to index
      %swap3A_459 = arith.constant 16 : index
      %swap3A_460 = tpu.vector_load %arg8[%swap3A_456, %swap3A_457, %swap3A_458, %swap3A_459] {strides = array<i32>} : memref<50x4x8x32xf32, #tpu.memory_space<vmem>>, vector<16xf32>,
      tpu.vector_store %arg8[%swap3A_456, %swap3A_457, %swap3A_458, %swap3A_459], %gather3A_321 {strides = array<i32>} : memref<50x4x8x32xf32, #tpu.memory_space<vmem>>, vector<16xf32>,
      %swap3A_461 = arith.constant 1 : i32
      %swap3A_462 = arith.constant 3 : i32
      %swap3A_463 = arith.index_cast %scan3A_288 : i32 to index
      %swap3A_464 = arith.index_cast %swap3A_461 : i32 to index
      %swap3A_465 = arith.index_cast %swap3A_462 : i32 to index
      %swap3A_466 = arith.constant 16 : index
      %swap3A_467 = tpu.vector_load %arg8[%swap3A_463, %swap3A_464, %swap3A_465, %swap3A_466] {strides = array<i32>} : memref<50x4x8x32xf32, #tpu.memory_space<vmem>>, vector<16xf32>,
      tpu.vector_store %arg8[%swap3A_463, %swap3A_464, %swap3A_465, %swap3A_466], %gather3A_324 {strides = array<i32>} : memref<50x4x8x32xf32, #tpu.memory_space<vmem>>, vector<16xf32>,
      %swap3A_468 = arith.constant 1 : i32
      %swap3A_469 = arith.constant 4 : i32
      %swap3A_470 = arith.index_cast %scan3A_288 : i32 to index
      %swap3A_471 = arith.index_cast %swap3A_468 : i32 to index
      %swap3A_472 = arith.index_cast %swap3A_469 : i32 to index
      %swap3A_473 = arith.constant 16 : index
      %swap3A_474 = tpu.vector_load %arg8[%swap3A_470, %swap3A_471, %swap3A_472, %swap3A_473] {strides = array<i32>} : memref<50x4x8x32xf32, #tpu.memory_space<vmem>>, vector<16xf32>,
      tpu.vector_store %arg8[%swap3A_470, %swap3A_471, %swap3A_472, %swap3A_473], %gather3A_327 {strides = array<i32>} : memref<50x4x8x32xf32, #tpu.memory_space<vmem>>, vector<16xf32>,
      %swap3A_475 = arith.constant 1 : i32
      %swap3A_476 = arith.constant 5 : i32
      %swap3A_477 = arith.index_cast %scan3A_288 : i32 to index
      %swap3A_478 = arith.index_cast %swap3A_475 : i32 to index
      %swap3A_479 = arith.index_cast %swap3A_476 : i32 to index
      %swap3A_480 = arith.constant 16 : index
      %swap3A_481 = tpu.vector_load %arg8[%swap3A_477, %swap3A_478, %swap3A_479, %swap3A_480] {strides = array<i32>} : memref<50x4x8x32xf32, #tpu.memory_space<vmem>>, vector<16xf32>,
      tpu.vector_store %arg8[%swap3A_477, %swap3A_478, %swap3A_479, %swap3A_480], %gather3A_330 {strides = array<i32>} : memref<50x4x8x32xf32, #tpu.memory_space<vmem>>, vector<16xf32>,
      %swap3A_482 = arith.constant 1 : i32
      %swap3A_483 = arith.constant 6 : i32
      %swap3A_484 = arith.index_cast %scan3A_288 : i32 to index
      %swap3A_485 = arith.index_cast %swap3A_482 : i32 to index
      %swap3A_486 = arith.index_cast %swap3A_483 : i32 to index
      %swap3A_487 = arith.constant 16 : index
      %swap3A_488 = tpu.vector_load %arg8[%swap3A_484, %swap3A_485, %swap3A_486, %swap3A_487] {strides = array<i32>} : memref<50x4x8x32xf32, #tpu.memory_space<vmem>>, vector<16xf32>,
      tpu.vector_store %arg8[%swap3A_484, %swap3A_485, %swap3A_486, %swap3A_487], %gather3A_333 {strides = array<i32>} : memref<50x4x8x32xf32, #tpu.memory_space<vmem>>, vector<16xf32>,
      %swap3A_489 = arith.constant 1 : i32
      %swap3A_490 = arith.constant 7 : i32
      %swap3A_491 = arith.index_cast %scan3A_288 : i32 to index
      %swap3A_492 = arith.index_cast %swap3A_489 : i32 to index
      %swap3A_493 = arith.index_cast %swap3A_490 : i32 to index
      %swap3A_494 = arith.constant 16 : index
      %swap3A_495 = tpu.vector_load %arg8[%swap3A_491, %swap3A_492, %swap3A_493, %swap3A_494] {strides = array<i32>} : memref<50x4x8x32xf32, #tpu.memory_space<vmem>>, vector<16xf32>,
      tpu.vector_store %arg8[%swap3A_491, %swap3A_492, %swap3A_493, %swap3A_494], %gather3A_336 {strides = array<i32>} : memref<50x4x8x32xf32, #tpu.memory_space<vmem>>, vector<16xf32>,
      %swap3A_496 = arith.constant 2 : i32
      %swap3A_497 = arith.constant 0 : i32
      %swap3A_498 = arith.index_cast %scan3A_288 : i32 to index
      %swap3A_499 = arith.index_cast %swap3A_496 : i32 to index
      %swap3A_500 = arith.index_cast %swap3A_497 : i32 to index
      %swap3A_501 = arith.constant 16 : index
      %swap3A_502 = tpu.vector_load %arg8[%swap3A_498, %swap3A_499, %swap3A_500, %swap3A_501] {strides = array<i32>} : memref<50x4x8x32xf32, #tpu.memory_space<vmem>>, vector<16xf32>,
      tpu.vector_store %arg8[%swap3A_498, %swap3A_499, %swap3A_500, %swap3A_501], %gather3A_339 {strides = array<i32>} : memref<50x4x8x32xf32, #tpu.memory_space<vmem>>, vector<16xf32>,
      %swap3A_503 = arith.constant 2 : i32
      %swap3A_504 = arith.constant 1 : i32
      %swap3A_505 = arith.index_cast %scan3A_288 : i32 to index
      %swap3A_506 = arith.index_cast %swap3A_503 : i32 to index
      %swap3A_507 = arith.index_cast %swap3A_504 : i32 to index
      %swap3A_508 = arith.constant 16 : index
      %swap3A_509 = tpu.vector_load %arg8[%swap3A_505, %swap3A_506, %swap3A_507, %swap3A_508] {strides = array<i32>} : memref<50x4x8x32xf32, #tpu.memory_space<vmem>>, vector<16xf32>,
      tpu.vector_store %arg8[%swap3A_505, %swap3A_506, %swap3A_507, %swap3A_508], %gather3A_342 {strides = array<i32>} : memref<50x4x8x32xf32, #tpu.memory_space<vmem>>, vector<16xf32>,
      %swap3A_510 = arith.constant 2 : i32
      %swap3A_511 = arith.constant 2 : i32
      %swap3A_512 = arith.index_cast %scan3A_288 : i32 to index
      %swap3A_513 = arith.index_cast %swap3A_510 : i32 to index
      %swap3A_514 = arith.index_cast %swap3A_511 : i32 to index
      %swap3A_515 = arith.constant 16 : index
      %swap3A_516 = tpu.vector_load %arg8[%swap3A_512, %swap3A_513, %swap3A_514, %swap3A_515] {strides = array<i32>} : memref<50x4x8x32xf32, #tpu.memory_space<vmem>>, vector<16xf32>,
      tpu.vector_store %arg8[%swap3A_512, %swap3A_513, %swap3A_514, %swap3A_515], %gather3A_345 {strides = array<i32>} : memref<50x4x8x32xf32, #tpu.memory_space<vmem>>, vector<16xf32>,
      %swap3A_517 = arith.constant 2 : i32
      %swap3A_518 = arith.constant 3 : i32
      %swap3A_519 = arith.index_cast %scan3A_288 : i32 to index
      %swap3A_520 = arith.index_cast %swap3A_517 : i32 to index
      %swap3A_521 = arith.index_cast %swap3A_518 : i32 to index
      %swap3A_522 = arith.constant 16 : index
      %swap3A_523 = tpu.vector_load %arg8[%swap3A_519, %swap3A_520, %swap3A_521, %swap3A_522] {strides = array<i32>} : memref<50x4x8x32xf32, #tpu.memory_space<vmem>>, vector<16xf32>,
      tpu.vector_store %arg8[%swap3A_519, %swap3A_520, %swap3A_521, %swap3A_522], %gather3A_348 {strides = array<i32>} : memref<50x4x8x32xf32, #tpu.memory_space<vmem>>, vector<16xf32>,
      %swap3A_524 = arith.constant 2 : i32
      %swap3A_525 = arith.constant 4 : i32
      %swap3A_526 = arith.index_cast %scan3A_288 : i32 to index
      %swap3A_527 = arith.index_cast %swap3A_524 : i32 to index
      %swap3A_528 = arith.index_cast %swap3A_525 : i32 to index
      %swap3A_529 = arith.constant 16 : index
      %swap3A_530 = tpu.vector_load %arg8[%swap3A_526, %swap3A_527, %swap3A_528, %swap3A_529] {strides = array<i32>} : memref<50x4x8x32xf32, #tpu.memory_space<vmem>>, vector<16xf32>,
      tpu.vector_store %arg8[%swap3A_526, %swap3A_527, %swap3A_528, %swap3A_529], %gather3A_351 {strides = array<i32>} : memref<50x4x8x32xf32, #tpu.memory_space<vmem>>, vector<16xf32>,
      %swap3A_531 = arith.constant 2 : i32
      %swap3A_532 = arith.constant 5 : i32
      %swap3A_533 = arith.index_cast %scan3A_288 : i32 to index
      %swap3A_534 = arith.index_cast %swap3A_531 : i32 to index
      %swap3A_535 = arith.index_cast %swap3A_532 : i32 to index
      %swap3A_536 = arith.constant 16 : index
      %swap3A_537 = tpu.vector_load %arg8[%swap3A_533, %swap3A_534, %swap3A_535, %swap3A_536] {strides = array<i32>} : memref<50x4x8x32xf32, #tpu.memory_space<vmem>>, vector<16xf32>,
      tpu.vector_store %arg8[%swap3A_533, %swap3A_534, %swap3A_535, %swap3A_536], %gather3A_354 {strides = array<i32>} : memref<50x4x8x32xf32, #tpu.memory_space<vmem>>, vector<16xf32>,
      %swap3A_538 = arith.constant 2 : i32
      %swap3A_539 = arith.constant 6 : i32
      %swap3A_540 = arith.index_cast %scan3A_288 : i32 to index
      %swap3A_541 = arith.index_cast %swap3A_538 : i32 to index
      %swap3A_542 = arith.index_cast %swap3A_539 : i32 to index
      %swap3A_543 = arith.constant 16 : index
      %swap3A_544 = tpu.vector_load %arg8[%swap3A_540, %swap3A_541, %swap3A_542, %swap3A_543] {strides = array<i32>} : memref<50x4x8x32xf32, #tpu.memory_space<vmem>>, vector<16xf32>,
      tpu.vector_store %arg8[%swap3A_540, %swap3A_541, %swap3A_542, %swap3A_543], %gather3A_357 {strides = array<i32>} : memref<50x4x8x32xf32, #tpu.memory_space<vmem>>, vector<16xf32>,
      %swap3A_545 = arith.constant 2 : i32
      %swap3A_546 = arith.constant 7 : i32
      %swap3A_547 = arith.index_cast %scan3A_288 : i32 to index
      %swap3A_548 = arith.index_cast %swap3A_545 : i32 to index
      %swap3A_549 = arith.index_cast %swap3A_546 : i32 to index
      %swap3A_550 = arith.constant 16 : index
      %swap3A_551 = tpu.vector_load %arg8[%swap3A_547, %swap3A_548, %swap3A_549, %swap3A_550] {strides = array<i32>} : memref<50x4x8x32xf32, #tpu.memory_space<vmem>>, vector<16xf32>,
      tpu.vector_store %arg8[%swap3A_547, %swap3A_548, %swap3A_549, %swap3A_550], %gather3A_360 {strides = array<i32>} : memref<50x4x8x32xf32, #tpu.memory_space<vmem>>, vector<16xf32>,
      %swap3A_552 = arith.constant 3 : i32
      %swap3A_553 = arith.constant 0 : i32
      %swap3A_554 = arith.index_cast %scan3A_288 : i32 to index
      %swap3A_555 = arith.index_cast %swap3A_552 : i32 to index
      %swap3A_556 = arith.index_cast %swap3A_553 : i32 to index
      %swap3A_557 = arith.constant 16 : index
      %swap3A_558 = tpu.vector_load %arg8[%swap3A_554, %swap3A_555, %swap3A_556, %swap3A_557] {strides = array<i32>} : memref<50x4x8x32xf32, #tpu.memory_space<vmem>>, vector<16xf32>,
      tpu.vector_store %arg8[%swap3A_554, %swap3A_555, %swap3A_556, %swap3A_557], %gather3A_363 {strides = array<i32>} : memref<50x4x8x32xf32, #tpu.memory_space<vmem>>, vector<16xf32>,
      %swap3A_559 = arith.constant 3 : i32
      %swap3A_560 = arith.constant 1 : i32
      %swap3A_561 = arith.index_cast %scan3A_288 : i32 to index
      %swap3A_562 = arith.index_cast %swap3A_559 : i32 to index
      %swap3A_563 = arith.index_cast %swap3A_560 : i32 to index
      %swap3A_564 = arith.constant 16 : index
      %swap3A_565 = tpu.vector_load %arg8[%swap3A_561, %swap3A_562, %swap3A_563, %swap3A_564] {strides = array<i32>} : memref<50x4x8x32xf32, #tpu.memory_space<vmem>>, vector<16xf32>,
      tpu.vector_store %arg8[%swap3A_561, %swap3A_562, %swap3A_563, %swap3A_564], %gather3A_366 {strides = array<i32>} : memref<50x4x8x32xf32, #tpu.memory_space<vmem>>, vector<16xf32>,
      %swap3A_566 = arith.constant 3 : i32
      %swap3A_567 = arith.constant 2 : i32
      %swap3A_568 = arith.index_cast %scan3A_288 : i32 to index
      %swap3A_569 = arith.index_cast %swap3A_566 : i32 to index
      %swap3A_570 = arith.index_cast %swap3A_567 : i32 to index
      %swap3A_571 = arith.constant 16 : index
      %swap3A_572 = tpu.vector_load %arg8[%swap3A_568, %swap3A_569, %swap3A_570, %swap3A_571] {strides = array<i32>} : memref<50x4x8x32xf32, #tpu.memory_space<vmem>>, vector<16xf32>,
      tpu.vector_store %arg8[%swap3A_568, %swap3A_569, %swap3A_570, %swap3A_571], %gather3A_369 {strides = array<i32>} : memref<50x4x8x32xf32, #tpu.memory_space<vmem>>, vector<16xf32>,
      %swap3A_573 = arith.constant 3 : i32
      %swap3A_574 = arith.constant 3 : i32
      %swap3A_575 = arith.index_cast %scan3A_288 : i32 to index
      %swap3A_576 = arith.index_cast %swap3A_573 : i32 to index
      %swap3A_577 = arith.index_cast %swap3A_574 : i32 to index
      %swap3A_578 = arith.constant 16 : index
      %swap3A_579 = tpu.vector_load %arg8[%swap3A_575, %swap3A_576, %swap3A_577, %swap3A_578] {strides = array<i32>} : memref<50x4x8x32xf32, #tpu.memory_space<vmem>>, vector<16xf32>,
      tpu.vector_store %arg8[%swap3A_575, %swap3A_576, %swap3A_577, %swap3A_578], %gather3A_372 {strides = array<i32>} : memref<50x4x8x32xf32, #tpu.memory_space<vmem>>, vector<16xf32>,
      %swap3A_580 = arith.constant 3 : i32
      %swap3A_581 = arith.constant 4 : i32
      %swap3A_582 = arith.index_cast %scan3A_288 : i32 to index
      %swap3A_583 = arith.index_cast %swap3A_580 : i32 to index
      %swap3A_584 = arith.index_cast %swap3A_581 : i32 to index
      %swap3A_585 = arith.constant 16 : index
      %swap3A_586 = tpu.vector_load %arg8[%swap3A_582, %swap3A_583, %swap3A_584, %swap3A_585] {strides = array<i32>} : memref<50x4x8x32xf32, #tpu.memory_space<vmem>>, vector<16xf32>,
      tpu.vector_store %arg8[%swap3A_582, %swap3A_583, %swap3A_584, %swap3A_585], %gather3A_375 {strides = array<i32>} : memref<50x4x8x32xf32, #tpu.memory_space<vmem>>, vector<16xf32>,
      %swap3A_587 = arith.constant 3 : i32
      %swap3A_588 = arith.constant 5 : i32
      %swap3A_589 = arith.index_cast %scan3A_288 : i32 to index
      %swap3A_590 = arith.index_cast %swap3A_587 : i32 to index
      %swap3A_591 = arith.index_cast %swap3A_588 : i32 to index
      %swap3A_592 = arith.constant 16 : index
      %swap3A_593 = tpu.vector_load %arg8[%swap3A_589, %swap3A_590, %swap3A_591, %swap3A_592] {strides = array<i32>} : memref<50x4x8x32xf32, #tpu.memory_space<vmem>>, vector<16xf32>,
      tpu.vector_store %arg8[%swap3A_589, %swap3A_590, %swap3A_591, %swap3A_592], %gather3A_378 {strides = array<i32>} : memref<50x4x8x32xf32, #tpu.memory_space<vmem>>, vector<16xf32>,
      %swap3A_594 = arith.constant 3 : i32
      %swap3A_595 = arith.constant 6 : i32
      %swap3A_596 = arith.index_cast %scan3A_288 : i32 to index
      %swap3A_597 = arith.index_cast %swap3A_594 : i32 to index
      %swap3A_598 = arith.index_cast %swap3A_595 : i32 to index
      %swap3A_599 = arith.constant 16 : index
      %swap3A_600 = tpu.vector_load %arg8[%swap3A_596, %swap3A_597, %swap3A_598, %swap3A_599] {strides = array<i32>} : memref<50x4x8x32xf32, #tpu.memory_space<vmem>>, vector<16xf32>,
      tpu.vector_store %arg8[%swap3A_596, %swap3A_597, %swap3A_598, %swap3A_599], %gather3A_381 {strides = array<i32>} : memref<50x4x8x32xf32, #tpu.memory_space<vmem>>, vector<16xf32>,
      %swap3A_601 = arith.constant 3 : i32
      %swap3A_602 = arith.constant 7 : i32
      %swap3A_603 = arith.index_cast %scan3A_288 : i32 to index
      %swap3A_604 = arith.index_cast %swap3A_601 : i32 to index
      %swap3A_605 = arith.index_cast %swap3A_602 : i32 to index
      %swap3A_606 = arith.constant 16 : index
      %swap3A_607 = tpu.vector_load %arg8[%swap3A_603, %swap3A_604, %swap3A_605, %swap3A_606] {strides = array<i32>} : memref<50x4x8x32xf32, #tpu.memory_space<vmem>>, vector<16xf32>,
      tpu.vector_store %arg8[%swap3A_603, %swap3A_604, %swap3A_605, %swap3A_606], %gather3A_384 {strides = array<i32>} : memref<50x4x8x32xf32, #tpu.memory_space<vmem>>, vector<16xf32>,
    }
    %scan3A_179 = arith.constant 50 : i32
    %add3A_180 = arith.constant 15 : i32
    %add3A_181 = arith.addi %mul3A_4, %add3A_180 : i32
    %jit3A_182 = arith.constant 4 : i32
    %div3A_183 = arith.divsi %add3A_181, %jit3A_182 : i32
    %sign3A_184 = arith.constant 0 : i32
    %sign3A_185 = arith.cmpi sgt, %add3A_181, %sign3A_184 : i32
    %sign3A_186 = arith.extui %sign3A_185 : i1 to i32
    %sign3A_187 = arith.constant 0 : i32
    %sign3A_188 = arith.cmpi slt, %add3A_181, %sign3A_187 : i32
    %sign3A_189 = arith.extui %sign3A_188 : i1 to i32
    %sign3A_190 = arith.subi %sign3A_186, %sign3A_189 : i32
    %sign3A_191 = arith.constant 0 : i32
    %sign3A_192 = arith.cmpi sgt, %jit3A_182, %sign3A_191 : i32
    %sign3A_193 = arith.extui %sign3A_192 : i1 to i32
    %sign3A_194 = arith.constant 0 : i32
    %sign3A_195 = arith.cmpi slt, %jit3A_182, %sign3A_194 : i32
    %sign3A_196 = arith.extui %sign3A_195 : i1 to i32
    %sign3A_197 = arith.subi %sign3A_193, %sign3A_196 : i32
    %ne3A_198 = arith.cmpi ne, %sign3A_190, %sign3A_197 : i32
    %rem3A_199 = arith.remsi %add3A_181, %jit3A_182 : i32
    %ne3A_200 = arith.constant 0 : i32
    %ne3A_201 = arith.cmpi ne, %rem3A_199, %ne3A_200 : i32
    %and3A_202 = arith.andi %ne3A_198, %ne3A_201 : i1
    %sub3A_203 = arith.constant 1 : i32
    %sub3A_204 = arith.subi %div3A_183, %sub3A_203 : i32
    %select_n3A_205 = arith.select %and3A_202, %sub3A_204, %div3A_183 : i32
    %jit3A_206 = arith.constant 4 : i32
    %eq3A_207 = arith.constant 0 : i32
    %eq3A_208 = arith.cmpi eq, %jit3A_206, %eq3A_207 : i32
    %jit3A_209 = arith.constant 1 : i32
    %select_n3A_210 = arith.select %eq3A_208, %jit3A_209, %jit3A_206 : i32
    %rem3A_211 = arith.remsi %add3A_181, %select_n3A_210 : i32
    %ne3A_212 = arith.constant 0 : i32
    %ne3A_213 = arith.cmpi ne, %rem3A_211, %ne3A_212 : i32
    %lt3A_214 = arith.constant 0 : i32
    %lt3A_215 = arith.cmpi slt, %rem3A_211, %lt3A_214 : i32
    %lt3A_216 = arith.constant 0 : i32
    %lt3A_217 = arith.cmpi slt, %select_n3A_210, %lt3A_216 : i32
    %ne3A_218 = arith.xori %lt3A_215, %lt3A_217 : i1
    %and3A_219 = arith.andi %ne3A_218, %ne3A_213 : i1
    %add3A_220 = arith.addi %rem3A_211, %select_n3A_210 : i32
    %select_n3A_221 = arith.select %and3A_219, %add3A_220, %rem3A_211 : i32
    %mul3A_222 = arith.constant 32 : i32
    %mul3A_223 = arith.muli %select_n3A_221, %mul3A_222 : i32
    %dma_start3A_224 = arith.constant 0 : i32
    %dma_start3A_225 = arith.constant 0 : i32
    %dma_start3A_226 = arith.constant 0 : i32
    %dma_start3A_227 = tpu.memref_slice %arg4[%dma_start3A_224, %dma_start3A_225, %select_n3A_205, %dma_start3A_226, %mul3A_223] : memref<50x4x128x8x128xf32, #tpu.memory_space<hbm>> -> memref<50x4x1x8x32xf32, #tpu.memory_space<hbm>>
    %dma_start3A_228 = tpu.memref_squeeze %dma_start3A_227 : memref<50x4x1x8x32xf32, #tpu.memory_space<hbm>> -> memref<50x4x8x32xf32, #tpu.memory_space<hbm>>
    %dma_start3A_229 = arith.constant 0 : i32
    %dma_start3A_230 = arith.constant 0 : i32
    %dma_start3A_231 = arith.constant 0 : i32
    %dma_start3A_232 = tpu.memref_slice %arg4[%dma_start3A_229, %dma_start3A_230, %select_n3A_205, %dma_start3A_231, %mul3A_223] : memref<50x4x128x8x128xf32, #tpu.memory_space<hbm>> -> memref<50x4x1x8x32xf32, #tpu.memory_space<hbm>>
    %dma_start3A_233 = tpu.memref_squeeze %dma_start3A_232 : memref<50x4x1x8x32xf32, #tpu.memory_space<hbm>> -> memref<50x4x8x32xf32, #tpu.memory_space<hbm>>
    tpu.enqueue_dma source(%arg8 : memref<50x4x8x32xf32, #tpu.memory_space<vmem>>) target(%dma_start3A_233 : memref<50x4x8x32xf32, #tpu.memory_space<hbm>>) target_semaphore(%arg11 : memref<!tpu.dma_semaphore, #tpu.memory_space<semaphore_mem>>)
    %add3A_234 = arith.constant 15 : i32
    %add3A_235 = arith.addi %mul3A_4, %add3A_234 : i32
    %jit3A_236 = arith.constant 4 : i32
    %div3A_237 = arith.divsi %add3A_235, %jit3A_236 : i32
    %sign3A_238 = arith.constant 0 : i32
    %sign3A_239 = arith.cmpi sgt, %add3A_235, %sign3A_238 : i32
    %sign3A_240 = arith.extui %sign3A_239 : i1 to i32
    %sign3A_241 = arith.constant 0 : i32
    %sign3A_242 = arith.cmpi slt, %add3A_235, %sign3A_241 : i32
    %sign3A_243 = arith.extui %sign3A_242 : i1 to i32
    %sign3A_244 = arith.subi %sign3A_240, %sign3A_243 : i32
    %sign3A_245 = arith.constant 0 : i32
    %sign3A_246 = arith.cmpi sgt, %jit3A_236, %sign3A_245 : i32
    %sign3A_247 = arith.extui %sign3A_246 : i1 to i32
    %sign3A_248 = arith.constant 0 : i32
    %sign3A_249 = arith.cmpi slt, %jit3A_236, %sign3A_248 : i32
    %sign3A_250 = arith.extui %sign3A_249 : i1 to i32
    %sign3A_251 = arith.subi %sign3A_247, %sign3A_250 : i32
    %ne3A_252 = arith.cmpi ne, %sign3A_244, %sign3A_251 : i32
    %rem3A_253 = arith.remsi %add3A_235, %jit3A_236 : i32
    %ne3A_254 = arith.constant 0 : i32
    %ne3A_255 = arith.cmpi ne, %rem3A_253, %ne3A_254 : i32
    %and3A_256 = arith.andi %ne3A_252, %ne3A_255 : i1
    %sub3A_257 = arith.constant 1 : i32
    %sub3A_258 = arith.subi %div3A_237, %sub3A_257 : i32
    %select_n3A_259 = arith.select %and3A_256, %sub3A_258, %div3A_237 : i32
    %jit3A_260 = arith.constant 4 : i32
    %eq3A_261 = arith.constant 0 : i32
    %eq3A_262 = arith.cmpi eq, %jit3A_260, %eq3A_261 : i32
    %jit3A_263 = arith.constant 1 : i32
    %select_n3A_264 = arith.select %eq3A_262, %jit3A_263, %jit3A_260 : i32
    %rem3A_265 = arith.remsi %add3A_235, %select_n3A_264 : i32
    %ne3A_266 = arith.constant 0 : i32
    %ne3A_267 = arith.cmpi ne, %rem3A_265, %ne3A_266 : i32
    %lt3A_268 = arith.constant 0 : i32
    %lt3A_269 = arith.cmpi slt, %rem3A_265, %lt3A_268 : i32
    %lt3A_270 = arith.constant 0 : i32
    %lt3A_271 = arith.cmpi slt, %select_n3A_264, %lt3A_270 : i32
    %ne3A_272 = arith.xori %lt3A_269, %lt3A_271 : i1
    %and3A_273 = arith.andi %ne3A_272, %ne3A_267 : i1
    %add3A_274 = arith.addi %rem3A_265, %select_n3A_264 : i32
    %select_n3A_275 = arith.select %and3A_273, %add3A_274, %rem3A_265 : i32
    %mul3A_276 = arith.constant 32 : i32
    %mul3A_277 = arith.muli %select_n3A_275, %mul3A_276 : i32
    %dma_wait3A_278 = arith.constant 0 : i32
    %dma_wait3A_279 = arith.constant 0 : i32
    %dma_wait3A_280 = arith.constant 0 : i32
    %dma_wait3A_281 = tpu.memref_slice %arg4[%dma_wait3A_278, %dma_wait3A_279, %select_n3A_259, %dma_wait3A_280, %mul3A_277] : memref<50x4x128x8x128xf32, #tpu.memory_space<hbm>> -> memref<50x4x1x8x32xf32, #tpu.memory_space<hbm>>
    %dma_wait3A_282 = tpu.memref_squeeze %dma_wait3A_281 : memref<50x4x1x8x32xf32, #tpu.memory_space<hbm>> -> memref<50x4x8x32xf32, #tpu.memory_space<hbm>>
    %dma_wait3A_283 = arith.constant 0 : i32
    %dma_wait3A_284 = arith.constant 0 : i32
    %dma_wait3A_285 = arith.constant 0 : i32
    %dma_wait3A_286 = tpu.memref_slice %arg4[%dma_wait3A_283, %dma_wait3A_284, %select_n3A_259, %dma_wait3A_285, %mul3A_277] : memref<50x4x128x8x128xf32, #tpu.memory_space<hbm>> -> memref<50x4x1x8x32xf32, #tpu.memory_space<hbm>>
    %dma_wait3A_287 = tpu.memref_squeeze %dma_wait3A_286 : memref<50x4x1x8x32xf32, #tpu.memory_space<hbm>> -> memref<50x4x8x32xf32, #tpu.memory_space<hbm>>
    tpu.wait_dma2 semaphore(%arg11 : memref<!tpu.dma_semaphore, #tpu.memory_space<semaphore_mem>>) src(%arg8 : memref<50x4x8x32xf32, #tpu.memory_space<vmem>>) dst(%dma_wait3A_287 : memref<50x4x8x32xf32, #tpu.memory_space<hbm>>)
    return
  }
}

</mosaic_0001>

<sc_bundles>
// kernel: kernel.3.cloned.1.call-start
scs
__scs_entry_jumppad:
0x0: {  	(pc) =	sbr.rel $0x88, $3  }
0x1: {  	(tag) =	ssettag $0x0;
	lr =	simm.s32 $0x1  }
0x2: {  	[smem:$0x3F9F] =	sst lr;
	_ =	strace $0xD0000000  }
0x3: {  	_ = 	snop  }
0x4: {  	_ = 	snop  }
0x5: {  	_ = 	snop  }
0x6: {  	_ = 	snop  }
0x7: {  	_ = 	snop  }
__scs_overlays_trampoline_lowered:
0x8: {  	[smem:$0x3FAE] =	sst s0  }
0x9: {  	[smem:$0x3FAF] =	sst s1  }
0xa: {  	[smem:$0x3FB0] =	sst s2  }
0xb: {  	[smem:$0x3FB1] =	sst s3  }
0xc: {  	[smem:$0x3FB2] =	sst s4  }
0xd: {  	[smem:$0x3FB3] =	sst s5  }
0xe: {  	[smem:$0x3FB4] =	sst s6  }
0xf: {  	[smem:$0x3FB5] =	sst s7  }
0x10: {  	[smem:$0x3FB6] =	sst s8  }
0x11: {  	[smem:$0x3FB7] =	sst s9;
	s0 =	simm.s32 @!p0 $0x0  }
0x12: {  	s1 =	sld [smem:$0x3F9D];
	s0 =	simm.s32 @p0 $0x1  }
0x13: {  	[smem:$0x3FB8] =	sst s0;
	s0 =	simm.s32 @!p1 $0x0  }
0x14: {  	s2 =	sld [smem:$0x3F9C];
	s0 =	simm.s32 @p1 $0x1  }
0x15: {  	[smem:$0x3FB9] =	sst s0;
	s0 =	simm.s32 @!p2 $0x0  }
0x16: {  	s3 =	sld [smem:$0x3FDB];
	s0 =	simm.s32 @p2 $0x1  }
0x17: {  	s4 =	simm.s32 $0x1BF5;
	[smem:$0x3FBB] =	sst s0  }
0x18: {  	s0 =	sld [smem:$0x3F9E];
	_ =	swait.ge [sflag:s4], $0x0  }
0x19: {  	s7 =	sld [smem:$0x3F9F]  }
0x1a: {  	s8 =	sadd.s32 $0xFFFFE003, lr  }
0x1b: {  	s9 =	sadd.s32 $0xFFFFFEF7, lr;
	s5 =	simm.s32 $0xFFFFFFFF;
	p2 =	slt.u32 s8, $0xFFFFF086  }
0x1c: {  	p1 =	slt.u32 s9, $0xF7A;
	s5 =	simm.s32 @!p2 $0x0  }
0x1d: {  	s5 =	simm.s32 @p1 $0x1;
	p0 =	seq.s32 s7, s2  }
0x1e: {  	s7 =	smul.u32 @!p0 $0xF7A, s2;
	p2 =	seq.s32 @!p0 s5, $0x0  }
0x1f: {  	s9 =	smul.u32 $0xF7A, s1;
	s8 =	simm.s32 @!p0 $0x1BF5;
	p2 =	por !p2, p0  }
0x20: {  	[sflag:s8] =	ssyncset.s32 @!p0 $0xFFFFF086;
	s6 =	sadd.s32 @!p0 s3, s7;
	s7 =	simm.s32 @!p0 $0x108  }
0x21: {  	s3 =	sadd.s32 s3, s9;
	s6 =	sadd.s32 @!p0 $0x88, s6;
	s7 =	simm.s32 @p2 $0x1082  }
0x22: {  	[simem:s7], [sflag:s8] =	dma.local @!p0 [hbm:s6], $0xF7A  }
0x23: {  	s9 =	sor.u32 $0xD0000000, s2;
	s6 =	simm.s32 $0x108;
	_ =	swait.ge @!p0 [sflag:s8], $0x0  }
0x24: {  	s3 =	sadd.s32 $0x88, s3;
	s6 =	simm.s32 @!p1 $0x1082;
	[sflag:s4] =	ssyncset.s32 $0xFFFFF086  }
0x25: {  	[simem:s6], [sflag:s4] =	dma.local [hbm:s3], $0xF7A  }
0x26: {  	[smem:$0x3F9F] =	sst s1;
	(tag) =	ssettag s2;
	_ =	strace s9  }
0x27: {  	s1 =	sld [smem:$0x3FAF]  }
0x28: {  	s2 =	sld [smem:$0x3FB0]  }
0x29: {  	s4 =	sld [smem:$0x3FB2]  }
0x2a: {  	p0 =	seq.s32 s5, $0x0;
	s5 =	sld [smem:$0x3FB3]  }
0x2b: {  	s6 =	sld [smem:$0x3FB4]  }
0x2c: {  	s7 =	sld [smem:$0x3FB5]  }
0x2d: {  	s3 =	simm.s32 $0x108;
	s8 =	sld [smem:$0x3FB6]  }
0x2e: {  	s3 =	simm.s32 @!p0 $0x1082;
	s9 =	sld [smem:$0x3FB7]  }
0x2f: {  	lr =	sadd.s32 s0, s3;
	s0 =	sld [smem:$0x3FAE]  }
0x30: {  	s3 =	sld [smem:$0x3FB1]  }
0x31: {  	[smem:$0x3FBA] =	sst s10  }
0x32: {  	s10 =	sld [smem:$0x3FB8];
	_ =	sdelay $0x3  }
0x33: {  	p0 =	seq.s32 s10, $0x1;
	s10 =	sld [smem:$0x3FBA];
	_ =	sdelay $0x3  }
0x34: {  	[smem:$0x3FBA] =	sst s10  }
0x35: {  	s10 =	sld [smem:$0x3FB9];
	_ =	sdelay $0x3  }
0x36: {  	p1 =	seq.s32 s10, $0x1;
	s10 =	sld [smem:$0x3FBA];
	_ =	sdelay $0x3  }
0x37: {  	[smem:$0x3FBA] =	sst s10  }
0x38: {  	s10 =	sld [smem:$0x3FBB]  }
0x39: {  	_ = 	snop;
	(pc) =	sbr.ind lr, $3  }
0x3a: {  	_ = 	snop  }
0x3b: {  	_ = 	snop  }
0x3c: {  	p2 =	seq.s32 s10, $0x1;
	s10 =	sld [smem:$0x3FBA]  }
0x3d: {  	_ =	shalt  }
0x3e: {  	_ =	shalt  }
0x3f: {  	_ =	shalt  }
0x40: {  	_ =	shalt  }
0x41: {  	_ =	shalt  }
0x42: {  	_ =	shalt  }
0x43: {  	_ =	shalt  }
0x44: {  	_ =	shalt  }
0x45: {  	_ =	shalt  }
0x46: {  	_ =	shalt  }
0x47: {  	_ =	shalt  }
0x48: {  	_ =	shalt  }
0x49: {  	_ =	shalt  }
0x4a: {  	_ =	shalt  }
0x4b: {  	_ =	shalt  }
0x4c: {  	_ =	shalt  }
0x4d: {  	_ =	shalt  }
0x4e: {  	_ =	shalt  }
0x4f: {  	_ =	shalt  }
0x50: {  	_ =	shalt  }
0x51: {  	_ =	shalt  }
0x52: {  	_ =	shalt  }
0x53: {  	_ =	shalt  }
0x54: {  	_ =	shalt  }
0x55: {  	_ =	shalt  }
0x56: {  	_ =	shalt  }
0x57: {  	_ =	shalt  }
0x58: {  	_ =	shalt  }
0x59: {  	_ =	shalt  }
0x5a: {  	_ =	shalt  }
0x5b: {  	_ =	shalt  }
0x5c: {  	_ =	shalt  }
0x5d: {  	_ =	shalt  }
0x5e: {  	_ =	shalt  }
0x5f: {  	_ =	shalt  }
0x60: {  	_ =	shalt  }
0x61: {  	_ =	shalt  }
0x62: {  	_ =	shalt  }
0x63: {  	_ =	shalt  }
0x64: {  	_ =	shalt  }
0x65: {  	_ =	shalt  }
0x66: {  	_ =	shalt  }
0x67: {  	_ =	shalt  }
0x68: {  	_ =	shalt  }
0x69: {  	_ =	shalt  }
0x6a: {  	_ =	shalt  }
0x6b: {  	_ =	shalt  }
0x6c: {  	_ =	shalt  }
0x6d: {  	_ =	shalt  }
0x6e: {  	_ =	shalt  }
0x6f: {  	_ =	shalt  }
0x70: {  	_ =	shalt  }
0x71: {  	_ =	shalt  }
0x72: {  	_ =	shalt  }
0x73: {  	_ =	shalt  }
0x74: {  	_ =	shalt  }
0x75: {  	_ =	shalt  }
0x76: {  	_ =	shalt  }
0x77: {  	_ =	shalt  }
0x78: {  	_ =	shalt  }
0x79: {  	_ =	shalt  }
0x7a: {  	_ =	shalt  }
0x7b: {  	_ =	shalt  }
0x7c: {  	_ =	shalt  }
0x7d: {  	_ =	shalt  }
0x7e: {  	_ =	shalt  }
0x7f: {  	_ =	shalt  }
0x80: {  	_ =	shalt  }
0x81: {  	_ =	shalt  }
0x82: {  	_ =	shalt  }
0x83: {  	_ =	shalt  }
0x84: {  	_ =	shalt  }
0x85: {  	_ =	shalt  }
0x86: {  	_ =	shalt  }
0x87: {  	_ =	shalt  }
.Lfunc_end0:
.L_simem_size_0:
called_computation_lowered:
.L_overlay_start_0:
0x88: {  	s2 =	sld [smem:$0x3FD9]  }
0x89: {  	s3 =	sld [smem:$0x3FFE];
	_ =	sdelay $0x1  }
0x8a: {  	s1 =	srdreg.scid  }
0x8b: {  	s0 =	sand.u32 $0x1, s1  }
0x8c: {  	s17 =	sshll.u32 s0, $0xA;
	s2 =	sadd.s32 s3, s2  }
0x8d: {  	s2 =	sadd.s32 s2, s17  }
0x8e: {  	[smem:$0x3FC6] =	sst s2  }
0x8f: {  	_ = 	snop  }
0x90: {  	s2 =	sld [smem:$0x3FD0];
	(tm) =	ssettm $0x1  }
0x91: {  	s18 =	sld [smem:$0x3FFB];
	_ =	sdelay $0x3  }
0x92: {  	_ =	strace s18  }
0x93: {  	s3 =	sld [smem:$0x3FFC];
	_ =	sdelay $0x3  }
0x94: {  	_ =	strace s3  }
0x95: {  	s3 =	sld [smem:$0x3FFD];
	_ =	sdelay $0x3  }
0x96: {  	_ =	strace s3  }
0x97: {  	_ =	strace $0x8FFFFFFF  }
0x98: {  	s19 =	sld [smem:$0x3FDB];
	_ =	sdelay $0x1  }
0x99: {  	s4 =	simm.s32 $_scs_section_size  }
0x9a: {  	s5 =	simm.s32 $_size__tile_overlayer_lowered;
	s6 =	simm.s32 $_tile_overlayer_lowered  }
0x9b: {  	s22 =	simm.s32 $0x1BFF;
	s21 =	sshll.u32 s6, $0x1;
	s3 =	sadd.s32 s4, s19  }
0x9c: {  	s7 =	simm.s32 $0x0;
	s20 =	sshll.u32 s5, $0x1;
	s5 =	sadd.s32 s21, s3  }
0x9d: {  	[timem:s7], [sflag:s22] =	dma.local [hbm:s5], s20  }
0x9e: {  	_ =	swait.ge [sflag:s22], s20  }
0x9f: {  	s4 =	ssub.s32 $0x0, s20;
	[sflag:s22] =	ssyncset.done $0x0  }
0xa0: {  	[sflag:s22] =	ssyncadd.s32 s4;
	_ =	sdelay $0x1  }
0xa1: {  	s23 =	simm.s32 $0x1B8B  }
0xa2: {  	_ =	swait.ge [sflag:s23], $0x1  }
0xa3: {  	[sflag:s23] =	ssyncset.done $0x0  }
0xa4: {  	s25 =	simm.s32 $0x1B8E;
	s24 =	sld [smem:$0x3FFE];
	[sflag:s23] =	ssyncadd.s32 $0xFFFFFFFF  }
0xa5: {  	s26 =	simm.s32 $execute0_lowered;
	[smem:$0x3FD2] =	sst s25  }
0xa6: {  	s5 =	sshll.u32 s26, $0x1;
	_ =	strace $0x80000046;
	[dreg:$0x1] =	wrdreg $0xFFFFFFFF  }
0xa7: {  	s28 =	simm.s32 $_size_execute0_lowered;
	s3 =	sadd.s32 s3, s5;
	[dreg:$0x0] =	wrdreg $0x0  }
0xa8: {  	s5 =	sshll.u32 s28, $0x1;
	[dreg:$0x2] =	wrdreg s3  }
0xa9: {  	[dreg:$0x3] =	wrdreg s5  }
0xaa: {  	[dreg:$0x4] =	wrdreg $0xC0  }
0xab: {  	_ =	task [dreg:s7], $0x5FFFF  }
0xac: {  	[dreg:$0x1] =	wrdreg $0xFFFFFFFF  }
0xad: {  	[dreg:$0x0] =	wrdreg $0x60  }
0xae: {  	[dreg:$0x2] =	wrdreg s24  }
0xaf: {  	[dreg:$0x3] =	wrdreg s2  }
0xb0: {  	[dreg:$0x4] =	wrdreg $0x9  }
0xb1: {  	_ =	task.clear_ibuf [dreg:s7], $0x5FFFF;
	_ =	strace $0x90000046  }
0xb2: {  	s29 =	simm.s32 $0x9;
	_ =	strace $0x80000048  }
0xb3: {  	_ =	swait.ge [sflag:s29], $0x1  }
0xb4: {  	[sflag:s29] =	ssyncadd.s32 $0xFFFFFFFF  }
0xb5: {  	_ =	strace $0x90000048  }
0xb6: {  	_ =	sfence  }
0xb7: {  	s30 =	sld [smem:$0x0];
	_ =	sdelay $0x2  }
0xb8: {  	s31 =	sshll.u32 s1, $0xD;
	s1 =	sshrl.u32 s1, $0x2  }
0xb9: {  	s3 =	sand.u32 $0x4000, s31;
	s1 =	sadd.s32 s1, s30  }
0xba: {  	s0 =	sor.u32 s3, s0;
	s1 =	sshll.u32 s1, $0x11  }
0xbb: {  	s0 =	sor.u32 s1, s0  }
0xbc: {  	s0 =	sadd.s32 $0x8F2B, s0  }
0xbd: {  	[sflag:s0] =	ssyncadd.remote.s32 $0x1  }
0xbe: {  	_ =	sfence.sel $0xFFFF  }
0xbf: {  	[dreg:$0x0] =	wrdreg $0xFFFFFFFF;
	(pc) =	sbr.abs _section_cstart, $3  }
0xc0: {  	[dreg:$0x1] =	wrdreg $0xFFFFFFFF  }
0xc1: {  	_ =	task.clear_ibuf [dreg:s7], $0x2FFFF;
	_ =	strace $0x9FFFFFFF  }
0xc2: {  	(tm) =	ssettm $0x7FFFFFFF  }
0xc3: {  	_ =	shalt  }
tec
execute0_lowered:
.L_overlay_start_1:
0x0: {  	(tag) =	ssettag $0x1  }
0x1: {  	s3 =	rddreg [dreg:$0x0];
	s1 =	srdreg.scid  }
0x2: {  	s0 =	stileid.u32;
	s4 =	rddreg [dreg:$0x1]  }
0x3: {  	s2 =	simm.s32 $0x0;
	s9 =	simm.s32 $0x320;
	s10 =	simm.s32 $0x6400  }
0x4: {  	s11 =	simm.s32 $0xC800;
	s12 =	simm.s32 $0x1;
	s13 =	simm.s32 $0x640  }
0x5: {  	s14 =	simm.s32 $0x2;
	s15 =	simm.s32 $0x20;
	s16 =	simm.s32 $0x80  }
0x6: {  	s17 =	simm.s32 $0x960;
	s18 =	simm.s32 $0x3;
	s19 =	simm.s32 $0x0  }
0x7: {  	s5 =	sand.u32 $0x1, s1;
	s6 =	sshll.u32 s0, $0x1;
	s1 =	rddreg [dreg:$0x2]  }
0x8: {  	[smem:$0x7FF] =	sst s2;
	s6 =	sor.u32 s5, s6;
	s5 =	ssub.s32 $0x2, s5  }
0x9: {  	s7 =	smul.u32 $0xC80, s6;
	s8 =	sshrl.u32 s5, $0x1;
	s6 =	sshll.u32 s6, $0x9  }
0xa: {  	_ =	strace $0x80000047;
	s8 =	ssub.s32 s5, s8;
	s4 =	sadd.s32 s4, s6  }
0xb: {  	v0 =	vlaneseq.u32;
	s7 =	sadd.s32 s7, s3;
	s3 =	sadd.s32 $0xF42A00, s3;
	s6 =	sadd.s32 $0x18C, s4  }
0xc: {  	v0 =	vmul.u32 $0x640, v0;
	s5 =	sadd.s32 $0x600, s7;
	s7 =	smax.u32 s8, $0x1;
	s8 =	simm.s32 $0x4  }
.LBB2_1:
0xd: {  	[tilespmem:s2], [sflag:$0x4] =	stream.linear.gather [hbm4b:s5+s2], $0x6400, $0x38;
	[tilespmem:$0x1F400] =	vst v63  }
0xe: {  	_ =	swait.ge [sflag:s8], $0x6400  }
0xf: {  	[sflag:s8] =	ssyncset.done $0x0  }
0x10: {  	v1 =	vmov s2;
	[sflag:s8] =	ssyncadd.s32 $0xFFFF9C00  }
0x11: {  	v1 =	vshll.u32 v1, $0x5;
	[tilespmem:s10], [sflag:$0x1] =	stream.indirect.gather [hbm4b:s3+s9], $0x20, s2, s9, $0xb8;
	[tilespmem:$0x1F400] =	vst v63  }
0x12: {  	v1 =	vadd.s32 v0, v1  }
0x13: {  	v2 =	vor.u32 $0x1, v1;
	[tilespmem:s11], [sflag:$0x2] =	stream.indirect.gather [hbm4b:s3+s9], $0x20, s9, s9, $0xb8;
	[tilespmem:$0x1F400] =	vst v63  }
0x14: {  	v3 =	vor.u32 $0x2, v1;
	_ =	swait.ge [sflag:s12], $0x6400  }
0x15: {  	v4 =	vor.u32 $0x3, v1;
	[sflag:s12] =	ssyncset.done $0x0  }
0x16: {  	v5 =	vor.u32 $0x4, v1;
	[sflag:s12] =	ssyncadd.s32 $0xFFFF9C00  }
0x17: {  	v7 =	vor.u32 $0x5, v1;
	v6 =	vld.idx.msk [tilespmem:v1+s10+$0x0], $0xffff  }
0x18: {  	v8 =	vor.u32 $0x6, v1;
	v2 =	vld.idx.msk [tilespmem:v2+s10+$0x0], $0xffff  }
0x19: {  	v9 =	vor.u32 $0x7, v1;
	v3 =	vld.idx.msk [tilespmem:v3+s10+$0x0], $0xffff  }
0x1a: {  	v10 =	vor.u32 $0x8, v1;
	v4 =	vld.idx.msk [tilespmem:v4+s10+$0x0], $0xffff  }
0x1b: {  	v11 =	vor.u32 $0x9, v1;
	v5 =	vld.idx.msk [tilespmem:v5+s10+$0x0], $0xffff  }
0x1c: {  	v12 =	vor.u32 $0xA, v1;
	v7 =	vld.idx.msk [tilespmem:v7+s10+$0x0], $0xffff  }
0x1d: {  	v13 =	vor.u32 $0xB, v1;
	v8 =	vld.idx.msk [tilespmem:v8+s10+$0x0], $0xffff  }
0x1e: {  	v14 =	vor.u32 $0xC, v1;
	v9 =	vld.idx.msk [tilespmem:v9+s10+$0x0], $0xffff  }
0x1f: {  	v15 =	vor.u32 $0xD, v1;
	v10 =	vld.idx.msk [tilespmem:v10+s10+$0x0], $0xffff  }
0x20: {  	v16 =	vor.u32 $0xE, v1;
	v11 =	vld.idx.msk [tilespmem:v11+s10+$0x0], $0xffff  }
0x21: {  	v17 =	vor.u32 $0xF, v1;
	v12 =	vld.idx.msk [tilespmem:v12+s10+$0x0], $0xffff  }
0x22: {  	v18 =	vor.u32 $0x10, v1;
	v13 =	vld.idx.msk [tilespmem:v13+s10+$0x0], $0xffff  }
0x23: {  	v19 =	vor.u32 $0x11, v1;
	v14 =	vld.idx.msk [tilespmem:v14+s10+$0x0], $0xffff  }
0x24: {  	v20 =	vor.u32 $0x12, v1;
	v15 =	vld.idx.msk [tilespmem:v15+s10+$0x0], $0xffff  }
0x25: {  	v21 =	vor.u32 $0x13, v1;
	v16 =	vld.idx.msk [tilespmem:v16+s10+$0x0], $0xffff  }
0x26: {  	v22 =	vor.u32 $0x14, v1;
	v17 =	vld.idx.msk [tilespmem:v17+s10+$0x0], $0xffff  }
0x27: {  	v23 =	vor.u32 $0x15, v1;
	v18 =	vld.idx.msk [tilespmem:v18+s10+$0x0], $0xffff  }
0x28: {  	v24 =	vor.u32 $0x16, v1;
	v19 =	vld.idx.msk [tilespmem:v19+s10+$0x0], $0xffff  }
0x29: {  	v25 =	vor.u32 $0x17, v1;
	v20 =	vld.idx.msk [tilespmem:v20+s10+$0x0], $0xffff  }
0x2a: {  	v26 =	vor.u32 $0x18, v1;
	v21 =	vld.idx.msk [tilespmem:v21+s10+$0x0], $0xffff  }
0x2b: {  	v27 =	vor.u32 $0x1F, v1;
	v22 =	vld.idx.msk [tilespmem:v22+s10+$0x0], $0xffff  }
0x2c: {  	v28 =	vor.u32 $0x19, v1;
	v23 =	vld.idx.msk [tilespmem:v23+s10+$0x0], $0xffff  }
0x2d: {  	v29 =	vor.u32 $0x1A, v1;
	v24 =	vld.idx.msk [tilespmem:v24+s10+$0x0], $0xffff  }
0x2e: {  	v30 =	vor.u32 $0x1B, v1;
	v25 =	vld.idx.msk [tilespmem:v25+s10+$0x0], $0xffff  }
0x2f: {  	v31 =	vor.u32 $0x1C, v1;
	v26 =	vld.idx.msk [tilespmem:v26+s10+$0x0], $0xffff  }
0x30: {  	v32 =	vor.u32 $0x1D, v1;
	v27 =	vld.idx.msk [tilespmem:v27+s10+$0x0], $0xffff  }
0x31: {  	v28 =	vld.idx.msk [tilespmem:v28+s10+$0x0], $0xffff;
	v1 =	vor.u32 $0x1E, v1  }
0x32: {  	v29 =	vld.idx.msk [tilespmem:v29+s10+$0x0], $0xffff  }
0x33: {  	v30 =	vld.idx.msk [tilespmem:v30+s10+$0x0], $0xffff  }
0x34: {  	v31 =	vld.idx.msk [tilespmem:v31+s10+$0x0], $0xffff  }
0x35: {  	s20 =	simm.s32 $0x12E00;
	v32 =	vld.idx.msk [tilespmem:v32+s10+$0x0], $0xffff  }
0x36: {  	v1 =	vld.idx.msk [tilespmem:v1+s10+$0x0], $0xffff;
	[tilespmem:s20+$0x1E0] =	vst v27  }
0x37: {  	[tilespmem:s20+$0xFFFFFE20] =	vst v2  }
0x38: {  	[tilespmem:s20+$0xFFFFFE40] =	vst v3  }
0x39: {  	[tilespmem:s20+$0xFFFFFE60] =	vst v4  }
0x3a: {  	[tilespmem:s20+$0xFFFFFE80] =	vst v5  }
0x3b: {  	[tilespmem:s20+$0xFFFFFEA0] =	vst v7  }
0x3c: {  	[tilespmem:s20+$0xFFFFFEC0] =	vst v8  }
0x3d: {  	[tilespmem:s20+$0xFFFFFEE0] =	vst v9  }
0x3e: {  	[tilespmem:s20+$0xFFFFFF00] =	vst v10  }
0x3f: {  	[tilespmem:s20+$0xFFFFFF20] =	vst v11  }
0x40: {  	[tilespmem:s20+$0xFFFFFF40] =	vst v12  }
0x41: {  	[tilespmem:s20+$0xFFFFFF60] =	vst v13  }
0x42: {  	[tilespmem:s20+$0xFFFFFF80] =	vst v14  }
0x43: {  	[tilespmem:s20+$0xFFFFFFA0] =	vst v15  }
0x44: {  	[tilespmem:s20+$0xFFFFFFC0] =	vst v16  }
0x45: {  	[tilespmem:s20+$0xFFFFFFE0] =	vst v17  }
0x46: {  	[tilespmem:s20+$0x0] =	vst v18  }
0x47: {  	[tilespmem:s20+$0x20] =	vst v19  }
0x48: {  	[tilespmem:s20+$0x40] =	vst v20  }
0x49: {  	[tilespmem:s20+$0x60] =	vst v21  }
0x4a: {  	[tilespmem:s20+$0x80] =	vst v22  }
0x4b: {  	[tilespmem:s20+$0xA0] =	vst v23  }
0x4c: {  	[tilespmem:s20+$0xC0] =	vst v24  }
0x4d: {  	[tilespmem:s20+$0xE0] =	vst v25  }
0x4e: {  	s21 =	simm.s32 $0x1;
	[tilespmem:s20+$0x100] =	vst v26  }
0x4f: {  	v2 =	vmov s21;
	[tilespmem:s20+$0x120] =	vst v28  }
0x50: {  	[tilespmem:s20+$0x140] =	vst v29;
	v2 =	vshll.u32 v2, $0x5  }
0x51: {  	[tilespmem:s20+$0x160] =	vst v30;
	v2 =	vadd.s32 v0, v2  }
0x52: {  	[tilespmem:s20+$0x180] =	vst v31;
	v3 =	vor.u32 $0x1, v2  }
0x53: {  	[tilespmem:s20+$0x1A0] =	vst v32;
	v4 =	vor.u32 $0x2, v2  }
0x54: {  	[tilespmem:s20+$0xFFFFFE00] =	vst v6;
	v5 =	vor.u32 $0x3, v2  }
0x55: {  	v7 =	vor.u32 $0x4, v2;
	[tilespmem:s20+$0x1C0] =	vst v1  }
0x56: {  	v8 =	vor.u32 $0x5, v2;
	v1 =	vld.idx.msk [tilespmem:v2+s10+$0x0], $0xffff  }
0x57: {  	v9 =	vor.u32 $0x6, v2;
	v3 =	vld.idx.msk [tilespmem:v3+s10+$0x0], $0xffff  }
0x58: {  	v10 =	vor.u32 $0x7, v2;
	v4 =	vld.idx.msk [tilespmem:v4+s10+$0x0], $0xffff  }
0x59: {  	v11 =	vor.u32 $0x8, v2;
	v5 =	vld.idx.msk [tilespmem:v5+s10+$0x0], $0xffff  }
0x5a: {  	v12 =	vor.u32 $0x9, v2;
	v6 =	vld.idx.msk [tilespmem:v7+s10+$0x0], $0xffff  }
0x5b: {  	v13 =	vor.u32 $0xA, v2;
	v7 =	vld.idx.msk [tilespmem:v8+s10+$0x0], $0xffff  }
0x5c: {  	v14 =	vor.u32 $0xB, v2;
	v8 =	vld.idx.msk [tilespmem:v9+s10+$0x0], $0xffff  }
0x5d: {  	v15 =	vor.u32 $0xC, v2;
	v9 =	vld.idx.msk [tilespmem:v10+s10+$0x0], $0xffff  }
0x5e: {  	v16 =	vor.u32 $0xD, v2;
	v10 =	vld.idx.msk [tilespmem:v11+s10+$0x0], $0xffff  }
0x5f: {  	v17 =	vor.u32 $0xE, v2;
	v11 =	vld.idx.msk [tilespmem:v12+s10+$0x0], $0xffff  }
0x60: {  	v18 =	vor.u32 $0xF, v2;
	v12 =	vld.idx.msk [tilespmem:v13+s10+$0x0], $0xffff  }
0x61: {  	v19 =	vor.u32 $0x10, v2;
	v13 =	vld.idx.msk [tilespmem:v14+s10+$0x0], $0xffff  }
0x62: {  	v21 =	vor.u32 $0x11, v2;
	v14 =	vld.idx.msk [tilespmem:v15+s10+$0x0], $0xffff  }
0x63: {  	v24 =	vor.u32 $0x12, v2;
	v15 =	vld.idx.msk [tilespmem:v16+s10+$0x0], $0xffff  }
0x64: {  	v22 =	vor.u32 $0x13, v2;
	v16 =	vld.idx.msk [tilespmem:v17+s10+$0x0], $0xffff  }
0x65: {  	v23 =	vor.u32 $0x14, v2;
	v17 =	vld.idx.msk [tilespmem:v18+s10+$0x0], $0xffff  }
0x66: {  	v20 =	vor.u32 $0x15, v2;
	v18 =	vld.idx.msk [tilespmem:v19+s10+$0x0], $0xffff  }
0x67: {  	s21 =	simm.s32 $0x2;
	v19 =	vld.idx.msk [tilespmem:v21+s10+$0x0], $0xffff;
	v21 =	vor.u32 $0x16, v2  }
.LBB2_2:
0x68: {  	p0 =	sne.s32 s21, $0x31;
	v24 =	vld.idx.msk [tilespmem:v24+s10+$0x0], $0xffff;
	v25 =	vor.u32 $0x17, v2  }
0x69: {  	v26 =	vor.u32 $0x18, v2;
	v22 =	vld.idx.msk [tilespmem:v22+s10+$0x0], $0xffff  }
0x6a: {  	v27 =	vor.u32 $0x1F, v2;
	v23 =	vld.idx.msk [tilespmem:v23+s10+$0x0], $0xffff  }
0x6b: {  	v28 =	vor.u32 $0x19, v2;
	v20 =	vld.idx.msk [tilespmem:v20+s10+$0x0], $0xffff  }
0x6c: {  	v29 =	vor.u32 $0x1A, v2;
	v21 =	vld.idx.msk [tilespmem:v21+s10+$0x0], $0xffff  }
0x6d: {  	v30 =	vor.u32 $0x1B, v2;
	v25 =	vld.idx.msk [tilespmem:v25+s10+$0x0], $0xffff  }
0x6e: {  	v31 =	vor.u32 $0x1C, v2;
	v26 =	vld.idx.msk [tilespmem:v26+s10+$0x0], $0xffff  }
0x6f: {  	v32 =	vor.u32 $0x1D, v2;
	v27 =	vld.idx.msk [tilespmem:v27+s10+$0x0], $0xffff  }
0x70: {  	v2 =	vor.u32 $0x1E, v2;
	v28 =	vld.idx.msk [tilespmem:v28+s10+$0x0], $0xffff  }
0x71: {  	v29 =	vld.idx.msk [tilespmem:v29+s10+$0x0], $0xffff  }
0x72: {  	v30 =	vld.idx.msk [tilespmem:v30+s10+$0x0], $0xffff  }
0x73: {  	v31 =	vld.idx.msk [tilespmem:v31+s10+$0x0], $0xffff  }
0x74: {  	s20 =	sadd.s32 $0x400, s20;
	v32 =	vld.idx.msk [tilespmem:v32+s10+$0x0], $0xffff  }
0x75: {  	v33 =	vld.idx.msk [tilespmem:v2+s10+$0x0], $0xffff;
	[tilespmem:s20+$0x1E0] =	vst v27  }
0x76: {  	[tilespmem:s20+$0xFFFFFE20] =	vst v3  }
0x77: {  	[tilespmem:s20+$0xFFFFFE40] =	vst v4  }
0x78: {  	[tilespmem:s20+$0xFFFFFE60] =	vst v5  }
0x79: {  	[tilespmem:s20+$0xFFFFFE80] =	vst v6  }
0x7a: {  	[tilespmem:s20+$0xFFFFFEA0] =	vst v7  }
0x7b: {  	[tilespmem:s20+$0xFFFFFEC0] =	vst v8  }
0x7c: {  	[tilespmem:s20+$0xFFFFFEE0] =	vst v9  }
0x7d: {  	[tilespmem:s20+$0xFFFFFF00] =	vst v10  }
0x7e: {  	[tilespmem:s20+$0xFFFFFF20] =	vst v11  }
0x7f: {  	[tilespmem:s20+$0xFFFFFF40] =	vst v12  }
0x80: {  	[tilespmem:s20+$0xFFFFFF60] =	vst v13  }
0x81: {  	[tilespmem:s20+$0xFFFFFF80] =	vst v14  }
0x82: {  	[tilespmem:s20+$0xFFFFFFA0] =	vst v15  }
0x83: {  	[tilespmem:s20+$0xFFFFFFC0] =	vst v16  }
0x84: {  	[tilespmem:s20+$0xFFFFFFE0] =	vst v17  }
0x85: {  	[tilespmem:s20+$0x0] =	vst v18  }
0x86: {  	[tilespmem:s20+$0x20] =	vst v19  }
0x87: {  	[tilespmem:s20+$0x40] =	vst v24  }
0x88: {  	[tilespmem:s20+$0x60] =	vst v22  }
0x89: {  	[tilespmem:s20+$0x80] =	vst v23  }
0x8a: {  	[tilespmem:s20+$0xA0] =	vst v20  }
0x8b: {  	[tilespmem:s20+$0xC0] =	vst v21  }
0x8c: {  	[tilespmem:s20+$0xE0] =	vst v25  }
0x8d: {  	[tilespmem:s20+$0x100] =	vst v26  }
0x8e: {  	v2 =	vmov s21;
	[tilespmem:s20+$0x120] =	vst v28  }
0x8f: {  	v2 =	vshll.u32 v2, $0x5;
	[tilespmem:s20+$0x140] =	vst v29  }
0x90: {  	v2 =	vadd.s32 v0, v2;
	[tilespmem:s20+$0x160] =	vst v30  }
0x91: {  	v3 =	vor.u32 $0x1, v2;
	[tilespmem:s20+$0x180] =	vst v31  }
0x92: {  	v4 =	vor.u32 $0x2, v2;
	[tilespmem:s20+$0x1A0] =	vst v32  }
0x93: {  	v5 =	vor.u32 $0x3, v2;
	[tilespmem:s20+$0x1C0] =	vst v33  }
0x94: {  	v6 =	vor.u32 $0x4, v2;
	[tilespmem:s20+$0xFFFFFE00] =	vst v1  }
0x95: {  	v7 =	vor.u32 $0x5, v2;
	v1 =	vld.idx.msk [tilespmem:v2+s10+$0x0], $0xffff  }
0x96: {  	v8 =	vor.u32 $0x6, v2;
	v3 =	vld.idx.msk [tilespmem:v3+s10+$0x0], $0xffff  }
0x97: {  	v9 =	vor.u32 $0x7, v2;
	v4 =	vld.idx.msk [tilespmem:v4+s10+$0x0], $0xffff  }
0x98: {  	v10 =	vor.u32 $0x8, v2;
	v5 =	vld.idx.msk [tilespmem:v5+s10+$0x0], $0xffff  }
0x99: {  	v11 =	vor.u32 $0x9, v2;
	v6 =	vld.idx.msk [tilespmem:v6+s10+$0x0], $0xffff  }
0x9a: {  	v12 =	vor.u32 $0xA, v2;
	v7 =	vld.idx.msk [tilespmem:v7+s10+$0x0], $0xffff  }
0x9b: {  	v13 =	vor.u32 $0xB, v2;
	v8 =	vld.idx.msk [tilespmem:v8+s10+$0x0], $0xffff  }
0x9c: {  	v14 =	vor.u32 $0xC, v2;
	v9 =	vld.idx.msk [tilespmem:v9+s10+$0x0], $0xffff  }
0x9d: {  	v15 =	vor.u32 $0xD, v2;
	v10 =	vld.idx.msk [tilespmem:v10+s10+$0x0], $0xffff  }
0x9e: {  	v16 =	vor.u32 $0xE, v2;
	v11 =	vld.idx.msk [tilespmem:v11+s10+$0x0], $0xffff  }
0x9f: {  	v17 =	vor.u32 $0xF, v2;
	v12 =	vld.idx.msk [tilespmem:v12+s10+$0x0], $0xffff  }
0xa0: {  	v18 =	vor.u32 $0x10, v2;
	v13 =	vld.idx.msk [tilespmem:v13+s10+$0x0], $0xffff  }
0xa1: {  	v19 =	vor.u32 $0x11, v2;
	v14 =	vld.idx.msk [tilespmem:v14+s10+$0x0], $0xffff  }
.Ltmp0:
0xa2: {  	v24 =	vor.u32 $0x12, v2;
	v15 =	vld.idx.msk [tilespmem:v15+s10+$0x0], $0xffff;
	(pc) =	sbr.rel @p0 .LBB2_2-.Ltmp0, $4  }
0xa3: {  	v22 =	vor.u32 $0x13, v2;
	v16 =	vld.idx.msk [tilespmem:v16+s10+$0x0], $0xffff  }
0xa4: {  	v23 =	vor.u32 $0x14, v2;
	v17 =	vld.idx.msk [tilespmem:v17+s10+$0x0], $0xffff  }
0xa5: {  	v20 =	vor.u32 $0x15, v2;
	v18 =	vld.idx.msk [tilespmem:v18+s10+$0x0], $0xffff  }
0xa6: {  	s21 =	sadd.s32 $0x1, s21;
	v21 =	vor.u32 $0x16, v2;
	v19 =	vld.idx.msk [tilespmem:v19+s10+$0x0], $0xffff  }
0xa7: {  	_ =	sdelay $0x3  }
0xa8: {  	v24 =	vld.idx.msk [tilespmem:v24+s10+$0x0], $0xffff;
	v25 =	vor.u32 $0x17, v2  }
0xa9: {  	v22 =	vld.idx.msk [tilespmem:v22+s10+$0x0], $0xffff;
	v26 =	vor.u32 $0x18, v2  }
0xaa: {  	v23 =	vld.idx.msk [tilespmem:v23+s10+$0x0], $0xffff;
	v27 =	vor.u32 $0x1F, v2  }
0xab: {  	v20 =	vld.idx.msk [tilespmem:v20+s10+$0x0], $0xffff;
	v28 =	vor.u32 $0x19, v2  }
0xac: {  	v21 =	vld.idx.msk [tilespmem:v21+s10+$0x0], $0xffff;
	v29 =	vor.u32 $0x1A, v2  }
0xad: {  	v30 =	vor.u32 $0x1B, v2;
	v25 =	vld.idx.msk [tilespmem:v25+s10+$0x0], $0xffff  }
0xae: {  	v31 =	vor.u32 $0x1C, v2;
	v26 =	vld.idx.msk [tilespmem:v26+s10+$0x0], $0xffff  }
0xaf: {  	v32 =	vor.u32 $0x1D, v2;
	v27 =	vld.idx.msk [tilespmem:v27+s10+$0x0], $0xffff  }
0xb0: {  	v2 =	vor.u32 $0x1E, v2;
	v28 =	vld.idx.msk [tilespmem:v28+s10+$0x0], $0xffff  }
0xb1: {  	v29 =	vld.idx.msk [tilespmem:v29+s10+$0x0], $0xffff  }
0xb2: {  	v30 =	vld.idx.msk [tilespmem:v30+s10+$0x0], $0xffff  }
0xb3: {  	v31 =	vld.idx.msk [tilespmem:v31+s10+$0x0], $0xffff  }
0xb4: {  	s20 =	sadd.s32 $0x400, s20;
	v32 =	vld.idx.msk [tilespmem:v32+s10+$0x0], $0xffff  }
0xb5: {  	v2 =	vld.idx.msk [tilespmem:v2+s10+$0x0], $0xffff;
	[tilespmem:s20+$0xFFFFFE20] =	vst v3  }
0xb6: {  	[tilespmem:s20+$0xFFFFFE40] =	vst v4  }
0xb7: {  	[tilespmem:s20+$0xFFFFFE60] =	vst v5  }
0xb8: {  	[tilespmem:s20+$0xFFFFFE80] =	vst v6  }
0xb9: {  	[tilespmem:s20+$0xFFFFFEA0] =	vst v7  }
0xba: {  	[tilespmem:s20+$0xFFFFFEC0] =	vst v8  }
0xbb: {  	[tilespmem:s20+$0xFFFFFEE0] =	vst v9  }
0xbc: {  	[tilespmem:s20+$0xFFFFFF00] =	vst v10  }
0xbd: {  	[tilespmem:s20+$0xFFFFFF20] =	vst v11  }
0xbe: {  	[tilespmem:s20+$0xFFFFFF40] =	vst v12  }
0xbf: {  	[tilespmem:s20+$0xFFFFFF60] =	vst v13  }
0xc0: {  	[tilespmem:s20+$0xFFFFFF80] =	vst v14  }
0xc1: {  	[tilespmem:s20+$0xFFFFFFA0] =	vst v15  }
0xc2: {  	[tilespmem:s20+$0xFFFFFFC0] =	vst v16  }
0xc3: {  	[tilespmem:s20+$0xFFFFFFE0] =	vst v17  }
0xc4: {  	[tilespmem:s20+$0x0] =	vst v18  }
0xc5: {  	[tilespmem:s20+$0x20] =	vst v19  }
0xc6: {  	[tilespmem:s20+$0x40] =	vst v24  }
0xc7: {  	[tilespmem:s20+$0x60] =	vst v22  }
0xc8: {  	[tilespmem:s20+$0x80] =	vst v23  }
0xc9: {  	[tilespmem:s20+$0xA0] =	vst v20  }
0xca: {  	[tilespmem:s20+$0xC0] =	vst v21  }
0xcb: {  	[tilespmem:s20+$0xFFFFFE00] =	vst v1  }
0xcc: {  	[tilespmem:s20+$0x1E0] =	vst v27  }
0xcd: {  	[tilespmem:s20+$0xE0] =	vst v25  }
0xce: {  	[tilespmem:s20+$0x100] =	vst v26  }
0xcf: {  	[tilespmem:s20+$0x120] =	vst v28  }
0xd0: {  	[tilespmem:s20+$0x140] =	vst v29  }
0xd1: {  	s21 =	simm.s32 $0x0;
	[tilespmem:s20+$0x160] =	vst v30  }
0xd2: {  	v3 =	vmov s21;
	[tilespmem:s20+$0x180] =	vst v31  }
0xd3: {  	[tilespmem:s20+$0x1C0] =	vst v2;
	v2 =	vshll.u32 v3, $0x5  }
0xd4: {  	[tilespmem:s20+$0x1A0] =	vst v32;
	v1 =	vadd.s32 v0, v2  }
0xd5: {  	[tilespmem:s10], [sflag:$0x1] =	stream.indirect.gather [hbm4b:s3+s9], $0x20, s13, s9, $0xb8;
	v2 =	vor.u32 $0x1, v1;
	[tilespmem:$0x1F400] =	vst v63  }
0xd6: {  	_ =	swait.ge [sflag:s14], $0x6400;
	v3 =	vor.u32 $0x2, v1  }
0xd7: {  	v4 =	vor.u32 $0x3, v1;
	[sflag:s14] =	ssyncset.done $0x0  }
0xd8: {  	v5 =	vor.u32 $0x4, v1;
	[sflag:s14] =	ssyncadd.s32 $0xFFFF9C00  }
0xd9: {  	v7 =	vor.u32 $0x5, v1;
	v6 =	vld.idx.msk [tilespmem:v1+s11+$0x0], $0xffff  }
0xda: {  	v8 =	vor.u32 $0x6, v1;
	v2 =	vld.idx.msk [tilespmem:v2+s11+$0x0], $0xffff  }
0xdb: {  	v9 =	vor.u32 $0x7, v1;
	v3 =	vld.idx.msk [tilespmem:v3+s11+$0x0], $0xffff  }
0xdc: {  	v10 =	vor.u32 $0x8, v1;
	v4 =	vld.idx.msk [tilespmem:v4+s11+$0x0], $0xffff  }
0xdd: {  	v11 =	vor.u32 $0x9, v1;
	v5 =	vld.idx.msk [tilespmem:v5+s11+$0x0], $0xffff  }
0xde: {  	v12 =	vor.u32 $0xA, v1;
	v7 =	vld.idx.msk [tilespmem:v7+s11+$0x0], $0xffff  }
0xdf: {  	v13 =	vor.u32 $0xB, v1;
	v8 =	vld.idx.msk [tilespmem:v8+s11+$0x0], $0xffff  }
0xe0: {  	v14 =	vor.u32 $0xC, v1;
	v9 =	vld.idx.msk [tilespmem:v9+s11+$0x0], $0xffff  }
0xe1: {  	v15 =	vor.u32 $0xD, v1;
	v10 =	vld.idx.msk [tilespmem:v10+s11+$0x0], $0xffff  }
0xe2: {  	v16 =	vor.u32 $0xE, v1;
	v11 =	vld.idx.msk [tilespmem:v11+s11+$0x0], $0xffff  }
0xe3: {  	v17 =	vor.u32 $0xF, v1;
	v12 =	vld.idx.msk [tilespmem:v12+s11+$0x0], $0xffff  }
0xe4: {  	v18 =	vor.u32 $0x10, v1;
	v13 =	vld.idx.msk [tilespmem:v13+s11+$0x0], $0xffff  }
0xe5: {  	v19 =	vor.u32 $0x11, v1;
	v14 =	vld.idx.msk [tilespmem:v14+s11+$0x0], $0xffff  }
0xe6: {  	v20 =	vor.u32 $0x12, v1;
	v15 =	vld.idx.msk [tilespmem:v15+s11+$0x0], $0xffff  }
0xe7: {  	v21 =	vor.u32 $0x13, v1;
	v16 =	vld.idx.msk [tilespmem:v16+s11+$0x0], $0xffff  }
0xe8: {  	v22 =	vor.u32 $0x14, v1;
	v17 =	vld.idx.msk [tilespmem:v17+s11+$0x0], $0xffff  }
0xe9: {  	v23 =	vor.u32 $0x15, v1;
	v18 =	vld.idx.msk [tilespmem:v18+s11+$0x0], $0xffff  }
0xea: {  	v24 =	vor.u32 $0x16, v1;
	v19 =	vld.idx.msk [tilespmem:v19+s11+$0x0], $0xffff  }
0xeb: {  	v25 =	vor.u32 $0x17, v1;
	v20 =	vld.idx.msk [tilespmem:v20+s11+$0x0], $0xffff  }
0xec: {  	v26 =	vor.u32 $0x18, v1;
	v21 =	vld.idx.msk [tilespmem:v21+s11+$0x0], $0xffff  }
0xed: {  	v27 =	vor.u32 $0x1F, v1;
	v22 =	vld.idx.msk [tilespmem:v22+s11+$0x0], $0xffff  }
0xee: {  	v59 =	vor.u32 $0x19, v1;
	v23 =	vld.idx.msk [tilespmem:v23+s11+$0x0], $0xffff  }
0xef: {  	v60 =	vor.u32 $0x1A, v1;
	v24 =	vld.idx.msk [tilespmem:v24+s11+$0x0], $0xffff  }
0xf0: {  	v61 =	vor.u32 $0x1B, v1;
	v25 =	vld.idx.msk [tilespmem:v25+s11+$0x0], $0xffff  }
0xf1: {  	v62 =	vor.u32 $0x1C, v1;
	v26 =	vld.idx.msk [tilespmem:v26+s11+$0x0], $0xffff  }
0xf2: {  	v63 =	vor.u32 $0x1D, v1;
	v27 =	vld.idx.msk [tilespmem:v27+s11+$0x0], $0xffff  }
0xf3: {  	v1 =	vor.u32 $0x1E, v1;
	v28 =	vld.idx.msk [tilespmem:v59+s11+$0x0], $0xffff  }
0xf4: {  	v29 =	vld.idx.msk [tilespmem:v60+s11+$0x0], $0xffff  }
0xf5: {  	v30 =	vld.idx.msk [tilespmem:v61+s11+$0x0], $0xffff  }
0xf6: {  	v31 =	vld.idx.msk [tilespmem:v62+s11+$0x0], $0xffff  }
0xf7: {  	s20 =	simm.s32 $0x12E10;
	v32 =	vld.idx.msk [tilespmem:v63+s11+$0x0], $0xffff  }
0xf8: {  	v1 =	vld.idx.msk [tilespmem:v1+s11+$0x0], $0xffff;
	[tilespmem:s20+$0xFFFFFE00] =	vst v6  }
0xf9: {  	[tilespmem:s20+$0x1E0] =	vst v27  }
0xfa: {  	[tilespmem:s20+$0xFFFFFE20] =	vst v2  }
0xfb: {  	[tilespmem:s20+$0xFFFFFE40] =	vst v3  }
0xfc: {  	[tilespmem:s20+$0xFFFFFE60] =	vst v4  }
0xfd: {  	[tilespmem:s20+$0xFFFFFE80] =	vst v5  }
0xfe: {  	[tilespmem:s20+$0xFFFFFEA0] =	vst v7  }
0xff: {  	[tilespmem:s20+$0xFFFFFEC0] =	vst v8  }
0x100: {  	[tilespmem:s20+$0xFFFFFEE0] =	vst v9  }
0x101: {  	[tilespmem:s20+$0xFFFFFF00] =	vst v10  }
0x102: {  	[tilespmem:s20+$0xFFFFFF20] =	vst v11  }
0x103: {  	[tilespmem:s20+$0xFFFFFF40] =	vst v12  }
0x104: {  	[tilespmem:s20+$0xFFFFFF60] =	vst v13  }
0x105: {  	[tilespmem:s20+$0xFFFFFF80] =	vst v14  }
0x106: {  	[tilespmem:s20+$0xFFFFFFA0] =	vst v15  }
0x107: {  	[tilespmem:s20+$0xFFFFFFC0] =	vst v16  }
0x108: {  	[tilespmem:s20+$0xFFFFFFE0] =	vst v17  }
0x109: {  	[tilespmem:s20+$0x0] =	vst v18  }
0x10a: {  	[tilespmem:s20+$0x20] =	vst v19  }
0x10b: {  	[tilespmem:s20+$0x40] =	vst v20  }
0x10c: {  	[tilespmem:s20+$0x60] =	vst v21  }
0x10d: {  	[tilespmem:s20+$0x80] =	vst v22  }
0x10e: {  	[tilespmem:s20+$0xA0] =	vst v23  }
0x10f: {  	[tilespmem:s20+$0xC0] =	vst v24  }
0x110: {  	s31 =	simm.s32 $0x1;
	[tilespmem:s20+$0xE0] =	vst v25  }
0x111: {  	[tilespmem:s20+$0x100] =	vst v26;
	v2 =	vmov s31  }
0x112: {  	[tilespmem:s20+$0x120] =	vst v28;
	v2 =	vshll.u32 v2, $0x5  }
0x113: {  	[tilespmem:s20+$0x140] =	vst v29;
	v2 =	vadd.s32 v0, v2  }
0x114: {  	[tilespmem:s20+$0x160] =	vst v30;
	v3 =	vor.u32 $0x1, v2  }
0x115: {  	[tilespmem:s20+$0x180] =	vst v31;
	v4 =	vor.u32 $0x2, v2  }
0x116: {  	[tilespmem:s20+$0x1A0] =	vst v32;
	v5 =	vor.u32 $0x3, v2  }
0x117: {  	v7 =	vor.u32 $0x4, v2;
	[tilespmem:s20+$0x1C0] =	vst v1  }
0x118: {  	v8 =	vor.u32 $0x5, v2;
	v1 =	vld.idx.msk [tilespmem:v2+s11+$0x0], $0xffff  }
0x119: {  	v9 =	vor.u32 $0x6, v2;
	v3 =	vld.idx.msk [tilespmem:v3+s11+$0x0], $0xffff  }
0x11a: {  	v10 =	vor.u32 $0x7, v2;
	v4 =	vld.idx.msk [tilespmem:v4+s11+$0x0], $0xffff  }
0x11b: {  	v11 =	vor.u32 $0x8, v2;
	v5 =	vld.idx.msk [tilespmem:v5+s11+$0x0], $0xffff  }
0x11c: {  	v12 =	vor.u32 $0x9, v2;
	v6 =	vld.idx.msk [tilespmem:v7+s11+$0x0], $0xffff  }
0x11d: {  	v13 =	vor.u32 $0xA, v2;
	v7 =	vld.idx.msk [tilespmem:v8+s11+$0x0], $0xffff  }
0x11e: {  	v14 =	vor.u32 $0xB, v2;
	v8 =	vld.idx.msk [tilespmem:v9+s11+$0x0], $0xffff  }
0x11f: {  	v15 =	vor.u32 $0xC, v2;
	v9 =	vld.idx.msk [tilespmem:v10+s11+$0x0], $0xffff  }
0x120: {  	v16 =	vor.u32 $0xD, v2;
	v10 =	vld.idx.msk [tilespmem:v11+s11+$0x0], $0xffff  }
0x121: {  	v17 =	vor.u32 $0xE, v2;
	v11 =	vld.idx.msk [tilespmem:v12+s11+$0x0], $0xffff  }
0x122: {  	v18 =	vor.u32 $0xF, v2;
	v12 =	vld.idx.msk [tilespmem:v13+s11+$0x0], $0xffff  }
0x123: {  	v19 =	vor.u32 $0x10, v2;
	v13 =	vld.idx.msk [tilespmem:v14+s11+$0x0], $0xffff  }
0x124: {  	v21 =	vor.u32 $0x11, v2;
	v14 =	vld.idx.msk [tilespmem:v15+s11+$0x0], $0xffff  }
0x125: {  	v24 =	vor.u32 $0x12, v2;
	v15 =	vld.idx.msk [tilespmem:v16+s11+$0x0], $0xffff  }
0x126: {  	v22 =	vor.u32 $0x13, v2;
	v16 =	vld.idx.msk [tilespmem:v17+s11+$0x0], $0xffff  }
0x127: {  	v23 =	vor.u32 $0x14, v2;
	v17 =	vld.idx.msk [tilespmem:v18+s11+$0x0], $0xffff  }
0x128: {  	v20 =	vor.u32 $0x15, v2;
	v18 =	vld.idx.msk [tilespmem:v19+s11+$0x0], $0xffff  }
0x129: {  	s21 =	simm.s32 $0x2;
	v19 =	vld.idx.msk [tilespmem:v21+s11+$0x0], $0xffff;
	v21 =	vor.u32 $0x16, v2  }
.LBB2_4:
0x12a: {  	p0 =	sne.s32 s21, $0x31;
	v24 =	vld.idx.msk [tilespmem:v24+s11+$0x0], $0xffff;
	v25 =	vor.u32 $0x17, v2  }
0x12b: {  	v26 =	vor.u32 $0x18, v2;
	v22 =	vld.idx.msk [tilespmem:v22+s11+$0x0], $0xffff  }
0x12c: {  	v27 =	vor.u32 $0x1F, v2;
	v23 =	vld.idx.msk [tilespmem:v23+s11+$0x0], $0xffff  }
0x12d: {  	v28 =	vor.u32 $0x19, v2;
	v20 =	vld.idx.msk [tilespmem:v20+s11+$0x0], $0xffff  }
0x12e: {  	v29 =	vor.u32 $0x1A, v2;
	v21 =	vld.idx.msk [tilespmem:v21+s11+$0x0], $0xffff  }
0x12f: {  	v30 =	vor.u32 $0x1B, v2;
	v25 =	vld.idx.msk [tilespmem:v25+s11+$0x0], $0xffff  }
0x130: {  	v31 =	vor.u32 $0x1C, v2;
	v26 =	vld.idx.msk [tilespmem:v26+s11+$0x0], $0xffff  }
0x131: {  	v32 =	vor.u32 $0x1D, v2;
	v27 =	vld.idx.msk [tilespmem:v27+s11+$0x0], $0xffff  }
0x132: {  	v2 =	vor.u32 $0x1E, v2;
	v28 =	vld.idx.msk [tilespmem:v28+s11+$0x0], $0xffff  }
0x133: {  	v29 =	vld.idx.msk [tilespmem:v29+s11+$0x0], $0xffff  }
0x134: {  	v30 =	vld.idx.msk [tilespmem:v30+s11+$0x0], $0xffff  }
0x135: {  	v31 =	vld.idx.msk [tilespmem:v31+s11+$0x0], $0xffff  }
0x136: {  	s20 =	sadd.s32 $0x400, s20;
	v32 =	vld.idx.msk [tilespmem:v32+s11+$0x0], $0xffff  }
0x137: {  	v33 =	vld.idx.msk [tilespmem:v2+s11+$0x0], $0xffff;
	[tilespmem:s20+$0x1E0] =	vst v27  }
0x138: {  	[tilespmem:s20+$0xFFFFFE20] =	vst v3  }
0x139: {  	[tilespmem:s20+$0xFFFFFE40] =	vst v4  }
0x13a: {  	[tilespmem:s20+$0xFFFFFE60] =	vst v5  }
0x13b: {  	[tilespmem:s20+$0xFFFFFE80] =	vst v6  }
0x13c: {  	[tilespmem:s20+$0xFFFFFEA0] =	vst v7  }
0x13d: {  	[tilespmem:s20+$0xFFFFFEC0] =	vst v8  }
0x13e: {  	[tilespmem:s20+$0xFFFFFEE0] =	vst v9  }
0x13f: {  	[tilespmem:s20+$0xFFFFFF00] =	vst v10  }
0x140: {  	[tilespmem:s20+$0xFFFFFF20] =	vst v11  }
0x141: {  	[tilespmem:s20+$0xFFFFFF40] =	vst v12  }
0x142: {  	[tilespmem:s20+$0xFFFFFF60] =	vst v13  }
0x143: {  	[tilespmem:s20+$0xFFFFFF80] =	vst v14  }
0x144: {  	[tilespmem:s20+$0xFFFFFFA0] =	vst v15  }
0x145: {  	[tilespmem:s20+$0xFFFFFFC0] =	vst v16  }
0x146: {  	[tilespmem:s20+$0xFFFFFFE0] =	vst v17  }
0x147: {  	[tilespmem:s20+$0x0] =	vst v18  }
0x148: {  	[tilespmem:s20+$0x20] =	vst v19  }
0x149: {  	[tilespmem:s20+$0x40] =	vst v24  }
0x14a: {  	[tilespmem:s20+$0x60] =	vst v22  }
0x14b: {  	[tilespmem:s20+$0x80] =	vst v23  }
0x14c: {  	[tilespmem:s20+$0xA0] =	vst v20  }
0x14d: {  	[tilespmem:s20+$0xC0] =	vst v21  }
0x14e: {  	[tilespmem:s20+$0xE0] =	vst v25  }
0x14f: {  	[tilespmem:s20+$0x100] =	vst v26  }
0x150: {  	v2 =	vmov s21;
	[tilespmem:s20+$0x120] =	vst v28  }
0x151: {  	v2 =	vshll.u32 v2, $0x5;
	[tilespmem:s20+$0x140] =	vst v29  }
0x152: {  	v2 =	vadd.s32 v0, v2;
	[tilespmem:s20+$0x160] =	vst v30  }
0x153: {  	v3 =	vor.u32 $0x1, v2;
	[tilespmem:s20+$0x180] =	vst v31  }
0x154: {  	v4 =	vor.u32 $0x2, v2;
	[tilespmem:s20+$0x1A0] =	vst v32  }
0x155: {  	v5 =	vor.u32 $0x3, v2;
	[tilespmem:s20+$0x1C0] =	vst v33  }
0x156: {  	v6 =	vor.u32 $0x4, v2;
	[tilespmem:s20+$0xFFFFFE00] =	vst v1  }
0x157: {  	v7 =	vor.u32 $0x5, v2;
	v1 =	vld.idx.msk [tilespmem:v2+s11+$0x0], $0xffff  }
0x158: {  	v8 =	vor.u32 $0x6, v2;
	v3 =	vld.idx.msk [tilespmem:v3+s11+$0x0], $0xffff  }
0x159: {  	v9 =	vor.u32 $0x7, v2;
	v4 =	vld.idx.msk [tilespmem:v4+s11+$0x0], $0xffff  }
0x15a: {  	v10 =	vor.u32 $0x8, v2;
	v5 =	vld.idx.msk [tilespmem:v5+s11+$0x0], $0xffff  }
0x15b: {  	v11 =	vor.u32 $0x9, v2;
	v6 =	vld.idx.msk [tilespmem:v6+s11+$0x0], $0xffff  }
0x15c: {  	v12 =	vor.u32 $0xA, v2;
	v7 =	vld.idx.msk [tilespmem:v7+s11+$0x0], $0xffff  }
0x15d: {  	v13 =	vor.u32 $0xB, v2;
	v8 =	vld.idx.msk [tilespmem:v8+s11+$0x0], $0xffff  }
0x15e: {  	v14 =	vor.u32 $0xC, v2;
	v9 =	vld.idx.msk [tilespmem:v9+s11+$0x0], $0xffff  }
0x15f: {  	v15 =	vor.u32 $0xD, v2;
	v10 =	vld.idx.msk [tilespmem:v10+s11+$0x0], $0xffff  }
0x160: {  	v16 =	vor.u32 $0xE, v2;
	v11 =	vld.idx.msk [tilespmem:v11+s11+$0x0], $0xffff  }
0x161: {  	v17 =	vor.u32 $0xF, v2;
	v12 =	vld.idx.msk [tilespmem:v12+s11+$0x0], $0xffff  }
0x162: {  	v18 =	vor.u32 $0x10, v2;
	v13 =	vld.idx.msk [tilespmem:v13+s11+$0x0], $0xffff  }
0x163: {  	v19 =	vor.u32 $0x11, v2;
	v14 =	vld.idx.msk [tilespmem:v14+s11+$0x0], $0xffff  }
.Ltmp1:
0x164: {  	v24 =	vor.u32 $0x12, v2;
	v15 =	vld.idx.msk [tilespmem:v15+s11+$0x0], $0xffff;
	(pc) =	sbr.rel @p0 .LBB2_4-.Ltmp1, $4  }
0x165: {  	v22 =	vor.u32 $0x13, v2;
	v16 =	vld.idx.msk [tilespmem:v16+s11+$0x0], $0xffff  }
0x166: {  	v23 =	vor.u32 $0x14, v2;
	v17 =	vld.idx.msk [tilespmem:v17+s11+$0x0], $0xffff  }
0x167: {  	v20 =	vor.u32 $0x15, v2;
	v18 =	vld.idx.msk [tilespmem:v18+s11+$0x0], $0xffff  }
0x168: {  	s21 =	sadd.s32 $0x1, s21;
	v21 =	vor.u32 $0x16, v2;
	v19 =	vld.idx.msk [tilespmem:v19+s11+$0x0], $0xffff  }
0x169: {  	_ =	sdelay $0x3  }
0x16a: {  	v24 =	vld.idx.msk [tilespmem:v24+s11+$0x0], $0xffff;
	v25 =	vor.u32 $0x17, v2  }
0x16b: {  	v22 =	vld.idx.msk [tilespmem:v22+s11+$0x0], $0xffff;
	v26 =	vor.u32 $0x18, v2  }
0x16c: {  	v23 =	vld.idx.msk [tilespmem:v23+s11+$0x0], $0xffff;
	v27 =	vor.u32 $0x1F, v2  }
0x16d: {  	v20 =	vld.idx.msk [tilespmem:v20+s11+$0x0], $0xffff;
	v28 =	vor.u32 $0x19, v2  }
0x16e: {  	v21 =	vld.idx.msk [tilespmem:v21+s11+$0x0], $0xffff;
	v29 =	vor.u32 $0x1A, v2  }
0x16f: {  	v30 =	vor.u32 $0x1B, v2;
	v25 =	vld.idx.msk [tilespmem:v25+s11+$0x0], $0xffff  }
0x170: {  	v31 =	vor.u32 $0x1C, v2;
	v26 =	vld.idx.msk [tilespmem:v26+s11+$0x0], $0xffff  }
0x171: {  	v32 =	vor.u32 $0x1D, v2;
	v27 =	vld.idx.msk [tilespmem:v27+s11+$0x0], $0xffff  }
0x172: {  	v2 =	vor.u32 $0x1E, v2;
	v28 =	vld.idx.msk [tilespmem:v28+s11+$0x0], $0xffff  }
0x173: {  	v29 =	vld.idx.msk [tilespmem:v29+s11+$0x0], $0xffff  }
0x174: {  	v30 =	vld.idx.msk [tilespmem:v30+s11+$0x0], $0xffff  }
0x175: {  	v31 =	vld.idx.msk [tilespmem:v31+s11+$0x0], $0xffff  }
0x176: {  	s20 =	sadd.s32 $0x400, s20;
	v32 =	vld.idx.msk [tilespmem:v32+s11+$0x0], $0xffff  }
0x177: {  	v2 =	vld.idx.msk [tilespmem:v2+s11+$0x0], $0xffff;
	[tilespmem:s20+$0xFFFFFE20] =	vst v3  }
0x178: {  	[tilespmem:s20+$0xFFFFFE40] =	vst v4  }
0x179: {  	[tilespmem:s20+$0xFFFFFE60] =	vst v5  }
0x17a: {  	[tilespmem:s20+$0xFFFFFE80] =	vst v6  }
0x17b: {  	[tilespmem:s20+$0xFFFFFEA0] =	vst v7  }
0x17c: {  	[tilespmem:s20+$0xFFFFFEC0] =	vst v8  }
0x17d: {  	[tilespmem:s20+$0xFFFFFEE0] =	vst v9  }
0x17e: {  	[tilespmem:s20+$0xFFFFFF00] =	vst v10  }
0x17f: {  	[tilespmem:s20+$0xFFFFFF20] =	vst v11  }
0x180: {  	[tilespmem:s20+$0xFFFFFF40] =	vst v12  }
0x181: {  	[tilespmem:s20+$0xFFFFFF60] =	vst v13  }
0x182: {  	[tilespmem:s20+$0xFFFFFF80] =	vst v14  }
0x183: {  	[tilespmem:s20+$0xFFFFFFA0] =	vst v15  }
0x184: {  	[tilespmem:s20+$0xFFFFFFC0] =	vst v16  }
0x185: {  	[tilespmem:s20+$0xFFFFFFE0] =	vst v17  }
0x186: {  	[tilespmem:s20+$0x0] =	vst v18  }
0x187: {  	[tilespmem:s20+$0x20] =	vst v19  }
0x188: {  	[tilespmem:s20+$0x40] =	vst v24  }
0x189: {  	[tilespmem:s20+$0x60] =	vst v22  }
0x18a: {  	[tilespmem:s20+$0x80] =	vst v23  }
0x18b: {  	[tilespmem:s20+$0xA0] =	vst v20  }
0x18c: {  	[tilespmem:s20+$0xC0] =	vst v21  }
0x18d: {  	[tilespmem:s20+$0xFFFFFE00] =	vst v1  }
0x18e: {  	[tilespmem:s20+$0x1E0] =	vst v27  }
0x18f: {  	[tilespmem:s20+$0xE0] =	vst v25  }
0x190: {  	[tilespmem:s20+$0x100] =	vst v26  }
0x191: {  	[tilespmem:s20+$0x120] =	vst v28  }
0x192: {  	[tilespmem:s20+$0x140] =	vst v29  }
0x193: {  	[tilespmem:s20+$0x160] =	vst v30  }
0x194: {  	[tilespmem:s20+$0x180] =	vst v31  }
0x195: {  	[tilespmem:s20+$0x1A0] =	vst v32  }
0x196: {  	s31 =	simm.s32 $0x12C00;
	s21 =	smov.u32 s4;
	[tilespmem:s20+$0x1C0] =	vst v2;
	s20 =	simm.s32 $0x400  }
0x197: {  	[hbm4b:s4+s15] =	stream.strided.scatter [tilespmem:s31], [sflag:$0x3], $0x100, s16, s15, $0x38;
	[tilespmem:$0x1F400] =	vst v63  }
.LBB2_6:
0x198: {  	p0 =	sne.s32 s20, $0x31C00  }
.Ltmp2:
0x199: {  	_ = 	snop;
	(pc) =	sbr.rel @p0 .LBB2_6-.Ltmp2, $4  }
0x19a: {  	_ = 	snop  }
0x19b: {  	s22 =	sshra.s32 s20, $0x2;
	s20 =	sadd.s32 $0x400, s20  }
0x19c: {  	s21 =	sadd.s32 $0x4000, s21;
	s22 =	sadd.s32 $0x12C00, s22  }
0x19d: {  	[hbm4b:s21+s15] =	stream.strided.scatter [tilespmem:s22], [sflag:$0x3], $0x100, s16, s15, $0x38;
	[tilespmem:$0x1F400] =	vst v63  }
0x19e: {  	[tilespmem:s11], [sflag:$0x2] =	stream.indirect.gather [hbm4b:s3+s9], $0x20, s17, s9, $0xb8;
	[tilespmem:$0x1F400] =	vst v63  }
0x19f: {  	s20 =	simm.s32 $0x1  }
.LBB2_8:
0x1a0: {  	s21 =	simm.s32 $0x0  }
0x1a1: {  	v1 =	vmov s21  }
0x1a2: {  	_ =	swait.ge [sflag:s12], $0x6400;
	v1 =	vshll.u32 v1, $0x5  }
0x1a3: {  	[sflag:s12] =	ssyncset.done $0x0;
	v1 =	vadd.s32 v0, v1  }
0x1a4: {  	[sflag:s12] =	ssyncadd.s32 $0xFFFF9C00;
	v2 =	vor.u32 $0x1, v1  }
0x1a5: {  	_ =	swait.ge [sflag:s18], $0xC800;
	v3 =	vor.u32 $0x2, v1  }
0x1a6: {  	[sflag:s18] =	ssyncset.done $0x0;
	v4 =	vor.u32 $0x3, v1  }
0x1a7: {  	v5 =	vor.u32 $0x4, v1;
	[sflag:s18] =	ssyncadd.s32 $0xFFFF3800  }
0x1a8: {  	v7 =	vor.u32 $0x5, v1;
	v6 =	vld.idx.msk [tilespmem:v1+s10+$0x0], $0xffff  }
0x1a9: {  	v8 =	vor.u32 $0x6, v1;
	v2 =	vld.idx.msk [tilespmem:v2+s10+$0x0], $0xffff  }
0x1aa: {  	v9 =	vor.u32 $0x7, v1;
	v3 =	vld.idx.msk [tilespmem:v3+s10+$0x0], $0xffff  }
0x1ab: {  	v10 =	vor.u32 $0x8, v1;
	v4 =	vld.idx.msk [tilespmem:v4+s10+$0x0], $0xffff  }
0x1ac: {  	v11 =	vor.u32 $0x9, v1;
	v5 =	vld.idx.msk [tilespmem:v5+s10+$0x0], $0xffff  }
0x1ad: {  	v12 =	vor.u32 $0xA, v1;
	v7 =	vld.idx.msk [tilespmem:v7+s10+$0x0], $0xffff  }
0x1ae: {  	v13 =	vor.u32 $0xB, v1;
	v8 =	vld.idx.msk [tilespmem:v8+s10+$0x0], $0xffff  }
0x1af: {  	v14 =	vor.u32 $0xC, v1;
	v9 =	vld.idx.msk [tilespmem:v9+s10+$0x0], $0xffff  }
0x1b0: {  	v15 =	vor.u32 $0xD, v1;
	v10 =	vld.idx.msk [tilespmem:v10+s10+$0x0], $0xffff  }
0x1b1: {  	v16 =	vor.u32 $0xE, v1;
	v11 =	vld.idx.msk [tilespmem:v11+s10+$0x0], $0xffff  }
0x1b2: {  	v17 =	vor.u32 $0xF, v1;
	v12 =	vld.idx.msk [tilespmem:v12+s10+$0x0], $0xffff  }
0x1b3: {  	v18 =	vor.u32 $0x10, v1;
	v13 =	vld.idx.msk [tilespmem:v13+s10+$0x0], $0xffff  }
0x1b4: {  	v19 =	vor.u32 $0x11, v1;
	v14 =	vld.idx.msk [tilespmem:v14+s10+$0x0], $0xffff  }
0x1b5: {  	v20 =	vor.u32 $0x12, v1;
	v15 =	vld.idx.msk [tilespmem:v15+s10+$0x0], $0xffff  }
0x1b6: {  	v21 =	vor.u32 $0x13, v1;
	v16 =	vld.idx.msk [tilespmem:v16+s10+$0x0], $0xffff  }
0x1b7: {  	v22 =	vor.u32 $0x14, v1;
	v17 =	vld.idx.msk [tilespmem:v17+s10+$0x0], $0xffff  }
0x1b8: {  	v23 =	vor.u32 $0x15, v1;
	v18 =	vld.idx.msk [tilespmem:v18+s10+$0x0], $0xffff  }
0x1b9: {  	v24 =	vor.u32 $0x16, v1;
	v19 =	vld.idx.msk [tilespmem:v19+s10+$0x0], $0xffff  }
0x1ba: {  	v25 =	vor.u32 $0x17, v1;
	v20 =	vld.idx.msk [tilespmem:v20+s10+$0x0], $0xffff  }
0x1bb: {  	v26 =	vor.u32 $0x18, v1;
	v21 =	vld.idx.msk [tilespmem:v21+s10+$0x0], $0xffff  }
0x1bc: {  	v27 =	vor.u32 $0x1F, v1;
	v22 =	vld.idx.msk [tilespmem:v22+s10+$0x0], $0xffff  }
0x1bd: {  	v28 =	vor.u32 $0x19, v1;
	v23 =	vld.idx.msk [tilespmem:v23+s10+$0x0], $0xffff  }
0x1be: {  	v29 =	vor.u32 $0x1A, v1;
	v24 =	vld.idx.msk [tilespmem:v24+s10+$0x0], $0xffff  }
0x1bf: {  	v30 =	vor.u32 $0x1B, v1;
	v25 =	vld.idx.msk [tilespmem:v25+s10+$0x0], $0xffff  }
0x1c0: {  	v31 =	vor.u32 $0x1C, v1;
	v26 =	vld.idx.msk [tilespmem:v26+s10+$0x0], $0xffff  }
0x1c1: {  	v32 =	vor.u32 $0x1D, v1;
	v27 =	vld.idx.msk [tilespmem:v27+s10+$0x0], $0xffff  }
0x1c2: {  	v1 =	vor.u32 $0x1E, v1;
	v28 =	vld.idx.msk [tilespmem:v28+s10+$0x0], $0xffff  }
0x1c3: {  	v29 =	vld.idx.msk [tilespmem:v29+s10+$0x0], $0xffff  }
0x1c4: {  	v30 =	vld.idx.msk [tilespmem:v30+s10+$0x0], $0xffff  }
0x1c5: {  	v31 =	vld.idx.msk [tilespmem:v31+s10+$0x0], $0xffff  }
0x1c6: {  	s21 =	simm.s32 $0x12E00;
	v32 =	vld.idx.msk [tilespmem:v32+s10+$0x0], $0xffff  }
0x1c7: {  	v1 =	vld.idx.msk [tilespmem:v1+s10+$0x0], $0xffff;
	[tilespmem:s21+$0xFFFFFE00] =	vst v6  }
0x1c8: {  	[tilespmem:s21+$0x1E0] =	vst v27  }
0x1c9: {  	[tilespmem:s21+$0xFFFFFE20] =	vst v2  }
0x1ca: {  	[tilespmem:s21+$0xFFFFFE40] =	vst v3  }
0x1cb: {  	[tilespmem:s21+$0xFFFFFE60] =	vst v4  }
0x1cc: {  	[tilespmem:s21+$0xFFFFFE80] =	vst v5  }
0x1cd: {  	[tilespmem:s21+$0xFFFFFEA0] =	vst v7  }
0x1ce: {  	[tilespmem:s21+$0xFFFFFEC0] =	vst v8  }
0x1cf: {  	[tilespmem:s21+$0xFFFFFEE0] =	vst v9  }
0x1d0: {  	[tilespmem:s21+$0xFFFFFF00] =	vst v10  }
0x1d1: {  	[tilespmem:s21+$0xFFFFFF20] =	vst v11  }
0x1d2: {  	[tilespmem:s21+$0xFFFFFF40] =	vst v12  }
0x1d3: {  	[tilespmem:s21+$0xFFFFFF60] =	vst v13  }
0x1d4: {  	[tilespmem:s21+$0xFFFFFF80] =	vst v14  }
0x1d5: {  	[tilespmem:s21+$0xFFFFFFA0] =	vst v15  }
0x1d6: {  	[tilespmem:s21+$0xFFFFFFC0] =	vst v16  }
0x1d7: {  	[tilespmem:s21+$0xFFFFFFE0] =	vst v17  }
0x1d8: {  	[tilespmem:s21+$0x0] =	vst v18  }
0x1d9: {  	[tilespmem:s21+$0x20] =	vst v19  }
0x1da: {  	[tilespmem:s21+$0x40] =	vst v20  }
0x1db: {  	[tilespmem:s21+$0x60] =	vst v21  }
0x1dc: {  	[tilespmem:s21+$0x80] =	vst v22  }
0x1dd: {  	[tilespmem:s21+$0xA0] =	vst v23  }
0x1de: {  	[tilespmem:s21+$0xC0] =	vst v24  }
0x1df: {  	s22 =	simm.s32 $0x1;
	[tilespmem:s21+$0xE0] =	vst v25  }
0x1e0: {  	[tilespmem:s21+$0x100] =	vst v26;
	v2 =	vmov s22  }
0x1e1: {  	[tilespmem:s21+$0x120] =	vst v28;
	v2 =	vshll.u32 v2, $0x5  }
0x1e2: {  	[tilespmem:s21+$0x140] =	vst v29;
	v2 =	vadd.s32 v0, v2  }
0x1e3: {  	[tilespmem:s21+$0x160] =	vst v30;
	v3 =	vor.u32 $0x1, v2  }
0x1e4: {  	[tilespmem:s21+$0x180] =	vst v31;
	v4 =	vor.u32 $0x2, v2  }
0x1e5: {  	[tilespmem:s21+$0x1A0] =	vst v32;
	v5 =	vor.u32 $0x3, v2  }
0x1e6: {  	v7 =	vor.u32 $0x4, v2;
	[tilespmem:s21+$0x1C0] =	vst v1  }
0x1e7: {  	v8 =	vor.u32 $0x5, v2;
	v1 =	vld.idx.msk [tilespmem:v2+s10+$0x0], $0xffff  }
0x1e8: {  	v9 =	vor.u32 $0x6, v2;
	v3 =	vld.idx.msk [tilespmem:v3+s10+$0x0], $0xffff  }
0x1e9: {  	v10 =	vor.u32 $0x7, v2;
	v4 =	vld.idx.msk [tilespmem:v4+s10+$0x0], $0xffff  }
0x1ea: {  	v11 =	vor.u32 $0x8, v2;
	v5 =	vld.idx.msk [tilespmem:v5+s10+$0x0], $0xffff  }
0x1eb: {  	v12 =	vor.u32 $0x9, v2;
	v6 =	vld.idx.msk [tilespmem:v7+s10+$0x0], $0xffff  }
0x1ec: {  	v13 =	vor.u32 $0xA, v2;
	v7 =	vld.idx.msk [tilespmem:v8+s10+$0x0], $0xffff  }
0x1ed: {  	v14 =	vor.u32 $0xB, v2;
	v8 =	vld.idx.msk [tilespmem:v9+s10+$0x0], $0xffff  }
0x1ee: {  	v15 =	vor.u32 $0xC, v2;
	v9 =	vld.idx.msk [tilespmem:v10+s10+$0x0], $0xffff  }
0x1ef: {  	v16 =	vor.u32 $0xD, v2;
	v10 =	vld.idx.msk [tilespmem:v11+s10+$0x0], $0xffff  }
0x1f0: {  	v17 =	vor.u32 $0xE, v2;
	v11 =	vld.idx.msk [tilespmem:v12+s10+$0x0], $0xffff  }
0x1f1: {  	v18 =	vor.u32 $0xF, v2;
	v12 =	vld.idx.msk [tilespmem:v13+s10+$0x0], $0xffff  }
0x1f2: {  	v19 =	vor.u32 $0x10, v2;
	v13 =	vld.idx.msk [tilespmem:v14+s10+$0x0], $0xffff  }
0x1f3: {  	v21 =	vor.u32 $0x11, v2;
	v14 =	vld.idx.msk [tilespmem:v15+s10+$0x0], $0xffff  }
0x1f4: {  	v24 =	vor.u32 $0x12, v2;
	v15 =	vld.idx.msk [tilespmem:v16+s10+$0x0], $0xffff  }
0x1f5: {  	v22 =	vor.u32 $0x13, v2;
	v16 =	vld.idx.msk [tilespmem:v17+s10+$0x0], $0xffff  }
0x1f6: {  	v23 =	vor.u32 $0x14, v2;
	v17 =	vld.idx.msk [tilespmem:v18+s10+$0x0], $0xffff  }
0x1f7: {  	v20 =	vor.u32 $0x15, v2;
	v18 =	vld.idx.msk [tilespmem:v19+s10+$0x0], $0xffff  }
0x1f8: {  	s22 =	simm.s32 $0x2;
	v19 =	vld.idx.msk [tilespmem:v21+s10+$0x0], $0xffff;
	v21 =	vor.u32 $0x16, v2  }
.LBB2_9:
0x1f9: {  	p0 =	sne.s32 s22, $0x31;
	v24 =	vld.idx.msk [tilespmem:v24+s10+$0x0], $0xffff;
	v25 =	vor.u32 $0x17, v2  }
0x1fa: {  	v26 =	vor.u32 $0x18, v2;
	v22 =	vld.idx.msk [tilespmem:v22+s10+$0x0], $0xffff  }
0x1fb: {  	v27 =	vor.u32 $0x1F, v2;
	v23 =	vld.idx.msk [tilespmem:v23+s10+$0x0], $0xffff  }
0x1fc: {  	v28 =	vor.u32 $0x19, v2;
	v20 =	vld.idx.msk [tilespmem:v20+s10+$0x0], $0xffff  }
0x1fd: {  	v29 =	vor.u32 $0x1A, v2;
	v21 =	vld.idx.msk [tilespmem:v21+s10+$0x0], $0xffff  }
0x1fe: {  	v30 =	vor.u32 $0x1B, v2;
	v25 =	vld.idx.msk [tilespmem:v25+s10+$0x0], $0xffff  }
0x1ff: {  	v31 =	vor.u32 $0x1C, v2;
	v26 =	vld.idx.msk [tilespmem:v26+s10+$0x0], $0xffff  }
0x200: {  	v32 =	vor.u32 $0x1D, v2;
	v27 =	vld.idx.msk [tilespmem:v27+s10+$0x0], $0xffff  }
0x201: {  	v2 =	vor.u32 $0x1E, v2;
	v28 =	vld.idx.msk [tilespmem:v28+s10+$0x0], $0xffff  }
0x202: {  	v29 =	vld.idx.msk [tilespmem:v29+s10+$0x0], $0xffff  }
0x203: {  	v30 =	vld.idx.msk [tilespmem:v30+s10+$0x0], $0xffff  }
0x204: {  	v31 =	vld.idx.msk [tilespmem:v31+s10+$0x0], $0xffff  }
0x205: {  	s21 =	sadd.s32 $0x400, s21;
	v32 =	vld.idx.msk [tilespmem:v32+s10+$0x0], $0xffff  }
0x206: {  	v33 =	vld.idx.msk [tilespmem:v2+s10+$0x0], $0xffff;
	[tilespmem:s21+$0x1E0] =	vst v27  }
0x207: {  	[tilespmem:s21+$0xFFFFFE20] =	vst v3  }
0x208: {  	[tilespmem:s21+$0xFFFFFE40] =	vst v4  }
0x209: {  	[tilespmem:s21+$0xFFFFFE60] =	vst v5  }
0x20a: {  	[tilespmem:s21+$0xFFFFFE80] =	vst v6  }
0x20b: {  	[tilespmem:s21+$0xFFFFFEA0] =	vst v7  }
0x20c: {  	[tilespmem:s21+$0xFFFFFEC0] =	vst v8  }
0x20d: {  	[tilespmem:s21+$0xFFFFFEE0] =	vst v9  }
0x20e: {  	[tilespmem:s21+$0xFFFFFF00] =	vst v10  }
0x20f: {  	[tilespmem:s21+$0xFFFFFF20] =	vst v11  }
0x210: {  	[tilespmem:s21+$0xFFFFFF40] =	vst v12  }
0x211: {  	[tilespmem:s21+$0xFFFFFF60] =	vst v13  }
0x212: {  	[tilespmem:s21+$0xFFFFFF80] =	vst v14  }
0x213: {  	[tilespmem:s21+$0xFFFFFFA0] =	vst v15  }
0x214: {  	[tilespmem:s21+$0xFFFFFFC0] =	vst v16  }
0x215: {  	[tilespmem:s21+$0xFFFFFFE0] =	vst v17  }
0x216: {  	[tilespmem:s21+$0x0] =	vst v18  }
0x217: {  	[tilespmem:s21+$0x20] =	vst v19  }
0x218: {  	[tilespmem:s21+$0x40] =	vst v24  }
0x219: {  	[tilespmem:s21+$0x60] =	vst v22  }
0x21a: {  	[tilespmem:s21+$0x80] =	vst v23  }
0x21b: {  	[tilespmem:s21+$0xA0] =	vst v20  }
0x21c: {  	[tilespmem:s21+$0xC0] =	vst v21  }
0x21d: {  	[tilespmem:s21+$0xE0] =	vst v25  }
0x21e: {  	[tilespmem:s21+$0x100] =	vst v26  }
0x21f: {  	v2 =	vmov s22;
	[tilespmem:s21+$0x120] =	vst v28  }
0x220: {  	v2 =	vshll.u32 v2, $0x5;
	[tilespmem:s21+$0x140] =	vst v29  }
0x221: {  	v2 =	vadd.s32 v0, v2;
	[tilespmem:s21+$0x160] =	vst v30  }
0x222: {  	v3 =	vor.u32 $0x1, v2;
	[tilespmem:s21+$0x180] =	vst v31  }
0x223: {  	v4 =	vor.u32 $0x2, v2;
	[tilespmem:s21+$0x1A0] =	vst v32  }
0x224: {  	v5 =	vor.u32 $0x3, v2;
	[tilespmem:s21+$0x1C0] =	vst v33  }
0x225: {  	v6 =	vor.u32 $0x4, v2;
	[tilespmem:s21+$0xFFFFFE00] =	vst v1  }
0x226: {  	v7 =	vor.u32 $0x5, v2;
	v1 =	vld.idx.msk [tilespmem:v2+s10+$0x0], $0xffff  }
0x227: {  	v8 =	vor.u32 $0x6, v2;
	v3 =	vld.idx.msk [tilespmem:v3+s10+$0x0], $0xffff  }
0x228: {  	v9 =	vor.u32 $0x7, v2;
	v4 =	vld.idx.msk [tilespmem:v4+s10+$0x0], $0xffff  }
0x229: {  	v10 =	vor.u32 $0x8, v2;
	v5 =	vld.idx.msk [tilespmem:v5+s10+$0x0], $0xffff  }
0x22a: {  	v11 =	vor.u32 $0x9, v2;
	v6 =	vld.idx.msk [tilespmem:v6+s10+$0x0], $0xffff  }
0x22b: {  	v12 =	vor.u32 $0xA, v2;
	v7 =	vld.idx.msk [tilespmem:v7+s10+$0x0], $0xffff  }
0x22c: {  	v13 =	vor.u32 $0xB, v2;
	v8 =	vld.idx.msk [tilespmem:v8+s10+$0x0], $0xffff  }
0x22d: {  	v14 =	vor.u32 $0xC, v2;
	v9 =	vld.idx.msk [tilespmem:v9+s10+$0x0], $0xffff  }
0x22e: {  	v15 =	vor.u32 $0xD, v2;
	v10 =	vld.idx.msk [tilespmem:v10+s10+$0x0], $0xffff  }
0x22f: {  	v16 =	vor.u32 $0xE, v2;
	v11 =	vld.idx.msk [tilespmem:v11+s10+$0x0], $0xffff  }
0x230: {  	v17 =	vor.u32 $0xF, v2;
	v12 =	vld.idx.msk [tilespmem:v12+s10+$0x0], $0xffff  }
0x231: {  	v18 =	vor.u32 $0x10, v2;
	v13 =	vld.idx.msk [tilespmem:v13+s10+$0x0], $0xffff  }
0x232: {  	v19 =	vor.u32 $0x11, v2;
	v14 =	vld.idx.msk [tilespmem:v14+s10+$0x0], $0xffff  }
.Ltmp3:
0x233: {  	v24 =	vor.u32 $0x12, v2;
	v15 =	vld.idx.msk [tilespmem:v15+s10+$0x0], $0xffff;
	(pc) =	sbr.rel @p0 .LBB2_9-.Ltmp3, $4  }
0x234: {  	v22 =	vor.u32 $0x13, v2;
	v16 =	vld.idx.msk [tilespmem:v16+s10+$0x0], $0xffff  }
0x235: {  	v23 =	vor.u32 $0x14, v2;
	v17 =	vld.idx.msk [tilespmem:v17+s10+$0x0], $0xffff  }
0x236: {  	v20 =	vor.u32 $0x15, v2;
	v18 =	vld.idx.msk [tilespmem:v18+s10+$0x0], $0xffff  }
0x237: {  	s22 =	sadd.s32 $0x1, s22;
	v21 =	vor.u32 $0x16, v2;
	v19 =	vld.idx.msk [tilespmem:v19+s10+$0x0], $0xffff  }
0x238: {  	_ =	sdelay $0x3  }
0x239: {  	v24 =	vld.idx.msk [tilespmem:v24+s10+$0x0], $0xffff;
	v25 =	vor.u32 $0x17, v2  }
0x23a: {  	v22 =	vld.idx.msk [tilespmem:v22+s10+$0x0], $0xffff;
	v26 =	vor.u32 $0x18, v2  }
0x23b: {  	v23 =	vld.idx.msk [tilespmem:v23+s10+$0x0], $0xffff;
	v27 =	vor.u32 $0x1F, v2  }
0x23c: {  	v20 =	vld.idx.msk [tilespmem:v20+s10+$0x0], $0xffff;
	v28 =	vor.u32 $0x19, v2  }
0x23d: {  	v21 =	vld.idx.msk [tilespmem:v21+s10+$0x0], $0xffff;
	v29 =	vor.u32 $0x1A, v2  }
0x23e: {  	v30 =	vor.u32 $0x1B, v2;
	v25 =	vld.idx.msk [tilespmem:v25+s10+$0x0], $0xffff  }
0x23f: {  	v31 =	vor.u32 $0x1C, v2;
	v26 =	vld.idx.msk [tilespmem:v26+s10+$0x0], $0xffff  }
0x240: {  	v32 =	vor.u32 $0x1D, v2;
	v27 =	vld.idx.msk [tilespmem:v27+s10+$0x0], $0xffff  }
0x241: {  	v2 =	vor.u32 $0x1E, v2;
	v28 =	vld.idx.msk [tilespmem:v28+s10+$0x0], $0xffff  }
0x242: {  	v29 =	vld.idx.msk [tilespmem:v29+s10+$0x0], $0xffff  }
0x243: {  	v30 =	vld.idx.msk [tilespmem:v30+s10+$0x0], $0xffff  }
0x244: {  	v31 =	vld.idx.msk [tilespmem:v31+s10+$0x0], $0xffff  }
0x245: {  	s22 =	sadd.s32 $0x400, s21;
	v32 =	vld.idx.msk [tilespmem:v32+s10+$0x0], $0xffff  }
0x246: {  	v2 =	vld.idx.msk [tilespmem:v2+s10+$0x0], $0xffff;
	[tilespmem:s22+$0xFFFFFE20] =	vst v3  }
0x247: {  	[tilespmem:s22+$0xFFFFFE40] =	vst v4  }
0x248: {  	[tilespmem:s22+$0xFFFFFE60] =	vst v5  }
0x249: {  	[tilespmem:s22+$0xFFFFFE80] =	vst v6  }
0x24a: {  	[tilespmem:s22+$0xFFFFFEA0] =	vst v7  }
0x24b: {  	[tilespmem:s22+$0xFFFFFEC0] =	vst v8  }
0x24c: {  	[tilespmem:s22+$0xFFFFFEE0] =	vst v9  }
0x24d: {  	[tilespmem:s22+$0xFFFFFF00] =	vst v10  }
0x24e: {  	[tilespmem:s22+$0xFFFFFF20] =	vst v11  }
0x24f: {  	[tilespmem:s22+$0xFFFFFF40] =	vst v12  }
0x250: {  	[tilespmem:s22+$0xFFFFFF60] =	vst v13  }
0x251: {  	[tilespmem:s22+$0xFFFFFF80] =	vst v14  }
0x252: {  	[tilespmem:s22+$0xFFFFFFA0] =	vst v15  }
0x253: {  	[tilespmem:s22+$0xFFFFFFC0] =	vst v16  }
0x254: {  	[tilespmem:s22+$0xFFFFFFE0] =	vst v17  }
0x255: {  	[tilespmem:s22+$0x0] =	vst v18  }
0x256: {  	[tilespmem:s22+$0x20] =	vst v19  }
0x257: {  	[tilespmem:s22+$0x40] =	vst v24  }
0x258: {  	[tilespmem:s22+$0x60] =	vst v22  }
0x259: {  	[tilespmem:s22+$0x80] =	vst v23  }
0x25a: {  	[tilespmem:s22+$0xA0] =	vst v20  }
0x25b: {  	[tilespmem:s22+$0xC0] =	vst v21  }
0x25c: {  	[tilespmem:s22+$0xFFFFFE00] =	vst v1  }
0x25d: {  	[tilespmem:s22+$0x1E0] =	vst v27  }
0x25e: {  	[tilespmem:s22+$0xE0] =	vst v25  }
0x25f: {  	[tilespmem:s22+$0x100] =	vst v26  }
0x260: {  	[tilespmem:s22+$0x120] =	vst v28  }
0x261: {  	[tilespmem:s22+$0x140] =	vst v29  }
0x262: {  	s21 =	sadd.s32 $0x1, s20;
	s23 =	simm.s32 $0x0;
	[tilespmem:s22+$0x160] =	vst v30  }
0x263: {  	s24 =	smul.u32 $0x1900, s21;
	v3 =	vmov s23;
	[tilespmem:s22+$0x180] =	vst v31  }
0x264: {  	[tilespmem:s22+$0x1C0] =	vst v2;
	v2 =	vshll.u32 v3, $0x5  }
0x265: {  	[tilespmem:s22+$0x1A0] =	vst v32;
	s22 =	sshra.s32 s24, $0x2;
	v1 =	vadd.s32 v0, v2  }
0x266: {  	[tilespmem:s10], [sflag:$0x1] =	stream.indirect.gather [hbm4b:s3+s9], $0x20, s22, s9, $0xb8;
	v2 =	vor.u32 $0x1, v1;
	[tilespmem:$0x1F400] =	vst v63  }
0x267: {  	_ =	swait.ge [sflag:s14], $0x6400;
	v3 =	vor.u32 $0x2, v1  }
0x268: {  	v4 =	vor.u32 $0x3, v1;
	[sflag:s14] =	ssyncset.done $0x0  }
0x269: {  	v5 =	vor.u32 $0x4, v1;
	[sflag:s14] =	ssyncadd.s32 $0xFFFF9C00  }
0x26a: {  	v7 =	vor.u32 $0x5, v1;
	v6 =	vld.idx.msk [tilespmem:v1+s11+$0x0], $0xffff  }
0x26b: {  	v8 =	vor.u32 $0x6, v1;
	v2 =	vld.idx.msk [tilespmem:v2+s11+$0x0], $0xffff  }
0x26c: {  	v9 =	vor.u32 $0x7, v1;
	v3 =	vld.idx.msk [tilespmem:v3+s11+$0x0], $0xffff  }
0x26d: {  	v10 =	vor.u32 $0x8, v1;
	v4 =	vld.idx.msk [tilespmem:v4+s11+$0x0], $0xffff  }
0x26e: {  	v11 =	vor.u32 $0x9, v1;
	v5 =	vld.idx.msk [tilespmem:v5+s11+$0x0], $0xffff  }
0x26f: {  	v12 =	vor.u32 $0xA, v1;
	v7 =	vld.idx.msk [tilespmem:v7+s11+$0x0], $0xffff  }
0x270: {  	v13 =	vor.u32 $0xB, v1;
	v8 =	vld.idx.msk [tilespmem:v8+s11+$0x0], $0xffff  }
0x271: {  	v14 =	vor.u32 $0xC, v1;
	v9 =	vld.idx.msk [tilespmem:v9+s11+$0x0], $0xffff  }
0x272: {  	v15 =	vor.u32 $0xD, v1;
	v10 =	vld.idx.msk [tilespmem:v10+s11+$0x0], $0xffff  }
0x273: {  	v16 =	vor.u32 $0xE, v1;
	v11 =	vld.idx.msk [tilespmem:v11+s11+$0x0], $0xffff  }
0x274: {  	v17 =	vor.u32 $0xF, v1;
	v12 =	vld.idx.msk [tilespmem:v12+s11+$0x0], $0xffff  }
0x275: {  	v18 =	vor.u32 $0x10, v1;
	v13 =	vld.idx.msk [tilespmem:v13+s11+$0x0], $0xffff  }
0x276: {  	v19 =	vor.u32 $0x11, v1;
	v14 =	vld.idx.msk [tilespmem:v14+s11+$0x0], $0xffff  }
0x277: {  	v20 =	vor.u32 $0x12, v1;
	v15 =	vld.idx.msk [tilespmem:v15+s11+$0x0], $0xffff  }
0x278: {  	v21 =	vor.u32 $0x13, v1;
	v16 =	vld.idx.msk [tilespmem:v16+s11+$0x0], $0xffff  }
0x279: {  	v22 =	vor.u32 $0x14, v1;
	v17 =	vld.idx.msk [tilespmem:v17+s11+$0x0], $0xffff  }
0x27a: {  	v23 =	vor.u32 $0x15, v1;
	v18 =	vld.idx.msk [tilespmem:v18+s11+$0x0], $0xffff  }
0x27b: {  	v24 =	vor.u32 $0x16, v1;
	v19 =	vld.idx.msk [tilespmem:v19+s11+$0x0], $0xffff  }
0x27c: {  	v25 =	vor.u32 $0x17, v1;
	v20 =	vld.idx.msk [tilespmem:v20+s11+$0x0], $0xffff  }
0x27d: {  	v26 =	vor.u32 $0x18, v1;
	v21 =	vld.idx.msk [tilespmem:v21+s11+$0x0], $0xffff  }
0x27e: {  	v27 =	vor.u32 $0x1F, v1;
	v22 =	vld.idx.msk [tilespmem:v22+s11+$0x0], $0xffff  }
0x27f: {  	v59 =	vor.u32 $0x19, v1;
	v23 =	vld.idx.msk [tilespmem:v23+s11+$0x0], $0xffff  }
0x280: {  	v60 =	vor.u32 $0x1A, v1;
	v24 =	vld.idx.msk [tilespmem:v24+s11+$0x0], $0xffff  }
0x281: {  	v61 =	vor.u32 $0x1B, v1;
	v25 =	vld.idx.msk [tilespmem:v25+s11+$0x0], $0xffff  }
0x282: {  	v62 =	vor.u32 $0x1C, v1;
	v26 =	vld.idx.msk [tilespmem:v26+s11+$0x0], $0xffff  }
0x283: {  	v63 =	vor.u32 $0x1D, v1;
	v27 =	vld.idx.msk [tilespmem:v27+s11+$0x0], $0xffff  }
0x284: {  	v1 =	vor.u32 $0x1E, v1;
	v28 =	vld.idx.msk [tilespmem:v59+s11+$0x0], $0xffff  }
0x285: {  	v29 =	vld.idx.msk [tilespmem:v60+s11+$0x0], $0xffff  }
0x286: {  	v30 =	vld.idx.msk [tilespmem:v61+s11+$0x0], $0xffff  }
0x287: {  	v31 =	vld.idx.msk [tilespmem:v62+s11+$0x0], $0xffff  }
0x288: {  	s23 =	simm.s32 $0x12E10;
	v32 =	vld.idx.msk [tilespmem:v63+s11+$0x0], $0xffff  }
0x289: {  	v1 =	vld.idx.msk [tilespmem:v1+s11+$0x0], $0xffff;
	[tilespmem:s23+$0xFFFFFE00] =	vst v6  }
0x28a: {  	[tilespmem:s23+$0x1E0] =	vst v27  }
0x28b: {  	[tilespmem:s23+$0xFFFFFE20] =	vst v2  }
0x28c: {  	[tilespmem:s23+$0xFFFFFE40] =	vst v3  }
0x28d: {  	[tilespmem:s23+$0xFFFFFE60] =	vst v4  }
0x28e: {  	[tilespmem:s23+$0xFFFFFE80] =	vst v5  }
0x28f: {  	[tilespmem:s23+$0xFFFFFEA0] =	vst v7  }
0x290: {  	[tilespmem:s23+$0xFFFFFEC0] =	vst v8  }
0x291: {  	[tilespmem:s23+$0xFFFFFEE0] =	vst v9  }
0x292: {  	[tilespmem:s23+$0xFFFFFF00] =	vst v10  }
0x293: {  	[tilespmem:s23+$0xFFFFFF20] =	vst v11  }
0x294: {  	[tilespmem:s23+$0xFFFFFF40] =	vst v12  }
0x295: {  	[tilespmem:s23+$0xFFFFFF60] =	vst v13  }
0x296: {  	[tilespmem:s23+$0xFFFFFF80] =	vst v14  }
0x297: {  	[tilespmem:s23+$0xFFFFFFA0] =	vst v15  }
0x298: {  	[tilespmem:s23+$0xFFFFFFC0] =	vst v16  }
0x299: {  	[tilespmem:s23+$0xFFFFFFE0] =	vst v17  }
0x29a: {  	[tilespmem:s23+$0x0] =	vst v18  }
0x29b: {  	[tilespmem:s23+$0x20] =	vst v19  }
0x29c: {  	[tilespmem:s23+$0x40] =	vst v20  }
0x29d: {  	[tilespmem:s23+$0x60] =	vst v21  }
0x29e: {  	[tilespmem:s23+$0x80] =	vst v22  }
0x29f: {  	[tilespmem:s23+$0xA0] =	vst v23  }
0x2a0: {  	[tilespmem:s23+$0xC0] =	vst v24  }
0x2a1: {  	s31 =	simm.s32 $0x1;
	[tilespmem:s23+$0xE0] =	vst v25  }
0x2a2: {  	[tilespmem:s23+$0x100] =	vst v26;
	v2 =	vmov s31  }
0x2a3: {  	[tilespmem:s23+$0x120] =	vst v28;
	v2 =	vshll.u32 v2, $0x5  }
0x2a4: {  	[tilespmem:s23+$0x140] =	vst v29;
	v2 =	vadd.s32 v0, v2  }
0x2a5: {  	[tilespmem:s23+$0x160] =	vst v30;
	v3 =	vor.u32 $0x1, v2  }
0x2a6: {  	[tilespmem:s23+$0x180] =	vst v31;
	v4 =	vor.u32 $0x2, v2  }
0x2a7: {  	[tilespmem:s23+$0x1A0] =	vst v32;
	v5 =	vor.u32 $0x3, v2  }
0x2a8: {  	v7 =	vor.u32 $0x4, v2;
	[tilespmem:s23+$0x1C0] =	vst v1  }
0x2a9: {  	v8 =	vor.u32 $0x5, v2;
	v1 =	vld.idx.msk [tilespmem:v2+s11+$0x0], $0xffff  }
0x2aa: {  	v9 =	vor.u32 $0x6, v2;
	v3 =	vld.idx.msk [tilespmem:v3+s11+$0x0], $0xffff  }
0x2ab: {  	v10 =	vor.u32 $0x7, v2;
	v4 =	vld.idx.msk [tilespmem:v4+s11+$0x0], $0xffff  }
0x2ac: {  	v11 =	vor.u32 $0x8, v2;
	v5 =	vld.idx.msk [tilespmem:v5+s11+$0x0], $0xffff  }
0x2ad: {  	v12 =	vor.u32 $0x9, v2;
	v6 =	vld.idx.msk [tilespmem:v7+s11+$0x0], $0xffff  }
0x2ae: {  	v13 =	vor.u32 $0xA, v2;
	v7 =	vld.idx.msk [tilespmem:v8+s11+$0x0], $0xffff  }
0x2af: {  	v14 =	vor.u32 $0xB, v2;
	v8 =	vld.idx.msk [tilespmem:v9+s11+$0x0], $0xffff  }
0x2b0: {  	v15 =	vor.u32 $0xC, v2;
	v9 =	vld.idx.msk [tilespmem:v10+s11+$0x0], $0xffff  }
0x2b1: {  	v16 =	vor.u32 $0xD, v2;
	v10 =	vld.idx.msk [tilespmem:v11+s11+$0x0], $0xffff  }
0x2b2: {  	v17 =	vor.u32 $0xE, v2;
	v11 =	vld.idx.msk [tilespmem:v12+s11+$0x0], $0xffff  }
0x2b3: {  	v18 =	vor.u32 $0xF, v2;
	v12 =	vld.idx.msk [tilespmem:v13+s11+$0x0], $0xffff  }
0x2b4: {  	v19 =	vor.u32 $0x10, v2;
	v13 =	vld.idx.msk [tilespmem:v14+s11+$0x0], $0xffff  }
0x2b5: {  	v21 =	vor.u32 $0x11, v2;
	v14 =	vld.idx.msk [tilespmem:v15+s11+$0x0], $0xffff  }
0x2b6: {  	v24 =	vor.u32 $0x12, v2;
	v15 =	vld.idx.msk [tilespmem:v16+s11+$0x0], $0xffff  }
0x2b7: {  	v22 =	vor.u32 $0x13, v2;
	v16 =	vld.idx.msk [tilespmem:v17+s11+$0x0], $0xffff  }
0x2b8: {  	v23 =	vor.u32 $0x14, v2;
	v17 =	vld.idx.msk [tilespmem:v18+s11+$0x0], $0xffff  }
0x2b9: {  	v20 =	vor.u32 $0x15, v2;
	v18 =	vld.idx.msk [tilespmem:v19+s11+$0x0], $0xffff  }
0x2ba: {  	s24 =	simm.s32 $0x2;
	v19 =	vld.idx.msk [tilespmem:v21+s11+$0x0], $0xffff;
	v21 =	vor.u32 $0x16, v2  }
.LBB2_11:
0x2bb: {  	p0 =	sne.s32 s24, $0x31;
	v24 =	vld.idx.msk [tilespmem:v24+s11+$0x0], $0xffff;
	v25 =	vor.u32 $0x17, v2  }
0x2bc: {  	v26 =	vor.u32 $0x18, v2;
	v22 =	vld.idx.msk [tilespmem:v22+s11+$0x0], $0xffff  }
0x2bd: {  	v27 =	vor.u32 $0x1F, v2;
	v23 =	vld.idx.msk [tilespmem:v23+s11+$0x0], $0xffff  }
0x2be: {  	v28 =	vor.u32 $0x19, v2;
	v20 =	vld.idx.msk [tilespmem:v20+s11+$0x0], $0xffff  }
0x2bf: {  	v29 =	vor.u32 $0x1A, v2;
	v21 =	vld.idx.msk [tilespmem:v21+s11+$0x0], $0xffff  }
0x2c0: {  	v30 =	vor.u32 $0x1B, v2;
	v25 =	vld.idx.msk [tilespmem:v25+s11+$0x0], $0xffff  }
0x2c1: {  	v31 =	vor.u32 $0x1C, v2;
	v26 =	vld.idx.msk [tilespmem:v26+s11+$0x0], $0xffff  }
0x2c2: {  	v32 =	vor.u32 $0x1D, v2;
	v27 =	vld.idx.msk [tilespmem:v27+s11+$0x0], $0xffff  }
0x2c3: {  	v2 =	vor.u32 $0x1E, v2;
	v28 =	vld.idx.msk [tilespmem:v28+s11+$0x0], $0xffff  }
0x2c4: {  	v29 =	vld.idx.msk [tilespmem:v29+s11+$0x0], $0xffff  }
0x2c5: {  	v30 =	vld.idx.msk [tilespmem:v30+s11+$0x0], $0xffff  }
0x2c6: {  	v31 =	vld.idx.msk [tilespmem:v31+s11+$0x0], $0xffff  }
0x2c7: {  	s23 =	sadd.s32 $0x400, s23;
	v32 =	vld.idx.msk [tilespmem:v32+s11+$0x0], $0xffff  }
0x2c8: {  	v33 =	vld.idx.msk [tilespmem:v2+s11+$0x0], $0xffff;
	[tilespmem:s23+$0x1E0] =	vst v27  }
0x2c9: {  	[tilespmem:s23+$0xFFFFFE20] =	vst v3  }
0x2ca: {  	[tilespmem:s23+$0xFFFFFE40] =	vst v4  }
0x2cb: {  	[tilespmem:s23+$0xFFFFFE60] =	vst v5  }
0x2cc: {  	[tilespmem:s23+$0xFFFFFE80] =	vst v6  }
0x2cd: {  	[tilespmem:s23+$0xFFFFFEA0] =	vst v7  }
0x2ce: {  	[tilespmem:s23+$0xFFFFFEC0] =	vst v8  }
0x2cf: {  	[tilespmem:s23+$0xFFFFFEE0] =	vst v9  }
0x2d0: {  	[tilespmem:s23+$0xFFFFFF00] =	vst v10  }
0x2d1: {  	[tilespmem:s23+$0xFFFFFF20] =	vst v11  }
0x2d2: {  	[tilespmem:s23+$0xFFFFFF40] =	vst v12  }
0x2d3: {  	[tilespmem:s23+$0xFFFFFF60] =	vst v13  }
0x2d4: {  	[tilespmem:s23+$0xFFFFFF80] =	vst v14  }
0x2d5: {  	[tilespmem:s23+$0xFFFFFFA0] =	vst v15  }
0x2d6: {  	[tilespmem:s23+$0xFFFFFFC0] =	vst v16  }
0x2d7: {  	[tilespmem:s23+$0xFFFFFFE0] =	vst v17  }
0x2d8: {  	[tilespmem:s23+$0x0] =	vst v18  }
0x2d9: {  	[tilespmem:s23+$0x20] =	vst v19  }
0x2da: {  	[tilespmem:s23+$0x40] =	vst v24  }
0x2db: {  	[tilespmem:s23+$0x60] =	vst v22  }
0x2dc: {  	[tilespmem:s23+$0x80] =	vst v23  }
0x2dd: {  	[tilespmem:s23+$0xA0] =	vst v20  }
0x2de: {  	[tilespmem:s23+$0xC0] =	vst v21  }
0x2df: {  	[tilespmem:s23+$0xE0] =	vst v25  }
0x2e0: {  	[tilespmem:s23+$0x100] =	vst v26  }
0x2e1: {  	v2 =	vmov s24;
	[tilespmem:s23+$0x120] =	vst v28  }
0x2e2: {  	v2 =	vshll.u32 v2, $0x5;
	[tilespmem:s23+$0x140] =	vst v29  }
0x2e3: {  	v2 =	vadd.s32 v0, v2;
	[tilespmem:s23+$0x160] =	vst v30  }
0x2e4: {  	v3 =	vor.u32 $0x1, v2;
	[tilespmem:s23+$0x180] =	vst v31  }
0x2e5: {  	v4 =	vor.u32 $0x2, v2;
	[tilespmem:s23+$0x1A0] =	vst v32  }
0x2e6: {  	v5 =	vor.u32 $0x3, v2;
	[tilespmem:s23+$0x1C0] =	vst v33  }
0x2e7: {  	v6 =	vor.u32 $0x4, v2;
	[tilespmem:s23+$0xFFFFFE00] =	vst v1  }
0x2e8: {  	v7 =	vor.u32 $0x5, v2;
	v1 =	vld.idx.msk [tilespmem:v2+s11+$0x0], $0xffff  }
0x2e9: {  	v8 =	vor.u32 $0x6, v2;
	v3 =	vld.idx.msk [tilespmem:v3+s11+$0x0], $0xffff  }
0x2ea: {  	v9 =	vor.u32 $0x7, v2;
	v4 =	vld.idx.msk [tilespmem:v4+s11+$0x0], $0xffff  }
0x2eb: {  	v10 =	vor.u32 $0x8, v2;
	v5 =	vld.idx.msk [tilespmem:v5+s11+$0x0], $0xffff  }
0x2ec: {  	v11 =	vor.u32 $0x9, v2;
	v6 =	vld.idx.msk [tilespmem:v6+s11+$0x0], $0xffff  }
0x2ed: {  	v12 =	vor.u32 $0xA, v2;
	v7 =	vld.idx.msk [tilespmem:v7+s11+$0x0], $0xffff  }
0x2ee: {  	v13 =	vor.u32 $0xB, v2;
	v8 =	vld.idx.msk [tilespmem:v8+s11+$0x0], $0xffff  }
0x2ef: {  	v14 =	vor.u32 $0xC, v2;
	v9 =	vld.idx.msk [tilespmem:v9+s11+$0x0], $0xffff  }
0x2f0: {  	v15 =	vor.u32 $0xD, v2;
	v10 =	vld.idx.msk [tilespmem:v10+s11+$0x0], $0xffff  }
0x2f1: {  	v16 =	vor.u32 $0xE, v2;
	v11 =	vld.idx.msk [tilespmem:v11+s11+$0x0], $0xffff  }
0x2f2: {  	v17 =	vor.u32 $0xF, v2;
	v12 =	vld.idx.msk [tilespmem:v12+s11+$0x0], $0xffff  }
0x2f3: {  	v18 =	vor.u32 $0x10, v2;
	v13 =	vld.idx.msk [tilespmem:v13+s11+$0x0], $0xffff  }
0x2f4: {  	v19 =	vor.u32 $0x11, v2;
	v14 =	vld.idx.msk [tilespmem:v14+s11+$0x0], $0xffff  }
.Ltmp4:
0x2f5: {  	v24 =	vor.u32 $0x12, v2;
	v15 =	vld.idx.msk [tilespmem:v15+s11+$0x0], $0xffff;
	(pc) =	sbr.rel @p0 .LBB2_11-.Ltmp4, $4  }
0x2f6: {  	v22 =	vor.u32 $0x13, v2;
	v16 =	vld.idx.msk [tilespmem:v16+s11+$0x0], $0xffff  }
0x2f7: {  	v23 =	vor.u32 $0x14, v2;
	v17 =	vld.idx.msk [tilespmem:v17+s11+$0x0], $0xffff  }
0x2f8: {  	v20 =	vor.u32 $0x15, v2;
	v18 =	vld.idx.msk [tilespmem:v18+s11+$0x0], $0xffff  }
0x2f9: {  	s24 =	sadd.s32 $0x1, s24;
	v21 =	vor.u32 $0x16, v2;
	v19 =	vld.idx.msk [tilespmem:v19+s11+$0x0], $0xffff  }
0x2fa: {  	_ =	sdelay $0x3  }
0x2fb: {  	v24 =	vld.idx.msk [tilespmem:v24+s11+$0x0], $0xffff;
	v25 =	vor.u32 $0x17, v2  }
0x2fc: {  	v22 =	vld.idx.msk [tilespmem:v22+s11+$0x0], $0xffff;
	v26 =	vor.u32 $0x18, v2  }
0x2fd: {  	v23 =	vld.idx.msk [tilespmem:v23+s11+$0x0], $0xffff;
	v27 =	vor.u32 $0x1F, v2  }
0x2fe: {  	v20 =	vld.idx.msk [tilespmem:v20+s11+$0x0], $0xffff;
	v28 =	vor.u32 $0x19, v2  }
0x2ff: {  	v21 =	vld.idx.msk [tilespmem:v21+s11+$0x0], $0xffff;
	v29 =	vor.u32 $0x1A, v2  }
0x300: {  	v30 =	vor.u32 $0x1B, v2;
	v25 =	vld.idx.msk [tilespmem:v25+s11+$0x0], $0xffff  }
0x301: {  	v31 =	vor.u32 $0x1C, v2;
	v26 =	vld.idx.msk [tilespmem:v26+s11+$0x0], $0xffff  }
0x302: {  	v32 =	vor.u32 $0x1D, v2;
	v27 =	vld.idx.msk [tilespmem:v27+s11+$0x0], $0xffff  }
0x303: {  	v2 =	vor.u32 $0x1E, v2;
	v28 =	vld.idx.msk [tilespmem:v28+s11+$0x0], $0xffff  }
0x304: {  	v29 =	vld.idx.msk [tilespmem:v29+s11+$0x0], $0xffff  }
0x305: {  	v30 =	vld.idx.msk [tilespmem:v30+s11+$0x0], $0xffff  }
0x306: {  	v31 =	vld.idx.msk [tilespmem:v31+s11+$0x0], $0xffff  }
0x307: {  	s23 =	sadd.s32 $0x400, s23;
	v32 =	vld.idx.msk [tilespmem:v32+s11+$0x0], $0xffff  }
0x308: {  	v2 =	vld.idx.msk [tilespmem:v2+s11+$0x0], $0xffff;
	[tilespmem:s23+$0xFFFFFE20] =	vst v3  }
0x309: {  	[tilespmem:s23+$0xFFFFFE40] =	vst v4  }
0x30a: {  	[tilespmem:s23+$0xFFFFFE60] =	vst v5  }
0x30b: {  	[tilespmem:s23+$0xFFFFFE80] =	vst v6  }
0x30c: {  	[tilespmem:s23+$0xFFFFFEA0] =	vst v7  }
0x30d: {  	[tilespmem:s23+$0xFFFFFEC0] =	vst v8  }
0x30e: {  	[tilespmem:s23+$0xFFFFFEE0] =	vst v9  }
0x30f: {  	[tilespmem:s23+$0xFFFFFF00] =	vst v10  }
0x310: {  	[tilespmem:s23+$0xFFFFFF20] =	vst v11  }
0x311: {  	[tilespmem:s23+$0xFFFFFF40] =	vst v12  }
0x312: {  	[tilespmem:s23+$0xFFFFFF60] =	vst v13  }
0x313: {  	[tilespmem:s23+$0xFFFFFF80] =	vst v14  }
0x314: {  	[tilespmem:s23+$0xFFFFFFA0] =	vst v15  }
0x315: {  	[tilespmem:s23+$0xFFFFFFC0] =	vst v16  }
0x316: {  	[tilespmem:s23+$0xFFFFFFE0] =	vst v17  }
0x317: {  	[tilespmem:s23+$0x0] =	vst v18  }
0x318: {  	[tilespmem:s23+$0x20] =	vst v19  }
0x319: {  	[tilespmem:s23+$0x40] =	vst v24  }
0x31a: {  	[tilespmem:s23+$0x60] =	vst v22  }
0x31b: {  	[tilespmem:s23+$0x80] =	vst v23  }
0x31c: {  	[tilespmem:s23+$0xA0] =	vst v20  }
0x31d: {  	[tilespmem:s23+$0xC0] =	vst v21  }
0x31e: {  	[tilespmem:s23+$0xFFFFFE00] =	vst v1  }
0x31f: {  	[tilespmem:s23+$0x1E0] =	vst v27  }
0x320: {  	[tilespmem:s23+$0xE0] =	vst v25  }
0x321: {  	[tilespmem:s23+$0x100] =	vst v26  }
0x322: {  	[tilespmem:s23+$0x120] =	vst v28  }
0x323: {  	[tilespmem:s23+$0x140] =	vst v29  }
0x324: {  	s24 =	sshll.u32 s20, $0x5;
	s30 =	sshll.u32 s20, $0x2;
	[tilespmem:s23+$0x160] =	vst v30  }
0x325: {  	s24 =	sand.u32 $0x180, s24;
	s20 =	sand.u32 $0xC, s30;
	[tilespmem:s23+$0x180] =	vst v31  }
0x326: {  	s20 =	sor.u32 s20, s24;
	[tilespmem:s23+$0x1A0] =	vst v32  }
0x327: {  	s31 =	simm.s32 $0x12C00;
	s20 =	sadd.s32 s20, s4;
	[tilespmem:s23+$0x1C0] =	vst v2;
	s23 =	simm.s32 $0x400  }
0x328: {  	[hbm4b:s20+s15] =	stream.strided.scatter [tilespmem:s31], [sflag:$0x3], $0x100, s16, s15, $0x38;
	[tilespmem:$0x1F400] =	vst v63  }
.LBB2_13:
0x329: {  	p0 =	sne.s32 s23, $0x31C00  }
.Ltmp5:
0x32a: {  	_ = 	snop;
	(pc) =	sbr.rel @p0 .LBB2_13-.Ltmp5, $4  }
0x32b: {  	_ = 	snop  }
0x32c: {  	s24 =	sshra.s32 s23, $0x2;
	s23 =	sadd.s32 $0x400, s23  }
0x32d: {  	s20 =	sadd.s32 $0x4000, s20;
	s24 =	sadd.s32 $0x12C00, s24  }
0x32e: {  	[hbm4b:s20+s15] =	stream.strided.scatter [tilespmem:s24], [sflag:$0x3], $0x100, s16, s15, $0x38;
	[tilespmem:$0x1F400] =	vst v63  }
0x32f: {  	p0 =	sne.s32 s21, $0xF  }
.Ltmp6:
0x330: {  	_ = 	snop;
	(pc) =	sbr.rel @p0 .LBB2_8-.Ltmp6, $4  }
0x331: {  	_ = 	snop  }
0x332: {  	s20 =	sadd.s32 $0x320, s22  }
0x333: {  	[tilespmem:s11], [sflag:$0x2] =	stream.indirect.gather [hbm4b:s3+s9], $0x20, s20, s9, $0xb8;
	[tilespmem:$0x1F400] =	vst v63  }
0x334: {  	s20 =	smov.u32 s21  }
0x335: {  	s20 =	simm.s32 $0x0  }
0x336: {  	v1 =	vmov s20  }
0x337: {  	_ =	swait.ge [sflag:s12], $0x6400;
	v1 =	vshll.u32 v1, $0x5  }
0x338: {  	[sflag:s12] =	ssyncset.done $0x0;
	v1 =	vadd.s32 v0, v1  }
0x339: {  	[sflag:s12] =	ssyncadd.s32 $0xFFFF9C00;
	v2 =	vor.u32 $0x1, v1  }
0x33a: {  	_ =	swait.ge [sflag:s18], $0xC800;
	v3 =	vor.u32 $0x2, v1  }
0x33b: {  	[sflag:s18] =	ssyncset.done $0x0;
	v4 =	vor.u32 $0x3, v1  }
0x33c: {  	v5 =	vor.u32 $0x4, v1;
	[sflag:s18] =	ssyncadd.s32 $0xFFFF3800  }
0x33d: {  	v7 =	vor.u32 $0x5, v1;
	v6 =	vld.idx.msk [tilespmem:v1+s10+$0x0], $0xffff  }
0x33e: {  	v8 =	vor.u32 $0x6, v1;
	v2 =	vld.idx.msk [tilespmem:v2+s10+$0x0], $0xffff  }
0x33f: {  	v9 =	vor.u32 $0x7, v1;
	v3 =	vld.idx.msk [tilespmem:v3+s10+$0x0], $0xffff  }
0x340: {  	v10 =	vor.u32 $0x8, v1;
	v4 =	vld.idx.msk [tilespmem:v4+s10+$0x0], $0xffff  }
0x341: {  	v11 =	vor.u32 $0x9, v1;
	v5 =	vld.idx.msk [tilespmem:v5+s10+$0x0], $0xffff  }
0x342: {  	v12 =	vor.u32 $0xA, v1;
	v7 =	vld.idx.msk [tilespmem:v7+s10+$0x0], $0xffff  }
0x343: {  	v13 =	vor.u32 $0xB, v1;
	v8 =	vld.idx.msk [tilespmem:v8+s10+$0x0], $0xffff  }
0x344: {  	v14 =	vor.u32 $0xC, v1;
	v9 =	vld.idx.msk [tilespmem:v9+s10+$0x0], $0xffff  }
0x345: {  	v15 =	vor.u32 $0xD, v1;
	v10 =	vld.idx.msk [tilespmem:v10+s10+$0x0], $0xffff  }
0x346: {  	v16 =	vor.u32 $0xE, v1;
	v11 =	vld.idx.msk [tilespmem:v11+s10+$0x0], $0xffff  }
0x347: {  	v17 =	vor.u32 $0xF, v1;
	v12 =	vld.idx.msk [tilespmem:v12+s10+$0x0], $0xffff  }
0x348: {  	v18 =	vor.u32 $0x10, v1;
	v13 =	vld.idx.msk [tilespmem:v13+s10+$0x0], $0xffff  }
0x349: {  	v19 =	vor.u32 $0x11, v1;
	v14 =	vld.idx.msk [tilespmem:v14+s10+$0x0], $0xffff  }
0x34a: {  	v20 =	vor.u32 $0x12, v1;
	v15 =	vld.idx.msk [tilespmem:v15+s10+$0x0], $0xffff  }
0x34b: {  	v21 =	vor.u32 $0x13, v1;
	v16 =	vld.idx.msk [tilespmem:v16+s10+$0x0], $0xffff  }
0x34c: {  	v22 =	vor.u32 $0x14, v1;
	v17 =	vld.idx.msk [tilespmem:v17+s10+$0x0], $0xffff  }
0x34d: {  	v23 =	vor.u32 $0x15, v1;
	v18 =	vld.idx.msk [tilespmem:v18+s10+$0x0], $0xffff  }
0x34e: {  	v24 =	vor.u32 $0x16, v1;
	v19 =	vld.idx.msk [tilespmem:v19+s10+$0x0], $0xffff  }
0x34f: {  	v25 =	vor.u32 $0x17, v1;
	v20 =	vld.idx.msk [tilespmem:v20+s10+$0x0], $0xffff  }
0x350: {  	v26 =	vor.u32 $0x18, v1;
	v21 =	vld.idx.msk [tilespmem:v21+s10+$0x0], $0xffff  }
0x351: {  	v27 =	vor.u32 $0x1F, v1;
	v22 =	vld.idx.msk [tilespmem:v22+s10+$0x0], $0xffff  }
0x352: {  	v28 =	vor.u32 $0x19, v1;
	v23 =	vld.idx.msk [tilespmem:v23+s10+$0x0], $0xffff  }
0x353: {  	v29 =	vor.u32 $0x1A, v1;
	v24 =	vld.idx.msk [tilespmem:v24+s10+$0x0], $0xffff  }
0x354: {  	v30 =	vor.u32 $0x1B, v1;
	v25 =	vld.idx.msk [tilespmem:v25+s10+$0x0], $0xffff  }
0x355: {  	v31 =	vor.u32 $0x1C, v1;
	v26 =	vld.idx.msk [tilespmem:v26+s10+$0x0], $0xffff  }
0x356: {  	v32 =	vor.u32 $0x1D, v1;
	v27 =	vld.idx.msk [tilespmem:v27+s10+$0x0], $0xffff  }
0x357: {  	v1 =	vor.u32 $0x1E, v1;
	v28 =	vld.idx.msk [tilespmem:v28+s10+$0x0], $0xffff  }
0x358: {  	v29 =	vld.idx.msk [tilespmem:v29+s10+$0x0], $0xffff  }
0x359: {  	v30 =	vld.idx.msk [tilespmem:v30+s10+$0x0], $0xffff  }
0x35a: {  	v31 =	vld.idx.msk [tilespmem:v31+s10+$0x0], $0xffff  }
0x35b: {  	s20 =	simm.s32 $0x12E00;
	v32 =	vld.idx.msk [tilespmem:v32+s10+$0x0], $0xffff  }
0x35c: {  	v1 =	vld.idx.msk [tilespmem:v1+s10+$0x0], $0xffff;
	[tilespmem:s20+$0xFFFFFE00] =	vst v6  }
0x35d: {  	[tilespmem:s20+$0x1E0] =	vst v27  }
0x35e: {  	[tilespmem:s20+$0xFFFFFE20] =	vst v2  }
0x35f: {  	[tilespmem:s20+$0xFFFFFE40] =	vst v3  }
0x360: {  	[tilespmem:s20+$0xFFFFFE60] =	vst v4  }
0x361: {  	[tilespmem:s20+$0xFFFFFE80] =	vst v5  }
0x362: {  	[tilespmem:s20+$0xFFFFFEA0] =	vst v7  }
0x363: {  	[tilespmem:s20+$0xFFFFFEC0] =	vst v8  }
0x364: {  	[tilespmem:s20+$0xFFFFFEE0] =	vst v9  }
0x365: {  	[tilespmem:s20+$0xFFFFFF00] =	vst v10  }
0x366: {  	[tilespmem:s20+$0xFFFFFF20] =	vst v11  }
0x367: {  	[tilespmem:s20+$0xFFFFFF40] =	vst v12  }
0x368: {  	[tilespmem:s20+$0xFFFFFF60] =	vst v13  }
0x369: {  	[tilespmem:s20+$0xFFFFFF80] =	vst v14  }
0x36a: {  	[tilespmem:s20+$0xFFFFFFA0] =	vst v15  }
0x36b: {  	[tilespmem:s20+$0xFFFFFFC0] =	vst v16  }
0x36c: {  	[tilespmem:s20+$0xFFFFFFE0] =	vst v17  }
0x36d: {  	[tilespmem:s20+$0x0] =	vst v18  }
0x36e: {  	[tilespmem:s20+$0x20] =	vst v19  }
0x36f: {  	[tilespmem:s20+$0x40] =	vst v20  }
0x370: {  	[tilespmem:s20+$0x60] =	vst v21  }
0x371: {  	[tilespmem:s20+$0x80] =	vst v22  }
0x372: {  	[tilespmem:s20+$0xA0] =	vst v23  }
0x373: {  	[tilespmem:s20+$0xC0] =	vst v24  }
0x374: {  	s21 =	simm.s32 $0x1;
	[tilespmem:s20+$0xE0] =	vst v25  }
0x375: {  	[tilespmem:s20+$0x100] =	vst v26;
	v2 =	vmov s21  }
0x376: {  	[tilespmem:s20+$0x120] =	vst v28;
	v2 =	vshll.u32 v2, $0x5  }
0x377: {  	[tilespmem:s20+$0x140] =	vst v29;
	v2 =	vadd.s32 v0, v2  }
0x378: {  	[tilespmem:s20+$0x160] =	vst v30;
	v3 =	vor.u32 $0x1, v2  }
0x379: {  	[tilespmem:s20+$0x180] =	vst v31;
	v4 =	vor.u32 $0x2, v2  }
0x37a: {  	[tilespmem:s20+$0x1A0] =	vst v32;
	v5 =	vor.u32 $0x3, v2  }
0x37b: {  	v7 =	vor.u32 $0x4, v2;
	[tilespmem:s20+$0x1C0] =	vst v1  }
0x37c: {  	v8 =	vor.u32 $0x5, v2;
	v1 =	vld.idx.msk [tilespmem:v2+s10+$0x0], $0xffff  }
0x37d: {  	v9 =	vor.u32 $0x6, v2;
	v3 =	vld.idx.msk [tilespmem:v3+s10+$0x0], $0xffff  }
0x37e: {  	v10 =	vor.u32 $0x7, v2;
	v4 =	vld.idx.msk [tilespmem:v4+s10+$0x0], $0xffff  }
0x37f: {  	v11 =	vor.u32 $0x8, v2;
	v5 =	vld.idx.msk [tilespmem:v5+s10+$0x0], $0xffff  }
0x380: {  	v12 =	vor.u32 $0x9, v2;
	v6 =	vld.idx.msk [tilespmem:v7+s10+$0x0], $0xffff  }
0x381: {  	v13 =	vor.u32 $0xA, v2;
	v7 =	vld.idx.msk [tilespmem:v8+s10+$0x0], $0xffff  }
0x382: {  	v14 =	vor.u32 $0xB, v2;
	v8 =	vld.idx.msk [tilespmem:v9+s10+$0x0], $0xffff  }
0x383: {  	v15 =	vor.u32 $0xC, v2;
	v9 =	vld.idx.msk [tilespmem:v10+s10+$0x0], $0xffff  }
0x384: {  	v16 =	vor.u32 $0xD, v2;
	v10 =	vld.idx.msk [tilespmem:v11+s10+$0x0], $0xffff  }
0x385: {  	v17 =	vor.u32 $0xE, v2;
	v11 =	vld.idx.msk [tilespmem:v12+s10+$0x0], $0xffff  }
0x386: {  	v18 =	vor.u32 $0xF, v2;
	v12 =	vld.idx.msk [tilespmem:v13+s10+$0x0], $0xffff  }
0x387: {  	v19 =	vor.u32 $0x10, v2;
	v13 =	vld.idx.msk [tilespmem:v14+s10+$0x0], $0xffff  }
0x388: {  	v21 =	vor.u32 $0x11, v2;
	v14 =	vld.idx.msk [tilespmem:v15+s10+$0x0], $0xffff  }
0x389: {  	v24 =	vor.u32 $0x12, v2;
	v15 =	vld.idx.msk [tilespmem:v16+s10+$0x0], $0xffff  }
0x38a: {  	v22 =	vor.u32 $0x13, v2;
	v16 =	vld.idx.msk [tilespmem:v17+s10+$0x0], $0xffff  }
0x38b: {  	v23 =	vor.u32 $0x14, v2;
	v17 =	vld.idx.msk [tilespmem:v18+s10+$0x0], $0xffff  }
0x38c: {  	v20 =	vor.u32 $0x15, v2;
	v18 =	vld.idx.msk [tilespmem:v19+s10+$0x0], $0xffff  }
0x38d: {  	s21 =	simm.s32 $0x2;
	v19 =	vld.idx.msk [tilespmem:v21+s10+$0x0], $0xffff;
	v21 =	vor.u32 $0x16, v2  }
.LBB2_16:
0x38e: {  	p0 =	sne.s32 s21, $0x31;
	v24 =	vld.idx.msk [tilespmem:v24+s10+$0x0], $0xffff;
	v25 =	vor.u32 $0x17, v2  }
0x38f: {  	v26 =	vor.u32 $0x18, v2;
	v22 =	vld.idx.msk [tilespmem:v22+s10+$0x0], $0xffff  }
0x390: {  	v27 =	vor.u32 $0x1F, v2;
	v23 =	vld.idx.msk [tilespmem:v23+s10+$0x0], $0xffff  }
0x391: {  	v28 =	vor.u32 $0x19, v2;
	v20 =	vld.idx.msk [tilespmem:v20+s10+$0x0], $0xffff  }
0x392: {  	v29 =	vor.u32 $0x1A, v2;
	v21 =	vld.idx.msk [tilespmem:v21+s10+$0x0], $0xffff  }
0x393: {  	v30 =	vor.u32 $0x1B, v2;
	v25 =	vld.idx.msk [tilespmem:v25+s10+$0x0], $0xffff  }
0x394: {  	v31 =	vor.u32 $0x1C, v2;
	v26 =	vld.idx.msk [tilespmem:v26+s10+$0x0], $0xffff  }
0x395: {  	v32 =	vor.u32 $0x1D, v2;
	v27 =	vld.idx.msk [tilespmem:v27+s10+$0x0], $0xffff  }
0x396: {  	v2 =	vor.u32 $0x1E, v2;
	v28 =	vld.idx.msk [tilespmem:v28+s10+$0x0], $0xffff  }
0x397: {  	v29 =	vld.idx.msk [tilespmem:v29+s10+$0x0], $0xffff  }
0x398: {  	v30 =	vld.idx.msk [tilespmem:v30+s10+$0x0], $0xffff  }
0x399: {  	v31 =	vld.idx.msk [tilespmem:v31+s10+$0x0], $0xffff  }
0x39a: {  	s20 =	sadd.s32 $0x400, s20;
	v32 =	vld.idx.msk [tilespmem:v32+s10+$0x0], $0xffff  }
0x39b: {  	v33 =	vld.idx.msk [tilespmem:v2+s10+$0x0], $0xffff;
	[tilespmem:s20+$0x1E0] =	vst v27  }
0x39c: {  	[tilespmem:s20+$0xFFFFFE20] =	vst v3  }
0x39d: {  	[tilespmem:s20+$0xFFFFFE40] =	vst v4  }
0x39e: {  	[tilespmem:s20+$0xFFFFFE60] =	vst v5  }
0x39f: {  	[tilespmem:s20+$0xFFFFFE80] =	vst v6  }
0x3a0: {  	[tilespmem:s20+$0xFFFFFEA0] =	vst v7  }
0x3a1: {  	[tilespmem:s20+$0xFFFFFEC0] =	vst v8  }
0x3a2: {  	[tilespmem:s20+$0xFFFFFEE0] =	vst v9  }
0x3a3: {  	[tilespmem:s20+$0xFFFFFF00] =	vst v10  }
0x3a4: {  	[tilespmem:s20+$0xFFFFFF20] =	vst v11  }
0x3a5: {  	[tilespmem:s20+$0xFFFFFF40] =	vst v12  }
0x3a6: {  	[tilespmem:s20+$0xFFFFFF60] =	vst v13  }
0x3a7: {  	[tilespmem:s20+$0xFFFFFF80] =	vst v14  }
0x3a8: {  	[tilespmem:s20+$0xFFFFFFA0] =	vst v15  }
0x3a9: {  	[tilespmem:s20+$0xFFFFFFC0] =	vst v16  }
0x3aa: {  	[tilespmem:s20+$0xFFFFFFE0] =	vst v17  }
0x3ab: {  	[tilespmem:s20+$0x0] =	vst v18  }
0x3ac: {  	[tilespmem:s20+$0x20] =	vst v19  }
0x3ad: {  	[tilespmem:s20+$0x40] =	vst v24  }
0x3ae: {  	[tilespmem:s20+$0x60] =	vst v22  }
0x3af: {  	[tilespmem:s20+$0x80] =	vst v23  }
0x3b0: {  	[tilespmem:s20+$0xA0] =	vst v20  }
0x3b1: {  	[tilespmem:s20+$0xC0] =	vst v21  }
0x3b2: {  	[tilespmem:s20+$0xE0] =	vst v25  }
0x3b3: {  	[tilespmem:s20+$0x100] =	vst v26  }
0x3b4: {  	v2 =	vmov s21;
	[tilespmem:s20+$0x120] =	vst v28  }
0x3b5: {  	v2 =	vshll.u32 v2, $0x5;
	[tilespmem:s20+$0x140] =	vst v29  }
0x3b6: {  	v2 =	vadd.s32 v0, v2;
	[tilespmem:s20+$0x160] =	vst v30  }
0x3b7: {  	v3 =	vor.u32 $0x1, v2;
	[tilespmem:s20+$0x180] =	vst v31  }
0x3b8: {  	v4 =	vor.u32 $0x2, v2;
	[tilespmem:s20+$0x1A0] =	vst v32  }
0x3b9: {  	v5 =	vor.u32 $0x3, v2;
	[tilespmem:s20+$0x1C0] =	vst v33  }
0x3ba: {  	v6 =	vor.u32 $0x4, v2;
	[tilespmem:s20+$0xFFFFFE00] =	vst v1  }
0x3bb: {  	v7 =	vor.u32 $0x5, v2;
	v1 =	vld.idx.msk [tilespmem:v2+s10+$0x0], $0xffff  }
0x3bc: {  	v8 =	vor.u32 $0x6, v2;
	v3 =	vld.idx.msk [tilespmem:v3+s10+$0x0], $0xffff  }
0x3bd: {  	v9 =	vor.u32 $0x7, v2;
	v4 =	vld.idx.msk [tilespmem:v4+s10+$0x0], $0xffff  }
0x3be: {  	v10 =	vor.u32 $0x8, v2;
	v5 =	vld.idx.msk [tilespmem:v5+s10+$0x0], $0xffff  }
0x3bf: {  	v11 =	vor.u32 $0x9, v2;
	v6 =	vld.idx.msk [tilespmem:v6+s10+$0x0], $0xffff  }
0x3c0: {  	v12 =	vor.u32 $0xA, v2;
	v7 =	vld.idx.msk [tilespmem:v7+s10+$0x0], $0xffff  }
0x3c1: {  	v13 =	vor.u32 $0xB, v2;
	v8 =	vld.idx.msk [tilespmem:v8+s10+$0x0], $0xffff  }
0x3c2: {  	v14 =	vor.u32 $0xC, v2;
	v9 =	vld.idx.msk [tilespmem:v9+s10+$0x0], $0xffff  }
0x3c3: {  	v15 =	vor.u32 $0xD, v2;
	v10 =	vld.idx.msk [tilespmem:v10+s10+$0x0], $0xffff  }
0x3c4: {  	v16 =	vor.u32 $0xE, v2;
	v11 =	vld.idx.msk [tilespmem:v11+s10+$0x0], $0xffff  }
0x3c5: {  	v17 =	vor.u32 $0xF, v2;
	v12 =	vld.idx.msk [tilespmem:v12+s10+$0x0], $0xffff  }
0x3c6: {  	v18 =	vor.u32 $0x10, v2;
	v13 =	vld.idx.msk [tilespmem:v13+s10+$0x0], $0xffff  }
0x3c7: {  	v19 =	vor.u32 $0x11, v2;
	v14 =	vld.idx.msk [tilespmem:v14+s10+$0x0], $0xffff  }
.Ltmp7:
0x3c8: {  	v24 =	vor.u32 $0x12, v2;
	v15 =	vld.idx.msk [tilespmem:v15+s10+$0x0], $0xffff;
	(pc) =	sbr.rel @p0 .LBB2_16-.Ltmp7, $4  }
0x3c9: {  	v22 =	vor.u32 $0x13, v2;
	v16 =	vld.idx.msk [tilespmem:v16+s10+$0x0], $0xffff  }
0x3ca: {  	v23 =	vor.u32 $0x14, v2;
	v17 =	vld.idx.msk [tilespmem:v17+s10+$0x0], $0xffff  }
0x3cb: {  	v20 =	vor.u32 $0x15, v2;
	v18 =	vld.idx.msk [tilespmem:v18+s10+$0x0], $0xffff  }
0x3cc: {  	s21 =	sadd.s32 $0x1, s21;
	v21 =	vor.u32 $0x16, v2;
	v19 =	vld.idx.msk [tilespmem:v19+s10+$0x0], $0xffff  }
0x3cd: {  	_ =	sdelay $0x3  }
0x3ce: {  	v24 =	vld.idx.msk [tilespmem:v24+s10+$0x0], $0xffff;
	v25 =	vor.u32 $0x17, v2  }
0x3cf: {  	v22 =	vld.idx.msk [tilespmem:v22+s10+$0x0], $0xffff;
	v26 =	vor.u32 $0x18, v2  }
0x3d0: {  	v23 =	vld.idx.msk [tilespmem:v23+s10+$0x0], $0xffff;
	v27 =	vor.u32 $0x1F, v2  }
0x3d1: {  	v20 =	vld.idx.msk [tilespmem:v20+s10+$0x0], $0xffff;
	v28 =	vor.u32 $0x19, v2  }
0x3d2: {  	v21 =	vld.idx.msk [tilespmem:v21+s10+$0x0], $0xffff;
	v29 =	vor.u32 $0x1A, v2  }
0x3d3: {  	v30 =	vor.u32 $0x1B, v2;
	v25 =	vld.idx.msk [tilespmem:v25+s10+$0x0], $0xffff  }
0x3d4: {  	v31 =	vor.u32 $0x1C, v2;
	v26 =	vld.idx.msk [tilespmem:v26+s10+$0x0], $0xffff  }
0x3d5: {  	v32 =	vor.u32 $0x1D, v2;
	v27 =	vld.idx.msk [tilespmem:v27+s10+$0x0], $0xffff  }
0x3d6: {  	v2 =	vor.u32 $0x1E, v2;
	v28 =	vld.idx.msk [tilespmem:v28+s10+$0x0], $0xffff  }
0x3d7: {  	v29 =	vld.idx.msk [tilespmem:v29+s10+$0x0], $0xffff  }
0x3d8: {  	v30 =	vld.idx.msk [tilespmem:v30+s10+$0x0], $0xffff  }
0x3d9: {  	v31 =	vld.idx.msk [tilespmem:v31+s10+$0x0], $0xffff  }
0x3da: {  	s20 =	sadd.s32 $0x400, s20;
	v32 =	vld.idx.msk [tilespmem:v32+s10+$0x0], $0xffff  }
0x3db: {  	v2 =	vld.idx.msk [tilespmem:v2+s10+$0x0], $0xffff;
	[tilespmem:s20+$0xFFFFFE20] =	vst v3  }
0x3dc: {  	[tilespmem:s20+$0xFFFFFE40] =	vst v4  }
0x3dd: {  	[tilespmem:s20+$0xFFFFFE60] =	vst v5  }
0x3de: {  	[tilespmem:s20+$0xFFFFFE80] =	vst v6  }
0x3df: {  	[tilespmem:s20+$0xFFFFFEA0] =	vst v7  }
0x3e0: {  	[tilespmem:s20+$0xFFFFFEC0] =	vst v8  }
0x3e1: {  	[tilespmem:s20+$0xFFFFFEE0] =	vst v9  }
0x3e2: {  	[tilespmem:s20+$0xFFFFFF00] =	vst v10  }
0x3e3: {  	[tilespmem:s20+$0xFFFFFF20] =	vst v11  }
0x3e4: {  	[tilespmem:s20+$0xFFFFFF40] =	vst v12  }
0x3e5: {  	[tilespmem:s20+$0xFFFFFF60] =	vst v13  }
0x3e6: {  	[tilespmem:s20+$0xFFFFFF80] =	vst v14  }
0x3e7: {  	[tilespmem:s20+$0xFFFFFFA0] =	vst v15  }
0x3e8: {  	[tilespmem:s20+$0xFFFFFFC0] =	vst v16  }
0x3e9: {  	[tilespmem:s20+$0xFFFFFFE0] =	vst v17  }
0x3ea: {  	[tilespmem:s20+$0x0] =	vst v18  }
0x3eb: {  	[tilespmem:s20+$0x20] =	vst v19  }
0x3ec: {  	[tilespmem:s20+$0x40] =	vst v24  }
0x3ed: {  	[tilespmem:s20+$0x60] =	vst v22  }
0x3ee: {  	[tilespmem:s20+$0x80] =	vst v23  }
0x3ef: {  	[tilespmem:s20+$0xA0] =	vst v20  }
0x3f0: {  	[tilespmem:s20+$0xC0] =	vst v21  }
0x3f1: {  	[tilespmem:s20+$0xFFFFFE00] =	vst v1  }
0x3f2: {  	[tilespmem:s20+$0x1E0] =	vst v27  }
0x3f3: {  	[tilespmem:s20+$0xE0] =	vst v25  }
0x3f4: {  	[tilespmem:s20+$0x100] =	vst v26  }
0x3f5: {  	[tilespmem:s20+$0x120] =	vst v28  }
0x3f6: {  	s21 =	simm.s32 $0x0;
	[tilespmem:s20+$0x140] =	vst v29  }
0x3f7: {  	v3 =	vmov s21;
	[tilespmem:s20+$0x160] =	vst v30  }
0x3f8: {  	v3 =	vshll.u32 v3, $0x5;
	[tilespmem:s20+$0x180] =	vst v31  }
0x3f9: {  	[tilespmem:s20+$0x1C0] =	vst v2;
	v2 =	vadd.s32 v0, v3  }
0x3fa: {  	[tilespmem:s20+$0x1A0] =	vst v32;
	v1 =	vor.u32 $0x1, v2  }
0x3fb: {  	_ =	swait.ge [sflag:s14], $0x6400;
	v3 =	vor.u32 $0x2, v2  }
0x3fc: {  	v4 =	vor.u32 $0x3, v2;
	[sflag:s14] =	ssyncset.done $0x0  }
0x3fd: {  	v5 =	vor.u32 $0x4, v2;
	[sflag:s14] =	ssyncadd.s32 $0xFFFF9C00  }
0x3fe: {  	v7 =	vor.u32 $0x5, v2;
	v6 =	vld.idx.msk [tilespmem:v2+s11+$0x0], $0xffff  }
0x3ff: {  	v8 =	vor.u32 $0x6, v2;
	v1 =	vld.idx.msk [tilespmem:v1+s11+$0x0], $0xffff  }
0x400: {  	v9 =	vor.u32 $0x7, v2;
	v3 =	vld.idx.msk [tilespmem:v3+s11+$0x0], $0xffff  }
0x401: {  	v10 =	vor.u32 $0x8, v2;
	v4 =	vld.idx.msk [tilespmem:v4+s11+$0x0], $0xffff  }
0x402: {  	v11 =	vor.u32 $0x9, v2;
	v5 =	vld.idx.msk [tilespmem:v5+s11+$0x0], $0xffff  }
0x403: {  	v12 =	vor.u32 $0xA, v2;
	v7 =	vld.idx.msk [tilespmem:v7+s11+$0x0], $0xffff  }
0x404: {  	v13 =	vor.u32 $0xB, v2;
	v8 =	vld.idx.msk [tilespmem:v8+s11+$0x0], $0xffff  }
0x405: {  	v14 =	vor.u32 $0xC, v2;
	v9 =	vld.idx.msk [tilespmem:v9+s11+$0x0], $0xffff  }
0x406: {  	v15 =	vor.u32 $0xD, v2;
	v10 =	vld.idx.msk [tilespmem:v10+s11+$0x0], $0xffff  }
0x407: {  	v16 =	vor.u32 $0xE, v2;
	v11 =	vld.idx.msk [tilespmem:v11+s11+$0x0], $0xffff  }
0x408: {  	v17 =	vor.u32 $0xF, v2;
	v12 =	vld.idx.msk [tilespmem:v12+s11+$0x0], $0xffff  }
0x409: {  	v18 =	vor.u32 $0x10, v2;
	v13 =	vld.idx.msk [tilespmem:v13+s11+$0x0], $0xffff  }
0x40a: {  	v19 =	vor.u32 $0x11, v2;
	v14 =	vld.idx.msk [tilespmem:v14+s11+$0x0], $0xffff  }
0x40b: {  	v20 =	vor.u32 $0x12, v2;
	v15 =	vld.idx.msk [tilespmem:v15+s11+$0x0], $0xffff  }
0x40c: {  	v21 =	vor.u32 $0x13, v2;
	v16 =	vld.idx.msk [tilespmem:v16+s11+$0x0], $0xffff  }
0x40d: {  	v22 =	vor.u32 $0x14, v2;
	v17 =	vld.idx.msk [tilespmem:v17+s11+$0x0], $0xffff  }
0x40e: {  	v23 =	vor.u32 $0x15, v2;
	v18 =	vld.idx.msk [tilespmem:v18+s11+$0x0], $0xffff  }
0x40f: {  	v24 =	vor.u32 $0x16, v2;
	v19 =	vld.idx.msk [tilespmem:v19+s11+$0x0], $0xffff  }
0x410: {  	v25 =	vor.u32 $0x17, v2;
	v20 =	vld.idx.msk [tilespmem:v20+s11+$0x0], $0xffff  }
0x411: {  	v26 =	vor.u32 $0x18, v2;
	v21 =	vld.idx.msk [tilespmem:v21+s11+$0x0], $0xffff  }
0x412: {  	v27 =	vor.u32 $0x1F, v2;
	v22 =	vld.idx.msk [tilespmem:v22+s11+$0x0], $0xffff  }
0x413: {  	v59 =	vor.u32 $0x19, v2;
	v23 =	vld.idx.msk [tilespmem:v23+s11+$0x0], $0xffff  }
0x414: {  	v60 =	vor.u32 $0x1A, v2;
	v24 =	vld.idx.msk [tilespmem:v24+s11+$0x0], $0xffff  }
0x415: {  	v61 =	vor.u32 $0x1B, v2;
	v25 =	vld.idx.msk [tilespmem:v25+s11+$0x0], $0xffff  }
0x416: {  	v62 =	vor.u32 $0x1C, v2;
	v26 =	vld.idx.msk [tilespmem:v26+s11+$0x0], $0xffff  }
0x417: {  	v63 =	vor.u32 $0x1D, v2;
	v27 =	vld.idx.msk [tilespmem:v27+s11+$0x0], $0xffff  }
0x418: {  	v2 =	vor.u32 $0x1E, v2;
	v28 =	vld.idx.msk [tilespmem:v59+s11+$0x0], $0xffff  }
0x419: {  	v29 =	vld.idx.msk [tilespmem:v60+s11+$0x0], $0xffff  }
0x41a: {  	v30 =	vld.idx.msk [tilespmem:v61+s11+$0x0], $0xffff  }
0x41b: {  	v31 =	vld.idx.msk [tilespmem:v62+s11+$0x0], $0xffff  }
0x41c: {  	s20 =	simm.s32 $0x12E10;
	v32 =	vld.idx.msk [tilespmem:v63+s11+$0x0], $0xffff  }
0x41d: {  	v33 =	vld.idx.msk [tilespmem:v2+s11+$0x0], $0xffff;
	[tilespmem:s20+$0xFFFFFE00] =	vst v6  }
0x41e: {  	[tilespmem:s20+$0x1E0] =	vst v27  }
0x41f: {  	[tilespmem:s20+$0xFFFFFE20] =	vst v1  }
0x420: {  	[tilespmem:s20+$0xFFFFFE40] =	vst v3  }
0x421: {  	[tilespmem:s20+$0xFFFFFE60] =	vst v4  }
0x422: {  	[tilespmem:s20+$0xFFFFFE80] =	vst v5  }
0x423: {  	[tilespmem:s20+$0xFFFFFEA0] =	vst v7  }
0x424: {  	[tilespmem:s20+$0xFFFFFEC0] =	vst v8  }
0x425: {  	[tilespmem:s20+$0xFFFFFEE0] =	vst v9  }
0x426: {  	[tilespmem:s20+$0xFFFFFF00] =	vst v10  }
0x427: {  	[tilespmem:s20+$0xFFFFFF20] =	vst v11  }
0x428: {  	[tilespmem:s20+$0xFFFFFF40] =	vst v12  }
0x429: {  	[tilespmem:s20+$0xFFFFFF60] =	vst v13  }
0x42a: {  	[tilespmem:s20+$0xFFFFFF80] =	vst v14  }
0x42b: {  	[tilespmem:s20+$0xFFFFFFA0] =	vst v15  }
0x42c: {  	[tilespmem:s20+$0xFFFFFFC0] =	vst v16  }
0x42d: {  	[tilespmem:s20+$0xFFFFFFE0] =	vst v17  }
0x42e: {  	[tilespmem:s20+$0x0] =	vst v18  }
0x42f: {  	[tilespmem:s20+$0x20] =	vst v19  }
0x430: {  	[tilespmem:s20+$0x40] =	vst v20  }
0x431: {  	[tilespmem:s20+$0x60] =	vst v21  }
0x432: {  	[tilespmem:s20+$0x80] =	vst v22  }
0x433: {  	[tilespmem:s20+$0xA0] =	vst v23  }
0x434: {  	[tilespmem:s20+$0xC0] =	vst v24  }
0x435: {  	s31 =	simm.s32 $0x1;
	[tilespmem:s20+$0xE0] =	vst v25  }
0x436: {  	[tilespmem:s20+$0x100] =	vst v26;
	v1 =	vmov s31  }
0x437: {  	[tilespmem:s20+$0x120] =	vst v28;
	v1 =	vshll.u32 v1, $0x5  }
0x438: {  	[tilespmem:s20+$0x140] =	vst v29;
	v2 =	vadd.s32 v0, v1  }
0x439: {  	[tilespmem:s20+$0x160] =	vst v30;
	v3 =	vor.u32 $0x1, v2  }
0x43a: {  	[tilespmem:s20+$0x180] =	vst v31;
	v4 =	vor.u32 $0x2, v2  }
0x43b: {  	[tilespmem:s20+$0x1A0] =	vst v32;
	v5 =	vor.u32 $0x3, v2  }
0x43c: {  	v7 =	vor.u32 $0x4, v2;
	[tilespmem:s20+$0x1C0] =	vst v33  }
0x43d: {  	v8 =	vor.u32 $0x5, v2;
	v1 =	vld.idx.msk [tilespmem:v2+s11+$0x0], $0xffff  }
0x43e: {  	v9 =	vor.u32 $0x6, v2;
	v3 =	vld.idx.msk [tilespmem:v3+s11+$0x0], $0xffff  }
0x43f: {  	v10 =	vor.u32 $0x7, v2;
	v4 =	vld.idx.msk [tilespmem:v4+s11+$0x0], $0xffff  }
0x440: {  	v11 =	vor.u32 $0x8, v2;
	v5 =	vld.idx.msk [tilespmem:v5+s11+$0x0], $0xffff  }
0x441: {  	v12 =	vor.u32 $0x9, v2;
	v6 =	vld.idx.msk [tilespmem:v7+s11+$0x0], $0xffff  }
0x442: {  	v13 =	vor.u32 $0xA, v2;
	v7 =	vld.idx.msk [tilespmem:v8+s11+$0x0], $0xffff  }
0x443: {  	v14 =	vor.u32 $0xB, v2;
	v8 =	vld.idx.msk [tilespmem:v9+s11+$0x0], $0xffff  }
0x444: {  	v15 =	vor.u32 $0xC, v2;
	v9 =	vld.idx.msk [tilespmem:v10+s11+$0x0], $0xffff  }
0x445: {  	v16 =	vor.u32 $0xD, v2;
	v10 =	vld.idx.msk [tilespmem:v11+s11+$0x0], $0xffff  }
0x446: {  	v17 =	vor.u32 $0xE, v2;
	v11 =	vld.idx.msk [tilespmem:v12+s11+$0x0], $0xffff  }
0x447: {  	v18 =	vor.u32 $0xF, v2;
	v12 =	vld.idx.msk [tilespmem:v13+s11+$0x0], $0xffff  }
0x448: {  	v19 =	vor.u32 $0x10, v2;
	v13 =	vld.idx.msk [tilespmem:v14+s11+$0x0], $0xffff  }
0x449: {  	v21 =	vor.u32 $0x11, v2;
	v14 =	vld.idx.msk [tilespmem:v15+s11+$0x0], $0xffff  }
0x44a: {  	v24 =	vor.u32 $0x12, v2;
	v15 =	vld.idx.msk [tilespmem:v16+s11+$0x0], $0xffff  }
0x44b: {  	v22 =	vor.u32 $0x13, v2;
	v16 =	vld.idx.msk [tilespmem:v17+s11+$0x0], $0xffff  }
0x44c: {  	v23 =	vor.u32 $0x14, v2;
	v17 =	vld.idx.msk [tilespmem:v18+s11+$0x0], $0xffff  }
0x44d: {  	v20 =	vor.u32 $0x15, v2;
	v18 =	vld.idx.msk [tilespmem:v19+s11+$0x0], $0xffff  }
0x44e: {  	s21 =	simm.s32 $0x2;
	v19 =	vld.idx.msk [tilespmem:v21+s11+$0x0], $0xffff;
	v21 =	vor.u32 $0x16, v2  }
.LBB2_18:
0x44f: {  	p0 =	sne.s32 s21, $0x31;
	v24 =	vld.idx.msk [tilespmem:v24+s11+$0x0], $0xffff;
	v25 =	vor.u32 $0x17, v2  }
0x450: {  	v26 =	vor.u32 $0x18, v2;
	v22 =	vld.idx.msk [tilespmem:v22+s11+$0x0], $0xffff  }
0x451: {  	v27 =	vor.u32 $0x1F, v2;
	v23 =	vld.idx.msk [tilespmem:v23+s11+$0x0], $0xffff  }
0x452: {  	v28 =	vor.u32 $0x19, v2;
	v20 =	vld.idx.msk [tilespmem:v20+s11+$0x0], $0xffff  }
0x453: {  	v29 =	vor.u32 $0x1A, v2;
	v21 =	vld.idx.msk [tilespmem:v21+s11+$0x0], $0xffff  }
0x454: {  	v30 =	vor.u32 $0x1B, v2;
	v25 =	vld.idx.msk [tilespmem:v25+s11+$0x0], $0xffff  }
0x455: {  	v31 =	vor.u32 $0x1C, v2;
	v26 =	vld.idx.msk [tilespmem:v26+s11+$0x0], $0xffff  }
0x456: {  	v32 =	vor.u32 $0x1D, v2;
	v27 =	vld.idx.msk [tilespmem:v27+s11+$0x0], $0xffff  }
0x457: {  	v2 =	vor.u32 $0x1E, v2;
	v28 =	vld.idx.msk [tilespmem:v28+s11+$0x0], $0xffff  }
0x458: {  	v29 =	vld.idx.msk [tilespmem:v29+s11+$0x0], $0xffff  }
0x459: {  	v30 =	vld.idx.msk [tilespmem:v30+s11+$0x0], $0xffff  }
0x45a: {  	v31 =	vld.idx.msk [tilespmem:v31+s11+$0x0], $0xffff  }
0x45b: {  	s20 =	sadd.s32 $0x400, s20;
	v32 =	vld.idx.msk [tilespmem:v32+s11+$0x0], $0xffff  }
0x45c: {  	v33 =	vld.idx.msk [tilespmem:v2+s11+$0x0], $0xffff;
	[tilespmem:s20+$0x1E0] =	vst v27  }
0x45d: {  	[tilespmem:s20+$0xFFFFFE20] =	vst v3  }
0x45e: {  	[tilespmem:s20+$0xFFFFFE40] =	vst v4  }
0x45f: {  	[tilespmem:s20+$0xFFFFFE60] =	vst v5  }
0x460: {  	[tilespmem:s20+$0xFFFFFE80] =	vst v6  }
0x461: {  	[tilespmem:s20+$0xFFFFFEA0] =	vst v7  }
0x462: {  	[tilespmem:s20+$0xFFFFFEC0] =	vst v8  }
0x463: {  	[tilespmem:s20+$0xFFFFFEE0] =	vst v9  }
0x464: {  	[tilespmem:s20+$0xFFFFFF00] =	vst v10  }
0x465: {  	[tilespmem:s20+$0xFFFFFF20] =	vst v11  }
0x466: {  	[tilespmem:s20+$0xFFFFFF40] =	vst v12  }
0x467: {  	[tilespmem:s20+$0xFFFFFF60] =	vst v13  }
0x468: {  	[tilespmem:s20+$0xFFFFFF80] =	vst v14  }
0x469: {  	[tilespmem:s20+$0xFFFFFFA0] =	vst v15  }
0x46a: {  	[tilespmem:s20+$0xFFFFFFC0] =	vst v16  }
0x46b: {  	[tilespmem:s20+$0xFFFFFFE0] =	vst v17  }
0x46c: {  	[tilespmem:s20+$0x0] =	vst v18  }
0x46d: {  	[tilespmem:s20+$0x20] =	vst v19  }
0x46e: {  	[tilespmem:s20+$0x40] =	vst v24  }
0x46f: {  	[tilespmem:s20+$0x60] =	vst v22  }
0x470: {  	[tilespmem:s20+$0x80] =	vst v23  }
0x471: {  	[tilespmem:s20+$0xA0] =	vst v20  }
0x472: {  	[tilespmem:s20+$0xC0] =	vst v21  }
0x473: {  	[tilespmem:s20+$0xE0] =	vst v25  }
0x474: {  	[tilespmem:s20+$0x100] =	vst v26  }
0x475: {  	v2 =	vmov s21;
	[tilespmem:s20+$0x120] =	vst v28  }
0x476: {  	v2 =	vshll.u32 v2, $0x5;
	[tilespmem:s20+$0x140] =	vst v29  }
0x477: {  	v2 =	vadd.s32 v0, v2;
	[tilespmem:s20+$0x160] =	vst v30  }
0x478: {  	v3 =	vor.u32 $0x1, v2;
	[tilespmem:s20+$0x180] =	vst v31  }
0x479: {  	v4 =	vor.u32 $0x2, v2;
	[tilespmem:s20+$0x1A0] =	vst v32  }
0x47a: {  	v5 =	vor.u32 $0x3, v2;
	[tilespmem:s20+$0x1C0] =	vst v33  }
0x47b: {  	v6 =	vor.u32 $0x4, v2;
	[tilespmem:s20+$0xFFFFFE00] =	vst v1  }
0x47c: {  	v7 =	vor.u32 $0x5, v2;
	v1 =	vld.idx.msk [tilespmem:v2+s11+$0x0], $0xffff  }
0x47d: {  	v8 =	vor.u32 $0x6, v2;
	v3 =	vld.idx.msk [tilespmem:v3+s11+$0x0], $0xffff  }
0x47e: {  	v9 =	vor.u32 $0x7, v2;
	v4 =	vld.idx.msk [tilespmem:v4+s11+$0x0], $0xffff  }
0x47f: {  	v10 =	vor.u32 $0x8, v2;
	v5 =	vld.idx.msk [tilespmem:v5+s11+$0x0], $0xffff  }
0x480: {  	v11 =	vor.u32 $0x9, v2;
	v6 =	vld.idx.msk [tilespmem:v6+s11+$0x0], $0xffff  }
0x481: {  	v12 =	vor.u32 $0xA, v2;
	v7 =	vld.idx.msk [tilespmem:v7+s11+$0x0], $0xffff  }
0x482: {  	v13 =	vor.u32 $0xB, v2;
	v8 =	vld.idx.msk [tilespmem:v8+s11+$0x0], $0xffff  }
0x483: {  	v14 =	vor.u32 $0xC, v2;
	v9 =	vld.idx.msk [tilespmem:v9+s11+$0x0], $0xffff  }
0x484: {  	v15 =	vor.u32 $0xD, v2;
	v10 =	vld.idx.msk [tilespmem:v10+s11+$0x0], $0xffff  }
0x485: {  	v16 =	vor.u32 $0xE, v2;
	v11 =	vld.idx.msk [tilespmem:v11+s11+$0x0], $0xffff  }
0x486: {  	v17 =	vor.u32 $0xF, v2;
	v12 =	vld.idx.msk [tilespmem:v12+s11+$0x0], $0xffff  }
0x487: {  	v18 =	vor.u32 $0x10, v2;
	v13 =	vld.idx.msk [tilespmem:v13+s11+$0x0], $0xffff  }
0x488: {  	v19 =	vor.u32 $0x11, v2;
	v14 =	vld.idx.msk [tilespmem:v14+s11+$0x0], $0xffff  }
.Ltmp8:
0x489: {  	v24 =	vor.u32 $0x12, v2;
	v15 =	vld.idx.msk [tilespmem:v15+s11+$0x0], $0xffff;
	(pc) =	sbr.rel @p0 .LBB2_18-.Ltmp8, $4  }
0x48a: {  	v22 =	vor.u32 $0x13, v2;
	v16 =	vld.idx.msk [tilespmem:v16+s11+$0x0], $0xffff  }
0x48b: {  	v23 =	vor.u32 $0x14, v2;
	v17 =	vld.idx.msk [tilespmem:v17+s11+$0x0], $0xffff  }
0x48c: {  	v20 =	vor.u32 $0x15, v2;
	v18 =	vld.idx.msk [tilespmem:v18+s11+$0x0], $0xffff  }
0x48d: {  	s21 =	sadd.s32 $0x1, s21;
	v21 =	vor.u32 $0x16, v2;
	v19 =	vld.idx.msk [tilespmem:v19+s11+$0x0], $0xffff  }
0x48e: {  	_ =	sdelay $0x3  }
0x48f: {  	v24 =	vld.idx.msk [tilespmem:v24+s11+$0x0], $0xffff;
	v25 =	vor.u32 $0x17, v2  }
0x490: {  	v22 =	vld.idx.msk [tilespmem:v22+s11+$0x0], $0xffff;
	v26 =	vor.u32 $0x18, v2  }
0x491: {  	v23 =	vld.idx.msk [tilespmem:v23+s11+$0x0], $0xffff;
	v27 =	vor.u32 $0x1F, v2  }
0x492: {  	v20 =	vld.idx.msk [tilespmem:v20+s11+$0x0], $0xffff;
	v28 =	vor.u32 $0x19, v2  }
0x493: {  	v21 =	vld.idx.msk [tilespmem:v21+s11+$0x0], $0xffff;
	v29 =	vor.u32 $0x1A, v2  }
0x494: {  	v30 =	vor.u32 $0x1B, v2;
	v25 =	vld.idx.msk [tilespmem:v25+s11+$0x0], $0xffff  }
0x495: {  	v31 =	vor.u32 $0x1C, v2;
	v26 =	vld.idx.msk [tilespmem:v26+s11+$0x0], $0xffff  }
0x496: {  	v32 =	vor.u32 $0x1D, v2;
	v27 =	vld.idx.msk [tilespmem:v27+s11+$0x0], $0xffff  }
0x497: {  	v2 =	vor.u32 $0x1E, v2;
	v28 =	vld.idx.msk [tilespmem:v28+s11+$0x0], $0xffff  }
0x498: {  	v29 =	vld.idx.msk [tilespmem:v29+s11+$0x0], $0xffff  }
0x499: {  	v30 =	vld.idx.msk [tilespmem:v30+s11+$0x0], $0xffff  }
0x49a: {  	v31 =	vld.idx.msk [tilespmem:v31+s11+$0x0], $0xffff  }
0x49b: {  	s20 =	sadd.s32 $0x400, s20;
	v32 =	vld.idx.msk [tilespmem:v32+s11+$0x0], $0xffff  }
0x49c: {  	v2 =	vld.idx.msk [tilespmem:v2+s11+$0x0], $0xffff;
	[tilespmem:s20+$0xFFFFFE20] =	vst v3  }
0x49d: {  	[tilespmem:s20+$0xFFFFFE40] =	vst v4  }
0x49e: {  	[tilespmem:s20+$0xFFFFFE60] =	vst v5  }
0x49f: {  	[tilespmem:s20+$0xFFFFFE80] =	vst v6  }
0x4a0: {  	[tilespmem:s20+$0xFFFFFEA0] =	vst v7  }
0x4a1: {  	[tilespmem:s20+$0xFFFFFEC0] =	vst v8  }
0x4a2: {  	[tilespmem:s20+$0xFFFFFEE0] =	vst v9  }
0x4a3: {  	[tilespmem:s20+$0xFFFFFF00] =	vst v10  }
0x4a4: {  	[tilespmem:s20+$0xFFFFFF20] =	vst v11  }
0x4a5: {  	[tilespmem:s20+$0xFFFFFF40] =	vst v12  }
0x4a6: {  	[tilespmem:s20+$0xFFFFFF60] =	vst v13  }
0x4a7: {  	[tilespmem:s20+$0xFFFFFF80] =	vst v14  }
0x4a8: {  	[tilespmem:s20+$0xFFFFFFA0] =	vst v15  }
0x4a9: {  	[tilespmem:s20+$0xFFFFFFC0] =	vst v16  }
0x4aa: {  	[tilespmem:s20+$0xFFFFFFE0] =	vst v17  }
0x4ab: {  	[tilespmem:s20+$0x0] =	vst v18  }
0x4ac: {  	[tilespmem:s20+$0x20] =	vst v19  }
0x4ad: {  	[tilespmem:s20+$0x40] =	vst v24  }
0x4ae: {  	[tilespmem:s20+$0x60] =	vst v22  }
0x4af: {  	[tilespmem:s20+$0x80] =	vst v23  }
0x4b0: {  	[tilespmem:s20+$0xA0] =	vst v20  }
0x4b1: {  	[tilespmem:s20+$0xC0] =	vst v21  }
0x4b2: {  	[tilespmem:s20+$0xFFFFFE00] =	vst v1  }
0x4b3: {  	[tilespmem:s20+$0x1E0] =	vst v27  }
0x4b4: {  	[tilespmem:s20+$0xE0] =	vst v25  }
0x4b5: {  	[tilespmem:s20+$0x100] =	vst v26  }
0x4b6: {  	[tilespmem:s20+$0x120] =	vst v28  }
0x4b7: {  	[tilespmem:s20+$0x140] =	vst v29  }
0x4b8: {  	[tilespmem:s20+$0x160] =	vst v30  }
0x4b9: {  	[tilespmem:s20+$0x180] =	vst v31  }
0x4ba: {  	[tilespmem:s20+$0x1A0] =	vst v32  }
0x4bb: {  	s31 =	simm.s32 $0x12C00;
	s21 =	smov.u32 s6;
	[tilespmem:s20+$0x1C0] =	vst v2;
	s20 =	simm.s32 $0x400  }
0x4bc: {  	[hbm4b:s6+s15] =	stream.strided.scatter [tilespmem:s31], [sflag:$0x3], $0x100, s16, s15, $0x38;
	[tilespmem:$0x1F400] =	vst v63  }
.LBB2_20:
0x4bd: {  	p0 =	sne.s32 s20, $0x31C00  }
.Ltmp9:
0x4be: {  	_ = 	snop;
	(pc) =	sbr.rel @p0 .LBB2_20-.Ltmp9, $4  }
0x4bf: {  	_ = 	snop  }
0x4c0: {  	s22 =	sshra.s32 s20, $0x2;
	s20 =	sadd.s32 $0x400, s20  }
0x4c1: {  	s21 =	sadd.s32 $0x4000, s21;
	s22 =	sadd.s32 $0x12C00, s22  }
0x4c2: {  	[hbm4b:s21+s15] =	stream.strided.scatter [tilespmem:s22], [sflag:$0x3], $0x100, s16, s15, $0x38;
	[tilespmem:$0x1F400] =	vst v63  }
0x4c3: {  	s19 =	sadd.s32 $0x1, s19  }
0x4c4: {  	p0 =	sne.s32 s19, s7  }
.Ltmp10:
0x4c5: {  	_ = 	snop;
	(pc) =	sbr.rel @p0 .LBB2_1-.Ltmp10, $4  }
0x4c6: {  	_ = 	snop  }
0x4c7: {  	_ =	swait.ge [sflag:s18], $0xC800  }
0x4c8: {  	[sflag:s18] =	ssyncset.done $0x0  }
0x4c9: {  	[sflag:s18] =	ssyncadd.s32 $0xFFFF3800  }
0x4ca: {  	_ =	sfence.sel $0x180000  }
0x4cb: {  	[bflag:$0x0] =	sbarrier.arrive $0xFFFF  }
0x4cc: {  	p0 =	sne.s32 s0, $0x0;
	_ =	strace $0x90000047  }
0x4cd: {  	s0 =	sadd.s32 @!p0 $0x100000, s1;
	[bflag:$0x2] =	sbarrier.arrive $0xFFFF  }
0x4ce: {  	[sflag:s0] =	ssyncadd.tile.s32 @!p0 $0x1;
	_ =	shalt  }
.Lfunc_end2:
_tile_overlayer_lowered:
.L_overlay_start_2:
0x4cf: {  	(tag) =	ssettag $0x2  }
0x4d0: {  	s0 =	rddreg [dreg:$0x0];
	s2 =	stileid.u32  }
0x4d1: {  	s1 =	rddreg [dreg:$0x1];
	p0 =	sne.s32 s2, $0x0  }
0x4d2: {  	s3 =	rddreg [dreg:$0x2];
	[bflag:$0x3] =	sbarrier.arrive $0xFFFF;
	s2 =	simm.s32 @!p0 $0x1C04  }
0x4d3: {  	[timem:s3], [sflag:s2] =	dma.local @!p0 [hbm:s0], s1  }
0x4d4: {  	s0 =	simm.s32 @!p0 $0x4  }
0x4d5: {  	_ =	swait.ge @!p0 [sflag:s0], s1  }
0x4d6: {  	s1 =	ssub.s32 @!p0 $0x0, s1;
	[sflag:s0] =	ssyncset.done @!p0 $0x0  }
0x4d7: {  	[sflag:s0] =	ssyncadd.s32 @!p0 s1  }
0x4d8: {  	[bflag:$0x3] =	sbarrier.arrive $0xFFFF  }
0x4d9: {  	_ =	shalt  }

</sc_bundles>
